<compile_context>
chip_gen: v7x
topology: tpu7x:2x2x1
jax: 0.10.2.dev20260603
libtpu: 0.0.44.dev20260713+nightly
codegen_flags: <defaults>
</compile_context>

<pallas_src>
import jax
import jax.numpy as jnp
from jax import lax
from jax.experimental import pallas as pl
from jax.experimental.pallas import tpu as pltpu
from jax.experimental.pallas import tpu_sc as plsc

D = 64
SEQ = 200
NSEG = 2
NC = 2
NS = 16
NW = NC * NS
CH = 256
NSTREAM = CH // 128


def _body(x_hbm, seg_hbm, tok_hbm, pos_hbm, segt_hbm, gam_hbm, bet_hbm,
          out_hbm,
          idx_a, idx_b, seg_a, seg_b, rows_a, rows_b, ostg_a, ostg_b,
          comb_v, segt_v, gam_v, bet_v, ht_v, ht2_v, gr_v, br_v,
          sem_g0, sem_g1, sem_i0, sem_i1, sem_o0, sem_o1):
    n_tokens = out_hbm.shape[0]
    per_w = n_tokens // NW
    nch = per_w // CH

    idxs = (idx_a, idx_b)
    segs = (seg_a, seg_b)
    rows = (rows_a, rows_b)
    ostgs = (ostg_a, ostg_b)
    sem_g = (sem_g0, sem_g1)
    sem_i = (sem_i0, sem_i1)
    sem_o = (sem_o0, sem_o1)

    wid = lax.axis_index("s") * NC + lax.axis_index("c")
    tok0 = wid * per_w

    pltpu.sync_copy(pos_hbm.at[pl.ds(0, SEQ)], comb_v.at[0])
    pltpu.sync_copy(pos_hbm.at[pl.ds(0, SEQ)], comb_v.at[1])
    pltpu.sync_copy(segt_hbm, segt_v)
    pltpu.sync_copy(gam_hbm, gam_v.at[pl.ds(0, D)])
    pltpu.sync_copy(bet_hbm, bet_v.at[pl.ds(0, D)])

    @pl.loop(0, SEQ)
    def _build(s):
        for g in range(NSEG):
            for k in range(D // 16):
                sl = pl.ds(k * 16, 16)
                comb_v[g, s, sl] = comb_v[g, s, sl] + segt_v[g, sl]

    iota16 = lax.iota(jnp.int32, 16)

    @pl.loop(0, D)
    def _grot(d):
        dvec = (d + iota16) & (D - 1)
        gr_v[d] = plsc.load_gather(gam_v, [dvec])
        br_v[d] = plsc.load_gather(bet_v, [dvec])

    def idx_copies(c, b):
        cps = [
            pltpu.make_async_copy(
                x_hbm.at[pl.ds(tok0 + c * CH + j * 128, 128)],
                idxs[b].at[j], sem_i[b])
            for j in range(NSTREAM)
        ]
        cps.append(pltpu.make_async_copy(
            seg_hbm.at[pl.ds(tok0 + c * CH, CH)], segs[b], sem_i[b]))
        return cps

    def gather_copies(b):
        return [
            pltpu.make_async_copy(
                tok_hbm.at[idxs[b].at[j]],
                rows[b].at[pl.ds(j * 128, 128)], sem_g[b])
            for j in range(NSTREAM)
        ]

    def out_copy(c, b):
        return pltpu.make_async_copy(
            ostgs[b], out_hbm.at[pl.ds(tok0 + c * CH, CH)], sem_o[b])

    def compute_chunk(c, b):
        tokbase = tok0 + c * CH

        def group_body(grp, ht):
            tok16 = grp * 16 + iota16
            flat16 = tokbase + tok16
            s16 = lax.rem(flat16, SEQ)
            g16 = segs[b][pl.ds(grp * 16, 16)]

            zeros = jnp.zeros((16,), jnp.float32)

            @plsc.parallel_loop(0, D, unroll=16, carry=(zeros, zeros))
            def pass_a(d, carry):
                sum16, sq16 = carry
                dv = (d + iota16) & (D - 1)
                v = plsc.load_gather(rows[b], [tok16, dv])
                cmb = plsc.load_gather(comb_v, [g16, s16, dv])
                h = v + cmb
                ht[d] = h
                return (sum16 + h, sq16 + h * h)

            sum16, sq16 = pass_a

            mean = sum16 * (1.0 / D)
            var = sq16 * (1.0 / D) - mean * mean
            ve = var + 1e-5
            yb = jnp.int32(0x5F3759DF) - lax.shift_right_arithmetic(
                plsc.bitcast(ve, jnp.int32), 1)
            y = plsc.bitcast(yb, jnp.float32)
            for _ in range(2):
                y = y * (1.5 - 0.5 * ve * y * y)
            rstd = y

            @plsc.parallel_loop(0, D, unroll=16)
            def pass_b(d):
                dv = (d + iota16) & (D - 1)
                h = ht[d]
                o = (h - mean) * rstd * gr_v[d] + br_v[d]
                plsc.store_scatter(ostgs[b], [tok16, dv], o)

        @pl.loop(0, CH // 32)
        def _gpair(gp):
            group_body(gp * 2, ht_v)
            group_body(gp * 2 + 1, ht2_v)

    for cp in idx_copies(0, 0):
        cp.start()
    for cp in idx_copies(0, 0):
        cp.wait()
    for cp in gather_copies(0):
        cp.start()

    @pl.loop(0, nch // 2)
    def _pair(half):
        for b in (0, 1):
            c = half * 2 + b
            nb = 1 - b

            @pl.when(c + 1 < nch)
            def _issue_next_idx():
                for cp in idx_copies(c + 1, nb):
                    cp.start()

            for cp in gather_copies(b):
                cp.wait()

            @pl.when(c >= 1)
            def _wait_prev_out():
                out_copy(c - 1, nb).wait()

            @pl.when(c + 1 < nch)
            def _start_next_gather():
                for cp in idx_copies(c + 1, nb):
                    cp.wait()
                for cp in gather_copies(nb):
                    cp.start()

            compute_chunk(c, b)
            out_copy(c, b).start()

    out_copy(nch - 1, (nch - 1) & 1).wait()


def kernel(x, seg, tok_table, pos_table, seg_table, gamma, beta):
    b, s = x.shape
    n = b * s
    x_flat = x.reshape(n).astype(jnp.int32)
    seg_flat = seg.reshape(n).astype(jnp.int32)

    kfn = pl.kernel(
        _body,
        out_type=jax.ShapeDtypeStruct((n, D), jnp.float32),
        mesh=plsc.VectorSubcoreMesh(core_axis_name="c", subcore_axis_name="s"),
        compiler_params=pltpu.CompilerParams(
            needs_layout_passes=False, use_tc_tiling_on_sc=False),
        scratch_types=[
            pltpu.VMEM((NSTREAM, 128), jnp.int32),
            pltpu.VMEM((NSTREAM, 128), jnp.int32),
            pltpu.VMEM((CH,), jnp.int32),
            pltpu.VMEM((CH,), jnp.int32),
            pltpu.VMEM((CH, D), jnp.float32),
            pltpu.VMEM((CH, D), jnp.float32),
            pltpu.VMEM((CH, D), jnp.float32),
            pltpu.VMEM((CH, D), jnp.float32),
            pltpu.VMEM((NSEG, SEQ, D), jnp.float32),
            pltpu.VMEM((NSEG, D), jnp.float32),
            pltpu.VMEM((D + 16,), jnp.float32),
            pltpu.VMEM((D + 16,), jnp.float32),
            pltpu.VMEM((D, 16), jnp.float32),
            pltpu.VMEM((D, 16), jnp.float32),
            pltpu.VMEM((D, 16), jnp.float32),
            pltpu.VMEM((D, 16), jnp.float32),
            pltpu.SemaphoreType.DMA,
            pltpu.SemaphoreType.DMA,
            pltpu.SemaphoreType.DMA,
            pltpu.SemaphoreType.DMA,
            pltpu.SemaphoreType.DMA,
            pltpu.SemaphoreType.DMA,
        ],
    )
    out = kfn(x_flat, seg_flat, tok_table, pos_table, seg_table, gamma, beta)
    return out.reshape(b, s, D)

# --- scband reference (transcript-rebuilt; emitter-appended) ---
"""Pipeline reference for scband-embedding-35038343201078 (READ-ONLY COPY).

The authoritative reference and input builder live on the scoring server;
editing this copy changes nothing except your own understanding.
"""

import jax, jax.numpy as jnp
import numpy as np

VOCAB_SIZE = 1000000
D_MODEL = 64
MAX_LEN = 512
N_SEGMENTS = 2
BATCH = 4096
SEQ_LEN = 200

def setup_inputs(seed: int = 0) -> dict:
    key = jax.random.key(seed)
    k1, k2, k3, k4, k5 = jax.random.split(key, 5)
    x = jax.random.randint(k1, (BATCH, SEQ_LEN), 0, VOCAB_SIZE, dtype=jnp.int64 if jax.config.jax_enable_x64 else jnp.int32)
    seg = jax.random.randint(k2, (BATCH, SEQ_LEN), 0, N_SEGMENTS, dtype=jnp.int64 if jax.config.jax_enable_x64 else jnp.int32)
    tok_table = jax.random.normal(k3, (VOCAB_SIZE, D_MODEL), dtype=jnp.float32)
    pos_table = jax.random.normal(k4, (MAX_LEN, D_MODEL), dtype=jnp.float32)
    seg_table = jax.random.normal(k5, (N_SEGMENTS, D_MODEL), dtype=jnp.float32)
    gamma = jnp.ones((D_MODEL,), dtype=jnp.float32)
    beta = jnp.zeros((D_MODEL,), dtype=jnp.float32)
    return {"x": x, "seg": seg, "tok_table": tok_table, "pos_table": pos_table, "seg_table": seg_table, "gamma": gamma, "beta": beta}

def _layernorm(h, gamma, beta, eps=1e-5):
    mean = jnp.mean(h, axis=-1, keepdims=True)
    var = jnp.var(h, axis=-1, keepdims=True)
    return (h - mean) / jnp.sqrt(var + eps) * gamma + beta

def reference(x, seg, tok_table, pos_table, seg_table, gamma, beta):
    seq_len = x.shape[1]
    pos = jnp.arange(seq_len, dtype=x.dtype)
    pos = jnp.broadcast_to(pos[None, :], x.shape)
    embedding = jnp.take(tok_table, x, axis=0) + jnp.take(pos_table, pos, axis=0) + jnp.take(seg_table, seg, axis=0)
    return _layernorm(embedding, gamma, beta)

if __name__ == "__main__":
    import jax
    _d = setup_inputs()
    print(jax.jit(kernel)(*tuple(_d.values())))

</pallas_src>

<mosaic_0001>
#map = affine_map<(d0, d1) -> (0)>
#map1 = affine_map<(d0, d1) -> (0, 0)>
module attributes {stable_mosaic.version = 14 : i64} {
  func.func @_body(%arg0: i32, %arg1: i32, %arg2: memref<819200xi32, #tpu.memory_space<hbm>>, %arg3: memref<819200xi32, #tpu.memory_space<hbm>>, %arg4: memref<1000000x64xf32, #tpu.memory_space<hbm>>, %arg5: memref<512x64xf32, #tpu.memory_space<hbm>>, %arg6: memref<2x64xf32, #tpu.memory_space<hbm>>, %arg7: memref<64xf32, #tpu.memory_space<hbm>>, %arg8: memref<64xf32, #tpu.memory_space<hbm>>, %arg9: memref<819200x64xf32, #tpu.memory_space<hbm>>, %arg10: memref<2x128xi32, #tpu.memory_space<vmem>>, %arg11: memref<2x128xi32, #tpu.memory_space<vmem>>, %arg12: memref<256xi32, #tpu.memory_space<vmem>>, %arg13: memref<256xi32, #tpu.memory_space<vmem>>, %arg14: memref<256x64xf32, #tpu.memory_space<vmem>>, %arg15: memref<256x64xf32, #tpu.memory_space<vmem>>, %arg16: memref<256x64xf32, #tpu.memory_space<vmem>>, %arg17: memref<256x64xf32, #tpu.memory_space<vmem>>, %arg18: memref<2x200x64xf32, #tpu.memory_space<vmem>>, %arg19: memref<2x64xf32, #tpu.memory_space<vmem>>, %arg20: memref<80xf32, #tpu.memory_space<vmem>>, %arg21: memref<80xf32, #tpu.memory_space<vmem>>, %arg22: memref<64x16xf32, #tpu.memory_space<vmem>>, %arg23: memref<64x16xf32, #tpu.memory_space<vmem>>, %arg24: memref<64x16xf32, #tpu.memory_space<vmem>>, %arg25: memref<64x16xf32, #tpu.memory_space<vmem>>, %arg26: memref<!tpu.dma_semaphore, #tpu.memory_space<semaphore_mem>>, %arg27: memref<!tpu.dma_semaphore, #tpu.memory_space<semaphore_mem>>, %arg28: memref<!tpu.dma_semaphore, #tpu.memory_space<semaphore_mem>>, %arg29: memref<!tpu.dma_semaphore, #tpu.memory_space<semaphore_mem>>, %arg30: memref<!tpu.dma_semaphore, #tpu.memory_space<semaphore_mem>>, %arg31: memref<!tpu.dma_semaphore, #tpu.memory_space<semaphore_mem>>) attributes {dimension_semantics = [#tpu.dimension_semantics<core_parallel>, #tpu.dimension_semantics<subcore_parallel>], iteration_bounds = array<i64: 2, 16>, scalar_prefetch = 0 : i64, scratch_operands = 22 : i64, tpu.core_type = #tpu.core_type<sc_vector_subcore>, window_params = [{transform_indices = #map}, {transform_indices = #map}, {transform_indices = #map1}, {transform_indices = #map1}, {transform_indices = #map1}, {transform_indices = #map}, {transform_indices = #map}, {transform_indices = #map1}]} {
    %mul3A = arith.constant 2 : i32
    %mul3A_0 = arith.muli %arg1, %mul3A : i32
    %add3A = arith.addi %mul3A_0, %arg0 : i32
    %mul3A_1 = arith.constant 25600 : i32
    %mul3A_2 = arith.muli %add3A, %mul3A_1 : i32
    %run_scoped3A = arith.constant 0 : i32
    "tpu.region"() ({
      %run_scoped3A_102 = tpu.sem_alloc : memref<!tpu.dma_semaphore, #tpu.memory_space<semaphore_mem>>
      %dma_start3A_103 = arith.constant 0 : i32
      %dma_start3A_104 = arith.constant 0 : i32
      %dma_start3A_105 = tpu.memref_slice %arg18[%run_scoped3A, %dma_start3A_103, %dma_start3A_104] : memref<2x200x64xf32, #tpu.memory_space<vmem>> -> memref<1x200x64xf32, #tpu.memory_space<vmem>>
      %dma_start3A_106 = tpu.memref_squeeze %dma_start3A_105 : memref<1x200x64xf32, #tpu.memory_space<vmem>> -> memref<200x64xf32, #tpu.memory_space<vmem>>
      %dma_start3A_107 = arith.constant 0 : i32
      %dma_start3A_108 = arith.constant 0 : i32
      %dma_start3A_109 = tpu.memref_slice %arg5[%dma_start3A_107, %dma_start3A_108] : memref<512x64xf32, #tpu.memory_space<hbm>> -> memref<200x64xf32, #tpu.memory_space<hbm>>
      %dma_start3A_110 = arith.constant 0 : i32
      %dma_start3A_111 = arith.constant 0 : i32
      %dma_start3A_112 = tpu.memref_slice %arg18[%run_scoped3A, %dma_start3A_110, %dma_start3A_111] : memref<2x200x64xf32, #tpu.memory_space<vmem>> -> memref<1x200x64xf32, #tpu.memory_space<vmem>>
      %dma_start3A_113 = tpu.memref_squeeze %dma_start3A_112 : memref<1x200x64xf32, #tpu.memory_space<vmem>> -> memref<200x64xf32, #tpu.memory_space<vmem>>
      %dma_start3A_114 = arith.constant 0 : i32
      %dma_start3A_115 = arith.constant 0 : i32
      %dma_start3A_116 = tpu.memref_slice %arg5[%dma_start3A_114, %dma_start3A_115] : memref<512x64xf32, #tpu.memory_space<hbm>> -> memref<200x64xf32, #tpu.memory_space<hbm>>
      tpu.enqueue_dma source(%dma_start3A_116 : memref<200x64xf32, #tpu.memory_space<hbm>>) target(%dma_start3A_113 : memref<200x64xf32, #tpu.memory_space<vmem>>) target_semaphore(%run_scoped3A_102 : memref<!tpu.dma_semaphore, #tpu.memory_space<semaphore_mem>>)
      %dma_wait3A_117 = arith.constant 0 : i32
      %dma_wait3A_118 = arith.constant 0 : i32
      %dma_wait3A_119 = tpu.memref_slice %arg18[%run_scoped3A, %dma_wait3A_117, %dma_wait3A_118] : memref<2x200x64xf32, #tpu.memory_space<vmem>> -> memref<1x200x64xf32, #tpu.memory_space<vmem>>
      %dma_wait3A_120 = tpu.memref_squeeze %dma_wait3A_119 : memref<1x200x64xf32, #tpu.memory_space<vmem>> -> memref<200x64xf32, #tpu.memory_space<vmem>>
      %dma_wait3A_121 = arith.constant 0 : i32
      %dma_wait3A_122 = arith.constant 0 : i32
      %dma_wait3A_123 = tpu.memref_slice %arg5[%dma_wait3A_121, %dma_wait3A_122] : memref<512x64xf32, #tpu.memory_space<hbm>> -> memref<200x64xf32, #tpu.memory_space<hbm>>
      %dma_wait3A_124 = arith.constant 0 : i32
      %dma_wait3A_125 = arith.constant 0 : i32
      %dma_wait3A_126 = tpu.memref_slice %arg18[%run_scoped3A, %dma_wait3A_124, %dma_wait3A_125] : memref<2x200x64xf32, #tpu.memory_space<vmem>> -> memref<1x200x64xf32, #tpu.memory_space<vmem>>
      %dma_wait3A_127 = tpu.memref_squeeze %dma_wait3A_126 : memref<1x200x64xf32, #tpu.memory_space<vmem>> -> memref<200x64xf32, #tpu.memory_space<vmem>>
      %dma_wait3A_128 = arith.constant 0 : i32
      %dma_wait3A_129 = arith.constant 0 : i32
      %dma_wait3A_130 = tpu.memref_slice %arg5[%dma_wait3A_128, %dma_wait3A_129] : memref<512x64xf32, #tpu.memory_space<hbm>> -> memref<200x64xf32, #tpu.memory_space<hbm>>
      tpu.wait_dma2 semaphore(%run_scoped3A_102 : memref<!tpu.dma_semaphore, #tpu.memory_space<semaphore_mem>>) src(%dma_wait3A_130 : memref<200x64xf32, #tpu.memory_space<hbm>>) dst(%dma_wait3A_127 : memref<200x64xf32, #tpu.memory_space<vmem>>)
      tpu.yield
    }) : () -> ()
    %run_scoped3A_3 = arith.constant 1 : i32
    "tpu.region"() ({
      %run_scoped3A_102 = tpu.sem_alloc : memref<!tpu.dma_semaphore, #tpu.memory_space<semaphore_mem>>
      %dma_start3A_103 = arith.constant 0 : i32
      %dma_start3A_104 = arith.constant 0 : i32
      %dma_start3A_105 = tpu.memref_slice %arg18[%run_scoped3A_3, %dma_start3A_103, %dma_start3A_104] : memref<2x200x64xf32, #tpu.memory_space<vmem>> -> memref<1x200x64xf32, #tpu.memory_space<vmem>>
      %dma_start3A_106 = tpu.memref_squeeze %dma_start3A_105 : memref<1x200x64xf32, #tpu.memory_space<vmem>> -> memref<200x64xf32, #tpu.memory_space<vmem>>
      %dma_start3A_107 = arith.constant 0 : i32
      %dma_start3A_108 = arith.constant 0 : i32
      %dma_start3A_109 = tpu.memref_slice %arg5[%dma_start3A_107, %dma_start3A_108] : memref<512x64xf32, #tpu.memory_space<hbm>> -> memref<200x64xf32, #tpu.memory_space<hbm>>
      %dma_start3A_110 = arith.constant 0 : i32
      %dma_start3A_111 = arith.constant 0 : i32
      %dma_start3A_112 = tpu.memref_slice %arg18[%run_scoped3A_3, %dma_start3A_110, %dma_start3A_111] : memref<2x200x64xf32, #tpu.memory_space<vmem>> -> memref<1x200x64xf32, #tpu.memory_space<vmem>>
      %dma_start3A_113 = tpu.memref_squeeze %dma_start3A_112 : memref<1x200x64xf32, #tpu.memory_space<vmem>> -> memref<200x64xf32, #tpu.memory_space<vmem>>
      %dma_start3A_114 = arith.constant 0 : i32
      %dma_start3A_115 = arith.constant 0 : i32
      %dma_start3A_116 = tpu.memref_slice %arg5[%dma_start3A_114, %dma_start3A_115] : memref<512x64xf32, #tpu.memory_space<hbm>> -> memref<200x64xf32, #tpu.memory_space<hbm>>
      tpu.enqueue_dma source(%dma_start3A_116 : memref<200x64xf32, #tpu.memory_space<hbm>>) target(%dma_start3A_113 : memref<200x64xf32, #tpu.memory_space<vmem>>) target_semaphore(%run_scoped3A_102 : memref<!tpu.dma_semaphore, #tpu.memory_space<semaphore_mem>>)
      %dma_wait3A_117 = arith.constant 0 : i32
      %dma_wait3A_118 = arith.constant 0 : i32
      %dma_wait3A_119 = tpu.memref_slice %arg18[%run_scoped3A_3, %dma_wait3A_117, %dma_wait3A_118] : memref<2x200x64xf32, #tpu.memory_space<vmem>> -> memref<1x200x64xf32, #tpu.memory_space<vmem>>
      %dma_wait3A_120 = tpu.memref_squeeze %dma_wait3A_119 : memref<1x200x64xf32, #tpu.memory_space<vmem>> -> memref<200x64xf32, #tpu.memory_space<vmem>>
      %dma_wait3A_121 = arith.constant 0 : i32
      %dma_wait3A_122 = arith.constant 0 : i32
      %dma_wait3A_123 = tpu.memref_slice %arg5[%dma_wait3A_121, %dma_wait3A_122] : memref<512x64xf32, #tpu.memory_space<hbm>> -> memref<200x64xf32, #tpu.memory_space<hbm>>
      %dma_wait3A_124 = arith.constant 0 : i32
      %dma_wait3A_125 = arith.constant 0 : i32
      %dma_wait3A_126 = tpu.memref_slice %arg18[%run_scoped3A_3, %dma_wait3A_124, %dma_wait3A_125] : memref<2x200x64xf32, #tpu.memory_space<vmem>> -> memref<1x200x64xf32, #tpu.memory_space<vmem>>
      %dma_wait3A_127 = tpu.memref_squeeze %dma_wait3A_126 : memref<1x200x64xf32, #tpu.memory_space<vmem>> -> memref<200x64xf32, #tpu.memory_space<vmem>>
      %dma_wait3A_128 = arith.constant 0 : i32
      %dma_wait3A_129 = arith.constant 0 : i32
      %dma_wait3A_130 = tpu.memref_slice %arg5[%dma_wait3A_128, %dma_wait3A_129] : memref<512x64xf32, #tpu.memory_space<hbm>> -> memref<200x64xf32, #tpu.memory_space<hbm>>
      tpu.wait_dma2 semaphore(%run_scoped3A_102 : memref<!tpu.dma_semaphore, #tpu.memory_space<semaphore_mem>>) src(%dma_wait3A_130 : memref<200x64xf32, #tpu.memory_space<hbm>>) dst(%dma_wait3A_127 : memref<200x64xf32, #tpu.memory_space<vmem>>)
      tpu.yield
    }) : () -> ()
    "tpu.region"() ({
      %run_scoped3A_102 = tpu.sem_alloc : memref<!tpu.dma_semaphore, #tpu.memory_space<semaphore_mem>>
      tpu.enqueue_dma source(%arg6 : memref<2x64xf32, #tpu.memory_space<hbm>>) target(%arg19 : memref<2x64xf32, #tpu.memory_space<vmem>>) target_semaphore(%run_scoped3A_102 : memref<!tpu.dma_semaphore, #tpu.memory_space<semaphore_mem>>)
      tpu.wait_dma2 semaphore(%run_scoped3A_102 : memref<!tpu.dma_semaphore, #tpu.memory_space<semaphore_mem>>) src(%arg6 : memref<2x64xf32, #tpu.memory_space<hbm>>) dst(%arg19 : memref<2x64xf32, #tpu.memory_space<vmem>>)
      tpu.yield
    }) : () -> ()
    "tpu.region"() ({
      %run_scoped3A_102 = tpu.sem_alloc : memref<!tpu.dma_semaphore, #tpu.memory_space<semaphore_mem>>
      %dma_start3A_103 = arith.constant 0 : i32
      %dma_start3A_104 = tpu.memref_slice %arg20[%dma_start3A_103] : memref<80xf32, #tpu.memory_space<vmem>> -> memref<64xf32, #tpu.memory_space<vmem>>
      %dma_start3A_105 = arith.constant 0 : i32
      %dma_start3A_106 = tpu.memref_slice %arg20[%dma_start3A_105] : memref<80xf32, #tpu.memory_space<vmem>> -> memref<64xf32, #tpu.memory_space<vmem>>
      tpu.enqueue_dma source(%arg7 : memref<64xf32, #tpu.memory_space<hbm>>) target(%dma_start3A_106 : memref<64xf32, #tpu.memory_space<vmem>>) target_semaphore(%run_scoped3A_102 : memref<!tpu.dma_semaphore, #tpu.memory_space<semaphore_mem>>)
      %dma_wait3A_107 = arith.constant 0 : i32
      %dma_wait3A_108 = tpu.memref_slice %arg20[%dma_wait3A_107] : memref<80xf32, #tpu.memory_space<vmem>> -> memref<64xf32, #tpu.memory_space<vmem>>
      %dma_wait3A_109 = arith.constant 0 : i32
      %dma_wait3A_110 = tpu.memref_slice %arg20[%dma_wait3A_109] : memref<80xf32, #tpu.memory_space<vmem>> -> memref<64xf32, #tpu.memory_space<vmem>>
      tpu.wait_dma2 semaphore(%run_scoped3A_102 : memref<!tpu.dma_semaphore, #tpu.memory_space<semaphore_mem>>) src(%arg7 : memref<64xf32, #tpu.memory_space<hbm>>) dst(%dma_wait3A_110 : memref<64xf32, #tpu.memory_space<vmem>>)
      tpu.yield
    }) : () -> ()
    "tpu.region"() ({
      %run_scoped3A_102 = tpu.sem_alloc : memref<!tpu.dma_semaphore, #tpu.memory_space<semaphore_mem>>
      %dma_start3A_103 = arith.constant 0 : i32
      %dma_start3A_104 = tpu.memref_slice %arg21[%dma_start3A_103] : memref<80xf32, #tpu.memory_space<vmem>> -> memref<64xf32, #tpu.memory_space<vmem>>
      %dma_start3A_105 = arith.constant 0 : i32
      %dma_start3A_106 = tpu.memref_slice %arg21[%dma_start3A_105] : memref<80xf32, #tpu.memory_space<vmem>> -> memref<64xf32, #tpu.memory_space<vmem>>
      tpu.enqueue_dma source(%arg8 : memref<64xf32, #tpu.memory_space<hbm>>) target(%dma_start3A_106 : memref<64xf32, #tpu.memory_space<vmem>>) target_semaphore(%run_scoped3A_102 : memref<!tpu.dma_semaphore, #tpu.memory_space<semaphore_mem>>)
      %dma_wait3A_107 = arith.constant 0 : i32
      %dma_wait3A_108 = tpu.memref_slice %arg21[%dma_wait3A_107] : memref<80xf32, #tpu.memory_space<vmem>> -> memref<64xf32, #tpu.memory_space<vmem>>
      %dma_wait3A_109 = arith.constant 0 : i32
      %dma_wait3A_110 = tpu.memref_slice %arg21[%dma_wait3A_109] : memref<80xf32, #tpu.memory_space<vmem>> -> memref<64xf32, #tpu.memory_space<vmem>>
      tpu.wait_dma2 semaphore(%run_scoped3A_102 : memref<!tpu.dma_semaphore, #tpu.memory_space<semaphore_mem>>) src(%arg8 : memref<64xf32, #tpu.memory_space<hbm>>) dst(%dma_wait3A_110 : memref<64xf32, #tpu.memory_space<vmem>>)
      tpu.yield
    }) : () -> ()
    %scan3A = arith.constant 0 : i32
    %scan3A_4 = arith.constant 200 : i32
    %scan3A_5 = arith.addi %scan3A, %scan3A_4 : i32
    %scan3A_6 = arith.constant 1 : i32
    scf.for %scan3A_102 = %scan3A to %scan3A_5 step %scan3A_6  : i32 {
      %mul3A_103 = arith.constant 1 : i32
      %mul3A_104 = arith.muli %scan3A_102, %mul3A_103 : i32
      %add3A_105 = arith.constant 0 : i32
      %add3A_106 = arith.addi %add3A_105, %mul3A_104 : i32
      %get3A = arith.constant 0 : i32
      %get3A_107 = arith.index_cast %get3A : i32 to index
      %get3A_108 = arith.index_cast %add3A_106 : i32 to index
      %get3A_109 = arith.constant 0 : index
      %get3A_110 = tpu.vector_load %arg18[%get3A_107, %get3A_108, %get3A_109] {strides = array<i32>} : memref<2x200x64xf32, #tpu.memory_space<vmem>>, vector<16xf32>,
      %get3A_111 = arith.constant 0 : i32
      %get3A_112 = arith.index_cast %get3A_111 : i32 to index
      %get3A_113 = arith.constant 0 : index
      %get3A_114 = tpu.vector_load %arg19[%get3A_112, %get3A_113] {strides = array<i32>} : memref<2x64xf32, #tpu.memory_space<vmem>>, vector<16xf32>,
      %add3A_115 = arith.addf %get3A_110, %get3A_114 : vector<16xf32>
      %swap3A = arith.constant 0 : i32
      %swap3A_116 = arith.index_cast %swap3A : i32 to index
      %swap3A_117 = arith.index_cast %add3A_106 : i32 to index
      %swap3A_118 = arith.constant 0 : index
      %swap3A_119 = tpu.vector_load %arg18[%swap3A_116, %swap3A_117, %swap3A_118] {strides = array<i32>} : memref<2x200x64xf32, #tpu.memory_space<vmem>>, vector<16xf32>,
      tpu.vector_store %arg18[%swap3A_116, %swap3A_117, %swap3A_118], %add3A_115 {strides = array<i32>} : memref<2x200x64xf32, #tpu.memory_space<vmem>>, vector<16xf32>,
      %get3A_120 = arith.constant 0 : i32
      %get3A_121 = arith.index_cast %get3A_120 : i32 to index
      %get3A_122 = arith.index_cast %add3A_106 : i32 to index
      %get3A_123 = arith.constant 16 : index
      %get3A_124 = tpu.vector_load %arg18[%get3A_121, %get3A_122, %get3A_123] {strides = array<i32>} : memref<2x200x64xf32, #tpu.memory_space<vmem>>, vector<16xf32>,
      %get3A_125 = arith.constant 0 : i32
      %get3A_126 = arith.index_cast %get3A_125 : i32 to index
      %get3A_127 = arith.constant 16 : index
      %get3A_128 = tpu.vector_load %arg19[%get3A_126, %get3A_127] {strides = array<i32>} : memref<2x64xf32, #tpu.memory_space<vmem>>, vector<16xf32>,
      %add3A_129 = arith.addf %get3A_124, %get3A_128 : vector<16xf32>
      %swap3A_130 = arith.constant 0 : i32
      %swap3A_131 = arith.index_cast %swap3A_130 : i32 to index
      %swap3A_132 = arith.index_cast %add3A_106 : i32 to index
      %swap3A_133 = arith.constant 16 : index
      %swap3A_134 = tpu.vector_load %arg18[%swap3A_131, %swap3A_132, %swap3A_133] {strides = array<i32>} : memref<2x200x64xf32, #tpu.memory_space<vmem>>, vector<16xf32>,
      tpu.vector_store %arg18[%swap3A_131, %swap3A_132, %swap3A_133], %add3A_129 {strides = array<i32>} : memref<2x200x64xf32, #tpu.memory_space<vmem>>, vector<16xf32>,
      %get3A_135 = arith.constant 0 : i32
      %get3A_136 = arith.index_cast %get3A_135 : i32 to index
      %get3A_137 = arith.index_cast %add3A_106 : i32 to index
      %get3A_138 = arith.constant 32 : index
      %get3A_139 = tpu.vector_load %arg18[%get3A_136, %get3A_137, %get3A_138] {strides = array<i32>} : memref<2x200x64xf32, #tpu.memory_space<vmem>>, vector<16xf32>,
      %get3A_140 = arith.constant 0 : i32
      %get3A_141 = arith.index_cast %get3A_140 : i32 to index
      %get3A_142 = arith.constant 32 : index
      %get3A_143 = tpu.vector_load %arg19[%get3A_141, %get3A_142] {strides = array<i32>} : memref<2x64xf32, #tpu.memory_space<vmem>>, vector<16xf32>,
      %add3A_144 = arith.addf %get3A_139, %get3A_143 : vector<16xf32>
      %swap3A_145 = arith.constant 0 : i32
      %swap3A_146 = arith.index_cast %swap3A_145 : i32 to index
      %swap3A_147 = arith.index_cast %add3A_106 : i32 to index
      %swap3A_148 = arith.constant 32 : index
      %swap3A_149 = tpu.vector_load %arg18[%swap3A_146, %swap3A_147, %swap3A_148] {strides = array<i32>} : memref<2x200x64xf32, #tpu.memory_space<vmem>>, vector<16xf32>,
      tpu.vector_store %arg18[%swap3A_146, %swap3A_147, %swap3A_148], %add3A_144 {strides = array<i32>} : memref<2x200x64xf32, #tpu.memory_space<vmem>>, vector<16xf32>,
      %get3A_150 = arith.constant 0 : i32
      %get3A_151 = arith.index_cast %get3A_150 : i32 to index
      %get3A_152 = arith.index_cast %add3A_106 : i32 to index
      %get3A_153 = arith.constant 48 : index
      %get3A_154 = tpu.vector_load %arg18[%get3A_151, %get3A_152, %get3A_153] {strides = array<i32>} : memref<2x200x64xf32, #tpu.memory_space<vmem>>, vector<16xf32>,
      %get3A_155 = arith.constant 0 : i32
      %get3A_156 = arith.index_cast %get3A_155 : i32 to index
      %get3A_157 = arith.constant 48 : index
      %get3A_158 = tpu.vector_load %arg19[%get3A_156, %get3A_157] {strides = array<i32>} : memref<2x64xf32, #tpu.memory_space<vmem>>, vector<16xf32>,
      %add3A_159 = arith.addf %get3A_154, %get3A_158 : vector<16xf32>
      %swap3A_160 = arith.constant 0 : i32
      %swap3A_161 = arith.index_cast %swap3A_160 : i32 to index
      %swap3A_162 = arith.index_cast %add3A_106 : i32 to index
      %swap3A_163 = arith.constant 48 : index
      %swap3A_164 = tpu.vector_load %arg18[%swap3A_161, %swap3A_162, %swap3A_163] {strides = array<i32>} : memref<2x200x64xf32, #tpu.memory_space<vmem>>, vector<16xf32>,
      tpu.vector_store %arg18[%swap3A_161, %swap3A_162, %swap3A_163], %add3A_159 {strides = array<i32>} : memref<2x200x64xf32, #tpu.memory_space<vmem>>, vector<16xf32>,
      %get3A_165 = arith.constant 1 : i32
      %get3A_166 = arith.index_cast %get3A_165 : i32 to index
      %get3A_167 = arith.index_cast %add3A_106 : i32 to index
      %get3A_168 = arith.constant 0 : index
      %get3A_169 = tpu.vector_load %arg18[%get3A_166, %get3A_167, %get3A_168] {strides = array<i32>} : memref<2x200x64xf32, #tpu.memory_space<vmem>>, vector<16xf32>,
      %get3A_170 = arith.constant 1 : i32
      %get3A_171 = arith.index_cast %get3A_170 : i32 to index
      %get3A_172 = arith.constant 0 : index
      %get3A_173 = tpu.vector_load %arg19[%get3A_171, %get3A_172] {strides = array<i32>} : memref<2x64xf32, #tpu.memory_space<vmem>>, vector<16xf32>,
      %add3A_174 = arith.addf %get3A_169, %get3A_173 : vector<16xf32>
      %swap3A_175 = arith.constant 1 : i32
      %swap3A_176 = arith.index_cast %swap3A_175 : i32 to index
      %swap3A_177 = arith.index_cast %add3A_106 : i32 to index
      %swap3A_178 = arith.constant 0 : index
      %swap3A_179 = tpu.vector_load %arg18[%swap3A_176, %swap3A_177, %swap3A_178] {strides = array<i32>} : memref<2x200x64xf32, #tpu.memory_space<vmem>>, vector<16xf32>,
      tpu.vector_store %arg18[%swap3A_176, %swap3A_177, %swap3A_178], %add3A_174 {strides = array<i32>} : memref<2x200x64xf32, #tpu.memory_space<vmem>>, vector<16xf32>,
      %get3A_180 = arith.constant 1 : i32
      %get3A_181 = arith.index_cast %get3A_180 : i32 to index
      %get3A_182 = arith.index_cast %add3A_106 : i32 to index
      %get3A_183 = arith.constant 16 : index
      %get3A_184 = tpu.vector_load %arg18[%get3A_181, %get3A_182, %get3A_183] {strides = array<i32>} : memref<2x200x64xf32, #tpu.memory_space<vmem>>, vector<16xf32>,
      %get3A_185 = arith.constant 1 : i32
      %get3A_186 = arith.index_cast %get3A_185 : i32 to index
      %get3A_187 = arith.constant 16 : index
      %get3A_188 = tpu.vector_load %arg19[%get3A_186, %get3A_187] {strides = array<i32>} : memref<2x64xf32, #tpu.memory_space<vmem>>, vector<16xf32>,
      %add3A_189 = arith.addf %get3A_184, %get3A_188 : vector<16xf32>
      %swap3A_190 = arith.constant 1 : i32
      %swap3A_191 = arith.index_cast %swap3A_190 : i32 to index
      %swap3A_192 = arith.index_cast %add3A_106 : i32 to index
      %swap3A_193 = arith.constant 16 : index
      %swap3A_194 = tpu.vector_load %arg18[%swap3A_191, %swap3A_192, %swap3A_193] {strides = array<i32>} : memref<2x200x64xf32, #tpu.memory_space<vmem>>, vector<16xf32>,
      tpu.vector_store %arg18[%swap3A_191, %swap3A_192, %swap3A_193], %add3A_189 {strides = array<i32>} : memref<2x200x64xf32, #tpu.memory_space<vmem>>, vector<16xf32>,
      %get3A_195 = arith.constant 1 : i32
      %get3A_196 = arith.index_cast %get3A_195 : i32 to index
      %get3A_197 = arith.index_cast %add3A_106 : i32 to index
      %get3A_198 = arith.constant 32 : index
      %get3A_199 = tpu.vector_load %arg18[%get3A_196, %get3A_197, %get3A_198] {strides = array<i32>} : memref<2x200x64xf32, #tpu.memory_space<vmem>>, vector<16xf32>,
      %get3A_200 = arith.constant 1 : i32
      %get3A_201 = arith.index_cast %get3A_200 : i32 to index
      %get3A_202 = arith.constant 32 : index
      %get3A_203 = tpu.vector_load %arg19[%get3A_201, %get3A_202] {strides = array<i32>} : memref<2x64xf32, #tpu.memory_space<vmem>>, vector<16xf32>,
      %add3A_204 = arith.addf %get3A_199, %get3A_203 : vector<16xf32>
      %swap3A_205 = arith.constant 1 : i32
      %swap3A_206 = arith.index_cast %swap3A_205 : i32 to index
      %swap3A_207 = arith.index_cast %add3A_106 : i32 to index
      %swap3A_208 = arith.constant 32 : index
      %swap3A_209 = tpu.vector_load %arg18[%swap3A_206, %swap3A_207, %swap3A_208] {strides = array<i32>} : memref<2x200x64xf32, #tpu.memory_space<vmem>>, vector<16xf32>,
      tpu.vector_store %arg18[%swap3A_206, %swap3A_207, %swap3A_208], %add3A_204 {strides = array<i32>} : memref<2x200x64xf32, #tpu.memory_space<vmem>>, vector<16xf32>,
      %get3A_210 = arith.constant 1 : i32
      %get3A_211 = arith.index_cast %get3A_210 : i32 to index
      %get3A_212 = arith.index_cast %add3A_106 : i32 to index
      %get3A_213 = arith.constant 48 : index
      %get3A_214 = tpu.vector_load %arg18[%get3A_211, %get3A_212, %get3A_213] {strides = array<i32>} : memref<2x200x64xf32, #tpu.memory_space<vmem>>, vector<16xf32>,
      %get3A_215 = arith.constant 1 : i32
      %get3A_216 = arith.index_cast %get3A_215 : i32 to index
      %get3A_217 = arith.constant 48 : index
      %get3A_218 = tpu.vector_load %arg19[%get3A_216, %get3A_217] {strides = array<i32>} : memref<2x64xf32, #tpu.memory_space<vmem>>, vector<16xf32>,
      %add3A_219 = arith.addf %get3A_214, %get3A_218 : vector<16xf32>
      %swap3A_220 = arith.constant 1 : i32
      %swap3A_221 = arith.index_cast %swap3A_220 : i32 to index
      %swap3A_222 = arith.index_cast %add3A_106 : i32 to index
      %swap3A_223 = arith.constant 48 : index
      %swap3A_224 = tpu.vector_load %arg18[%swap3A_221, %swap3A_222, %swap3A_223] {strides = array<i32>} : memref<2x200x64xf32, #tpu.memory_space<vmem>>, vector<16xf32>,
      tpu.vector_store %arg18[%swap3A_221, %swap3A_222, %swap3A_223], %add3A_219 {strides = array<i32>} : memref<2x200x64xf32, #tpu.memory_space<vmem>>, vector<16xf32>,
    }
    %scan3A_7 = arith.constant 200 : i32
    %iota3A = tpu.iota {dimensions = array<i32: 0>} : vector<16xi32>
    %scan3A_8 = arith.constant 0 : i32
    %scan3A_9 = arith.constant 64 : i32
    %scan3A_10 = arith.addi %scan3A_8, %scan3A_9 : i32
    %scan3A_11 = arith.constant 1 : i32
    scf.for %scan3A_102 = %scan3A_8 to %scan3A_10 step %scan3A_11  : i32 {
      %mul3A_103 = arith.constant 1 : i32
      %mul3A_104 = arith.muli %scan3A_102, %mul3A_103 : i32
      %add3A_105 = arith.constant 0 : i32
      %add3A_106 = arith.addi %add3A_105, %mul3A_104 : i32
      %add3A_107 = vector.broadcast %add3A_106 : i32 to vector<16xi32>
      %add3A_108 = arith.addi %add3A_107, %iota3A : vector<16xi32>
      %and3A = arith.constant 63 : i32
      %and3A_109 = vector.broadcast %and3A : i32 to vector<16xi32>
      %and3A_110 = arith.andi %add3A_108, %and3A_109 : vector<16xi32>
      %gather3A = tpu.vector_load_idx %arg20[%and3A_110] : memref<80xf32, #tpu.memory_space<vmem>>[vector<16xi32>], vector<16xf32>,
      %swap3A = arith.index_cast %add3A_106 : i32 to index
      %swap3A_111 = arith.constant 0 : index
      %swap3A_112 = tpu.vector_load %arg24[%swap3A, %swap3A_111] {strides = array<i32>} : memref<64x16xf32, #tpu.memory_space<vmem>>, vector<16xf32>,
      tpu.vector_store %arg24[%swap3A, %swap3A_111], %gather3A {strides = array<i32>} : memref<64x16xf32, #tpu.memory_space<vmem>>, vector<16xf32>,
      %gather3A_113 = tpu.vector_load_idx %arg21[%and3A_110] : memref<80xf32, #tpu.memory_space<vmem>>[vector<16xi32>], vector<16xf32>,
      %swap3A_114 = arith.index_cast %add3A_106 : i32 to index
      %swap3A_115 = arith.constant 0 : index
      %swap3A_116 = tpu.vector_load %arg25[%swap3A_114, %swap3A_115] {strides = array<i32>} : memref<64x16xf32, #tpu.memory_space<vmem>>, vector<16xf32>,
      tpu.vector_store %arg25[%swap3A_114, %swap3A_115], %gather3A_113 {strides = array<i32>} : memref<64x16xf32, #tpu.memory_space<vmem>>, vector<16xf32>,
    }
    %scan3A_12 = arith.constant 64 : i32
    %add3A_13 = arith.constant 0 : i32
    %add3A_14 = arith.addi %mul3A_2, %add3A_13 : i32
    %add3A_15 = arith.constant 0 : i32
    %add3A_16 = arith.addi %add3A_14, %add3A_15 : i32
    %add3A_17 = arith.constant 0 : i32
    %add3A_18 = arith.addi %mul3A_2, %add3A_17 : i32
    %add3A_19 = arith.constant 128 : i32
    %add3A_20 = arith.addi %add3A_18, %add3A_19 : i32
    %add3A_21 = arith.constant 0 : i32
    %add3A_22 = arith.addi %mul3A_2, %add3A_21 : i32
    %dma_start3A = arith.constant 0 : i32
    %dma_start3A_23 = arith.constant 0 : i32
    %dma_start3A_24 = tpu.memref_slice %arg10[%dma_start3A, %dma_start3A_23] : memref<2x128xi32, #tpu.memory_space<vmem>> -> memref<1x128xi32, #tpu.memory_space<vmem>>
    %dma_start3A_25 = tpu.memref_squeeze %dma_start3A_24 : memref<1x128xi32, #tpu.memory_space<vmem>> -> memref<128xi32, #tpu.memory_space<vmem>>
    %dma_start3A_26 = tpu.memref_slice %arg2[%add3A_16] : memref<819200xi32, #tpu.memory_space<hbm>> -> memref<128xi32, #tpu.memory_space<hbm>>
    %dma_start3A_27 = arith.constant 0 : i32
    %dma_start3A_28 = tpu.memref_slice %arg10[%dma_start3A, %dma_start3A_27] : memref<2x128xi32, #tpu.memory_space<vmem>> -> memref<1x128xi32, #tpu.memory_space<vmem>>
    %dma_start3A_29 = tpu.memref_squeeze %dma_start3A_28 : memref<1x128xi32, #tpu.memory_space<vmem>> -> memref<128xi32, #tpu.memory_space<vmem>>
    %dma_start3A_30 = tpu.memref_slice %arg2[%add3A_16] : memref<819200xi32, #tpu.memory_space<hbm>> -> memref<128xi32, #tpu.memory_space<hbm>>
    tpu.enqueue_dma source(%dma_start3A_30 : memref<128xi32, #tpu.memory_space<hbm>>) target(%dma_start3A_29 : memref<128xi32, #tpu.memory_space<vmem>>) target_semaphore(%arg28 : memref<!tpu.dma_semaphore, #tpu.memory_space<semaphore_mem>>)
    %dma_start3A_31 = arith.constant 1 : i32
    %dma_start3A_32 = arith.constant 0 : i32
    %dma_start3A_33 = tpu.memref_slice %arg10[%dma_start3A_31, %dma_start3A_32] : memref<2x128xi32, #tpu.memory_space<vmem>> -> memref<1x128xi32, #tpu.memory_space<vmem>>
    %dma_start3A_34 = tpu.memref_squeeze %dma_start3A_33 : memref<1x128xi32, #tpu.memory_space<vmem>> -> memref<128xi32, #tpu.memory_space<vmem>>
    %dma_start3A_35 = tpu.memref_slice %arg2[%add3A_20] : memref<819200xi32, #tpu.memory_space<hbm>> -> memref<128xi32, #tpu.memory_space<hbm>>
    %dma_start3A_36 = arith.constant 0 : i32
    %dma_start3A_37 = tpu.memref_slice %arg10[%dma_start3A_31, %dma_start3A_36] : memref<2x128xi32, #tpu.memory_space<vmem>> -> memref<1x128xi32, #tpu.memory_space<vmem>>
    %dma_start3A_38 = tpu.memref_squeeze %dma_start3A_37 : memref<1x128xi32, #tpu.memory_space<vmem>> -> memref<128xi32, #tpu.memory_space<vmem>>
    %dma_start3A_39 = tpu.memref_slice %arg2[%add3A_20] : memref<819200xi32, #tpu.memory_space<hbm>> -> memref<128xi32, #tpu.memory_space<hbm>>
    tpu.enqueue_dma source(%dma_start3A_39 : memref<128xi32, #tpu.memory_space<hbm>>) target(%dma_start3A_38 : memref<128xi32, #tpu.memory_space<vmem>>) target_semaphore(%arg28 : memref<!tpu.dma_semaphore, #tpu.memory_space<semaphore_mem>>)
    %dma_start3A_40 = tpu.memref_slice %arg3[%add3A_22] : memref<819200xi32, #tpu.memory_space<hbm>> -> memref<256xi32, #tpu.memory_space<hbm>>
    %dma_start3A_41 = tpu.memref_slice %arg3[%add3A_22] : memref<819200xi32, #tpu.memory_space<hbm>> -> memref<256xi32, #tpu.memory_space<hbm>>
    tpu.enqueue_dma source(%dma_start3A_41 : memref<256xi32, #tpu.memory_space<hbm>>) target(%arg12 : memref<256xi32, #tpu.memory_space<vmem>>) target_semaphore(%arg28 : memref<!tpu.dma_semaphore, #tpu.memory_space<semaphore_mem>>)
    %add3A_42 = arith.constant 0 : i32
    %add3A_43 = arith.addi %mul3A_2, %add3A_42 : i32
    %add3A_44 = arith.constant 0 : i32
    %add3A_45 = arith.addi %add3A_43, %add3A_44 : i32
    %add3A_46 = arith.constant 0 : i32
    %add3A_47 = arith.addi %mul3A_2, %add3A_46 : i32
    %add3A_48 = arith.constant 128 : i32
    %add3A_49 = arith.addi %add3A_47, %add3A_48 : i32
    %add3A_50 = arith.constant 0 : i32
    %add3A_51 = arith.addi %mul3A_2, %add3A_50 : i32
    %dma_wait3A = arith.constant 0 : i32
    %dma_wait3A_52 = arith.constant 0 : i32
    %dma_wait3A_53 = tpu.memref_slice %arg10[%dma_wait3A, %dma_wait3A_52] : memref<2x128xi32, #tpu.memory_space<vmem>> -> memref<1x128xi32, #tpu.memory_space<vmem>>
    %dma_wait3A_54 = tpu.memref_squeeze %dma_wait3A_53 : memref<1x128xi32, #tpu.memory_space<vmem>> -> memref<128xi32, #tpu.memory_space<vmem>>
    %dma_wait3A_55 = tpu.memref_slice %arg2[%add3A_45] : memref<819200xi32, #tpu.memory_space<hbm>> -> memref<128xi32, #tpu.memory_space<hbm>>
    %dma_wait3A_56 = arith.constant 0 : i32
    %dma_wait3A_57 = tpu.memref_slice %arg10[%dma_wait3A, %dma_wait3A_56] : memref<2x128xi32, #tpu.memory_space<vmem>> -> memref<1x128xi32, #tpu.memory_space<vmem>>
    %dma_wait3A_58 = tpu.memref_squeeze %dma_wait3A_57 : memref<1x128xi32, #tpu.memory_space<vmem>> -> memref<128xi32, #tpu.memory_space<vmem>>
    %dma_wait3A_59 = tpu.memref_slice %arg2[%add3A_45] : memref<819200xi32, #tpu.memory_space<hbm>> -> memref<128xi32, #tpu.memory_space<hbm>>
    tpu.wait_dma2 semaphore(%arg28 : memref<!tpu.dma_semaphore, #tpu.memory_space<semaphore_mem>>) src(%dma_wait3A_59 : memref<128xi32, #tpu.memory_space<hbm>>) dst(%dma_wait3A_58 : memref<128xi32, #tpu.memory_space<vmem>>)
    %dma_wait3A_60 = arith.constant 1 : i32
    %dma_wait3A_61 = arith.constant 0 : i32
    %dma_wait3A_62 = tpu.memref_slice %arg10[%dma_wait3A_60, %dma_wait3A_61] : memref<2x128xi32, #tpu.memory_space<vmem>> -> memref<1x128xi32, #tpu.memory_space<vmem>>
    %dma_wait3A_63 = tpu.memref_squeeze %dma_wait3A_62 : memref<1x128xi32, #tpu.memory_space<vmem>> -> memref<128xi32, #tpu.memory_space<vmem>>
    %dma_wait3A_64 = tpu.memref_slice %arg2[%add3A_49] : memref<819200xi32, #tpu.memory_space<hbm>> -> memref<128xi32, #tpu.memory_space<hbm>>
    %dma_wait3A_65 = arith.constant 0 : i32
    %dma_wait3A_66 = tpu.memref_slice %arg10[%dma_wait3A_60, %dma_wait3A_65] : memref<2x128xi32, #tpu.memory_space<vmem>> -> memref<1x128xi32, #tpu.memory_space<vmem>>
    %dma_wait3A_67 = tpu.memref_squeeze %dma_wait3A_66 : memref<1x128xi32, #tpu.memory_space<vmem>> -> memref<128xi32, #tpu.memory_space<vmem>>
    %dma_wait3A_68 = tpu.memref_slice %arg2[%add3A_49] : memref<819200xi32, #tpu.memory_space<hbm>> -> memref<128xi32, #tpu.memory_space<hbm>>
    tpu.wait_dma2 semaphore(%arg28 : memref<!tpu.dma_semaphore, #tpu.memory_space<semaphore_mem>>) src(%dma_wait3A_68 : memref<128xi32, #tpu.memory_space<hbm>>) dst(%dma_wait3A_67 : memref<128xi32, #tpu.memory_space<vmem>>)
    %dma_wait3A_69 = tpu.memref_slice %arg3[%add3A_51] : memref<819200xi32, #tpu.memory_space<hbm>> -> memref<256xi32, #tpu.memory_space<hbm>>
    %dma_wait3A_70 = tpu.memref_slice %arg3[%add3A_51] : memref<819200xi32, #tpu.memory_space<hbm>> -> memref<256xi32, #tpu.memory_space<hbm>>
    tpu.wait_dma2 semaphore(%arg28 : memref<!tpu.dma_semaphore, #tpu.memory_space<semaphore_mem>>) src(%dma_wait3A_70 : memref<256xi32, #tpu.memory_space<hbm>>) dst(%arg12 : memref<256xi32, #tpu.memory_space<vmem>>)
    %dma_start3A_71 = arith.constant 0 : i32
    %dma_start3A_72 = arith.constant 0 : i32
    %dma_start3A_73 = arith.constant 0 : i32
    %dma_start3A_74 = tpu.memref_slice %arg14[%dma_start3A_72, %dma_start3A_73] : memref<256x64xf32, #tpu.memory_space<vmem>> -> memref<128x64xf32, #tpu.memory_space<vmem>>
    %dma_start3A_75 = arith.constant 0 : i32
    %dma_start3A_76 = tpu.memref_slice %arg10[%dma_start3A_71, %dma_start3A_75] : memref<2x128xi32, #tpu.memory_space<vmem>> -> memref<1x128xi32, #tpu.memory_space<vmem>>
    %dma_start3A_77 = tpu.memref_squeeze %dma_start3A_76 : memref<1x128xi32, #tpu.memory_space<vmem>> -> memref<128xi32, #tpu.memory_space<vmem>>
    %dma_start3A_78 = arith.constant 0 : i32
    %dma_start3A_79 = arith.constant 0 : i32
    %dma_start3A_80 = tpu.memref_slice %arg4[%dma_start3A_78, %dma_start3A_79] : memref<1000000x64xf32, #tpu.memory_space<hbm>> -> memref<1000000x64xf32, #tpu.memory_space<hbm>>
    tpu.enqueue_indirect_dma source(%dma_start3A_80 : memref<1000000x64xf32, #tpu.memory_space<hbm>>) target(%dma_start3A_74 : memref<128x64xf32, #tpu.memory_space<vmem>>) offsets(%dma_start3A_77 : memref<128xi32, #tpu.memory_space<vmem>>) semaphore(%arg26 : memref<!tpu.dma_semaphore, #tpu.memory_space<semaphore_mem>>)
    %dma_start3A_81 = arith.constant 1 : i32
    %dma_start3A_82 = arith.constant 128 : i32
    %dma_start3A_83 = arith.constant 0 : i32
    %dma_start3A_84 = tpu.memref_slice %arg14[%dma_start3A_82, %dma_start3A_83] : memref<256x64xf32, #tpu.memory_space<vmem>> -> memref<128x64xf32, #tpu.memory_space<vmem>>
    %dma_start3A_85 = arith.constant 0 : i32
    %dma_start3A_86 = tpu.memref_slice %arg10[%dma_start3A_81, %dma_start3A_85] : memref<2x128xi32, #tpu.memory_space<vmem>> -> memref<1x128xi32, #tpu.memory_space<vmem>>
    %dma_start3A_87 = tpu.memref_squeeze %dma_start3A_86 : memref<1x128xi32, #tpu.memory_space<vmem>> -> memref<128xi32, #tpu.memory_space<vmem>>
    %dma_start3A_88 = arith.constant 0 : i32
    %dma_start3A_89 = arith.constant 0 : i32
    %dma_start3A_90 = tpu.memref_slice %arg4[%dma_start3A_88, %dma_start3A_89] : memref<1000000x64xf32, #tpu.memory_space<hbm>> -> memref<1000000x64xf32, #tpu.memory_space<hbm>>
    tpu.enqueue_indirect_dma source(%dma_start3A_90 : memref<1000000x64xf32, #tpu.memory_space<hbm>>) target(%dma_start3A_84 : memref<128x64xf32, #tpu.memory_space<vmem>>) offsets(%dma_start3A_87 : memref<128xi32, #tpu.memory_space<vmem>>) semaphore(%arg26 : memref<!tpu.dma_semaphore, #tpu.memory_space<semaphore_mem>>)
    %scan3A_91 = arith.constant 0 : i32
    %scan3A_92 = arith.constant 50 : i32
    %scan3A_93 = arith.addi %scan3A_91, %scan3A_92 : i32
    %scan3A_94 = arith.constant 1 : i32
    scf.for %scan3A_102 = %scan3A_91 to %scan3A_93 step %scan3A_94  : i32 {
      %mul3A_103 = arith.constant 1 : i32
      %mul3A_104 = arith.muli %scan3A_102, %mul3A_103 : i32
      %add3A_105 = arith.constant 0 : i32
      %add3A_106 = arith.addi %add3A_105, %mul3A_104 : i32
      %mul3A_107 = arith.constant 2 : i32
      %mul3A_108 = arith.muli %add3A_106, %mul3A_107 : i32
      %add3A_109 = arith.constant 0 : i32
      %add3A_110 = arith.addi %mul3A_108, %add3A_109 : i32
      %add3A_111 = arith.constant 1 : i32
      %add3A_112 = arith.addi %add3A_110, %add3A_111 : i32
      %lt3A = arith.constant 100 : i32
      %lt3A_113 = arith.cmpi slt, %add3A_112, %lt3A : i32
      %convert_element_type3A = arith.extui %lt3A_113 : i1 to i32
      %cond3A = arith.constant 0 : i32
      %cond3A_114 = arith.cmpi ne, %convert_element_type3A, %cond3A : i32
      scf.if %cond3A_114 {
        %add3A_219 = arith.constant 1 : i32
        %add3A_220 = arith.addi %add3A_110, %add3A_219 : i32
        %mul3A_221 = arith.constant 256 : i32
        %mul3A_222 = arith.muli %add3A_220, %mul3A_221 : i32
        %add3A_223 = arith.addi %mul3A_2, %mul3A_222 : i32
        %add3A_224 = arith.constant 0 : i32
        %add3A_225 = arith.addi %add3A_223, %add3A_224 : i32
        %mul3A_226 = arith.constant 256 : i32
        %mul3A_227 = arith.muli %add3A_220, %mul3A_226 : i32
        %add3A_228 = arith.addi %mul3A_2, %mul3A_227 : i32
        %add3A_229 = arith.constant 128 : i32
        %add3A_230 = arith.addi %add3A_228, %add3A_229 : i32
        %mul3A_231 = arith.constant 256 : i32
        %mul3A_232 = arith.muli %add3A_220, %mul3A_231 : i32
        %add3A_233 = arith.addi %mul3A_2, %mul3A_232 : i32
        %dma_start3A_234 = arith.constant 0 : i32
        %dma_start3A_235 = arith.constant 0 : i32
        %dma_start3A_236 = tpu.memref_slice %arg11[%dma_start3A_234, %dma_start3A_235] : memref<2x128xi32, #tpu.memory_space<vmem>> -> memref<1x128xi32, #tpu.memory_space<vmem>>
        %dma_start3A_237 = tpu.memref_squeeze %dma_start3A_236 : memref<1x128xi32, #tpu.memory_space<vmem>> -> memref<128xi32, #tpu.memory_space<vmem>>
        %dma_start3A_238 = tpu.memref_slice %arg2[%add3A_225] : memref<819200xi32, #tpu.memory_space<hbm>> -> memref<128xi32, #tpu.memory_space<hbm>>
        %dma_start3A_239 = arith.constant 0 : i32
        %dma_start3A_240 = tpu.memref_slice %arg11[%dma_start3A_234, %dma_start3A_239] : memref<2x128xi32, #tpu.memory_space<vmem>> -> memref<1x128xi32, #tpu.memory_space<vmem>>
        %dma_start3A_241 = tpu.memref_squeeze %dma_start3A_240 : memref<1x128xi32, #tpu.memory_space<vmem>> -> memref<128xi32, #tpu.memory_space<vmem>>
        %dma_start3A_242 = tpu.memref_slice %arg2[%add3A_225] : memref<819200xi32, #tpu.memory_space<hbm>> -> memref<128xi32, #tpu.memory_space<hbm>>
        tpu.enqueue_dma source(%dma_start3A_242 : memref<128xi32, #tpu.memory_space<hbm>>) target(%dma_start3A_241 : memref<128xi32, #tpu.memory_space<vmem>>) target_semaphore(%arg29 : memref<!tpu.dma_semaphore, #tpu.memory_space<semaphore_mem>>)
        %dma_start3A_243 = arith.constant 1 : i32
        %dma_start3A_244 = arith.constant 0 : i32
        %dma_start3A_245 = tpu.memref_slice %arg11[%dma_start3A_243, %dma_start3A_244] : memref<2x128xi32, #tpu.memory_space<vmem>> -> memref<1x128xi32, #tpu.memory_space<vmem>>
        %dma_start3A_246 = tpu.memref_squeeze %dma_start3A_245 : memref<1x128xi32, #tpu.memory_space<vmem>> -> memref<128xi32, #tpu.memory_space<vmem>>
        %dma_start3A_247 = tpu.memref_slice %arg2[%add3A_230] : memref<819200xi32, #tpu.memory_space<hbm>> -> memref<128xi32, #tpu.memory_space<hbm>>
        %dma_start3A_248 = arith.constant 0 : i32
        %dma_start3A_249 = tpu.memref_slice %arg11[%dma_start3A_243, %dma_start3A_248] : memref<2x128xi32, #tpu.memory_space<vmem>> -> memref<1x128xi32, #tpu.memory_space<vmem>>
        %dma_start3A_250 = tpu.memref_squeeze %dma_start3A_249 : memref<1x128xi32, #tpu.memory_space<vmem>> -> memref<128xi32, #tpu.memory_space<vmem>>
        %dma_start3A_251 = tpu.memref_slice %arg2[%add3A_230] : memref<819200xi32, #tpu.memory_space<hbm>> -> memref<128xi32, #tpu.memory_space<hbm>>
        tpu.enqueue_dma source(%dma_start3A_251 : memref<128xi32, #tpu.memory_space<hbm>>) target(%dma_start3A_250 : memref<128xi32, #tpu.memory_space<vmem>>) target_semaphore(%arg29 : memref<!tpu.dma_semaphore, #tpu.memory_space<semaphore_mem>>)
        %dma_start3A_252 = tpu.memref_slice %arg3[%add3A_233] : memref<819200xi32, #tpu.memory_space<hbm>> -> memref<256xi32, #tpu.memory_space<hbm>>
        %dma_start3A_253 = tpu.memref_slice %arg3[%add3A_233] : memref<819200xi32, #tpu.memory_space<hbm>> -> memref<256xi32, #tpu.memory_space<hbm>>
        tpu.enqueue_dma source(%dma_start3A_253 : memref<256xi32, #tpu.memory_space<hbm>>) target(%arg13 : memref<256xi32, #tpu.memory_space<vmem>>) target_semaphore(%arg29 : memref<!tpu.dma_semaphore, #tpu.memory_space<semaphore_mem>>)
      } else {
      }
      %dma_wait3A_115 = arith.constant 0 : i32
      %dma_wait3A_116 = arith.constant 0 : i32
      %dma_wait3A_117 = arith.constant 0 : i32
      %dma_wait3A_118 = tpu.memref_slice %arg14[%dma_wait3A_116, %dma_wait3A_117] : memref<256x64xf32, #tpu.memory_space<vmem>> -> memref<128x64xf32, #tpu.memory_space<vmem>>
      %dma_wait3A_119 = arith.constant 0 : i32
      %dma_wait3A_120 = tpu.memref_slice %arg10[%dma_wait3A_115, %dma_wait3A_119] : memref<2x128xi32, #tpu.memory_space<vmem>> -> memref<1x128xi32, #tpu.memory_space<vmem>>
      %dma_wait3A_121 = tpu.memref_squeeze %dma_wait3A_120 : memref<1x128xi32, #tpu.memory_space<vmem>> -> memref<128xi32, #tpu.memory_space<vmem>>
      %dma_wait3A_122 = arith.constant 0 : i32
      %dma_wait3A_123 = arith.constant 0 : i32
      %dma_wait3A_124 = tpu.memref_slice %arg4[%dma_wait3A_122, %dma_wait3A_123] : memref<1000000x64xf32, #tpu.memory_space<hbm>> -> memref<1000000x64xf32, #tpu.memory_space<hbm>>
      tpu.wait_indirect_dma semaphore(%arg26 : memref<!tpu.dma_semaphore, #tpu.memory_space<semaphore_mem>>) src(%dma_wait3A_124 : memref<1000000x64xf32, #tpu.memory_space<hbm>>) dst(%dma_wait3A_118 : memref<128x64xf32, #tpu.memory_space<vmem>>)
      %dma_wait3A_125 = arith.constant 1 : i32
      %dma_wait3A_126 = arith.constant 128 : i32
      %dma_wait3A_127 = arith.constant 0 : i32
      %dma_wait3A_128 = tpu.memref_slice %arg14[%dma_wait3A_126, %dma_wait3A_127] : memref<256x64xf32, #tpu.memory_space<vmem>> -> memref<128x64xf32, #tpu.memory_space<vmem>>
      %dma_wait3A_129 = arith.constant 0 : i32
      %dma_wait3A_130 = tpu.memref_slice %arg10[%dma_wait3A_125, %dma_wait3A_129] : memref<2x128xi32, #tpu.memory_space<vmem>> -> memref<1x128xi32, #tpu.memory_space<vmem>>
      %dma_wait3A_131 = tpu.memref_squeeze %dma_wait3A_130 : memref<1x128xi32, #tpu.memory_space<vmem>> -> memref<128xi32, #tpu.memory_space<vmem>>
      %dma_wait3A_132 = arith.constant 0 : i32
      %dma_wait3A_133 = arith.constant 0 : i32
      %dma_wait3A_134 = tpu.memref_slice %arg4[%dma_wait3A_132, %dma_wait3A_133] : memref<1000000x64xf32, #tpu.memory_space<hbm>> -> memref<1000000x64xf32, #tpu.memory_space<hbm>>
      tpu.wait_indirect_dma semaphore(%arg26 : memref<!tpu.dma_semaphore, #tpu.memory_space<semaphore_mem>>) src(%dma_wait3A_134 : memref<1000000x64xf32, #tpu.memory_space<hbm>>) dst(%dma_wait3A_128 : memref<128x64xf32, #tpu.memory_space<vmem>>)
      %ge3A = arith.constant 1 : i32
      %ge3A_135 = arith.cmpi sge, %add3A_110, %ge3A : i32
      %convert_element_type3A_136 = arith.extui %ge3A_135 : i1 to i32
      %cond3A_137 = arith.constant 0 : i32
      %cond3A_138 = arith.cmpi ne, %convert_element_type3A_136, %cond3A_137 : i32
      scf.if %cond3A_138 {
        %sub3A = arith.constant 1 : i32
        %sub3A_219 = arith.subi %add3A_110, %sub3A : i32
        %mul3A_220 = arith.constant 256 : i32
        %mul3A_221 = arith.muli %sub3A_219, %mul3A_220 : i32
        %add3A_222 = arith.addi %mul3A_2, %mul3A_221 : i32
        %dma_wait3A_223 = arith.constant 0 : i32
        %dma_wait3A_224 = tpu.memref_slice %arg9[%add3A_222, %dma_wait3A_223] : memref<819200x64xf32, #tpu.memory_space<hbm>> -> memref<256x64xf32, #tpu.memory_space<hbm>>
        %dma_wait3A_225 = arith.constant 0 : i32
        %dma_wait3A_226 = tpu.memref_slice %arg9[%add3A_222, %dma_wait3A_225] : memref<819200x64xf32, #tpu.memory_space<hbm>> -> memref<256x64xf32, #tpu.memory_space<hbm>>
        tpu.wait_dma2 semaphore(%arg31 : memref<!tpu.dma_semaphore, #tpu.memory_space<semaphore_mem>>) src(%arg17 : memref<256x64xf32, #tpu.memory_space<vmem>>) dst(%dma_wait3A_226 : memref<256x64xf32, #tpu.memory_space<hbm>>)
      } else {
      }
      %add3A_139 = arith.constant 1 : i32
      %add3A_140 = arith.addi %add3A_110, %add3A_139 : i32
      %lt3A_141 = arith.constant 100 : i32
      %lt3A_142 = arith.cmpi slt, %add3A_140, %lt3A_141 : i32
      %convert_element_type3A_143 = arith.extui %lt3A_142 : i1 to i32
      %cond3A_144 = arith.constant 0 : i32
      %cond3A_145 = arith.cmpi ne, %convert_element_type3A_143, %cond3A_144 : i32
      scf.if %cond3A_145 {
        %add3A_219 = arith.constant 1 : i32
        %add3A_220 = arith.addi %add3A_110, %add3A_219 : i32
        %mul3A_221 = arith.constant 256 : i32
        %mul3A_222 = arith.muli %add3A_220, %mul3A_221 : i32
        %add3A_223 = arith.addi %mul3A_2, %mul3A_222 : i32
        %add3A_224 = arith.constant 0 : i32
        %add3A_225 = arith.addi %add3A_223, %add3A_224 : i32
        %mul3A_226 = arith.constant 256 : i32
        %mul3A_227 = arith.muli %add3A_220, %mul3A_226 : i32
        %add3A_228 = arith.addi %mul3A_2, %mul3A_227 : i32
        %add3A_229 = arith.constant 128 : i32
        %add3A_230 = arith.addi %add3A_228, %add3A_229 : i32
        %mul3A_231 = arith.constant 256 : i32
        %mul3A_232 = arith.muli %add3A_220, %mul3A_231 : i32
        %add3A_233 = arith.addi %mul3A_2, %mul3A_232 : i32
        %dma_wait3A_234 = arith.constant 0 : i32
        %dma_wait3A_235 = arith.constant 0 : i32
        %dma_wait3A_236 = tpu.memref_slice %arg11[%dma_wait3A_234, %dma_wait3A_235] : memref<2x128xi32, #tpu.memory_space<vmem>> -> memref<1x128xi32, #tpu.memory_space<vmem>>
        %dma_wait3A_237 = tpu.memref_squeeze %dma_wait3A_236 : memref<1x128xi32, #tpu.memory_space<vmem>> -> memref<128xi32, #tpu.memory_space<vmem>>
        %dma_wait3A_238 = tpu.memref_slice %arg2[%add3A_225] : memref<819200xi32, #tpu.memory_space<hbm>> -> memref<128xi32, #tpu.memory_space<hbm>>
        %dma_wait3A_239 = arith.constant 0 : i32
        %dma_wait3A_240 = tpu.memref_slice %arg11[%dma_wait3A_234, %dma_wait3A_239] : memref<2x128xi32, #tpu.memory_space<vmem>> -> memref<1x128xi32, #tpu.memory_space<vmem>>
        %dma_wait3A_241 = tpu.memref_squeeze %dma_wait3A_240 : memref<1x128xi32, #tpu.memory_space<vmem>> -> memref<128xi32, #tpu.memory_space<vmem>>
        %dma_wait3A_242 = tpu.memref_slice %arg2[%add3A_225] : memref<819200xi32, #tpu.memory_space<hbm>> -> memref<128xi32, #tpu.memory_space<hbm>>
        tpu.wait_dma2 semaphore(%arg29 : memref<!tpu.dma_semaphore, #tpu.memory_space<semaphore_mem>>) src(%dma_wait3A_242 : memref<128xi32, #tpu.memory_space<hbm>>) dst(%dma_wait3A_241 : memref<128xi32, #tpu.memory_space<vmem>>)
        %dma_wait3A_243 = arith.constant 1 : i32
        %dma_wait3A_244 = arith.constant 0 : i32
        %dma_wait3A_245 = tpu.memref_slice %arg11[%dma_wait3A_243, %dma_wait3A_244] : memref<2x128xi32, #tpu.memory_space<vmem>> -> memref<1x128xi32, #tpu.memory_space<vmem>>
        %dma_wait3A_246 = tpu.memref_squeeze %dma_wait3A_245 : memref<1x128xi32, #tpu.memory_space<vmem>> -> memref<128xi32, #tpu.memory_space<vmem>>
        %dma_wait3A_247 = tpu.memref_slice %arg2[%add3A_230] : memref<819200xi32, #tpu.memory_space<hbm>> -> memref<128xi32, #tpu.memory_space<hbm>>
        %dma_wait3A_248 = arith.constant 0 : i32
        %dma_wait3A_249 = tpu.memref_slice %arg11[%dma_wait3A_243, %dma_wait3A_248] : memref<2x128xi32, #tpu.memory_space<vmem>> -> memref<1x128xi32, #tpu.memory_space<vmem>>
        %dma_wait3A_250 = tpu.memref_squeeze %dma_wait3A_249 : memref<1x128xi32, #tpu.memory_space<vmem>> -> memref<128xi32, #tpu.memory_space<vmem>>
        %dma_wait3A_251 = tpu.memref_slice %arg2[%add3A_230] : memref<819200xi32, #tpu.memory_space<hbm>> -> memref<128xi32, #tpu.memory_space<hbm>>
        tpu.wait_dma2 semaphore(%arg29 : memref<!tpu.dma_semaphore, #tpu.memory_space<semaphore_mem>>) src(%dma_wait3A_251 : memref<128xi32, #tpu.memory_space<hbm>>) dst(%dma_wait3A_250 : memref<128xi32, #tpu.memory_space<vmem>>)
        %dma_wait3A_252 = tpu.memref_slice %arg3[%add3A_233] : memref<819200xi32, #tpu.memory_space<hbm>> -> memref<256xi32, #tpu.memory_space<hbm>>
        %dma_wait3A_253 = tpu.memref_slice %arg3[%add3A_233] : memref<819200xi32, #tpu.memory_space<hbm>> -> memref<256xi32, #tpu.memory_space<hbm>>
        tpu.wait_dma2 semaphore(%arg29 : memref<!tpu.dma_semaphore, #tpu.memory_space<semaphore_mem>>) src(%dma_wait3A_253 : memref<256xi32, #tpu.memory_space<hbm>>) dst(%arg13 : memref<256xi32, #tpu.memory_space<vmem>>)
        %dma_start3A_254 = arith.constant 0 : i32
        %dma_start3A_255 = arith.constant 0 : i32
        %dma_start3A_256 = arith.constant 0 : i32
        %dma_start3A_257 = tpu.memref_slice %arg15[%dma_start3A_255, %dma_start3A_256] : memref<256x64xf32, #tpu.memory_space<vmem>> -> memref<128x64xf32, #tpu.memory_space<vmem>>
        %dma_start3A_258 = arith.constant 0 : i32
        %dma_start3A_259 = tpu.memref_slice %arg11[%dma_start3A_254, %dma_start3A_258] : memref<2x128xi32, #tpu.memory_space<vmem>> -> memref<1x128xi32, #tpu.memory_space<vmem>>
        %dma_start3A_260 = tpu.memref_squeeze %dma_start3A_259 : memref<1x128xi32, #tpu.memory_space<vmem>> -> memref<128xi32, #tpu.memory_space<vmem>>
        %dma_start3A_261 = arith.constant 0 : i32
        %dma_start3A_262 = arith.constant 0 : i32
        %dma_start3A_263 = tpu.memref_slice %arg4[%dma_start3A_261, %dma_start3A_262] : memref<1000000x64xf32, #tpu.memory_space<hbm>> -> memref<1000000x64xf32, #tpu.memory_space<hbm>>
        tpu.enqueue_indirect_dma source(%dma_start3A_263 : memref<1000000x64xf32, #tpu.memory_space<hbm>>) target(%dma_start3A_257 : memref<128x64xf32, #tpu.memory_space<vmem>>) offsets(%dma_start3A_260 : memref<128xi32, #tpu.memory_space<vmem>>) semaphore(%arg27 : memref<!tpu.dma_semaphore, #tpu.memory_space<semaphore_mem>>)
        %dma_start3A_264 = arith.constant 1 : i32
        %dma_start3A_265 = arith.constant 128 : i32
        %dma_start3A_266 = arith.constant 0 : i32
        %dma_start3A_267 = tpu.memref_slice %arg15[%dma_start3A_265, %dma_start3A_266] : memref<256x64xf32, #tpu.memory_space<vmem>> -> memref<128x64xf32, #tpu.memory_space<vmem>>
        %dma_start3A_268 = arith.constant 0 : i32
        %dma_start3A_269 = tpu.memref_slice %arg11[%dma_start3A_264, %dma_start3A_268] : memref<2x128xi32, #tpu.memory_space<vmem>> -> memref<1x128xi32, #tpu.memory_space<vmem>>
        %dma_start3A_270 = tpu.memref_squeeze %dma_start3A_269 : memref<1x128xi32, #tpu.memory_space<vmem>> -> memref<128xi32, #tpu.memory_space<vmem>>
        %dma_start3A_271 = arith.constant 0 : i32
        %dma_start3A_272 = arith.constant 0 : i32
        %dma_start3A_273 = tpu.memref_slice %arg4[%dma_start3A_271, %dma_start3A_272] : memref<1000000x64xf32, #tpu.memory_space<hbm>> -> memref<1000000x64xf32, #tpu.memory_space<hbm>>
        tpu.enqueue_indirect_dma source(%dma_start3A_273 : memref<1000000x64xf32, #tpu.memory_space<hbm>>) target(%dma_start3A_267 : memref<128x64xf32, #tpu.memory_space<vmem>>) offsets(%dma_start3A_270 : memref<128xi32, #tpu.memory_space<vmem>>) semaphore(%arg27 : memref<!tpu.dma_semaphore, #tpu.memory_space<semaphore_mem>>)
      } else {
      }
      %mul3A_146 = arith.constant 256 : i32
      %mul3A_147 = arith.muli %add3A_110, %mul3A_146 : i32
      %add3A_148 = arith.addi %mul3A_2, %mul3A_147 : i32
      %scan3A_149 = arith.constant 0 : i32
      %scan3A_150 = arith.constant 8 : i32
      %scan3A_151 = arith.addi %scan3A_149, %scan3A_150 : i32
      %scan3A_152 = arith.constant 1 : i32
      scf.for %scan3A_219 = %scan3A_149 to %scan3A_151 step %scan3A_152  : i32 {
        %mul3A_220 = arith.constant 1 : i32
        %mul3A_221 = arith.muli %scan3A_219, %mul3A_220 : i32
        %add3A_222 = arith.constant 0 : i32
        %add3A_223 = arith.addi %add3A_222, %mul3A_221 : i32
        %mul3A_224 = arith.constant 2 : i32
        %mul3A_225 = arith.muli %add3A_223, %mul3A_224 : i32
        %mul3A_226 = arith.constant 16 : i32
        %mul3A_227 = arith.muli %mul3A_225, %mul3A_226 : i32
        %add3A_228 = vector.broadcast %mul3A_227 : i32 to vector<16xi32>
        %add3A_229 = arith.addi %add3A_228, %iota3A : vector<16xi32>
        %add3A_230 = vector.broadcast %add3A_148 : i32 to vector<16xi32>
        %add3A_231 = arith.addi %add3A_230, %add3A_229 : vector<16xi32>
        %rem3A = arith.constant 200 : i32
        %rem3A_232 = vector.broadcast %rem3A : i32 to vector<16xi32>
        %rem3A_233 = arith.remsi %add3A_231, %rem3A_232 : vector<16xi32>
        %mul3A_234 = arith.constant 16 : i32
        %mul3A_235 = arith.muli %mul3A_225, %mul3A_234 : i32
        %get3A = arith.index_cast %mul3A_235 : i32 to index
        %get3A_236 = tpu.vector_load %arg12[%get3A] {strides = array<i32>} : memref<256xi32, #tpu.memory_space<vmem>>, vector<16xi32>,
        %broadcast_in_dim3A = arith.constant 0.000000e+00 : f32
        %broadcast_in_dim3A_237 = vector.broadcast %broadcast_in_dim3A : f32 to vector<16xf32>
        %parallel_loop3A = arith.constant 0 : i32
        %parallel_loop3A_238 = arith.constant 64 : i32
        %parallel_loop3A_239 = arith.constant 1 : i32
        %parallel_loop3A_240:2 = scf.for %parallel_loop3A_341 = %parallel_loop3A to %parallel_loop3A_238 step %parallel_loop3A_239 iter_args(%parallel_loop3A_342 = %broadcast_in_dim3A_237, %parallel_loop3A_343 = %broadcast_in_dim3A_237) -> (vector<16xf32>, vector<16xf32>)  : i32 {
          %parallel_loop3A_344 = vector.broadcast %parallel_loop3A_341 : i32 to vector<16xi32>
          %parallel_loop3A_345 = arith.addi %parallel_loop3A_344, %iota3A : vector<16xi32>
          %parallel_loop3A_346 = arith.constant 63 : i32
          %parallel_loop3A_347 = vector.broadcast %parallel_loop3A_346 : i32 to vector<16xi32>
          %parallel_loop3A_348 = arith.andi %parallel_loop3A_345, %parallel_loop3A_347 : vector<16xi32>
          %parallel_loop3A_349 = tpu.vector_load_idx %arg14[%add3A_229, %parallel_loop3A_348] : memref<256x64xf32, #tpu.memory_space<vmem>>[vector<16xi32>, vector<16xi32>], vector<16xf32>,
          %parallel_loop3A_350 = tpu.vector_load_idx %arg18[%get3A_236, %rem3A_233, %parallel_loop3A_348] : memref<2x200x64xf32, #tpu.memory_space<vmem>>[vector<16xi32>, vector<16xi32>, vector<16xi32>], vector<16xf32>,
          %parallel_loop3A_351 = arith.addf %parallel_loop3A_349, %parallel_loop3A_350 : vector<16xf32>
          %parallel_loop3A_352 = arith.index_cast %parallel_loop3A_341 : i32 to index
          %parallel_loop3A_353 = arith.constant 0 : index
          %parallel_loop3A_354 = tpu.vector_load %arg22[%parallel_loop3A_352, %parallel_loop3A_353] {strides = array<i32>} : memref<64x16xf32, #tpu.memory_space<vmem>>, vector<16xf32>,
          tpu.vector_store %arg22[%parallel_loop3A_352, %parallel_loop3A_353], %parallel_loop3A_351 {strides = array<i32>} : memref<64x16xf32, #tpu.memory_space<vmem>>, vector<16xf32>,
          %parallel_loop3A_355 = arith.addf %parallel_loop3A_342, %parallel_loop3A_351 : vector<16xf32>
          %parallel_loop3A_356 = arith.mulf %parallel_loop3A_351, %parallel_loop3A_351 : vector<16xf32>
          %parallel_loop3A_357 = arith.addf %parallel_loop3A_343, %parallel_loop3A_356 : vector<16xf32>
          scf.yield %parallel_loop3A_355, %parallel_loop3A_357 : vector<16xf32>, vector<16xf32>
        } {sc.loop_unroll_factor = 16 : i64, sc.parallel_access}
        %mul3A_241 = arith.constant 1.562500e-02 : f32
        %mul3A_242 = vector.broadcast %mul3A_241 : f32 to vector<16xf32>
        %mul3A_243 = arith.mulf %parallel_loop3A_240#0, %mul3A_242 : vector<16xf32>
        %mul3A_244 = arith.constant 1.562500e-02 : f32
        %mul3A_245 = vector.broadcast %mul3A_244 : f32 to vector<16xf32>
        %mul3A_246 = arith.mulf %parallel_loop3A_240#1, %mul3A_245 : vector<16xf32>
        %mul3A_247 = arith.mulf %mul3A_243, %mul3A_243 : vector<16xf32>
        %sub3A = arith.subf %mul3A_246, %mul3A_247 : vector<16xf32>
        %add3A_248 = arith.constant 9.99999974E-6 : f32
        %add3A_249 = vector.broadcast %add3A_248 : f32 to vector<16xf32>
        %add3A_250 = arith.addf %sub3A, %add3A_249 : vector<16xf32>
        %bitcast3A = vector.bitcast %add3A_250 : vector<16xf32> to vector<16xi32>
        %shift_right_arithmetic3A = arith.constant 1 : i32
        %shift_right_arithmetic3A_251 = vector.broadcast %shift_right_arithmetic3A : i32 to vector<16xi32>
        %shift_right_arithmetic3A_252 = arith.shrsi %bitcast3A, %shift_right_arithmetic3A_251 : vector<16xi32>
        %sub3A_253 = arith.constant 1597463007 : i32
        %sub3A_254 = vector.broadcast %sub3A_253 : i32 to vector<16xi32>
        %sub3A_255 = arith.subi %sub3A_254, %shift_right_arithmetic3A_252 : vector<16xi32>
        %bitcast3A_256 = vector.bitcast %sub3A_255 : vector<16xi32> to vector<16xf32>
        %mul3A_257 = arith.constant 5.000000e-01 : f32
        %mul3A_258 = vector.broadcast %mul3A_257 : f32 to vector<16xf32>
        %mul3A_259 = arith.mulf %mul3A_258, %add3A_250 : vector<16xf32>
        %mul3A_260 = arith.mulf %mul3A_259, %bitcast3A_256 : vector<16xf32>
        %mul3A_261 = arith.mulf %mul3A_260, %bitcast3A_256 : vector<16xf32>
        %sub3A_262 = arith.constant 1.500000e+00 : f32
        %sub3A_263 = vector.broadcast %sub3A_262 : f32 to vector<16xf32>
        %sub3A_264 = arith.subf %sub3A_263, %mul3A_261 : vector<16xf32>
        %mul3A_265 = arith.mulf %bitcast3A_256, %sub3A_264 : vector<16xf32>
        %mul3A_266 = arith.constant 5.000000e-01 : f32
        %mul3A_267 = vector.broadcast %mul3A_266 : f32 to vector<16xf32>
        %mul3A_268 = arith.mulf %mul3A_267, %add3A_250 : vector<16xf32>
        %mul3A_269 = arith.mulf %mul3A_268, %mul3A_265 : vector<16xf32>
        %mul3A_270 = arith.mulf %mul3A_269, %mul3A_265 : vector<16xf32>
        %sub3A_271 = arith.constant 1.500000e+00 : f32
        %sub3A_272 = vector.broadcast %sub3A_271 : f32 to vector<16xf32>
        %sub3A_273 = arith.subf %sub3A_272, %mul3A_270 : vector<16xf32>
        %mul3A_274 = arith.mulf %mul3A_265, %sub3A_273 : vector<16xf32>
        %parallel_loop3A_275 = arith.constant 0 : i32
        %parallel_loop3A_276 = arith.constant 64 : i32
        %parallel_loop3A_277 = arith.constant 1 : i32
        scf.for %parallel_loop3A_341 = %parallel_loop3A_275 to %parallel_loop3A_276 step %parallel_loop3A_277  : i32 {
          %parallel_loop3A_342 = vector.broadcast %parallel_loop3A_341 : i32 to vector<16xi32>
          %parallel_loop3A_343 = arith.addi %parallel_loop3A_342, %iota3A : vector<16xi32>
          %parallel_loop3A_344 = arith.constant 63 : i32
          %parallel_loop3A_345 = vector.broadcast %parallel_loop3A_344 : i32 to vector<16xi32>
          %parallel_loop3A_346 = arith.andi %parallel_loop3A_343, %parallel_loop3A_345 : vector<16xi32>
          %parallel_loop3A_347 = arith.index_cast %parallel_loop3A_341 : i32 to index
          %parallel_loop3A_348 = arith.constant 0 : index
          %parallel_loop3A_349 = tpu.vector_load %arg22[%parallel_loop3A_347, %parallel_loop3A_348] {strides = array<i32>} : memref<64x16xf32, #tpu.memory_space<vmem>>, vector<16xf32>,
          %parallel_loop3A_350 = arith.subf %parallel_loop3A_349, %mul3A_243 : vector<16xf32>
          %parallel_loop3A_351 = arith.mulf %parallel_loop3A_350, %mul3A_274 : vector<16xf32>
          %parallel_loop3A_352 = arith.index_cast %parallel_loop3A_341 : i32 to index
          %parallel_loop3A_353 = arith.constant 0 : index
          %parallel_loop3A_354 = tpu.vector_load %arg24[%parallel_loop3A_352, %parallel_loop3A_353] {strides = array<i32>} : memref<64x16xf32, #tpu.memory_space<vmem>>, vector<16xf32>,
          %parallel_loop3A_355 = arith.mulf %parallel_loop3A_351, %parallel_loop3A_354 : vector<16xf32>
          %parallel_loop3A_356 = arith.index_cast %parallel_loop3A_341 : i32 to index
          %parallel_loop3A_357 = arith.constant 0 : index
          %parallel_loop3A_358 = tpu.vector_load %arg25[%parallel_loop3A_356, %parallel_loop3A_357] {strides = array<i32>} : memref<64x16xf32, #tpu.memory_space<vmem>>, vector<16xf32>,
          %parallel_loop3A_359 = arith.addf %parallel_loop3A_355, %parallel_loop3A_358 : vector<16xf32>
          tpu.vector_store_idx %arg16[%add3A_229, %parallel_loop3A_346], %parallel_loop3A_359 : memref<256x64xf32, #tpu.memory_space<vmem>>[vector<16xi32>, vector<16xi32>], vector<16xf32>,
        } {sc.loop_unroll_factor = 16 : i64, sc.parallel_access}
        %mul3A_278 = arith.constant 2 : i32
        %mul3A_279 = arith.muli %add3A_223, %mul3A_278 : i32
        %add3A_280 = arith.constant 1 : i32
        %add3A_281 = arith.addi %mul3A_279, %add3A_280 : i32
        %mul3A_282 = arith.constant 16 : i32
        %mul3A_283 = arith.muli %add3A_281, %mul3A_282 : i32
        %add3A_284 = vector.broadcast %mul3A_283 : i32 to vector<16xi32>
        %add3A_285 = arith.addi %add3A_284, %iota3A : vector<16xi32>
        %add3A_286 = vector.broadcast %add3A_148 : i32 to vector<16xi32>
        %add3A_287 = arith.addi %add3A_286, %add3A_285 : vector<16xi32>
        %rem3A_288 = arith.constant 200 : i32
        %rem3A_289 = vector.broadcast %rem3A_288 : i32 to vector<16xi32>
        %rem3A_290 = arith.remsi %add3A_287, %rem3A_289 : vector<16xi32>
        %mul3A_291 = arith.constant 16 : i32
        %mul3A_292 = arith.muli %add3A_281, %mul3A_291 : i32
        %get3A_293 = arith.index_cast %mul3A_292 : i32 to index
        %get3A_294 = tpu.vector_load %arg12[%get3A_293] {strides = array<i32>} : memref<256xi32, #tpu.memory_space<vmem>>, vector<16xi32>,
        %broadcast_in_dim3A_295 = arith.constant 0.000000e+00 : f32
        %broadcast_in_dim3A_296 = vector.broadcast %broadcast_in_dim3A_295 : f32 to vector<16xf32>
        %parallel_loop3A_297 = arith.constant 0 : i32
        %parallel_loop3A_298 = arith.constant 64 : i32
        %parallel_loop3A_299 = arith.constant 1 : i32
        %parallel_loop3A_300:2 = scf.for %parallel_loop3A_341 = %parallel_loop3A_297 to %parallel_loop3A_298 step %parallel_loop3A_299 iter_args(%parallel_loop3A_342 = %broadcast_in_dim3A_296, %parallel_loop3A_343 = %broadcast_in_dim3A_296) -> (vector<16xf32>, vector<16xf32>)  : i32 {
          %parallel_loop3A_344 = vector.broadcast %parallel_loop3A_341 : i32 to vector<16xi32>
          %parallel_loop3A_345 = arith.addi %parallel_loop3A_344, %iota3A : vector<16xi32>
          %parallel_loop3A_346 = arith.constant 63 : i32
          %parallel_loop3A_347 = vector.broadcast %parallel_loop3A_346 : i32 to vector<16xi32>
          %parallel_loop3A_348 = arith.andi %parallel_loop3A_345, %parallel_loop3A_347 : vector<16xi32>
          %parallel_loop3A_349 = tpu.vector_load_idx %arg14[%add3A_285, %parallel_loop3A_348] : memref<256x64xf32, #tpu.memory_space<vmem>>[vector<16xi32>, vector<16xi32>], vector<16xf32>,
          %parallel_loop3A_350 = tpu.vector_load_idx %arg18[%get3A_294, %rem3A_290, %parallel_loop3A_348] : memref<2x200x64xf32, #tpu.memory_space<vmem>>[vector<16xi32>, vector<16xi32>, vector<16xi32>], vector<16xf32>,
          %parallel_loop3A_351 = arith.addf %parallel_loop3A_349, %parallel_loop3A_350 : vector<16xf32>
          %parallel_loop3A_352 = arith.index_cast %parallel_loop3A_341 : i32 to index
          %parallel_loop3A_353 = arith.constant 0 : index
          %parallel_loop3A_354 = tpu.vector_load %arg23[%parallel_loop3A_352, %parallel_loop3A_353] {strides = array<i32>} : memref<64x16xf32, #tpu.memory_space<vmem>>, vector<16xf32>,
          tpu.vector_store %arg23[%parallel_loop3A_352, %parallel_loop3A_353], %parallel_loop3A_351 {strides = array<i32>} : memref<64x16xf32, #tpu.memory_space<vmem>>, vector<16xf32>,
          %parallel_loop3A_355 = arith.addf %parallel_loop3A_342, %parallel_loop3A_351 : vector<16xf32>
          %parallel_loop3A_356 = arith.mulf %parallel_loop3A_351, %parallel_loop3A_351 : vector<16xf32>
          %parallel_loop3A_357 = arith.addf %parallel_loop3A_343, %parallel_loop3A_356 : vector<16xf32>
          scf.yield %parallel_loop3A_355, %parallel_loop3A_357 : vector<16xf32>, vector<16xf32>
        } {sc.loop_unroll_factor = 16 : i64, sc.parallel_access}
        %mul3A_301 = arith.constant 1.562500e-02 : f32
        %mul3A_302 = vector.broadcast %mul3A_301 : f32 to vector<16xf32>
        %mul3A_303 = arith.mulf %parallel_loop3A_300#0, %mul3A_302 : vector<16xf32>
        %mul3A_304 = arith.constant 1.562500e-02 : f32
        %mul3A_305 = vector.broadcast %mul3A_304 : f32 to vector<16xf32>
        %mul3A_306 = arith.mulf %parallel_loop3A_300#1, %mul3A_305 : vector<16xf32>
        %mul3A_307 = arith.mulf %mul3A_303, %mul3A_303 : vector<16xf32>
        %sub3A_308 = arith.subf %mul3A_306, %mul3A_307 : vector<16xf32>
        %add3A_309 = arith.constant 9.99999974E-6 : f32
        %add3A_310 = vector.broadcast %add3A_309 : f32 to vector<16xf32>
        %add3A_311 = arith.addf %sub3A_308, %add3A_310 : vector<16xf32>
        %bitcast3A_312 = vector.bitcast %add3A_311 : vector<16xf32> to vector<16xi32>
        %shift_right_arithmetic3A_313 = arith.constant 1 : i32
        %shift_right_arithmetic3A_314 = vector.broadcast %shift_right_arithmetic3A_313 : i32 to vector<16xi32>
        %shift_right_arithmetic3A_315 = arith.shrsi %bitcast3A_312, %shift_right_arithmetic3A_314 : vector<16xi32>
        %sub3A_316 = arith.constant 1597463007 : i32
        %sub3A_317 = vector.broadcast %sub3A_316 : i32 to vector<16xi32>
        %sub3A_318 = arith.subi %sub3A_317, %shift_right_arithmetic3A_315 : vector<16xi32>
        %bitcast3A_319 = vector.bitcast %sub3A_318 : vector<16xi32> to vector<16xf32>
        %mul3A_320 = arith.constant 5.000000e-01 : f32
        %mul3A_321 = vector.broadcast %mul3A_320 : f32 to vector<16xf32>
        %mul3A_322 = arith.mulf %mul3A_321, %add3A_311 : vector<16xf32>
        %mul3A_323 = arith.mulf %mul3A_322, %bitcast3A_319 : vector<16xf32>
        %mul3A_324 = arith.mulf %mul3A_323, %bitcast3A_319 : vector<16xf32>
        %sub3A_325 = arith.constant 1.500000e+00 : f32
        %sub3A_326 = vector.broadcast %sub3A_325 : f32 to vector<16xf32>
        %sub3A_327 = arith.subf %sub3A_326, %mul3A_324 : vector<16xf32>
        %mul3A_328 = arith.mulf %bitcast3A_319, %sub3A_327 : vector<16xf32>
        %mul3A_329 = arith.constant 5.000000e-01 : f32
        %mul3A_330 = vector.broadcast %mul3A_329 : f32 to vector<16xf32>
        %mul3A_331 = arith.mulf %mul3A_330, %add3A_311 : vector<16xf32>
        %mul3A_332 = arith.mulf %mul3A_331, %mul3A_328 : vector<16xf32>
        %mul3A_333 = arith.mulf %mul3A_332, %mul3A_328 : vector<16xf32>
        %sub3A_334 = arith.constant 1.500000e+00 : f32
        %sub3A_335 = vector.broadcast %sub3A_334 : f32 to vector<16xf32>
        %sub3A_336 = arith.subf %sub3A_335, %mul3A_333 : vector<16xf32>
        %mul3A_337 = arith.mulf %mul3A_328, %sub3A_336 : vector<16xf32>
        %parallel_loop3A_338 = arith.constant 0 : i32
        %parallel_loop3A_339 = arith.constant 64 : i32
        %parallel_loop3A_340 = arith.constant 1 : i32
        scf.for %parallel_loop3A_341 = %parallel_loop3A_338 to %parallel_loop3A_339 step %parallel_loop3A_340  : i32 {
          %parallel_loop3A_342 = vector.broadcast %parallel_loop3A_341 : i32 to vector<16xi32>
          %parallel_loop3A_343 = arith.addi %parallel_loop3A_342, %iota3A : vector<16xi32>
          %parallel_loop3A_344 = arith.constant 63 : i32
          %parallel_loop3A_345 = vector.broadcast %parallel_loop3A_344 : i32 to vector<16xi32>
          %parallel_loop3A_346 = arith.andi %parallel_loop3A_343, %parallel_loop3A_345 : vector<16xi32>
          %parallel_loop3A_347 = arith.index_cast %parallel_loop3A_341 : i32 to index
          %parallel_loop3A_348 = arith.constant 0 : index
          %parallel_loop3A_349 = tpu.vector_load %arg23[%parallel_loop3A_347, %parallel_loop3A_348] {strides = array<i32>} : memref<64x16xf32, #tpu.memory_space<vmem>>, vector<16xf32>,
          %parallel_loop3A_350 = arith.subf %parallel_loop3A_349, %mul3A_303 : vector<16xf32>
          %parallel_loop3A_351 = arith.mulf %parallel_loop3A_350, %mul3A_337 : vector<16xf32>
          %parallel_loop3A_352 = arith.index_cast %parallel_loop3A_341 : i32 to index
          %parallel_loop3A_353 = arith.constant 0 : index
          %parallel_loop3A_354 = tpu.vector_load %arg24[%parallel_loop3A_352, %parallel_loop3A_353] {strides = array<i32>} : memref<64x16xf32, #tpu.memory_space<vmem>>, vector<16xf32>,
          %parallel_loop3A_355 = arith.mulf %parallel_loop3A_351, %parallel_loop3A_354 : vector<16xf32>
          %parallel_loop3A_356 = arith.index_cast %parallel_loop3A_341 : i32 to index
          %parallel_loop3A_357 = arith.constant 0 : index
          %parallel_loop3A_358 = tpu.vector_load %arg25[%parallel_loop3A_356, %parallel_loop3A_357] {strides = array<i32>} : memref<64x16xf32, #tpu.memory_space<vmem>>, vector<16xf32>,
          %parallel_loop3A_359 = arith.addf %parallel_loop3A_355, %parallel_loop3A_358 : vector<16xf32>
          tpu.vector_store_idx %arg16[%add3A_285, %parallel_loop3A_346], %parallel_loop3A_359 : memref<256x64xf32, #tpu.memory_space<vmem>>[vector<16xi32>, vector<16xi32>], vector<16xf32>,
        } {sc.loop_unroll_factor = 16 : i64, sc.parallel_access}
      }
      %scan3A_153 = arith.constant 8 : i32
      %mul3A_154 = arith.constant 256 : i32
      %mul3A_155 = arith.muli %add3A_110, %mul3A_154 : i32
      %add3A_156 = arith.addi %mul3A_2, %mul3A_155 : i32
      %dma_start3A_157 = arith.constant 0 : i32
      %dma_start3A_158 = tpu.memref_slice %arg9[%add3A_156, %dma_start3A_157] : memref<819200x64xf32, #tpu.memory_space<hbm>> -> memref<256x64xf32, #tpu.memory_space<hbm>>
      %dma_start3A_159 = arith.constant 0 : i32
      %dma_start3A_160 = tpu.memref_slice %arg9[%add3A_156, %dma_start3A_159] : memref<819200x64xf32, #tpu.memory_space<hbm>> -> memref<256x64xf32, #tpu.memory_space<hbm>>
      tpu.enqueue_dma source(%arg16 : memref<256x64xf32, #tpu.memory_space<vmem>>) target(%dma_start3A_160 : memref<256x64xf32, #tpu.memory_space<hbm>>) target_semaphore(%arg30 : memref<!tpu.dma_semaphore, #tpu.memory_space<semaphore_mem>>)
      %mul3A_161 = arith.constant 2 : i32
      %mul3A_162 = arith.muli %add3A_106, %mul3A_161 : i32
      %add3A_163 = arith.constant 1 : i32
      %add3A_164 = arith.addi %mul3A_162, %add3A_163 : i32
      %add3A_165 = arith.constant 1 : i32
      %add3A_166 = arith.addi %add3A_164, %add3A_165 : i32
      %lt3A_167 = arith.constant 100 : i32
      %lt3A_168 = arith.cmpi slt, %add3A_166, %lt3A_167 : i32
      %convert_element_type3A_169 = arith.extui %lt3A_168 : i1 to i32
      %cond3A_170 = arith.constant 0 : i32
      %cond3A_171 = arith.cmpi ne, %convert_element_type3A_169, %cond3A_170 : i32
      scf.if %cond3A_171 {
        %add3A_219 = arith.constant 1 : i32
        %add3A_220 = arith.addi %add3A_164, %add3A_219 : i32
        %mul3A_221 = arith.constant 256 : i32
        %mul3A_222 = arith.muli %add3A_220, %mul3A_221 : i32
        %add3A_223 = arith.addi %mul3A_2, %mul3A_222 : i32
        %add3A_224 = arith.constant 0 : i32
        %add3A_225 = arith.addi %add3A_223, %add3A_224 : i32
        %mul3A_226 = arith.constant 256 : i32
        %mul3A_227 = arith.muli %add3A_220, %mul3A_226 : i32
        %add3A_228 = arith.addi %mul3A_2, %mul3A_227 : i32
        %add3A_229 = arith.constant 128 : i32
        %add3A_230 = arith.addi %add3A_228, %add3A_229 : i32
        %mul3A_231 = arith.constant 256 : i32
        %mul3A_232 = arith.muli %add3A_220, %mul3A_231 : i32
        %add3A_233 = arith.addi %mul3A_2, %mul3A_232 : i32
        %dma_start3A_234 = arith.constant 0 : i32
        %dma_start3A_235 = arith.constant 0 : i32
        %dma_start3A_236 = tpu.memref_slice %arg10[%dma_start3A_234, %dma_start3A_235] : memref<2x128xi32, #tpu.memory_space<vmem>> -> memref<1x128xi32, #tpu.memory_space<vmem>>
        %dma_start3A_237 = tpu.memref_squeeze %dma_start3A_236 : memref<1x128xi32, #tpu.memory_space<vmem>> -> memref<128xi32, #tpu.memory_space<vmem>>
        %dma_start3A_238 = tpu.memref_slice %arg2[%add3A_225] : memref<819200xi32, #tpu.memory_space<hbm>> -> memref<128xi32, #tpu.memory_space<hbm>>
        %dma_start3A_239 = arith.constant 0 : i32
        %dma_start3A_240 = tpu.memref_slice %arg10[%dma_start3A_234, %dma_start3A_239] : memref<2x128xi32, #tpu.memory_space<vmem>> -> memref<1x128xi32, #tpu.memory_space<vmem>>
        %dma_start3A_241 = tpu.memref_squeeze %dma_start3A_240 : memref<1x128xi32, #tpu.memory_space<vmem>> -> memref<128xi32, #tpu.memory_space<vmem>>
        %dma_start3A_242 = tpu.memref_slice %arg2[%add3A_225] : memref<819200xi32, #tpu.memory_space<hbm>> -> memref<128xi32, #tpu.memory_space<hbm>>
        tpu.enqueue_dma source(%dma_start3A_242 : memref<128xi32, #tpu.memory_space<hbm>>) target(%dma_start3A_241 : memref<128xi32, #tpu.memory_space<vmem>>) target_semaphore(%arg28 : memref<!tpu.dma_semaphore, #tpu.memory_space<semaphore_mem>>)
        %dma_start3A_243 = arith.constant 1 : i32
        %dma_start3A_244 = arith.constant 0 : i32
        %dma_start3A_245 = tpu.memref_slice %arg10[%dma_start3A_243, %dma_start3A_244] : memref<2x128xi32, #tpu.memory_space<vmem>> -> memref<1x128xi32, #tpu.memory_space<vmem>>
        %dma_start3A_246 = tpu.memref_squeeze %dma_start3A_245 : memref<1x128xi32, #tpu.memory_space<vmem>> -> memref<128xi32, #tpu.memory_space<vmem>>
        %dma_start3A_247 = tpu.memref_slice %arg2[%add3A_230] : memref<819200xi32, #tpu.memory_space<hbm>> -> memref<128xi32, #tpu.memory_space<hbm>>
        %dma_start3A_248 = arith.constant 0 : i32
        %dma_start3A_249 = tpu.memref_slice %arg10[%dma_start3A_243, %dma_start3A_248] : memref<2x128xi32, #tpu.memory_space<vmem>> -> memref<1x128xi32, #tpu.memory_space<vmem>>
        %dma_start3A_250 = tpu.memref_squeeze %dma_start3A_249 : memref<1x128xi32, #tpu.memory_space<vmem>> -> memref<128xi32, #tpu.memory_space<vmem>>
        %dma_start3A_251 = tpu.memref_slice %arg2[%add3A_230] : memref<819200xi32, #tpu.memory_space<hbm>> -> memref<128xi32, #tpu.memory_space<hbm>>
        tpu.enqueue_dma source(%dma_start3A_251 : memref<128xi32, #tpu.memory_space<hbm>>) target(%dma_start3A_250 : memref<128xi32, #tpu.memory_space<vmem>>) target_semaphore(%arg28 : memref<!tpu.dma_semaphore, #tpu.memory_space<semaphore_mem>>)
        %dma_start3A_252 = tpu.memref_slice %arg3[%add3A_233] : memref<819200xi32, #tpu.memory_space<hbm>> -> memref<256xi32, #tpu.memory_space<hbm>>
        %dma_start3A_253 = tpu.memref_slice %arg3[%add3A_233] : memref<819200xi32, #tpu.memory_space<hbm>> -> memref<256xi32, #tpu.memory_space<hbm>>
        tpu.enqueue_dma source(%dma_start3A_253 : memref<256xi32, #tpu.memory_space<hbm>>) target(%arg12 : memref<256xi32, #tpu.memory_space<vmem>>) target_semaphore(%arg28 : memref<!tpu.dma_semaphore, #tpu.memory_space<semaphore_mem>>)
      } else {
      }
      %dma_wait3A_172 = arith.constant 0 : i32
      %dma_wait3A_173 = arith.constant 0 : i32
      %dma_wait3A_174 = arith.constant 0 : i32
      %dma_wait3A_175 = tpu.memref_slice %arg15[%dma_wait3A_173, %dma_wait3A_174] : memref<256x64xf32, #tpu.memory_space<vmem>> -> memref<128x64xf32, #tpu.memory_space<vmem>>
      %dma_wait3A_176 = arith.constant 0 : i32
      %dma_wait3A_177 = tpu.memref_slice %arg11[%dma_wait3A_172, %dma_wait3A_176] : memref<2x128xi32, #tpu.memory_space<vmem>> -> memref<1x128xi32, #tpu.memory_space<vmem>>
      %dma_wait3A_178 = tpu.memref_squeeze %dma_wait3A_177 : memref<1x128xi32, #tpu.memory_space<vmem>> -> memref<128xi32, #tpu.memory_space<vmem>>
      %dma_wait3A_179 = arith.constant 0 : i32
      %dma_wait3A_180 = arith.constant 0 : i32
      %dma_wait3A_181 = tpu.memref_slice %arg4[%dma_wait3A_179, %dma_wait3A_180] : memref<1000000x64xf32, #tpu.memory_space<hbm>> -> memref<1000000x64xf32, #tpu.memory_space<hbm>>
      tpu.wait_indirect_dma semaphore(%arg27 : memref<!tpu.dma_semaphore, #tpu.memory_space<semaphore_mem>>) src(%dma_wait3A_181 : memref<1000000x64xf32, #tpu.memory_space<hbm>>) dst(%dma_wait3A_175 : memref<128x64xf32, #tpu.memory_space<vmem>>)
      %dma_wait3A_182 = arith.constant 1 : i32
      %dma_wait3A_183 = arith.constant 128 : i32
      %dma_wait3A_184 = arith.constant 0 : i32
      %dma_wait3A_185 = tpu.memref_slice %arg15[%dma_wait3A_183, %dma_wait3A_184] : memref<256x64xf32, #tpu.memory_space<vmem>> -> memref<128x64xf32, #tpu.memory_space<vmem>>
      %dma_wait3A_186 = arith.constant 0 : i32
      %dma_wait3A_187 = tpu.memref_slice %arg11[%dma_wait3A_182, %dma_wait3A_186] : memref<2x128xi32, #tpu.memory_space<vmem>> -> memref<1x128xi32, #tpu.memory_space<vmem>>
      %dma_wait3A_188 = tpu.memref_squeeze %dma_wait3A_187 : memref<1x128xi32, #tpu.memory_space<vmem>> -> memref<128xi32, #tpu.memory_space<vmem>>
      %dma_wait3A_189 = arith.constant 0 : i32
      %dma_wait3A_190 = arith.constant 0 : i32
      %dma_wait3A_191 = tpu.memref_slice %arg4[%dma_wait3A_189, %dma_wait3A_190] : memref<1000000x64xf32, #tpu.memory_space<hbm>> -> memref<1000000x64xf32, #tpu.memory_space<hbm>>
      tpu.wait_indirect_dma semaphore(%arg27 : memref<!tpu.dma_semaphore, #tpu.memory_space<semaphore_mem>>) src(%dma_wait3A_191 : memref<1000000x64xf32, #tpu.memory_space<hbm>>) dst(%dma_wait3A_185 : memref<128x64xf32, #tpu.memory_space<vmem>>)
      %ge3A_192 = arith.constant 1 : i32
      %ge3A_193 = arith.cmpi sge, %add3A_164, %ge3A_192 : i32
      %convert_element_type3A_194 = arith.extui %ge3A_193 : i1 to i32
      %cond3A_195 = arith.constant 0 : i32
      %cond3A_196 = arith.cmpi ne, %convert_element_type3A_194, %cond3A_195 : i32
      scf.if %cond3A_196 {
        %sub3A = arith.constant 1 : i32
        %sub3A_219 = arith.subi %add3A_164, %sub3A : i32
        %mul3A_220 = arith.constant 256 : i32
        %mul3A_221 = arith.muli %sub3A_219, %mul3A_220 : i32
        %add3A_222 = arith.addi %mul3A_2, %mul3A_221 : i32
        %dma_wait3A_223 = arith.constant 0 : i32
        %dma_wait3A_224 = tpu.memref_slice %arg9[%add3A_222, %dma_wait3A_223] : memref<819200x64xf32, #tpu.memory_space<hbm>> -> memref<256x64xf32, #tpu.memory_space<hbm>>
        %dma_wait3A_225 = arith.constant 0 : i32
        %dma_wait3A_226 = tpu.memref_slice %arg9[%add3A_222, %dma_wait3A_225] : memref<819200x64xf32, #tpu.memory_space<hbm>> -> memref<256x64xf32, #tpu.memory_space<hbm>>
        tpu.wait_dma2 semaphore(%arg30 : memref<!tpu.dma_semaphore, #tpu.memory_space<semaphore_mem>>) src(%arg16 : memref<256x64xf32, #tpu.memory_space<vmem>>) dst(%dma_wait3A_226 : memref<256x64xf32, #tpu.memory_space<hbm>>)
      } else {
      }
      %add3A_197 = arith.constant 1 : i32
      %add3A_198 = arith.addi %add3A_164, %add3A_197 : i32
      %lt3A_199 = arith.constant 100 : i32
      %lt3A_200 = arith.cmpi slt, %add3A_198, %lt3A_199 : i32
      %convert_element_type3A_201 = arith.extui %lt3A_200 : i1 to i32
      %cond3A_202 = arith.constant 0 : i32
      %cond3A_203 = arith.cmpi ne, %convert_element_type3A_201, %cond3A_202 : i32
      scf.if %cond3A_203 {
        %add3A_219 = arith.constant 1 : i32
        %add3A_220 = arith.addi %add3A_164, %add3A_219 : i32
        %mul3A_221 = arith.constant 256 : i32
        %mul3A_222 = arith.muli %add3A_220, %mul3A_221 : i32
        %add3A_223 = arith.addi %mul3A_2, %mul3A_222 : i32
        %add3A_224 = arith.constant 0 : i32
        %add3A_225 = arith.addi %add3A_223, %add3A_224 : i32
        %mul3A_226 = arith.constant 256 : i32
        %mul3A_227 = arith.muli %add3A_220, %mul3A_226 : i32
        %add3A_228 = arith.addi %mul3A_2, %mul3A_227 : i32
        %add3A_229 = arith.constant 128 : i32
        %add3A_230 = arith.addi %add3A_228, %add3A_229 : i32
        %mul3A_231 = arith.constant 256 : i32
        %mul3A_232 = arith.muli %add3A_220, %mul3A_231 : i32
        %add3A_233 = arith.addi %mul3A_2, %mul3A_232 : i32
        %dma_wait3A_234 = arith.constant 0 : i32
        %dma_wait3A_235 = arith.constant 0 : i32
        %dma_wait3A_236 = tpu.memref_slice %arg10[%dma_wait3A_234, %dma_wait3A_235] : memref<2x128xi32, #tpu.memory_space<vmem>> -> memref<1x128xi32, #tpu.memory_space<vmem>>
        %dma_wait3A_237 = tpu.memref_squeeze %dma_wait3A_236 : memref<1x128xi32, #tpu.memory_space<vmem>> -> memref<128xi32, #tpu.memory_space<vmem>>
        %dma_wait3A_238 = tpu.memref_slice %arg2[%add3A_225] : memref<819200xi32, #tpu.memory_space<hbm>> -> memref<128xi32, #tpu.memory_space<hbm>>
        %dma_wait3A_239 = arith.constant 0 : i32
        %dma_wait3A_240 = tpu.memref_slice %arg10[%dma_wait3A_234, %dma_wait3A_239] : memref<2x128xi32, #tpu.memory_space<vmem>> -> memref<1x128xi32, #tpu.memory_space<vmem>>
        %dma_wait3A_241 = tpu.memref_squeeze %dma_wait3A_240 : memref<1x128xi32, #tpu.memory_space<vmem>> -> memref<128xi32, #tpu.memory_space<vmem>>
        %dma_wait3A_242 = tpu.memref_slice %arg2[%add3A_225] : memref<819200xi32, #tpu.memory_space<hbm>> -> memref<128xi32, #tpu.memory_space<hbm>>
        tpu.wait_dma2 semaphore(%arg28 : memref<!tpu.dma_semaphore, #tpu.memory_space<semaphore_mem>>) src(%dma_wait3A_242 : memref<128xi32, #tpu.memory_space<hbm>>) dst(%dma_wait3A_241 : memref<128xi32, #tpu.memory_space<vmem>>)
        %dma_wait3A_243 = arith.constant 1 : i32
        %dma_wait3A_244 = arith.constant 0 : i32
        %dma_wait3A_245 = tpu.memref_slice %arg10[%dma_wait3A_243, %dma_wait3A_244] : memref<2x128xi32, #tpu.memory_space<vmem>> -> memref<1x128xi32, #tpu.memory_space<vmem>>
        %dma_wait3A_246 = tpu.memref_squeeze %dma_wait3A_245 : memref<1x128xi32, #tpu.memory_space<vmem>> -> memref<128xi32, #tpu.memory_space<vmem>>
        %dma_wait3A_247 = tpu.memref_slice %arg2[%add3A_230] : memref<819200xi32, #tpu.memory_space<hbm>> -> memref<128xi32, #tpu.memory_space<hbm>>
        %dma_wait3A_248 = arith.constant 0 : i32
        %dma_wait3A_249 = tpu.memref_slice %arg10[%dma_wait3A_243, %dma_wait3A_248] : memref<2x128xi32, #tpu.memory_space<vmem>> -> memref<1x128xi32, #tpu.memory_space<vmem>>
        %dma_wait3A_250 = tpu.memref_squeeze %dma_wait3A_249 : memref<1x128xi32, #tpu.memory_space<vmem>> -> memref<128xi32, #tpu.memory_space<vmem>>
        %dma_wait3A_251 = tpu.memref_slice %arg2[%add3A_230] : memref<819200xi32, #tpu.memory_space<hbm>> -> memref<128xi32, #tpu.memory_space<hbm>>
        tpu.wait_dma2 semaphore(%arg28 : memref<!tpu.dma_semaphore, #tpu.memory_space<semaphore_mem>>) src(%dma_wait3A_251 : memref<128xi32, #tpu.memory_space<hbm>>) dst(%dma_wait3A_250 : memref<128xi32, #tpu.memory_space<vmem>>)
        %dma_wait3A_252 = tpu.memref_slice %arg3[%add3A_233] : memref<819200xi32, #tpu.memory_space<hbm>> -> memref<256xi32, #tpu.memory_space<hbm>>
        %dma_wait3A_253 = tpu.memref_slice %arg3[%add3A_233] : memref<819200xi32, #tpu.memory_space<hbm>> -> memref<256xi32, #tpu.memory_space<hbm>>
        tpu.wait_dma2 semaphore(%arg28 : memref<!tpu.dma_semaphore, #tpu.memory_space<semaphore_mem>>) src(%dma_wait3A_253 : memref<256xi32, #tpu.memory_space<hbm>>) dst(%arg12 : memref<256xi32, #tpu.memory_space<vmem>>)
        %dma_start3A_254 = arith.constant 0 : i32
        %dma_start3A_255 = arith.constant 0 : i32
        %dma_start3A_256 = arith.constant 0 : i32
        %dma_start3A_257 = tpu.memref_slice %arg14[%dma_start3A_255, %dma_start3A_256] : memref<256x64xf32, #tpu.memory_space<vmem>> -> memref<128x64xf32, #tpu.memory_space<vmem>>
        %dma_start3A_258 = arith.constant 0 : i32
        %dma_start3A_259 = tpu.memref_slice %arg10[%dma_start3A_254, %dma_start3A_258] : memref<2x128xi32, #tpu.memory_space<vmem>> -> memref<1x128xi32, #tpu.memory_space<vmem>>
        %dma_start3A_260 = tpu.memref_squeeze %dma_start3A_259 : memref<1x128xi32, #tpu.memory_space<vmem>> -> memref<128xi32, #tpu.memory_space<vmem>>
        %dma_start3A_261 = arith.constant 0 : i32
        %dma_start3A_262 = arith.constant 0 : i32
        %dma_start3A_263 = tpu.memref_slice %arg4[%dma_start3A_261, %dma_start3A_262] : memref<1000000x64xf32, #tpu.memory_space<hbm>> -> memref<1000000x64xf32, #tpu.memory_space<hbm>>
        tpu.enqueue_indirect_dma source(%dma_start3A_263 : memref<1000000x64xf32, #tpu.memory_space<hbm>>) target(%dma_start3A_257 : memref<128x64xf32, #tpu.memory_space<vmem>>) offsets(%dma_start3A_260 : memref<128xi32, #tpu.memory_space<vmem>>) semaphore(%arg26 : memref<!tpu.dma_semaphore, #tpu.memory_space<semaphore_mem>>)
        %dma_start3A_264 = arith.constant 1 : i32
        %dma_start3A_265 = arith.constant 128 : i32
        %dma_start3A_266 = arith.constant 0 : i32
        %dma_start3A_267 = tpu.memref_slice %arg14[%dma_start3A_265, %dma_start3A_266] : memref<256x64xf32, #tpu.memory_space<vmem>> -> memref<128x64xf32, #tpu.memory_space<vmem>>
        %dma_start3A_268 = arith.constant 0 : i32
        %dma_start3A_269 = tpu.memref_slice %arg10[%dma_start3A_264, %dma_start3A_268] : memref<2x128xi32, #tpu.memory_space<vmem>> -> memref<1x128xi32, #tpu.memory_space<vmem>>
        %dma_start3A_270 = tpu.memref_squeeze %dma_start3A_269 : memref<1x128xi32, #tpu.memory_space<vmem>> -> memref<128xi32, #tpu.memory_space<vmem>>
        %dma_start3A_271 = arith.constant 0 : i32
        %dma_start3A_272 = arith.constant 0 : i32
        %dma_start3A_273 = tpu.memref_slice %arg4[%dma_start3A_271, %dma_start3A_272] : memref<1000000x64xf32, #tpu.memory_space<hbm>> -> memref<1000000x64xf32, #tpu.memory_space<hbm>>
        tpu.enqueue_indirect_dma source(%dma_start3A_273 : memref<1000000x64xf32, #tpu.memory_space<hbm>>) target(%dma_start3A_267 : memref<128x64xf32, #tpu.memory_space<vmem>>) offsets(%dma_start3A_270 : memref<128xi32, #tpu.memory_space<vmem>>) semaphore(%arg26 : memref<!tpu.dma_semaphore, #tpu.memory_space<semaphore_mem>>)
      } else {
      }
      %mul3A_204 = arith.constant 256 : i32
      %mul3A_205 = arith.muli %add3A_164, %mul3A_204 : i32
      %add3A_206 = arith.addi %mul3A_2, %mul3A_205 : i32
      %scan3A_207 = arith.constant 0 : i32
      %scan3A_208 = arith.constant 8 : i32
      %scan3A_209 = arith.addi %scan3A_207, %scan3A_208 : i32
      %scan3A_210 = arith.constant 1 : i32
      scf.for %scan3A_219 = %scan3A_207 to %scan3A_209 step %scan3A_210  : i32 {
        %mul3A_220 = arith.constant 1 : i32
        %mul3A_221 = arith.muli %scan3A_219, %mul3A_220 : i32
        %add3A_222 = arith.constant 0 : i32
        %add3A_223 = arith.addi %add3A_222, %mul3A_221 : i32
        %mul3A_224 = arith.constant 2 : i32
        %mul3A_225 = arith.muli %add3A_223, %mul3A_224 : i32
        %mul3A_226 = arith.constant 16 : i32
        %mul3A_227 = arith.muli %mul3A_225, %mul3A_226 : i32
        %add3A_228 = vector.broadcast %mul3A_227 : i32 to vector<16xi32>
        %add3A_229 = arith.addi %add3A_228, %iota3A : vector<16xi32>
        %add3A_230 = vector.broadcast %add3A_206 : i32 to vector<16xi32>
        %add3A_231 = arith.addi %add3A_230, %add3A_229 : vector<16xi32>
        %rem3A = arith.constant 200 : i32
        %rem3A_232 = vector.broadcast %rem3A : i32 to vector<16xi32>
        %rem3A_233 = arith.remsi %add3A_231, %rem3A_232 : vector<16xi32>
        %mul3A_234 = arith.constant 16 : i32
        %mul3A_235 = arith.muli %mul3A_225, %mul3A_234 : i32
        %get3A = arith.index_cast %mul3A_235 : i32 to index
        %get3A_236 = tpu.vector_load %arg13[%get3A] {strides = array<i32>} : memref<256xi32, #tpu.memory_space<vmem>>, vector<16xi32>,
        %broadcast_in_dim3A = arith.constant 0.000000e+00 : f32
        %broadcast_in_dim3A_237 = vector.broadcast %broadcast_in_dim3A : f32 to vector<16xf32>
        %parallel_loop3A = arith.constant 0 : i32
        %parallel_loop3A_238 = arith.constant 64 : i32
        %parallel_loop3A_239 = arith.constant 1 : i32
        %parallel_loop3A_240:2 = scf.for %parallel_loop3A_341 = %parallel_loop3A to %parallel_loop3A_238 step %parallel_loop3A_239 iter_args(%parallel_loop3A_342 = %broadcast_in_dim3A_237, %parallel_loop3A_343 = %broadcast_in_dim3A_237) -> (vector<16xf32>, vector<16xf32>)  : i32 {
          %parallel_loop3A_344 = vector.broadcast %parallel_loop3A_341 : i32 to vector<16xi32>
          %parallel_loop3A_345 = arith.addi %parallel_loop3A_344, %iota3A : vector<16xi32>
          %parallel_loop3A_346 = arith.constant 63 : i32
          %parallel_loop3A_347 = vector.broadcast %parallel_loop3A_346 : i32 to vector<16xi32>
          %parallel_loop3A_348 = arith.andi %parallel_loop3A_345, %parallel_loop3A_347 : vector<16xi32>
          %parallel_loop3A_349 = tpu.vector_load_idx %arg15[%add3A_229, %parallel_loop3A_348] : memref<256x64xf32, #tpu.memory_space<vmem>>[vector<16xi32>, vector<16xi32>], vector<16xf32>,
          %parallel_loop3A_350 = tpu.vector_load_idx %arg18[%get3A_236, %rem3A_233, %parallel_loop3A_348] : memref<2x200x64xf32, #tpu.memory_space<vmem>>[vector<16xi32>, vector<16xi32>, vector<16xi32>], vector<16xf32>,
          %parallel_loop3A_351 = arith.addf %parallel_loop3A_349, %parallel_loop3A_350 : vector<16xf32>
          %parallel_loop3A_352 = arith.index_cast %parallel_loop3A_341 : i32 to index
          %parallel_loop3A_353 = arith.constant 0 : index
          %parallel_loop3A_354 = tpu.vector_load %arg22[%parallel_loop3A_352, %parallel_loop3A_353] {strides = array<i32>} : memref<64x16xf32, #tpu.memory_space<vmem>>, vector<16xf32>,
          tpu.vector_store %arg22[%parallel_loop3A_352, %parallel_loop3A_353], %parallel_loop3A_351 {strides = array<i32>} : memref<64x16xf32, #tpu.memory_space<vmem>>, vector<16xf32>,
          %parallel_loop3A_355 = arith.addf %parallel_loop3A_342, %parallel_loop3A_351 : vector<16xf32>
          %parallel_loop3A_356 = arith.mulf %parallel_loop3A_351, %parallel_loop3A_351 : vector<16xf32>
          %parallel_loop3A_357 = arith.addf %parallel_loop3A_343, %parallel_loop3A_356 : vector<16xf32>
          scf.yield %parallel_loop3A_355, %parallel_loop3A_357 : vector<16xf32>, vector<16xf32>
        } {sc.loop_unroll_factor = 16 : i64, sc.parallel_access}
        %mul3A_241 = arith.constant 1.562500e-02 : f32
        %mul3A_242 = vector.broadcast %mul3A_241 : f32 to vector<16xf32>
        %mul3A_243 = arith.mulf %parallel_loop3A_240#0, %mul3A_242 : vector<16xf32>
        %mul3A_244 = arith.constant 1.562500e-02 : f32
        %mul3A_245 = vector.broadcast %mul3A_244 : f32 to vector<16xf32>
        %mul3A_246 = arith.mulf %parallel_loop3A_240#1, %mul3A_245 : vector<16xf32>
        %mul3A_247 = arith.mulf %mul3A_243, %mul3A_243 : vector<16xf32>
        %sub3A = arith.subf %mul3A_246, %mul3A_247 : vector<16xf32>
        %add3A_248 = arith.constant 9.99999974E-6 : f32
        %add3A_249 = vector.broadcast %add3A_248 : f32 to vector<16xf32>
        %add3A_250 = arith.addf %sub3A, %add3A_249 : vector<16xf32>
        %bitcast3A = vector.bitcast %add3A_250 : vector<16xf32> to vector<16xi32>
        %shift_right_arithmetic3A = arith.constant 1 : i32
        %shift_right_arithmetic3A_251 = vector.broadcast %shift_right_arithmetic3A : i32 to vector<16xi32>
        %shift_right_arithmetic3A_252 = arith.shrsi %bitcast3A, %shift_right_arithmetic3A_251 : vector<16xi32>
        %sub3A_253 = arith.constant 1597463007 : i32
        %sub3A_254 = vector.broadcast %sub3A_253 : i32 to vector<16xi32>
        %sub3A_255 = arith.subi %sub3A_254, %shift_right_arithmetic3A_252 : vector<16xi32>
        %bitcast3A_256 = vector.bitcast %sub3A_255 : vector<16xi32> to vector<16xf32>
        %mul3A_257 = arith.constant 5.000000e-01 : f32
        %mul3A_258 = vector.broadcast %mul3A_257 : f32 to vector<16xf32>
        %mul3A_259 = arith.mulf %mul3A_258, %add3A_250 : vector<16xf32>
        %mul3A_260 = arith.mulf %mul3A_259, %bitcast3A_256 : vector<16xf32>
        %mul3A_261 = arith.mulf %mul3A_260, %bitcast3A_256 : vector<16xf32>
        %sub3A_262 = arith.constant 1.500000e+00 : f32
        %sub3A_263 = vector.broadcast %sub3A_262 : f32 to vector<16xf32>
        %sub3A_264 = arith.subf %sub3A_263, %mul3A_261 : vector<16xf32>
        %mul3A_265 = arith.mulf %bitcast3A_256, %sub3A_264 : vector<16xf32>
        %mul3A_266 = arith.constant 5.000000e-01 : f32
        %mul3A_267 = vector.broadcast %mul3A_266 : f32 to vector<16xf32>
        %mul3A_268 = arith.mulf %mul3A_267, %add3A_250 : vector<16xf32>
        %mul3A_269 = arith.mulf %mul3A_268, %mul3A_265 : vector<16xf32>
        %mul3A_270 = arith.mulf %mul3A_269, %mul3A_265 : vector<16xf32>
        %sub3A_271 = arith.constant 1.500000e+00 : f32
        %sub3A_272 = vector.broadcast %sub3A_271 : f32 to vector<16xf32>
        %sub3A_273 = arith.subf %sub3A_272, %mul3A_270 : vector<16xf32>
        %mul3A_274 = arith.mulf %mul3A_265, %sub3A_273 : vector<16xf32>
        %parallel_loop3A_275 = arith.constant 0 : i32
        %parallel_loop3A_276 = arith.constant 64 : i32
        %parallel_loop3A_277 = arith.constant 1 : i32
        scf.for %parallel_loop3A_341 = %parallel_loop3A_275 to %parallel_loop3A_276 step %parallel_loop3A_277  : i32 {
          %parallel_loop3A_342 = vector.broadcast %parallel_loop3A_341 : i32 to vector<16xi32>
          %parallel_loop3A_343 = arith.addi %parallel_loop3A_342, %iota3A : vector<16xi32>
          %parallel_loop3A_344 = arith.constant 63 : i32
          %parallel_loop3A_345 = vector.broadcast %parallel_loop3A_344 : i32 to vector<16xi32>
          %parallel_loop3A_346 = arith.andi %parallel_loop3A_343, %parallel_loop3A_345 : vector<16xi32>
          %parallel_loop3A_347 = arith.index_cast %parallel_loop3A_341 : i32 to index
          %parallel_loop3A_348 = arith.constant 0 : index
          %parallel_loop3A_349 = tpu.vector_load %arg22[%parallel_loop3A_347, %parallel_loop3A_348] {strides = array<i32>} : memref<64x16xf32, #tpu.memory_space<vmem>>, vector<16xf32>,
          %parallel_loop3A_350 = arith.subf %parallel_loop3A_349, %mul3A_243 : vector<16xf32>
          %parallel_loop3A_351 = arith.mulf %parallel_loop3A_350, %mul3A_274 : vector<16xf32>
          %parallel_loop3A_352 = arith.index_cast %parallel_loop3A_341 : i32 to index
          %parallel_loop3A_353 = arith.constant 0 : index
          %parallel_loop3A_354 = tpu.vector_load %arg24[%parallel_loop3A_352, %parallel_loop3A_353] {strides = array<i32>} : memref<64x16xf32, #tpu.memory_space<vmem>>, vector<16xf32>,
          %parallel_loop3A_355 = arith.mulf %parallel_loop3A_351, %parallel_loop3A_354 : vector<16xf32>
          %parallel_loop3A_356 = arith.index_cast %parallel_loop3A_341 : i32 to index
          %parallel_loop3A_357 = arith.constant 0 : index
          %parallel_loop3A_358 = tpu.vector_load %arg25[%parallel_loop3A_356, %parallel_loop3A_357] {strides = array<i32>} : memref<64x16xf32, #tpu.memory_space<vmem>>, vector<16xf32>,
          %parallel_loop3A_359 = arith.addf %parallel_loop3A_355, %parallel_loop3A_358 : vector<16xf32>
          tpu.vector_store_idx %arg17[%add3A_229, %parallel_loop3A_346], %parallel_loop3A_359 : memref<256x64xf32, #tpu.memory_space<vmem>>[vector<16xi32>, vector<16xi32>], vector<16xf32>,
        } {sc.loop_unroll_factor = 16 : i64, sc.parallel_access}
        %mul3A_278 = arith.constant 2 : i32
        %mul3A_279 = arith.muli %add3A_223, %mul3A_278 : i32
        %add3A_280 = arith.constant 1 : i32
        %add3A_281 = arith.addi %mul3A_279, %add3A_280 : i32
        %mul3A_282 = arith.constant 16 : i32
        %mul3A_283 = arith.muli %add3A_281, %mul3A_282 : i32
        %add3A_284 = vector.broadcast %mul3A_283 : i32 to vector<16xi32>
        %add3A_285 = arith.addi %add3A_284, %iota3A : vector<16xi32>
        %add3A_286 = vector.broadcast %add3A_206 : i32 to vector<16xi32>
        %add3A_287 = arith.addi %add3A_286, %add3A_285 : vector<16xi32>
        %rem3A_288 = arith.constant 200 : i32
        %rem3A_289 = vector.broadcast %rem3A_288 : i32 to vector<16xi32>
        %rem3A_290 = arith.remsi %add3A_287, %rem3A_289 : vector<16xi32>
        %mul3A_291 = arith.constant 16 : i32
        %mul3A_292 = arith.muli %add3A_281, %mul3A_291 : i32
        %get3A_293 = arith.index_cast %mul3A_292 : i32 to index
        %get3A_294 = tpu.vector_load %arg13[%get3A_293] {strides = array<i32>} : memref<256xi32, #tpu.memory_space<vmem>>, vector<16xi32>,
        %broadcast_in_dim3A_295 = arith.constant 0.000000e+00 : f32
        %broadcast_in_dim3A_296 = vector.broadcast %broadcast_in_dim3A_295 : f32 to vector<16xf32>
        %parallel_loop3A_297 = arith.constant 0 : i32
        %parallel_loop3A_298 = arith.constant 64 : i32
        %parallel_loop3A_299 = arith.constant 1 : i32
        %parallel_loop3A_300:2 = scf.for %parallel_loop3A_341 = %parallel_loop3A_297 to %parallel_loop3A_298 step %parallel_loop3A_299 iter_args(%parallel_loop3A_342 = %broadcast_in_dim3A_296, %parallel_loop3A_343 = %broadcast_in_dim3A_296) -> (vector<16xf32>, vector<16xf32>)  : i32 {
          %parallel_loop3A_344 = vector.broadcast %parallel_loop3A_341 : i32 to vector<16xi32>
          %parallel_loop3A_345 = arith.addi %parallel_loop3A_344, %iota3A : vector<16xi32>
          %parallel_loop3A_346 = arith.constant 63 : i32
          %parallel_loop3A_347 = vector.broadcast %parallel_loop3A_346 : i32 to vector<16xi32>
          %parallel_loop3A_348 = arith.andi %parallel_loop3A_345, %parallel_loop3A_347 : vector<16xi32>
          %parallel_loop3A_349 = tpu.vector_load_idx %arg15[%add3A_285, %parallel_loop3A_348] : memref<256x64xf32, #tpu.memory_space<vmem>>[vector<16xi32>, vector<16xi32>], vector<16xf32>,
          %parallel_loop3A_350 = tpu.vector_load_idx %arg18[%get3A_294, %rem3A_290, %parallel_loop3A_348] : memref<2x200x64xf32, #tpu.memory_space<vmem>>[vector<16xi32>, vector<16xi32>, vector<16xi32>], vector<16xf32>,
          %parallel_loop3A_351 = arith.addf %parallel_loop3A_349, %parallel_loop3A_350 : vector<16xf32>
          %parallel_loop3A_352 = arith.index_cast %parallel_loop3A_341 : i32 to index
          %parallel_loop3A_353 = arith.constant 0 : index
          %parallel_loop3A_354 = tpu.vector_load %arg23[%parallel_loop3A_352, %parallel_loop3A_353] {strides = array<i32>} : memref<64x16xf32, #tpu.memory_space<vmem>>, vector<16xf32>,
          tpu.vector_store %arg23[%parallel_loop3A_352, %parallel_loop3A_353], %parallel_loop3A_351 {strides = array<i32>} : memref<64x16xf32, #tpu.memory_space<vmem>>, vector<16xf32>,
          %parallel_loop3A_355 = arith.addf %parallel_loop3A_342, %parallel_loop3A_351 : vector<16xf32>
          %parallel_loop3A_356 = arith.mulf %parallel_loop3A_351, %parallel_loop3A_351 : vector<16xf32>
          %parallel_loop3A_357 = arith.addf %parallel_loop3A_343, %parallel_loop3A_356 : vector<16xf32>
          scf.yield %parallel_loop3A_355, %parallel_loop3A_357 : vector<16xf32>, vector<16xf32>
        } {sc.loop_unroll_factor = 16 : i64, sc.parallel_access}
        %mul3A_301 = arith.constant 1.562500e-02 : f32
        %mul3A_302 = vector.broadcast %mul3A_301 : f32 to vector<16xf32>
        %mul3A_303 = arith.mulf %parallel_loop3A_300#0, %mul3A_302 : vector<16xf32>
        %mul3A_304 = arith.constant 1.562500e-02 : f32
        %mul3A_305 = vector.broadcast %mul3A_304 : f32 to vector<16xf32>
        %mul3A_306 = arith.mulf %parallel_loop3A_300#1, %mul3A_305 : vector<16xf32>
        %mul3A_307 = arith.mulf %mul3A_303, %mul3A_303 : vector<16xf32>
        %sub3A_308 = arith.subf %mul3A_306, %mul3A_307 : vector<16xf32>
        %add3A_309 = arith.constant 9.99999974E-6 : f32
        %add3A_310 = vector.broadcast %add3A_309 : f32 to vector<16xf32>
        %add3A_311 = arith.addf %sub3A_308, %add3A_310 : vector<16xf32>
        %bitcast3A_312 = vector.bitcast %add3A_311 : vector<16xf32> to vector<16xi32>
        %shift_right_arithmetic3A_313 = arith.constant 1 : i32
        %shift_right_arithmetic3A_314 = vector.broadcast %shift_right_arithmetic3A_313 : i32 to vector<16xi32>
        %shift_right_arithmetic3A_315 = arith.shrsi %bitcast3A_312, %shift_right_arithmetic3A_314 : vector<16xi32>
        %sub3A_316 = arith.constant 1597463007 : i32
        %sub3A_317 = vector.broadcast %sub3A_316 : i32 to vector<16xi32>
        %sub3A_318 = arith.subi %sub3A_317, %shift_right_arithmetic3A_315 : vector<16xi32>
        %bitcast3A_319 = vector.bitcast %sub3A_318 : vector<16xi32> to vector<16xf32>
        %mul3A_320 = arith.constant 5.000000e-01 : f32
        %mul3A_321 = vector.broadcast %mul3A_320 : f32 to vector<16xf32>
        %mul3A_322 = arith.mulf %mul3A_321, %add3A_311 : vector<16xf32>
        %mul3A_323 = arith.mulf %mul3A_322, %bitcast3A_319 : vector<16xf32>
        %mul3A_324 = arith.mulf %mul3A_323, %bitcast3A_319 : vector<16xf32>
        %sub3A_325 = arith.constant 1.500000e+00 : f32
        %sub3A_326 = vector.broadcast %sub3A_325 : f32 to vector<16xf32>
        %sub3A_327 = arith.subf %sub3A_326, %mul3A_324 : vector<16xf32>
        %mul3A_328 = arith.mulf %bitcast3A_319, %sub3A_327 : vector<16xf32>
        %mul3A_329 = arith.constant 5.000000e-01 : f32
        %mul3A_330 = vector.broadcast %mul3A_329 : f32 to vector<16xf32>
        %mul3A_331 = arith.mulf %mul3A_330, %add3A_311 : vector<16xf32>
        %mul3A_332 = arith.mulf %mul3A_331, %mul3A_328 : vector<16xf32>
        %mul3A_333 = arith.mulf %mul3A_332, %mul3A_328 : vector<16xf32>
        %sub3A_334 = arith.constant 1.500000e+00 : f32
        %sub3A_335 = vector.broadcast %sub3A_334 : f32 to vector<16xf32>
        %sub3A_336 = arith.subf %sub3A_335, %mul3A_333 : vector<16xf32>
        %mul3A_337 = arith.mulf %mul3A_328, %sub3A_336 : vector<16xf32>
        %parallel_loop3A_338 = arith.constant 0 : i32
        %parallel_loop3A_339 = arith.constant 64 : i32
        %parallel_loop3A_340 = arith.constant 1 : i32
        scf.for %parallel_loop3A_341 = %parallel_loop3A_338 to %parallel_loop3A_339 step %parallel_loop3A_340  : i32 {
          %parallel_loop3A_342 = vector.broadcast %parallel_loop3A_341 : i32 to vector<16xi32>
          %parallel_loop3A_343 = arith.addi %parallel_loop3A_342, %iota3A : vector<16xi32>
          %parallel_loop3A_344 = arith.constant 63 : i32
          %parallel_loop3A_345 = vector.broadcast %parallel_loop3A_344 : i32 to vector<16xi32>
          %parallel_loop3A_346 = arith.andi %parallel_loop3A_343, %parallel_loop3A_345 : vector<16xi32>
          %parallel_loop3A_347 = arith.index_cast %parallel_loop3A_341 : i32 to index
          %parallel_loop3A_348 = arith.constant 0 : index
          %parallel_loop3A_349 = tpu.vector_load %arg23[%parallel_loop3A_347, %parallel_loop3A_348] {strides = array<i32>} : memref<64x16xf32, #tpu.memory_space<vmem>>, vector<16xf32>,
          %parallel_loop3A_350 = arith.subf %parallel_loop3A_349, %mul3A_303 : vector<16xf32>
          %parallel_loop3A_351 = arith.mulf %parallel_loop3A_350, %mul3A_337 : vector<16xf32>
          %parallel_loop3A_352 = arith.index_cast %parallel_loop3A_341 : i32 to index
          %parallel_loop3A_353 = arith.constant 0 : index
          %parallel_loop3A_354 = tpu.vector_load %arg24[%parallel_loop3A_352, %parallel_loop3A_353] {strides = array<i32>} : memref<64x16xf32, #tpu.memory_space<vmem>>, vector<16xf32>,
          %parallel_loop3A_355 = arith.mulf %parallel_loop3A_351, %parallel_loop3A_354 : vector<16xf32>
          %parallel_loop3A_356 = arith.index_cast %parallel_loop3A_341 : i32 to index
          %parallel_loop3A_357 = arith.constant 0 : index
          %parallel_loop3A_358 = tpu.vector_load %arg25[%parallel_loop3A_356, %parallel_loop3A_357] {strides = array<i32>} : memref<64x16xf32, #tpu.memory_space<vmem>>, vector<16xf32>,
          %parallel_loop3A_359 = arith.addf %parallel_loop3A_355, %parallel_loop3A_358 : vector<16xf32>
          tpu.vector_store_idx %arg17[%add3A_285, %parallel_loop3A_346], %parallel_loop3A_359 : memref<256x64xf32, #tpu.memory_space<vmem>>[vector<16xi32>, vector<16xi32>], vector<16xf32>,
        } {sc.loop_unroll_factor = 16 : i64, sc.parallel_access}
      }
      %scan3A_211 = arith.constant 8 : i32
      %mul3A_212 = arith.constant 256 : i32
      %mul3A_213 = arith.muli %add3A_164, %mul3A_212 : i32
      %add3A_214 = arith.addi %mul3A_2, %mul3A_213 : i32
      %dma_start3A_215 = arith.constant 0 : i32
      %dma_start3A_216 = tpu.memref_slice %arg9[%add3A_214, %dma_start3A_215] : memref<819200x64xf32, #tpu.memory_space<hbm>> -> memref<256x64xf32, #tpu.memory_space<hbm>>
      %dma_start3A_217 = arith.constant 0 : i32
      %dma_start3A_218 = tpu.memref_slice %arg9[%add3A_214, %dma_start3A_217] : memref<819200x64xf32, #tpu.memory_space<hbm>> -> memref<256x64xf32, #tpu.memory_space<hbm>>
      tpu.enqueue_dma source(%arg17 : memref<256x64xf32, #tpu.memory_space<vmem>>) target(%dma_start3A_218 : memref<256x64xf32, #tpu.memory_space<hbm>>) target_semaphore(%arg31 : memref<!tpu.dma_semaphore, #tpu.memory_space<semaphore_mem>>)
    }
    %scan3A_95 = arith.constant 50 : i32
    %add3A_96 = arith.constant 25344 : i32
    %add3A_97 = arith.addi %mul3A_2, %add3A_96 : i32
    %dma_wait3A_98 = arith.constant 0 : i32
    %dma_wait3A_99 = tpu.memref_slice %arg9[%add3A_97, %dma_wait3A_98] : memref<819200x64xf32, #tpu.memory_space<hbm>> -> memref<256x64xf32, #tpu.memory_space<hbm>>
    %dma_wait3A_100 = arith.constant 0 : i32
    %dma_wait3A_101 = tpu.memref_slice %arg9[%add3A_97, %dma_wait3A_100] : memref<819200x64xf32, #tpu.memory_space<hbm>> -> memref<256x64xf32, #tpu.memory_space<hbm>>
    tpu.wait_dma2 semaphore(%arg31 : memref<!tpu.dma_semaphore, #tpu.memory_space<semaphore_mem>>) src(%arg17 : memref<256x64xf32, #tpu.memory_space<vmem>>) dst(%dma_wait3A_101 : memref<256x64xf32, #tpu.memory_space<hbm>>)
    return
  }
}

</mosaic_0001>

<sc_bundles>
// kernel: kernel.3.cloned.1.call-start
scs
__scs_entry_jumppad:
0x0: {  	(pc) =	sbr.rel $0x88, $3  }
0x1: {  	(tag) =	ssettag $0x0;
	lr =	simm.s32 $0x1  }
0x2: {  	[smem:$0x3F9A] =	sst lr;
	_ =	strace $0xD0000000  }
0x3: {  	_ = 	snop  }
0x4: {  	_ = 	snop  }
0x5: {  	_ = 	snop  }
0x6: {  	_ = 	snop  }
0x7: {  	_ = 	snop  }
__scs_overlays_trampoline_lowered:
0x8: {  	[smem:$0x3FA9] =	sst s0  }
0x9: {  	[smem:$0x3FAA] =	sst s1  }
0xa: {  	[smem:$0x3FAB] =	sst s2  }
0xb: {  	[smem:$0x3FAC] =	sst s3  }
0xc: {  	[smem:$0x3FAD] =	sst s4  }
0xd: {  	[smem:$0x3FAE] =	sst s5  }
0xe: {  	[smem:$0x3FAF] =	sst s6  }
0xf: {  	[smem:$0x3FB0] =	sst s7  }
0x10: {  	[smem:$0x3FB1] =	sst s8  }
0x11: {  	[smem:$0x3FB2] =	sst s9;
	s0 =	simm.s32 @!p0 $0x0  }
0x12: {  	s1 =	sld [smem:$0x3F98];
	s0 =	simm.s32 @p0 $0x1  }
0x13: {  	[smem:$0x3FB3] =	sst s0;
	s0 =	simm.s32 @!p1 $0x0  }
0x14: {  	s2 =	sld [smem:$0x3F97];
	s0 =	simm.s32 @p1 $0x1  }
0x15: {  	[smem:$0x3FB4] =	sst s0;
	s0 =	simm.s32 @!p2 $0x0  }
0x16: {  	s3 =	sld [smem:$0x3FDB];
	s0 =	simm.s32 @p2 $0x1  }
0x17: {  	s4 =	simm.s32 $0x1BF5;
	[smem:$0x3FB6] =	sst s0  }
0x18: {  	s0 =	sld [smem:$0x3F99];
	_ =	swait.ge [sflag:s4], $0x0  }
0x19: {  	s7 =	sld [smem:$0x3F9A]  }
0x1a: {  	s8 =	sadd.s32 $0xFFFFE003, lr  }
0x1b: {  	s9 =	sadd.s32 $0xFFFFFEF7, lr;
	s5 =	simm.s32 $0xFFFFFFFF;
	p2 =	slt.u32 s8, $0xFFFFF086  }
0x1c: {  	p1 =	slt.u32 s9, $0xF7A;
	s5 =	simm.s32 @!p2 $0x0  }
0x1d: {  	s5 =	simm.s32 @p1 $0x1;
	p0 =	seq.s32 s7, s2  }
0x1e: {  	s7 =	smul.u32 @!p0 $0xF7A, s2;
	p2 =	seq.s32 @!p0 s5, $0x0  }
0x1f: {  	s9 =	smul.u32 $0xF7A, s1;
	s8 =	simm.s32 @!p0 $0x1BF5;
	p2 =	por !p2, p0  }
0x20: {  	[sflag:s8] =	ssyncset.s32 @!p0 $0xFFFFF086;
	s6 =	sadd.s32 @!p0 s3, s7;
	s7 =	simm.s32 @!p0 $0x108  }
0x21: {  	s3 =	sadd.s32 s3, s9;
	s6 =	sadd.s32 @!p0 $0x88, s6;
	s7 =	simm.s32 @p2 $0x1082  }
0x22: {  	[simem:s7], [sflag:s8] =	dma.local @!p0 [hbm:s6], $0xF7A  }
0x23: {  	s9 =	sor.u32 $0xD0000000, s2;
	s6 =	simm.s32 $0x108;
	_ =	swait.ge @!p0 [sflag:s8], $0x0  }
0x24: {  	s3 =	sadd.s32 $0x88, s3;
	s6 =	simm.s32 @!p1 $0x1082;
	[sflag:s4] =	ssyncset.s32 $0xFFFFF086  }
0x25: {  	[simem:s6], [sflag:s4] =	dma.local [hbm:s3], $0xF7A  }
0x26: {  	[smem:$0x3F9A] =	sst s1;
	(tag) =	ssettag s2;
	_ =	strace s9  }
0x27: {  	s1 =	sld [smem:$0x3FAA]  }
0x28: {  	s2 =	sld [smem:$0x3FAB]  }
0x29: {  	s4 =	sld [smem:$0x3FAD]  }
0x2a: {  	p0 =	seq.s32 s5, $0x0;
	s5 =	sld [smem:$0x3FAE]  }
0x2b: {  	s6 =	sld [smem:$0x3FAF]  }
0x2c: {  	s7 =	sld [smem:$0x3FB0]  }
0x2d: {  	s3 =	simm.s32 $0x108;
	s8 =	sld [smem:$0x3FB1]  }
0x2e: {  	s3 =	simm.s32 @!p0 $0x1082;
	s9 =	sld [smem:$0x3FB2]  }
0x2f: {  	lr =	sadd.s32 s0, s3;
	s0 =	sld [smem:$0x3FA9]  }
0x30: {  	s3 =	sld [smem:$0x3FAC]  }
0x31: {  	[smem:$0x3FB5] =	sst s10  }
0x32: {  	s10 =	sld [smem:$0x3FB3];
	_ =	sdelay $0x3  }
0x33: {  	p0 =	seq.s32 s10, $0x1;
	s10 =	sld [smem:$0x3FB5];
	_ =	sdelay $0x3  }
0x34: {  	[smem:$0x3FB5] =	sst s10  }
0x35: {  	s10 =	sld [smem:$0x3FB4];
	_ =	sdelay $0x3  }
0x36: {  	p1 =	seq.s32 s10, $0x1;
	s10 =	sld [smem:$0x3FB5];
	_ =	sdelay $0x3  }
0x37: {  	[smem:$0x3FB5] =	sst s10  }
0x38: {  	s10 =	sld [smem:$0x3FB6]  }
0x39: {  	_ = 	snop;
	(pc) =	sbr.ind lr, $3  }
0x3a: {  	_ = 	snop  }
0x3b: {  	_ = 	snop  }
0x3c: {  	p2 =	seq.s32 s10, $0x1;
	s10 =	sld [smem:$0x3FB5]  }
0x3d: {  	_ =	shalt  }
0x3e: {  	_ =	shalt  }
0x3f: {  	_ =	shalt  }
0x40: {  	_ =	shalt  }
0x41: {  	_ =	shalt  }
0x42: {  	_ =	shalt  }
0x43: {  	_ =	shalt  }
0x44: {  	_ =	shalt  }
0x45: {  	_ =	shalt  }
0x46: {  	_ =	shalt  }
0x47: {  	_ =	shalt  }
0x48: {  	_ =	shalt  }
0x49: {  	_ =	shalt  }
0x4a: {  	_ =	shalt  }
0x4b: {  	_ =	shalt  }
0x4c: {  	_ =	shalt  }
0x4d: {  	_ =	shalt  }
0x4e: {  	_ =	shalt  }
0x4f: {  	_ =	shalt  }
0x50: {  	_ =	shalt  }
0x51: {  	_ =	shalt  }
0x52: {  	_ =	shalt  }
0x53: {  	_ =	shalt  }
0x54: {  	_ =	shalt  }
0x55: {  	_ =	shalt  }
0x56: {  	_ =	shalt  }
0x57: {  	_ =	shalt  }
0x58: {  	_ =	shalt  }
0x59: {  	_ =	shalt  }
0x5a: {  	_ =	shalt  }
0x5b: {  	_ =	shalt  }
0x5c: {  	_ =	shalt  }
0x5d: {  	_ =	shalt  }
0x5e: {  	_ =	shalt  }
0x5f: {  	_ =	shalt  }
0x60: {  	_ =	shalt  }
0x61: {  	_ =	shalt  }
0x62: {  	_ =	shalt  }
0x63: {  	_ =	shalt  }
0x64: {  	_ =	shalt  }
0x65: {  	_ =	shalt  }
0x66: {  	_ =	shalt  }
0x67: {  	_ =	shalt  }
0x68: {  	_ =	shalt  }
0x69: {  	_ =	shalt  }
0x6a: {  	_ =	shalt  }
0x6b: {  	_ =	shalt  }
0x6c: {  	_ =	shalt  }
0x6d: {  	_ =	shalt  }
0x6e: {  	_ =	shalt  }
0x6f: {  	_ =	shalt  }
0x70: {  	_ =	shalt  }
0x71: {  	_ =	shalt  }
0x72: {  	_ =	shalt  }
0x73: {  	_ =	shalt  }
0x74: {  	_ =	shalt  }
0x75: {  	_ =	shalt  }
0x76: {  	_ =	shalt  }
0x77: {  	_ =	shalt  }
0x78: {  	_ =	shalt  }
0x79: {  	_ =	shalt  }
0x7a: {  	_ =	shalt  }
0x7b: {  	_ =	shalt  }
0x7c: {  	_ =	shalt  }
0x7d: {  	_ =	shalt  }
0x7e: {  	_ =	shalt  }
0x7f: {  	_ =	shalt  }
0x80: {  	_ =	shalt  }
0x81: {  	_ =	shalt  }
0x82: {  	_ =	shalt  }
0x83: {  	_ =	shalt  }
0x84: {  	_ =	shalt  }
0x85: {  	_ =	shalt  }
0x86: {  	_ =	shalt  }
0x87: {  	_ =	shalt  }
.Lfunc_end0:
.L_simem_size_0:
called_computation.1_lowered:
.L_overlay_start_0:
0x88: {  	s2 =	sld [smem:$0x3FD9]  }
0x89: {  	s3 =	sld [smem:$0x3FFE];
	_ =	sdelay $0x1  }
0x8a: {  	s1 =	srdreg.scid  }
0x8b: {  	s0 =	sand.u32 $0x1, s1  }
0x8c: {  	s17 =	sshll.u32 s0, $0xA;
	s2 =	sadd.s32 s3, s2  }
0x8d: {  	s2 =	sadd.s32 s2, s17  }
0x8e: {  	[smem:$0x3FC1] =	sst s2  }
0x8f: {  	_ = 	snop  }
0x90: {  	s2 =	sld [smem:$0x3FC4]  }
0x91: {  	s18 =	sld [smem:$0x3FC3]  }
0x92: {  	s4 =	sld [smem:$0x3FD0];
	(tm) =	ssettm $0x1  }
0x93: {  	s5 =	sld [smem:$0x3FFB];
	_ =	sdelay $0x3  }
0x94: {  	_ =	strace s5  }
0x95: {  	s5 =	sld [smem:$0x3FFC];
	_ =	sdelay $0x3  }
0x96: {  	_ =	strace s5  }
0x97: {  	s5 =	sld [smem:$0x3FFD];
	_ =	sdelay $0x3  }
0x98: {  	_ =	strace s5  }
0x99: {  	_ =	strace $0x8FFFFFFF  }
0x9a: {  	s19 =	sld [smem:$0x3FDB];
	_ =	sdelay $0x1  }
0x9b: {  	s6 =	simm.s32 $_scs_section_size  }
0x9c: {  	s7 =	simm.s32 $_size__tile_overlayer_lowered;
	s8 =	simm.s32 $_tile_overlayer_lowered  }
0x9d: {  	s22 =	simm.s32 $0x1BFF;
	s21 =	sshll.u32 s8, $0x1;
	s5 =	sadd.s32 s6, s19  }
0x9e: {  	s9 =	simm.s32 $0x0;
	s20 =	sshll.u32 s7, $0x1;
	s7 =	sadd.s32 s21, s5  }
0x9f: {  	[timem:s9], [sflag:s22] =	dma.local [hbm:s7], s20  }
0xa0: {  	_ =	swait.ge [sflag:s22], s20  }
0xa1: {  	s6 =	ssub.s32 $0x0, s20;
	[sflag:s22] =	ssyncset.done $0x0  }
0xa2: {  	[sflag:s22] =	ssyncadd.s32 s6;
	_ =	sdelay $0x1  }
0xa3: {  	s23 =	simm.s32 $0x1B8B  }
0xa4: {  	_ =	swait.ge [sflag:s23], $0x1  }
0xa5: {  	[sflag:s23] =	ssyncset.done $0x0  }
0xa6: {  	s25 =	simm.s32 $0x1B8E;
	s24 =	sld [smem:$0x3FFE];
	[sflag:s23] =	ssyncadd.s32 $0xFFFFFFFF  }
0xa7: {  	s26 =	simm.s32 $execute0_lowered;
	[smem:$0x3FD2] =	sst s25  }
0xa8: {  	s7 =	sshll.u32 s26, $0x1;
	_ =	strace $0x80000046;
	[dreg:$0x1] =	wrdreg $0xFFFFFFFF  }
0xa9: {  	s28 =	simm.s32 $_size_execute0_lowered;
	s5 =	sadd.s32 s5, s7;
	[dreg:$0x0] =	wrdreg $0x0  }
0xaa: {  	s7 =	sshll.u32 s28, $0x1;
	[dreg:$0x2] =	wrdreg s5  }
0xab: {  	[dreg:$0x3] =	wrdreg s7  }
0xac: {  	[dreg:$0x4] =	wrdreg $0xC0  }
0xad: {  	_ =	task [dreg:s9], $0x5FFFF  }
0xae: {  	[dreg:$0x1] =	wrdreg $0xFFFFFFFF  }
0xaf: {  	[dreg:$0x0] =	wrdreg $0x60  }
0xb0: {  	[dreg:$0x2] =	wrdreg s24  }
0xb1: {  	[dreg:$0x3] =	wrdreg s2  }
0xb2: {  	[dreg:$0x4] =	wrdreg s18  }
0xb3: {  	[dreg:$0x5] =	wrdreg s4  }
0xb4: {  	[dreg:$0x6] =	wrdreg $0x9  }
0xb5: {  	_ =	task.clear_ibuf [dreg:s9], $0x7FFFF;
	_ =	strace $0x90000046  }
0xb6: {  	s29 =	simm.s32 $0x9;
	_ =	strace $0x80000048  }
0xb7: {  	_ =	swait.ge [sflag:s29], $0x1  }
0xb8: {  	[sflag:s29] =	ssyncadd.s32 $0xFFFFFFFF  }
0xb9: {  	_ =	strace $0x90000048  }
0xba: {  	_ =	sfence  }
0xbb: {  	s30 =	sld [smem:$0x0];
	_ =	sdelay $0x2  }
0xbc: {  	s31 =	sshll.u32 s1, $0xD;
	s1 =	sshrl.u32 s1, $0x2  }
0xbd: {  	s3 =	sand.u32 $0x4000, s31;
	s1 =	sadd.s32 s1, s30  }
0xbe: {  	s0 =	sor.u32 s3, s0;
	s1 =	sshll.u32 s1, $0x11  }
0xbf: {  	s0 =	sor.u32 s1, s0  }
0xc0: {  	s0 =	sadd.s32 $0x8F2B, s0  }
0xc1: {  	[sflag:s0] =	ssyncadd.remote.s32 $0x1  }
0xc2: {  	_ =	sfence.sel $0xFFFF  }
0xc3: {  	[dreg:$0x0] =	wrdreg $0xFFFFFFFF;
	(pc) =	sbr.abs _section_cstart, $3  }
0xc4: {  	[dreg:$0x1] =	wrdreg $0xFFFFFFFF  }
0xc5: {  	_ =	task.clear_ibuf [dreg:s9], $0x2FFFF;
	_ =	strace $0x9FFFFFFF  }
0xc6: {  	(tm) =	ssettm $0x7FFFFFFF  }
0xc7: {  	_ =	shalt  }
tec
execute0_lowered:
.L_overlay_start_1:
0x0: {  	(tag) =	ssettag $0x1  }
0x1: {  	s0 =	rddreg [dreg:$0x0];
	s5 =	simm.s32 $0x0  }
0x2: {  	s1 =	srdreg.scid;
	s2 =	stileid.u32;
	s19 =	simm.s32 $0x10400  }
0x3: {  	s29 =	simm.s32 $0x400;
	s31 =	simm.s32 $0x100;
	s30 =	simm.s32 $0xC400  }
0x4: {  	s10 =	simm.s32 $0x0;
	[smem:$0x7FF] =	sst s5;
	s1 =	sand.u32 $0x1, s1  }
0x5: {  	s2 =	sshll.u32 s2, $0x1;
	s6 =	sadd.s32 $0x1A000, s0;
	s7 =	sadd.s32 $0x1000, s0  }
0x6: {  	s9 =	sadd.s32 $0xF43400, s0;
	s20 =	sadd.s32 $0x33000, s0;
	s2 =	sor.u32 s1, s2  }
0x7: {  	s21 =	sadd.s32 $0x34000, s0;
	s13 =	sadd.s32 $0x1A010, s0;
	s8 =	smul.u32 $0x6400, s2  }
0x8: {  	_ =	strace $0x80000047;
	[dreg:$0x5] =	wrdreg s20;
	s1 =	ssub.s32 $0x2, s1  }
0x9: {  	[dreg:$0x6] =	wrdreg s21;
	s22 =	sshrl.u32 s1, $0x1;
	s25 =	sor.u32 $0x100, s8  }
0xa: {  	s1 =	ssub.s32 s1, s22;
	s26 =	sor.u32 $0x200, s8;
	[dreg:$0xa] =	wrdreg s25  }
0xb: {  	s3 =	sshrl.u32 s8, $0x3;
	s28 =	smax.u32 s1, $0x1;
	[dreg:$0xb] =	wrdreg s26  }
0xc: {  	s21 =	simm.s32 $0x4400;
	s23 =	sadd.s32 s6, s3;
	[dreg:$0xc] =	wrdreg s28  }
0xd: {  	s2 =	simm.s32 $0x4;
	s0 =	sadd.s32 s3, s13;
	[dreg:$0x7] =	wrdreg s23  }
0xe: {  	s1 =	simm.s32 $0x1;
	s24 =	sadd.s32 s7, s3;
	[dreg:$0x8] =	wrdreg s0  }
0xf: {  	v0 =	vlaneseq.u32;
	s25 =	simm.s32 $0x80;
	s26 =	simm.s32 $0x8400;
	[dreg:$0x9] =	wrdreg s24  }
0x10: {  	v1 =	vmul.u32 $0x40, v0;
	v2 =	vand.u32 $0x7, v0;
	s23 =	simm.s32 $0x16880;
	s24 =	simm.s32 $0x168D0;
	s0 =	simm.s32 $0x180  }
.LBB2_1:
0x11: {  	[dreg:$0xd] =	wrdreg s10  }
0x12: {  	s3 =	rddreg [dreg:$0x5];
	s4 =	simm.s32 $0x7  }
0x13: {  	[tilespmem:s19], [sflag:$0x7] =	stream.linear.gather [hbm4b:s3+s5], $0x3200, $0x38;
	[tilespmem:$0x17920] =	vst v63  }
0x14: {  	_ =	swait.ge [sflag:s4], $0x3200  }
0x15: {  	[sflag:s4] =	ssyncset.done $0x0  }
0x16: {  	s17 =	simm.s32 $0x13600;
	[sflag:s4] =	ssyncadd.s32 $0xFFFFCE00  }
0x17: {  	[tilespmem:s17], [sflag:$0x7] =	stream.linear.gather [hbm4b:s3+s5], $0x3200, $0x38;
	[tilespmem:$0x17920] =	vst v63  }
0x18: {  	_ =	swait.ge [sflag:s4], $0x3200  }
0x19: {  	[sflag:s4] =	ssyncset.done $0x0  }
0x1a: {  	s20 =	simm.s32 $0x16800;
	s18 =	rddreg [dreg:$0x6];
	[sflag:s4] =	ssyncadd.s32 $0xFFFFCE00  }
0x1b: {  	[tilespmem:s20], [sflag:$0x7] =	stream.linear.gather [hbm4b:s18+s5], $0x80, $0x38;
	[tilespmem:$0x17920] =	vst v63  }
0x1c: {  	_ =	swait.ge [sflag:s4], $0x80  }
0x1d: {  	[sflag:s4] =	ssyncset.done $0x0  }
0x1e: {  	[sflag:s4] =	ssyncadd.s32 $0xFFFFFF80  }
0x1f: {  	s22 =	rddreg [dreg:$0x1]  }
0x20: {  	[tilespmem:s23], [sflag:$0x7] =	stream.linear.gather [hbm4b:s22+s5], $0x40, $0x38;
	[tilespmem:$0x17920] =	vst v63  }
0x21: {  	_ =	swait.ge [sflag:s4], $0x40  }
0x22: {  	[sflag:s4] =	ssyncset.done $0x0  }
0x23: {  	[sflag:s4] =	ssyncadd.s32 $0xFFFFFFC0  }
0x24: {  	s28 =	rddreg [dreg:$0x2]  }
0x25: {  	[tilespmem:s24], [sflag:$0x7] =	stream.linear.gather [hbm4b:s28+s5], $0x40, $0x38;
	[tilespmem:$0x17920] =	vst v63  }
0x26: {  	_ =	swait.ge [sflag:s4], $0x40  }
0x27: {  	[sflag:s4] =	ssyncset.done $0x0  }
0x28: {  	s3 =	simm.s32 $0x20;
	[sflag:s4] =	ssyncadd.s32 $0xFFFFFFC0  }
0x29: {  	s4 =	simm.s32 $0x180;
	v3 =	vld [tilespmem:s3+$0x103E0]  }
.LBB2_2:
0x2a: {  	p0 =	sne.s32 s4, $0xC780;
	v4 =	vld [tilespmem:$0x16800];
	_ =	sdelay $0x4  }
0x2b: {  	v3 =	vadd.f32 v4, v3;
	_ =	sdelay $0x1  }
0x2c: {  	[tilespmem:s3+$0x103E0] =	vst v3;
	v3 =	vld [tilespmem:s3+$0x103F0]  }
0x2d: {  	v4 =	vld [tilespmem:$0x16810];
	_ =	sdelay $0x4  }
0x2e: {  	v3 =	vadd.f32 v4, v3;
	_ =	sdelay $0x1  }
0x2f: {  	[tilespmem:s3+$0x103F0] =	vst v3;
	v3 =	vld [tilespmem:s3+$0x10400]  }
0x30: {  	v4 =	vld [tilespmem:$0x16820];
	_ =	sdelay $0x4  }
0x31: {  	v3 =	vadd.f32 v4, v3;
	_ =	sdelay $0x1  }
0x32: {  	[tilespmem:s3+$0x10400] =	vst v3;
	v3 =	vld [tilespmem:s3+$0x10410]  }
0x33: {  	v4 =	vld [tilespmem:$0x16830];
	_ =	sdelay $0x4  }
0x34: {  	v3 =	vadd.f32 v4, v3;
	_ =	sdelay $0x1  }
0x35: {  	[tilespmem:s3+$0x10410] =	vst v3;
	v3 =	vld [tilespmem:s3+$0x135E0]  }
0x36: {  	v4 =	vld [tilespmem:$0x16840];
	_ =	sdelay $0x4  }
0x37: {  	v3 =	vadd.f32 v4, v3;
	_ =	sdelay $0x1  }
0x38: {  	[tilespmem:s3+$0x135E0] =	vst v3;
	v3 =	vld [tilespmem:s3+$0x135F0]  }
0x39: {  	v4 =	vld [tilespmem:$0x16850];
	_ =	sdelay $0x4  }
0x3a: {  	v3 =	vadd.f32 v4, v3;
	_ =	sdelay $0x1  }
0x3b: {  	[tilespmem:s3+$0x135F0] =	vst v3;
	v3 =	vld [tilespmem:s3+$0x13600]  }
0x3c: {  	v4 =	vld [tilespmem:$0x16860];
	_ =	sdelay $0x4  }
0x3d: {  	v3 =	vadd.f32 v4, v3;
	_ =	sdelay $0x1  }
0x3e: {  	[tilespmem:s3+$0x13600] =	vst v3;
	v3 =	vld [tilespmem:s3+$0x13610]  }
0x3f: {  	v4 =	vld [tilespmem:$0x16870];
	_ =	sdelay $0x2  }
.Ltmp0:
0x40: {  	(pc) =	sbr.rel @p0 .LBB2_2-.Ltmp0, $4  }
0x41: {  	_ = 	snop  }
0x42: {  	v4 =	vadd.f32 v4, v3  }
0x43: {  	s10 =	sshra.s32 s4, $0x2  }
0x44: {  	s4 =	sadd.s32 $0x100, s4;
	v3 =	vld [tilespmem:s10+$0x103E0];
	[tilespmem:s3+$0x13610] =	vst v4;
	s3 =	smov.u32 s10  }
0x45: {  	v4 =	vld [tilespmem:$0x16800];
	_ =	sdelay $0x4  }
0x46: {  	v3 =	vadd.f32 v4, v3;
	_ =	sdelay $0x1  }
0x47: {  	[tilespmem:s3+$0x103E0] =	vst v3;
	v3 =	vld [tilespmem:s3+$0x103F0]  }
0x48: {  	v4 =	vld [tilespmem:$0x16810];
	_ =	sdelay $0x4  }
0x49: {  	v3 =	vadd.f32 v4, v3;
	_ =	sdelay $0x1  }
0x4a: {  	[tilespmem:s3+$0x103F0] =	vst v3;
	v3 =	vld [tilespmem:s3+$0x10400]  }
0x4b: {  	v4 =	vld [tilespmem:$0x16820];
	_ =	sdelay $0x4  }
0x4c: {  	v3 =	vadd.f32 v4, v3;
	_ =	sdelay $0x1  }
0x4d: {  	[tilespmem:s3+$0x10400] =	vst v3;
	v3 =	vld [tilespmem:s3+$0x10410]  }
0x4e: {  	v4 =	vld [tilespmem:$0x16830];
	_ =	sdelay $0x4  }
0x4f: {  	v3 =	vadd.f32 v4, v3;
	_ =	sdelay $0x1  }
0x50: {  	[tilespmem:s3+$0x10410] =	vst v3;
	v3 =	vld [tilespmem:s3+$0x135E0]  }
0x51: {  	v4 =	vld [tilespmem:$0x16840];
	_ =	sdelay $0x4  }
0x52: {  	v3 =	vadd.f32 v4, v3;
	_ =	sdelay $0x1  }
0x53: {  	[tilespmem:s3+$0x135E0] =	vst v3;
	v3 =	vld [tilespmem:s3+$0x135F0]  }
0x54: {  	v4 =	vld [tilespmem:$0x16850];
	_ =	sdelay $0x4  }
0x55: {  	v3 =	vadd.f32 v4, v3;
	_ =	sdelay $0x1  }
0x56: {  	[tilespmem:s3+$0x135F0] =	vst v3;
	v3 =	vld [tilespmem:s3+$0x13600]  }
0x57: {  	v4 =	vld [tilespmem:$0x16860];
	_ =	sdelay $0x4  }
0x58: {  	v3 =	vadd.f32 v4, v3;
	_ =	sdelay $0x1  }
0x59: {  	[tilespmem:s3+$0x13600] =	vst v3;
	v3 =	vld [tilespmem:s3+$0x13610]  }
0x5a: {  	v4 =	vld [tilespmem:$0x16870]  }
0x5b: {  	s4 =	simm.s32 $0x0  }
0x5c: {  	v5 =	vadd.s32 s4, v0  }
0x5d: {  	v5 =	vand.u32 $0x3F, v5;
	_ =	sdelay $0x1  }
0x5e: {  	v3 =	vadd.f32 v4, v3;
	_ =	sdelay $0x1  }
0x5f: {  	[tilespmem:s3+$0x13610] =	vst v3  }
0x60: {  	v3 =	vld.idx.msk [tilespmem:v5+s23+$0x0], $0xffff;
	_ =	sdelay $0x3  }
0x61: {  	s22 =	simm.s32 $0x17120  }
0x62: {  	s28 =	simm.s32 $0x1;
	[tilespmem:s22+$0x0] =	vst v3  }
0x63: {  	v4 =	vadd.s32 s28, v0;
	v3 =	vld.idx.msk [tilespmem:v5+s24+$0x0], $0xffff  }
0x64: {  	v4 =	vand.u32 $0x3F, v4;
	_ =	sdelay $0x2  }
0x65: {  	s3 =	simm.s32 $0x17520  }
0x66: {  	[tilespmem:s3+$0x0] =	vst v3  }
0x67: {  	v3 =	vld.idx.msk [tilespmem:v4+s23+$0x0], $0xffff;
	_ =	sdelay $0x3  }
0x68: {  	s4 =	simm.s32 $0x17130  }
0x69: {  	s10 =	simm.s32 $0x2;
	[tilespmem:s4+$0x0] =	vst v3  }
0x6a: {  	v3 =	vld.idx.msk [tilespmem:v4+s24+$0x0], $0xffff;
	v4 =	vadd.s32 s10, v0;
	s10 =	simm.s32 $0x3  }
.LBB2_4:
0x6b: {  	p0 =	sne.s32 s10, $0x3F;
	v4 =	vand.u32 $0x3F, v4;
	_ =	sdelay $0x2  }
0x6c: {  	s3 =	sadd.s32 $0x10, s3  }
0x6d: {  	[tilespmem:s3+$0x0] =	vst v3  }
0x6e: {  	v3 =	vld.idx.msk [tilespmem:v4+s23+$0x0], $0xffff;
	_ =	sdelay $0x3  }
.Ltmp1:
0x6f: {  	(pc) =	sbr.rel @p0 .LBB2_4-.Ltmp1, $4  }
0x70: {  	s4 =	sadd.s32 $0x10, s4  }
0x71: {  	[tilespmem:s4+$0x0] =	vst v3  }
0x72: {  	v3 =	vld.idx.msk [tilespmem:v4+s24+$0x0], $0xffff  }
0x73: {  	v4 =	vadd.s32 s10, v0;
	s10 =	sadd.s32 $0x1, s10  }
0x74: {  	v4 =	vand.u32 $0x3F, v4;
	_ =	sdelay $0x2  }
0x75: {  	s3 =	sadd.s32 $0x10, s3  }
0x76: {  	[tilespmem:s3+$0x0] =	vst v3  }
0x77: {  	v3 =	vld.idx.msk [tilespmem:v4+s23+$0x0], $0xffff;
	_ =	sdelay $0x3  }
0x78: {  	s4 =	sadd.s32 $0x10, s4  }
0x79: {  	[tilespmem:s4+$0x0] =	vst v3  }
0x7a: {  	v3 =	vld.idx.msk [tilespmem:v4+s24+$0x0], $0xffff;
	_ =	sdelay $0x3  }
0x7b: {  	s3 =	sadd.s32 $0x10, s3  }
0x7c: {  	s14 =	simm.s32 $0x0;
	s16 =	rddreg [dreg:$0x7];
	[tilespmem:s3+$0x0] =	vst v3  }
0x7d: {  	[tilespmem:s14], [sflag:$0x3] =	stream.linear.gather [hbm4b:s16+s14], $0x80, $0x38;
	[tilespmem:$0x17920] =	vst v63  }
0x7e: {  	s17 =	rddreg [dreg:$0x8]  }
0x7f: {  	[tilespmem:s25], [sflag:$0x3] =	stream.linear.gather [hbm4b:s17+s14], $0x80, $0x38;
	[tilespmem:$0x17920] =	vst v63  }
0x80: {  	s18 =	rddreg [dreg:$0x9];
	s20 =	simm.s32 $0x200;
	s22 =	simm.s32 $0x3  }
0x81: {  	[tilespmem:s20], [sflag:$0x3] =	stream.linear.gather [hbm4b:s18+s14], $0x100, $0x38;
	[tilespmem:$0x17920] =	vst v63  }
0x82: {  	_ =	swait.ge [sflag:s22], $0x80  }
0x83: {  	[sflag:s22] =	ssyncset.done $0x0  }
0x84: {  	[sflag:s22] =	ssyncadd.s32 $0xFFFFFF80  }
0x85: {  	_ =	swait.ge [sflag:s22], $0x80  }
0x86: {  	[sflag:s22] =	ssyncset.done $0x0  }
0x87: {  	[sflag:s22] =	ssyncadd.s32 $0xFFFFFF80  }
0x88: {  	_ =	swait.ge [sflag:s22], $0x100  }
0x89: {  	[sflag:s22] =	ssyncset.done $0x0  }
0x8a: {  	[sflag:s22] =	ssyncadd.s32 $0xFFFFFF00  }
0x8b: {  	[tilespmem:s29], [sflag:$0x1] =	stream.indirect.gather [hbm4b:s9+s25], $0x40, s14, s25, $0xb8;
	[tilespmem:$0x17920] =	vst v63  }
0x8c: {  	s28 =	simm.s32 $0x2400  }
0x8d: {  	[tilespmem:s28], [sflag:$0x1] =	stream.indirect.gather [hbm4b:s9+s25], $0x40, s25, s25, $0xb8;
	[tilespmem:$0x17920] =	vst v63  }
.LBB2_6:
0x8e: {  	s18 =	sshll.u32 s14, $0x9;
	s3 =	rddreg [dreg:$0xa]  }
0x8f: {  	s15 =	sadd.s32 s18, s3  }
0x90: {  	s3 =	sshrl.u32 s15, $0x3  }
0x91: {  	s4 =	sadd.s32 s6, s3  }
0x92: {  	[tilespmem:s31], [sflag:$0x4] =	stream.linear.gather [hbm4b:s4+s5], $0x80, $0x38;
	[tilespmem:$0x17920] =	vst v63  }
0x93: {  	s20 =	sadd.s32 s3, s13  }
0x94: {  	[tilespmem:s0], [sflag:$0x4] =	stream.linear.gather [hbm4b:s20+s5], $0x80, $0x38;
	[tilespmem:$0x17920] =	vst v63  }
0x95: {  	s22 =	simm.s32 $0x300;
	s3 =	sadd.s32 s7, s3  }
0x96: {  	[tilespmem:s22], [sflag:$0x4] =	stream.linear.gather [hbm4b:s3+s5], $0x100, $0x38;
	[tilespmem:$0x17920] =	vst v63  }
0x97: {  	_ =	swait.ge [sflag:s1], $0x2000  }
0x98: {  	[sflag:s1] =	ssyncset.done $0x0  }
0x99: {  	[sflag:s1] =	ssyncadd.s32 $0xFFFFE000  }
0x9a: {  	_ =	swait.ge [sflag:s1], $0x2000  }
0x9b: {  	p0 =	seq.s32 s14, $0x0;
	[sflag:s1] =	ssyncset.done $0x0  }
0x9c: {  	s3 =	simm.s32 @!p0 $0x6;
	[sflag:s1] =	ssyncadd.s32 $0xFFFFE000  }
0x9d: {  	_ =	swait.ge @!p0 [sflag:s3], $0x4000  }
0x9e: {  	[sflag:s3] =	ssyncset.done @!p0 $0x0  }
0x9f: {  	[sflag:s3] =	ssyncadd.s32 @!p0 $0xFFFFC000  }
0xa0: {  	_ =	swait.ge [sflag:s2], $0x80  }
0xa1: {  	[sflag:s2] =	ssyncset.done $0x0  }
0xa2: {  	[sflag:s2] =	ssyncadd.s32 $0xFFFFFF80  }
0xa3: {  	_ =	swait.ge [sflag:s2], $0x80  }
0xa4: {  	[sflag:s2] =	ssyncset.done $0x0  }
0xa5: {  	[sflag:s2] =	ssyncadd.s32 $0xFFFFFF80  }
0xa6: {  	_ =	swait.ge [sflag:s2], $0x100  }
0xa7: {  	[sflag:s2] =	ssyncset.done $0x0  }
0xa8: {  	[sflag:s2] =	ssyncadd.s32 $0xFFFFFF00  }
0xa9: {  	[tilespmem:s21], [sflag:$0x2] =	stream.indirect.gather [hbm4b:s9+s25], $0x40, s31, s25, $0xb8;
	[tilespmem:$0x17920] =	vst v63  }
0xaa: {  	s28 =	simm.s32 $0x6400;
	s10 =	simm.s32 $0x0;
	s11 =	sadd.s32 s8, s18  }
0xab: {  	v3 =	vor.u32 s11, v0;
	[tilespmem:s28], [sflag:$0x2] =	stream.indirect.gather [hbm4b:s9+s25], $0x40, s0, s25, $0xb8;
	[tilespmem:$0x17920] =	vst v63  }
.LBB2_7:
0xac: {  	s28 =	sshll.u32 s10, $0x5  }
0xad: {  	v4 =	vor.u32 s28, v3  }
0xae: {  	v6 =	vld [tilespmem:s28+$0x200];
	v5 =	vmulhi.u32 $0x51EB851F, v4;
	_ =	sdelay $0x1  }
0xaf: {  	v5 =	vshrl.u32 v5, $0x6  }
0xb0: {  	s12 =	simm.s32 $0x2;
	s22 =	simm.s32 $0x1;
	v5 =	vmul.u32 $0xC8, v5  }
0xb1: {  	v7 =	vmov s28;
	v14 =	vadd.s32 s12, v0;
	v16 =	vadd.s32 s22, v0  }
0xb2: {  	v4 =	vsub.s32 v4, v5;
	v5 =	vmul.u32 $0x3200, v6;
	v6 =	vshll.u32 v7, $0x6  }
0xb3: {  	v14 =	vand.u32 $0x3F, v14;
	v7 =	vshll.u32 v4, $0x6;
	v4 =	vor.u32 v1, v6  }
0xb4: {  	v11 =	vimm.f32 $0.0e+00;
	s4 =	simm.s32 $0xE;
	v16 =	vand.u32 $0x3F, v16;
	v18 =	vor.u32 v4, v14  }
0xb5: {  	s3 =	simm.s32 $0x0;
	s20 =	simm.s32 $0xF;
	v13 =	vadd.s32 s4, v0;
	v6 =	vor.u32 v0, v4;
	v21 =	vor.u32 v4, v16  }
0xb6: {  	s16 =	simm.s32 $0xC;
	s17 =	simm.s32 $0xD;
	v15 =	vadd.s32 s20, v0;
	v7 =	vadd.s32 v7, v5;
	v8 =	vor.u32 s3, v6  }
0xb7: {  	v17 =	vadd.s32 s16, v0;
	v19 =	vadd.s32 s17, v0;
	s12 =	simm.s32 $0x3;
	v16 =	vor.u32 v7, v16  }
0xb8: {  	s20 =	simm.s32 $0xA;
	v23 =	vadd.s32 s12, v0;
	v10 =	vor.u32 v0, v7;
	v14 =	vor.u32 v7, v14  }
0xb9: {  	s22 =	simm.s32 $0xB;
	v20 =	vadd.s32 s20, v0;
	s12 =	simm.s32 $0x5;
	v23 =	vand.u32 $0x3F, v23;
	v12 =	vor.u32 s3, v10;
	v18 =	vld.idx.msk [tilespmem:v18+s29+$0x0], $0xffff  }
0xba: {  	s16 =	simm.s32 $0x9;
	v22 =	vadd.s32 s22, v0;
	v30 =	vadd.s32 s12, v0;
	v25 =	vor.u32 v4, v23;
	v21 =	vld.idx.msk [tilespmem:v21+s29+$0x0], $0xffff  }
0xbb: {  	s17 =	simm.s32 $0x4;
	v24 =	vadd.s32 s16, v0;
	v30 =	vand.u32 $0x3F, v30;
	v23 =	vor.u32 v7, v23;
	v8 =	vld.idx.msk [tilespmem:v8+s29+$0x0], $0xffff  }
0xbc: {  	v26 =	vadd.s32 s17, v0;
	v19 =	vand.u32 $0x3F, v19;
	v32 =	vor.u32 v4, v30;
	v16 =	vld.idx.msk [tilespmem:v16+s19+$0x0], $0xffff  }
0xbd: {  	s20 =	simm.s32 $0x8;
	s22 =	simm.s32 $0x7;
	v13 =	vand.u32 $0x3F, v13;
	v17 =	vand.u32 $0x3F, v17;
	v30 =	vor.u32 v7, v30;
	v14 =	vld.idx.msk [tilespmem:v14+s19+$0x0], $0xffff  }
0xbe: {  	s16 =	simm.s32 $0x6;
	v27 =	vadd.s32 s20, v0;
	v26 =	vand.u32 $0x3F, v26;
	v28 =	vadd.s32 s22, v0;
	v12 =	vld.idx.msk [tilespmem:v12+s19+$0x0], $0xffff  }
0xbf: {  	v31 =	vadd.s32 s16, v0;
	v20 =	vand.u32 $0x3F, v20;
	v29 =	vor.u32 v4, v26;
	v25 =	vld.idx.msk [tilespmem:v25+s29+$0x0], $0xffff  }
0xc0: {  	v31 =	vand.u32 $0x3F, v31;
	v27 =	vand.u32 $0x38, v27;
	v26 =	vor.u32 v7, v26;
	v23 =	vld.idx.msk [tilespmem:v23+s19+$0x0], $0xffff  }
0xc1: {  	v5 =	vor.u32 v2, v4;
	v33 =	vor.u32 v4, v31;
	v16 =	vadd.f32 v16, v21;
	v21 =	vld.idx.msk [tilespmem:v32+s29+$0x0], $0xffff  }
0xc2: {  	v9 =	vor.u32 v2, v7;
	v14 =	vadd.f32 v14, v18;
	v18 =	vld.idx.msk [tilespmem:v30+s19+$0x0], $0xffff;
	v30 =	vor.u32 v27, v5  }
0xc3: {  	v22 =	vand.u32 $0x3F, v22;
	v27 =	vor.u32 v27, v9;
	v8 =	vadd.f32 v12, v8  }
0xc4: {  	v24 =	vand.u32 $0x3F, v24;
	v28 =	vand.u32 $0x3F, v28;
	v12 =	vld.idx.msk [tilespmem:v29+s29+$0x0], $0xffff;
	v29 =	vor.u32 v7, v31  }
0xc5: {  	v26 =	vld.idx.msk [tilespmem:v26+s19+$0x0], $0xffff;
	v25 =	vadd.f32 v23, v25;
	v31 =	vor.u32 v4, v28;
	v34 =	vmul.f32 v8, v8  }
0xc6: {  	v33 =	vld.idx.msk [tilespmem:v33+s29+$0x0], $0xffff;
	v28 =	vor.u32 v7, v28;
	v55 =	vmul.f32 v16, v16;
	v54 =	vadd.f32 v8, v11  }
0xc7: {  	v11 =	vadd.f32 v34, v11;
	v30 =	vld.idx.msk [tilespmem:v30+s29+$0x0], $0xffff;
	v35 =	vadd.f32 v18, v21;
	v21 =	vor.u32 v4, v22  }
0xc8: {  	v56 =	vmul.f32 v14, v14;
	v32 =	vadd.f32 v16, v54;
	v18 =	vld.idx.msk [tilespmem:v27+s19+$0x0], $0xffff;
	v22 =	vor.u32 v7, v22  }
0xc9: {  	v57 =	vmul.f32 v25, v25;
	v23 =	vld.idx.msk [tilespmem:v29+s19+$0x0], $0xffff;
	v29 =	vor.u32 v4, v24;
	v11 =	vadd.f32 v55, v11  }
0xca: {  	v24 =	vor.u32 v7, v24;
	v31 =	vld.idx.msk [tilespmem:v31+s29+$0x0], $0xffff;
	v26 =	vadd.f32 v26, v12;
	v32 =	vadd.f32 v14, v32  }
0xcb: {  	v12 =	vld.idx.msk [tilespmem:v28+s19+$0x0], $0xffff;
	v28 =	vor.u32 v4, v20;
	v20 =	vor.u32 v7, v20;
	v11 =	vadd.f32 v56, v11  }
0xcc: {  	v60 =	vor.u32 v7, v19;
	v58 =	vmul.f32 v26, v26;
	v27 =	vadd.f32 v25, v32;
	v21 =	vld.idx.msk [tilespmem:v21+s29+$0x0], $0xffff  }
0xcd: {  	v30 =	vadd.f32 v18, v30;
	v18 =	vld.idx.msk [tilespmem:v22+s19+$0x0], $0xffff;
	v22 =	vor.u32 v4, v13;
	v11 =	vadd.f32 v57, v11  }
0xce: {  	v59 =	vmul.f32 v35, v35;
	v13 =	vor.u32 v7, v13;
	v29 =	vld.idx.msk [tilespmem:v29+s29+$0x0], $0xffff;
	v33 =	vadd.f32 v23, v33  }
0xcf: {  	v23 =	vld.idx.msk [tilespmem:v24+s19+$0x0], $0xffff;
	v24 =	vor.u32 v4, v17;
	v27 =	vadd.f32 v26, v27;
	v11 =	vadd.f32 v58, v11  }
0xd0: {  	v17 =	vor.u32 v7, v17;
	v31 =	vadd.f32 v12, v31;
	v12 =	vld.idx.msk [tilespmem:v20+s19+$0x0], $0xffff;
	v20 =	vor.u32 v4, v19  }
0xd1: {  	s12 =	simm.s32 $0x169A0;
	v28 =	vld.idx.msk [tilespmem:v28+s29+$0x0], $0xffff;
	v19 =	vadd.f32 v35, v27;
	v27 =	vmul.f32 v33, v33;
	v11 =	vadd.f32 v59, v11  }
0xd2: {  	v15 =	vand.u32 $0x3F, v15;
	[tilespmem:s12+$0xFFFFFFA0] =	vst v14;
	v38 =	vld.idx.msk [tilespmem:v22+s29+$0x0], $0xffff  }
0xd3: {  	v19 =	vadd.f32 v33, v19;
	v14 =	vld.idx.msk [tilespmem:v13+s19+$0x0], $0xffff;
	v11 =	vadd.f32 v27, v11;
	v27 =	vmul.f32 v31, v31  }
0xd4: {  	v36 =	vor.u32 v4, v15;
	v15 =	vor.u32 v7, v15;
	v24 =	vld.idx.msk [tilespmem:v24+s29+$0x0], $0xffff;
	v29 =	vadd.f32 v23, v29  }
0xd5: {  	s17 =	simm.s32 $0x1E;
	s3 =	simm.s32 $0x10;
	v61 =	vld.idx.msk [tilespmem:v17+s19+$0x0], $0xffff;
	v17 =	vadd.f32 v31, v19;
	v11 =	vadd.f32 v27, v11;
	v27 =	vmul.f32 v30, v30  }
0xd6: {  	[tilespmem:s12+$0xFFFFFF90] =	vst v16;
	v34 =	vld.idx.msk [tilespmem:v60+s19+$0x0], $0xffff;
	v16 =	vadd.s32 s17, v0;
	v23 =	vor.u32 s3, v6;
	v28 =	vadd.f32 v12, v28  }
0xd7: {  	v37 =	vld.idx.msk [tilespmem:v20+s29+$0x0], $0xffff;
	v12 =	vadd.f32 v30, v17;
	v20 =	vadd.f32 v27, v11;
	v27 =	vmul.f32 v29, v29  }
0xd8: {  	s20 =	simm.s32 $0x1F;
	v19 =	vor.u32 s3, v10;
	v22 =	vmul.f32 v28, v28;
	v11 =	vadd.f32 v18, v21  }
0xd9: {  	[tilespmem:s12+$0xFFFFFFB0] =	vst v25;
	v17 =	vadd.s32 s20, v0;
	s20 =	simm.s32 $0x1C;
	v13 =	vadd.f32 v29, v12;
	v21 =	vadd.f32 v27, v20  }
0xda: {  	v15 =	vld.idx.msk [tilespmem:v15+s19+$0x0], $0xffff;
	[tilespmem:s12+$0xFFFFFFC0] =	vst v26;
	v14 =	vadd.f32 v14, v38;
	v18 =	vadd.s32 s20, v0;
	v12 =	vadd.f32 v61, v24  }
0xdb: {  	s22 =	simm.s32 $0x1D;
	s20 =	simm.s32 $0x11;
	v27 =	vld.idx.msk [tilespmem:v36+s29+$0x0], $0xffff;
	v24 =	vadd.f32 v28, v13;
	v26 =	vmul.f32 v11, v11;
	v25 =	vadd.f32 v22, v21  }
0xdc: {  	[tilespmem:s12+$0xFFFFFFD0] =	vst v35;
	v62 =	vadd.s32 s20, v0;
	v20 =	vadd.s32 s22, v0;
	v13 =	vadd.f32 v34, v37  }
0xdd: {  	s16 =	simm.s32 $0x1A;
	[tilespmem:s12+$0x0] =	vst v30;
	s22 =	simm.s32 $0x12;
	v24 =	vadd.f32 v11, v24;
	v25 =	vadd.f32 v26, v25;
	v26 =	vmul.f32 v12, v12  }
0xde: {  	[tilespmem:s12+$0x20] =	vst v28;
	v28 =	vmul.f32 v14, v14;
	v63 =	vadd.s32 s22, v0;
	v21 =	vadd.s32 s16, v0  }
0xdf: {  	s17 =	simm.s32 $0x1B;
	[tilespmem:s12+$0xFFFFFFF0] =	vst v31;
	v34 =	vmul.f32 v13, v13;
	v30 =	vadd.f32 v12, v24;
	v31 =	vadd.f32 v26, v25  }
0xe0: {  	[tilespmem:s12+$0xFFFFFFE0] =	vst v33;
	v22 =	vadd.s32 s17, v0;
	v24 =	vand.u32 $0x3F, v63;
	v15 =	vadd.f32 v15, v27  }
0xe1: {  	s4 =	simm.s32 $0x20;
	[tilespmem:s12+$0x10] =	vst v29;
	s20 =	simm.s32 $0x13;
	v25 =	vand.u32 $0x3F, v62;
	v26 =	vadd.f32 v13, v30;
	v27 =	vadd.f32 v34, v31  }
.LBB2_8:
0xe2: {  	p0 =	slt.u32 s4, $0x30;
	v29 =	vor.u32 v4, v25;
	v30 =	vor.u32 v4, v24;
	v31 =	vadd.s32 s20, v0;
	[tilespmem:s12+$0x30] =	vst v11  }
0xe3: {  	s20 =	sadd.s32 $0x9, s3;
	[tilespmem:s12+$0x40] =	vst v12;
	v11 =	vadd.f32 v14, v26;
	v12 =	vadd.f32 v28, v27;
	v26 =	vmul.f32 v15, v15  }
0xe4: {  	v25 =	vor.u32 v7, v25;
	v27 =	vand.u32 $0x3F, v31;
	v28 =	vadd.s32 s20, v0;
	[tilespmem:s12+$0x50] =	vst v13  }
0xe5: {  	s22 =	sadd.s32 $0x8, s3;
	s20 =	sadd.s32 $0x4, s3;
	v13 =	vld.idx.msk [tilespmem:v23+s29+$0x0], $0xffff;
	v23 =	vor.u32 v7, v24;
	v11 =	vadd.f32 v15, v11;
	v12 =	vadd.f32 v26, v12  }
0xe6: {  	v31 =	vadd.s32 s22, v0;
	v24 =	vor.u32 v4, v27;
	v26 =	vadd.s32 s20, v0;
	s20 =	sadd.s32 $0x7, s3;
	v19 =	vld.idx.msk [tilespmem:v19+s19+$0x0], $0xffff;
	[tilespmem:s12+$0x60] =	vst v14  }
0xe7: {  	s16 =	sadd.s32 $0x6, s3;
	s22 =	sadd.s32 $0x5, s3;
	v27 =	vor.u32 v7, v27;
	s3 =	smov.u32 s4;
	v26 =	vand.u32 $0x3F, v26;
	v14 =	vld.idx.msk [tilespmem:v30+s29+$0x0], $0xffff;
	v30 =	vadd.s32 s20, v0;
	[tilespmem:s12+$0x70] =	vst v15  }
0xe8: {  	v33 =	vadd.s32 s16, v0;
	v32 =	vadd.s32 s22, v0;
	v15 =	vld.idx.msk [tilespmem:v29+s29+$0x0], $0xffff;
	v29 =	vor.u32 v4, v26;
	[tilespmem:s12+$0xFFFFFF80] =	vst v8  }
0xe9: {  	v17 =	vand.u32 $0x3F, v17;
	v26 =	vor.u32 v7, v26;
	v8 =	vand.u32 $0x3F, v32;
	v25 =	vld.idx.msk [tilespmem:v25+s19+$0x0], $0xffff  }
0xea: {  	v20 =	vand.u32 $0x3F, v20;
	v16 =	vand.u32 $0x3F, v16;
	v32 =	vor.u32 v4, v8;
	v23 =	vld.idx.msk [tilespmem:v23+s19+$0x0], $0xffff  }
0xeb: {  	v18 =	vand.u32 $0x3F, v18;
	v33 =	vand.u32 $0x3F, v33;
	v34 =	vor.u32 v7, v8;
	v24 =	vld.idx.msk [tilespmem:v24+s29+$0x0], $0xffff  }
0xec: {  	v21 =	vand.u32 $0x3F, v21;
	v22 =	vand.u32 $0x3F, v22;
	v35 =	vor.u32 v4, v33;
	v27 =	vld.idx.msk [tilespmem:v27+s19+$0x0], $0xffff  }
0xed: {  	v8 =	vadd.f32 v19, v13;
	v19 =	vor.u32 v7, v33;
	v13 =	vld.idx.msk [tilespmem:v29+s29+$0x0], $0xffff;
	v29 =	vand.u32 $0x3F, v30  }
0xee: {  	v31 =	vand.u32 $0x38, v31;
	v28 =	vand.u32 $0x3F, v28;
	v26 =	vld.idx.msk [tilespmem:v26+s19+$0x0], $0xffff;
	v30 =	vor.u32 v4, v29  }
0xef: {  	v33 =	vmul.f32 v8, v8;
	v15 =	vadd.f32 v25, v15;
	v29 =	vor.u32 v7, v29;
	v25 =	vld.idx.msk [tilespmem:v32+s29+$0x0], $0xffff  }
0xf0: {  	v14 =	vadd.f32 v23, v14;
	v32 =	vor.u32 v31, v5;
	v31 =	vor.u32 v31, v9;
	v23 =	vld.idx.msk [tilespmem:v34+s19+$0x0], $0xffff  }
0xf1: {  	v11 =	vadd.f32 v8, v11;
	v12 =	vadd.f32 v33, v12;
	v33 =	vmul.f32 v15, v15;
	v34 =	vld.idx.msk [tilespmem:v35+s29+$0x0], $0xffff  }
0xf2: {  	v24 =	vadd.f32 v27, v24;
	v27 =	vor.u32 v4, v28;
	v28 =	vor.u32 v7, v28;
	v19 =	vld.idx.msk [tilespmem:v19+s19+$0x0], $0xffff  }
0xf3: {  	v11 =	vadd.f32 v15, v11;
	v12 =	vadd.f32 v33, v12;
	v33 =	vmul.f32 v14, v14;
	v30 =	vld.idx.msk [tilespmem:v30+s29+$0x0], $0xffff  }
0xf4: {  	v13 =	vadd.f32 v26, v13;
	v26 =	vld.idx.msk [tilespmem:v29+s19+$0x0], $0xffff;
	v29 =	vor.u32 v4, v21;
	v21 =	vor.u32 v7, v21  }
0xf5: {  	v11 =	vadd.f32 v14, v11;
	v12 =	vadd.f32 v33, v12;
	v33 =	vmul.f32 v24, v24;
	v32 =	vld.idx.msk [tilespmem:v32+s29+$0x0], $0xffff  }
0xf6: {  	v25 =	vadd.f32 v23, v25;
	v23 =	vld.idx.msk [tilespmem:v31+s19+$0x0], $0xffff;
	v31 =	vor.u32 v4, v22;
	v22 =	vor.u32 v7, v22  }
0xf7: {  	v11 =	vadd.f32 v24, v11;
	v12 =	vadd.f32 v33, v12;
	v33 =	vmul.f32 v13, v13;
	v27 =	vld.idx.msk [tilespmem:v27+s29+$0x0], $0xffff  }
0xf8: {  	v34 =	vadd.f32 v19, v34;
	v19 =	vld.idx.msk [tilespmem:v28+s19+$0x0], $0xffff;
	v28 =	vor.u32 v4, v18;
	v18 =	vor.u32 v7, v18  }
0xf9: {  	v11 =	vadd.f32 v13, v11;
	v12 =	vadd.f32 v33, v12;
	v33 =	vmul.f32 v25, v25;
	v29 =	vld.idx.msk [tilespmem:v29+s29+$0x0], $0xffff  }
0xfa: {  	v26 =	vadd.f32 v26, v30;
	v30 =	vor.u32 v4, v20;
	v20 =	vor.u32 v7, v20;
	v21 =	vld.idx.msk [tilespmem:v21+s19+$0x0], $0xffff  }
0xfb: {  	v11 =	vadd.f32 v25, v11;
	v12 =	vadd.f32 v33, v12;
	v33 =	vmul.f32 v34, v34;
	v31 =	vld.idx.msk [tilespmem:v31+s29+$0x0], $0xffff  }
0xfc: {  	v36 =	vor.u32 v7, v16;
	v35 =	vor.u32 v4, v16;
	v32 =	vadd.f32 v23, v32;
	v22 =	vld.idx.msk [tilespmem:v22+s19+$0x0], $0xffff  }
0xfd: {  	v11 =	vadd.f32 v34, v11;
	v16 =	vmul.f32 v26, v26;
	v12 =	vadd.f32 v33, v12;
	v28 =	vld.idx.msk [tilespmem:v28+s29+$0x0], $0xffff  }
0xfe: {  	v37 =	vor.u32 v7, v17;
	v27 =	vadd.f32 v19, v27;
	v33 =	vld.idx.msk [tilespmem:v18+s19+$0x0], $0xffff;
	v18 =	vor.u32 v4, v17  }
0xff: {  	s12 =	sadd.s32 $0x100, s12;
	v11 =	vadd.f32 v26, v11;
	v12 =	vadd.f32 v16, v12;
	v16 =	vmul.f32 v32, v32;
	v30 =	vld.idx.msk [tilespmem:v30+s29+$0x0], $0xffff  }
0x100: {  	v23 =	vor.u32 s4, v6;
	v19 =	vor.u32 s4, v10;
	v29 =	vadd.f32 v21, v29;
	[tilespmem:s12+$0xFFFFFF90] =	vst v15;
	v15 =	vld.idx.msk [tilespmem:v20+s19+$0x0], $0xffff  }
0x101: {  	s16 =	sadd.s32 $0xE, s4;
	s20 =	sadd.s32 $0xF, s4;
	v21 =	vmul.f32 v27, v27;
	v20 =	vadd.f32 v32, v11;
	v12 =	vadd.f32 v16, v12;
	v35 =	vld.idx.msk [tilespmem:v35+s29+$0x0], $0xffff  }
0x102: {  	v17 =	vadd.s32 s20, v0;
	v16 =	vadd.s32 s16, v0;
	v11 =	vadd.f32 v22, v31;
	[tilespmem:s12+$0xFFFFFFA0] =	vst v14;
	v14 =	vld.idx.msk [tilespmem:v36+s19+$0x0], $0xffff  }
0x103: {  	s20 =	sadd.s32 $0xD, s4;
	s16 =	sadd.s32 $0xC, s4;
	v31 =	vmul.f32 v29, v29;
	v22 =	vadd.f32 v27, v20;
	v21 =	vadd.f32 v21, v12;
	v36 =	vld.idx.msk [tilespmem:v18+s29+$0x0], $0xffff  }
0x104: {  	v20 =	vadd.s32 s20, v0;
	v18 =	vadd.s32 s16, v0;
	v12 =	vadd.f32 v33, v28;
	[tilespmem:s12+$0xFFFFFFB0] =	vst v24;
	v28 =	vld.idx.msk [tilespmem:v37+s19+$0x0], $0xffff  }
0x105: {  	s20 =	sadd.s32 $0xB, s4;
	s16 =	sadd.s32 $0xA, s4;
	v33 =	vmul.f32 v11, v11;
	v24 =	vadd.f32 v29, v22;
	v31 =	vadd.f32 v31, v21;
	[tilespmem:s12+$0xFFFFFFC0] =	vst v13  }
0x106: {  	v21 =	vadd.s32 s16, v0;
	v22 =	vadd.s32 s20, v0;
	v13 =	vadd.f32 v15, v30;
	[tilespmem:s12+$0xFFFFFFD0] =	vst v25  }
.Ltmp2:
0x107: {  	s16 =	sadd.s32 $0x1, s4;
	s20 =	sadd.s32 $0x2, s4;
	v15 =	vadd.f32 v11, v24;
	v24 =	vadd.f32 v33, v31;
	v25 =	vmul.f32 v12, v12;
	[tilespmem:s12+$0xFFFFFFE0] =	vst v34;
	(pc) =	sbr.rel @p0 .LBB2_8-.Ltmp2, $4  }
0x108: {  	v30 =	vadd.s32 s16, v0;
	v31 =	vadd.s32 s20, v0;
	v14 =	vadd.f32 v14, v35;
	[tilespmem:s12+$0xFFFFFFF0] =	vst v26  }
0x109: {  	v33 =	vmul.f32 v13, v13;
	v26 =	vadd.f32 v12, v15;
	[tilespmem:s12+$0x0] =	vst v32;
	v32 =	vadd.f32 v25, v24  }
0x10a: {  	v25 =	vand.u32 $0x3F, v30;
	v24 =	vand.u32 $0x3F, v31;
	v15 =	vadd.f32 v28, v36;
	[tilespmem:s12+$0x10] =	vst v27  }
0x10b: {  	s4 =	sadd.s32 $0x10, s4;
	s20 =	sadd.s32 $0x3, s3;
	v28 =	vmul.f32 v14, v14;
	v26 =	vadd.f32 v13, v26;
	[tilespmem:s12+$0x20] =	vst v29;
	v27 =	vadd.f32 v33, v32  }
0x10c: {  	v10 =	vor.u32 v4, v25  }
0x10d: {  	v29 =	vor.u32 v4, v24;
	v30 =	vadd.s32 s20, v0;
	v56 =	vmul.f32 v15, v15  }
0x10e: {  	v25 =	vor.u32 v7, v25;
	v24 =	vor.u32 v7, v24;
	v17 =	vand.u32 $0x3F, v17  }
0x10f: {  	v20 =	vand.u32 $0x3F, v20;
	v16 =	vand.u32 $0x3F, v16;
	v18 =	vand.u32 $0x3F, v18  }
0x110: {  	s4 =	sadd.s32 $0x9, s3;
	v21 =	vand.u32 $0x3F, v21;
	v22 =	vand.u32 $0x3F, v22;
	v26 =	vadd.f32 v14, v26  }
0x111: {  	s22 =	sadd.s32 $0x4, s3;
	s16 =	sadd.s32 $0x8, s3;
	v23 =	vld.idx.msk [tilespmem:v23+s29+$0x0], $0xffff;
	v27 =	vadd.f32 v28, v27;
	v30 =	vand.u32 $0x3F, v30;
	v31 =	vadd.s32 s4, v0  }
0x112: {  	s17 =	sadd.s32 $0x7, s3;
	v19 =	vld.idx.msk [tilespmem:v19+s19+$0x0], $0xffff;
	v32 =	vadd.s32 s22, v0;
	v33 =	vadd.s32 s16, v0;
	v57 =	vor.u32 v4, v30  }
0x113: {  	s20 =	sadd.s32 $0x5, s3;
	s22 =	sadd.s32 $0x6, s3;
	v34 =	vadd.s32 s17, v0;
	v30 =	vor.u32 v7, v30;
	v32 =	vand.u32 $0x3F, v32;
	v29 =	vld.idx.msk [tilespmem:v29+s29+$0x0], $0xffff  }
0x114: {  	v36 =	vadd.s32 s20, v0;
	v37 =	vadd.s32 s22, v0;
	v35 =	vor.u32 v4, v32;
	v38 =	vld.idx.msk [tilespmem:v10+s29+$0x0], $0xffff  }
0x115: {  	v33 =	vand.u32 $0x38, v33;
	v32 =	vor.u32 v7, v32;
	v10 =	vand.u32 $0x3F, v36;
	v25 =	vld.idx.msk [tilespmem:v25+s19+$0x0], $0xffff  }
0x116: {  	v31 =	vand.u32 $0x3F, v31;
	v26 =	vadd.f32 v15, v26;
	v24 =	vld.idx.msk [tilespmem:v24+s19+$0x0], $0xffff;
	v36 =	vor.u32 v4, v10  }
0x117: {  	v27 =	vadd.f32 v56, v27;
	v37 =	vand.u32 $0x3F, v37;
	v39 =	vor.u32 v7, v10;
	v28 =	vld.idx.msk [tilespmem:v57+s29+$0x0], $0xffff  }
0x118: {  	[tilespmem:s12+$0x30] =	vst v11;
	v40 =	vor.u32 v4, v37;
	v10 =	vadd.f32 v19, v23;
	v23 =	vand.u32 $0x3F, v34;
	v30 =	vld.idx.msk [tilespmem:v30+s19+$0x0], $0xffff  }
0x119: {  	v61 =	vor.u32 v33, v5;
	v19 =	vor.u32 v7, v37;
	v59 =	vor.u32 v4, v23;
	v58 =	vld.idx.msk [tilespmem:v35+s29+$0x0], $0xffff  }
0x11a: {  	v32 =	vld.idx.msk [tilespmem:v32+s19+$0x0], $0xffff;
	v60 =	vmul.f32 v10, v10;
	v26 =	vadd.f32 v10, v26;
	v25 =	vadd.f32 v25, v38  }
0x11b: {  	v9 =	vor.u32 v33, v9;
	v23 =	vor.u32 v7, v23;
	v24 =	vadd.f32 v24, v29;
	v36 =	vld.idx.msk [tilespmem:v36+s29+$0x0], $0xffff  }
0x11c: {  	v27 =	vadd.f32 v60, v27;
	v62 =	vld.idx.msk [tilespmem:v39+s19+$0x0], $0xffff;
	v63 =	vmul.f32 v25, v25;
	v26 =	vadd.f32 v25, v26  }
0x11d: {  	v41 =	vor.u32 v4, v31;
	v31 =	vor.u32 v7, v31;
	v40 =	vld.idx.msk [tilespmem:v40+s29+$0x0], $0xffff;
	v28 =	vadd.f32 v30, v28  }
0x11e: {  	v19 =	vld.idx.msk [tilespmem:v19+s19+$0x0], $0xffff;
	v42 =	vmul.f32 v24, v24;
	v27 =	vadd.f32 v63, v27;
	v26 =	vadd.f32 v24, v26  }
0x11f: {  	v43 =	vor.u32 v4, v21;
	v21 =	vor.u32 v7, v21;
	v35 =	vld.idx.msk [tilespmem:v59+s29+$0x0], $0xffff;
	v32 =	vadd.f32 v32, v58  }
0x120: {  	v23 =	vld.idx.msk [tilespmem:v23+s19+$0x0], $0xffff;
	v44 =	vmul.f32 v28, v28;
	v27 =	vadd.f32 v42, v27;
	v26 =	vadd.f32 v28, v26  }
0x121: {  	v45 =	vor.u32 v4, v22;
	v22 =	vor.u32 v7, v22;
	v9 =	vld.idx.msk [tilespmem:v9+s19+$0x0], $0xffff;
	v36 =	vadd.f32 v62, v36  }
0x122: {  	v29 =	vld.idx.msk [tilespmem:v61+s29+$0x0], $0xffff;
	v46 =	vmul.f32 v32, v32;
	v27 =	vadd.f32 v44, v27;
	v26 =	vadd.f32 v32, v26  }
0x123: {  	v47 =	vor.u32 v4, v18;
	v18 =	vor.u32 v7, v18;
	v31 =	vld.idx.msk [tilespmem:v31+s19+$0x0], $0xffff;
	v19 =	vadd.f32 v19, v40  }
0x124: {  	v30 =	vld.idx.msk [tilespmem:v41+s29+$0x0], $0xffff;
	v48 =	vmul.f32 v36, v36;
	v27 =	vadd.f32 v46, v27;
	v26 =	vadd.f32 v36, v26  }
0x125: {  	v49 =	vor.u32 v4, v20;
	v20 =	vor.u32 v7, v20;
	v34 =	vld.idx.msk [tilespmem:v43+s29+$0x0], $0xffff;
	v23 =	vadd.f32 v23, v35  }
0x126: {  	v21 =	vld.idx.msk [tilespmem:v21+s19+$0x0], $0xffff;
	v50 =	vmul.f32 v19, v19;
	v27 =	vadd.f32 v48, v27;
	v26 =	vadd.f32 v19, v26  }
0x127: {  	v51 =	vor.u32 v4, v16;
	v16 =	vor.u32 v7, v16;
	v22 =	vld.idx.msk [tilespmem:v22+s19+$0x0], $0xffff;
	v9 =	vadd.f32 v9, v29  }
0x128: {  	v38 =	vld.idx.msk [tilespmem:v45+s29+$0x0], $0xffff;
	v52 =	vmul.f32 v23, v23;
	v27 =	vadd.f32 v50, v27;
	v26 =	vadd.f32 v23, v26  }
0x129: {  	[tilespmem:s12+$0x40] =	vst v12;
	v53 =	vor.u32 v4, v17;
	v33 =	vld.idx.msk [tilespmem:v47+s29+$0x0], $0xffff;
	v30 =	vadd.f32 v31, v30  }
0x12a: {  	v18 =	vld.idx.msk [tilespmem:v18+s19+$0x0], $0xffff;
	v54 =	vmul.f32 v9, v9;
	v27 =	vadd.f32 v52, v27;
	v26 =	vadd.f32 v9, v26  }
0x12b: {  	[tilespmem:s12+$0x50] =	vst v13;
	v20 =	vld.idx.msk [tilespmem:v20+s19+$0x0], $0xffff;
	v7 =	vor.u32 v7, v17;
	v21 =	vadd.f32 v21, v34  }
0x12c: {  	v17 =	vld.idx.msk [tilespmem:v49+s29+$0x0], $0xffff;
	v55 =	vmul.f32 v30, v30;
	v27 =	vadd.f32 v54, v27;
	v26 =	vadd.f32 v30, v26  }
0x12d: {  	[tilespmem:s12+$0x60] =	vst v14;
	v16 =	vld.idx.msk [tilespmem:v16+s19+$0x0], $0xffff;
	v22 =	vadd.f32 v22, v38  }
0x12e: {  	v56 =	vmul.f32 v21, v21;
	v29 =	vld.idx.msk [tilespmem:v51+s29+$0x0], $0xffff;
	v27 =	vadd.f32 v55, v27;
	v26 =	vadd.f32 v21, v26  }
0x12f: {  	[tilespmem:s12+$0x70] =	vst v15;
	v11 =	vld.idx.msk [tilespmem:v53+s29+$0x0], $0xffff;
	v18 =	vadd.f32 v18, v33  }
0x130: {  	v7 =	vld.idx.msk [tilespmem:v7+s19+$0x0], $0xffff;
	v57 =	vmul.f32 v22, v22;
	v27 =	vadd.f32 v56, v27;
	v26 =	vadd.f32 v22, v26  }
0x131: {  	[tilespmem:s12+$0xFFFFFF80] =	vst v8;
	s16 =	sadd.s32 $0x100, s12;
	v12 =	vadd.f32 v20, v17  }
0x132: {  	[tilespmem:s16+$0xFFFFFF80] =	vst v10;
	v17 =	vmul.f32 v18, v18;
	v13 =	vadd.f32 v57, v27;
	v20 =	vadd.f32 v18, v26  }
0x133: {  	[tilespmem:s16+$0xFFFFFF90] =	vst v25;
	v14 =	vadd.f32 v16, v29  }
0x134: {  	[tilespmem:s16+$0xFFFFFFA0] =	vst v24;
	v15 =	vmul.f32 v12, v12;
	v13 =	vadd.f32 v17, v13;
	v16 =	vadd.f32 v12, v20  }
0x135: {  	[tilespmem:s16+$0x20] =	vst v21;
	v8 =	vadd.f32 v7, v11  }
0x136: {  	[tilespmem:s16+$0x40] =	vst v18;
	v11 =	vmul.f32 v14, v14;
	v7 =	vadd.f32 v15, v13;
	v13 =	vadd.f32 v14, v16  }
0x137: {  	[tilespmem:s16+$0xFFFFFFB0] =	vst v28  }
0x138: {  	[tilespmem:s16+$0x50] =	vst v12;
	v7 =	vadd.f32 v11, v7;
	v11 =	vmul.f32 v8, v8;
	v13 =	vadd.f32 v8, v13  }
0x139: {  	[tilespmem:s16+$0xFFFFFFC0] =	vst v32  }
0x13a: {  	[tilespmem:s16+$0x0] =	vst v9;
	v11 =	vadd.f32 v11, v7;
	v7 =	vmul.f32 $1.562500000e-02, v13  }
0x13b: {  	[tilespmem:s16+$0x30] =	vst v22  }
0x13c: {  	[tilespmem:s16+$0xFFFFFFD0] =	vst v36;
	v11 =	vmul.f32 $1.562500000e-02, v11;
	v13 =	vmul.f32 v7, v7  }
0x13d: {  	[tilespmem:s16+$0xFFFFFFE0] =	vst v19  }
0x13e: {  	[tilespmem:s16+$0xFFFFFFF0] =	vst v23;
	v9 =	vsub.f32 v11, v13  }
0x13f: {  	[tilespmem:s16+$0x10] =	vst v30  }
0x140: {  	[tilespmem:s16+$0x70] =	vst v8;
	v9 =	vadd.f32 $9.999999740e-06, v9  }
0x141: {  	s17 =	simm.s32 $0x169A0;
	[tilespmem:s16+$0x60] =	vst v14  }
0x142: {  	v10 =	vld [tilespmem:s17+$0x70];
	v11 =	vshra.s32 v9, $0x1;
	v9 =	vmul.f32 $5.000000000e-01, v9  }
0x143: {  	v19 =	vld [tilespmem:s17+$0xFFFFFFF0];
	v11 =	vsub.s32 $0x5F3759DF, v11  }
0x144: {  	v24 =	vld [tilespmem:s17+$0x50];
	v8 =	vmul.f32 v11, v9  }
0x145: {  	s12 =	simm.s32 $0x171A0;
	v25 =	vld [tilespmem:s17+$0xFFFFFF80]  }
0x146: {  	v28 =	vld [tilespmem:s12+$0xFFFFFFA0];
	v8 =	vmul.f32 v11, v8  }
0x147: {  	v58 =	vld [tilespmem:s12+$0xFFFFFFB0]  }
0x148: {  	v59 =	vld [tilespmem:s12+$0xFFFFFFD0];
	v8 =	vsub.f32 $1.500000000e+00, v8  }
0x149: {  	v61 =	vld [tilespmem:s12+$0xFFFFFFE0]  }
0x14a: {  	v21 =	vld [tilespmem:s17+$0x10];
	v8 =	vmul.f32 v11, v8  }
0x14b: {  	v18 =	vld [tilespmem:s17+$0xFFFFFFE0]  }
0x14c: {  	v12 =	vld [tilespmem:s17+$0xFFFFFF90];
	v9 =	vmul.f32 v8, v9  }
0x14d: {  	v17 =	vld [tilespmem:s17+$0xFFFFFFD0]  }
0x14e: {  	v14 =	vld [tilespmem:s17+$0xFFFFFFB0];
	v9 =	vmul.f32 v9, v8  }
0x14f: {  	v15 =	vld [tilespmem:s17+$0xFFFFFFC0]  }
0x150: {  	s22 =	simm.s32 $0xF;
	v13 =	vld [tilespmem:s17+$0xFFFFFFA0];
	v9 =	vsub.f32 $1.500000000e+00, v9  }
0x151: {  	s4 =	simm.s32 $0x0;
	v60 =	vadd.s32 s22, v0;
	v11 =	vld [tilespmem:s12+$0x70]  }
0x152: {  	s22 =	simm.s32 $0x3;
	v63 =	vor.u32 s4, v6;
	s4 =	simm.s32 $0x4;
	v20 =	vld [tilespmem:s17+$0x0];
	v8 =	vmul.f32 v9, v8;
	v9 =	vsub.f32 v10, v7  }
0x153: {  	v49 =	vadd.s32 s22, v0;
	v51 =	vadd.s32 s4, v0;
	v22 =	vld [tilespmem:s17+$0x30];
	v12 =	vsub.f32 v12, v7  }
0x154: {  	v23 =	vld [tilespmem:s17+$0x40];
	v14 =	vsub.f32 v14, v7;
	v17 =	vsub.f32 v17, v7;
	v9 =	vmul.f32 v9, v8  }
0x155: {  	v32 =	vand.u32 $0x3F, v60;
	v47 =	vld [tilespmem:s12+$0x20];
	v18 =	vsub.f32 v18, v7;
	v19 =	vsub.f32 v19, v7  }
0x156: {  	s20 =	simm.s32 $0x175A0;
	s22 =	simm.s32 $0x7;
	v13 =	vsub.f32 v13, v7;
	v9 =	vmul.f32 v9, v11;
	v11 =	vsub.f32 v15, v7;
	v15 =	vld [tilespmem:s17+$0x60]  }
0x157: {  	v42 =	vld [tilespmem:s20+$0xFFFFFF80];
	v54 =	vadd.s32 s22, v0;
	v20 =	vsub.f32 v20, v7;
	v21 =	vsub.f32 v21, v7  }
0x158: {  	v26 =	vld [tilespmem:s12+$0xFFFFFF80];
	v22 =	vsub.f32 v22, v7;
	v12 =	vmul.f32 v12, v8;
	v13 =	vmul.f32 v13, v8  }
0x159: {  	v27 =	vld [tilespmem:s12+$0xFFFFFF90];
	v23 =	vsub.f32 v23, v7;
	v14 =	vmul.f32 v14, v8;
	v17 =	vmul.f32 v17, v8  }
0x15a: {  	v16 =	vld [tilespmem:s20+$0x70];
	v25 =	vsub.f32 v25, v7;
	v18 =	vmul.f32 v18, v8;
	v19 =	vmul.f32 v19, v8  }
0x15b: {  	v45 =	vld [tilespmem:s20+$0xFFFFFF90];
	v20 =	vmul.f32 v20, v8;
	v21 =	vmul.f32 v21, v8;
	v15 =	vsub.f32 v15, v7  }
0x15c: {  	s22 =	simm.s32 $0xB;
	v24 =	vsub.f32 v24, v7;
	v10 =	vld [tilespmem:s17+$0x20];
	v22 =	vmul.f32 v22, v8;
	v25 =	vmul.f32 v25, v8  }
0x15d: {  	s4 =	simm.s32 $0x8;
	v44 =	vadd.s32 s22, v0;
	v23 =	vmul.f32 v23, v8;
	v62 =	vmul.f32 v15, v8;
	v15 =	vld [tilespmem:s12+$0xFFFFFFF0]  }
0x15e: {  	v55 =	vadd.s32 s4, v0;
	v24 =	vmul.f32 v24, v8;
	v25 =	vmul.f32 v25, v26;
	v26 =	vld [tilespmem:s12+$0x0]  }
0x15f: {  	v12 =	vmul.f32 v12, v27;
	v13 =	vmul.f32 v13, v28;
	v16 =	vadd.f32 v9, v16;
	v9 =	vld [tilespmem:s12+$0x10]  }
0x160: {  	v46 =	vld [tilespmem:s20+$0xFFFFFFA0];
	v27 =	vor.u32 v4, v32;
	v14 =	vmul.f32 v14, v58;
	v17 =	vmul.f32 v17, v59  }
0x161: {  	v30 =	vld [tilespmem:s12+$0xFFFFFFC0];
	s17 =	simm.s32 $0x2;
	v18 =	vmul.f32 v18, v61;
	v58 =	vand.u32 $0x3F, v49;
	v59 =	vand.u32 $0x3F, v51  }
0x162: {  	v10 =	vsub.f32 v10, v7;
	v48 =	vadd.s32 s17, v0;
	v19 =	vmul.f32 v19, v15;
	v15 =	vld [tilespmem:s12+$0x40]  }
0x163: {  	s17 =	simm.s32 $0x6;
	v31 =	vor.u32 v4, v58;
	v11 =	vmul.f32 v11, v8;
	v26 =	vmul.f32 v20, v26;
	v20 =	vld [tilespmem:s12+$0x50]  }
0x164: {  	v53 =	vadd.s32 s17, v0;
	v25 =	vadd.f32 v25, v42;
	v41 =	vmul.f32 v21, v9;
	v21 =	vld [tilespmem:s12+$0x60]  }
0x165: {  	s16 =	simm.s32 $0x1;
	s17 =	simm.s32 $0xA;
	v12 =	vadd.f32 v12, v45;
	v13 =	vadd.f32 v13, v46;
	v10 =	vmul.f32 v10, v8  }
0x166: {  	v50 =	vld [tilespmem:s12+$0x30];
	v43 =	vadd.s32 s17, v0;
	v28 =	vmul.f32 v11, v30;
	v11 =	vadd.s32 s16, v0  }
0x167: {  	v30 =	vmul.f32 v10, v47;
	v11 =	vand.u32 $0x3F, v11;
	v10 =	vmul.f32 v23, v15  }
0x168: {  	s17 =	simm.s32 $0xD;
	v23 =	vor.u32 v4, v11;
	v11 =	vand.u32 $0x3F, v48;
	v15 =	vmul.f32 v24, v20;
	v20 =	vld [tilespmem:s20+$0xFFFFFFB0]  }
0x169: {  	s22 =	simm.s32 $0xE;
	s16 =	simm.s32 $0x5;
	v57 =	vadd.s32 s17, v0;
	v24 =	vor.u32 v4, v11;
	v11 =	vmul.f32 v62, v21;
	v21 =	vld [tilespmem:s20+$0xFFFFFFC0]  }
0x16a: {  	v60 =	vld [tilespmem:s20+$0xFFFFFFD0];
	v52 =	vadd.s32 s16, v0;
	s16 =	simm.s32 $0x9;
	v47 =	vadd.s32 s22, v0;
	[tilespmem:v27+s26+$0x0] =	vst.idx.msk $0xffff, v16;
	v16 =	vor.u32 v4, v59  }
0x16b: {  	v61 =	vld [tilespmem:s20+$0xFFFFFFE0];
	v56 =	vadd.s32 s16, v0;
	s16 =	simm.s32 $0xC;
	v27 =	vand.u32 $0x3F, v52;
	v9 =	vmul.f32 v22, v50  }
0x16c: {  	[tilespmem:v63+s26+$0x0] =	vst.idx.msk $0xffff, v25;
	v22 =	vadd.s32 s16, v0;
	v25 =	vor.u32 v4, v27;
	v27 =	vand.u32 $0x3F, v53;
	v62 =	vld [tilespmem:s20+$0xFFFFFFF0]  }
0x16d: {  	[tilespmem:v23+s26+$0x0] =	vst.idx.msk $0xffff, v12;
	v12 =	vadd.f32 v14, v20;
	v14 =	vor.u32 v4, v27;
	v20 =	vand.u32 $0x3F, v54;
	v23 =	vld [tilespmem:s20+$0x0]  }
0x16e: {  	v27 =	vld [tilespmem:s20+$0x10];
	[tilespmem:v24+s26+$0x0] =	vst.idx.msk $0xffff, v13;
	v13 =	vadd.f32 v28, v21;
	v24 =	vor.u32 v4, v20;
	v20 =	vand.u32 $0x38, v55  }
0x16f: {  	v63 =	vld [tilespmem:s20+$0x20];
	[tilespmem:v31+s26+$0x0] =	vst.idx.msk $0xffff, v12;
	v12 =	vadd.f32 v17, v60;
	v17 =	vor.u32 v20, v5;
	v20 =	vand.u32 $0x3F, v56  }
0x170: {  	[tilespmem:v16+s26+$0x0] =	vst.idx.msk $0xffff, v13;
	v16 =	vadd.f32 v18, v61;
	v13 =	vor.u32 v4, v20;
	v18 =	vand.u32 $0x3F, v43;
	v20 =	vld [tilespmem:s20+$0x30]  }
0x171: {  	v19 =	vadd.f32 v19, v62;
	v21 =	vld [tilespmem:s20+$0x40];
	[tilespmem:v25+s26+$0x0] =	vst.idx.msk $0xffff, v12;
	v12 =	vor.u32 v4, v18;
	v18 =	vand.u32 $0x3F, v44  }
0x172: {  	[tilespmem:v14+s26+$0x0] =	vst.idx.msk $0xffff, v16;
	v25 =	vadd.f32 v26, v23;
	v14 =	vor.u32 v4, v18;
	v16 =	vand.u32 $0x3F, v22;
	v23 =	vld [tilespmem:s20+$0x50]  }
0x173: {  	s22 =	simm.s32 $0x16AA0;
	v18 =	vadd.f32 v41, v27;
	v26 =	vand.u32 $0x3F, v57;
	v22 =	vld [tilespmem:s20+$0x60];
	[tilespmem:v24+s26+$0x0] =	vst.idx.msk $0xffff, v19;
	v16 =	vor.u32 v4, v16  }
0x174: {  	s3 =	simm.s32 $0x10;
	s4 =	simm.s32 $0x20;
	v24 =	vld [tilespmem:s22+$0x70];
	v19 =	vadd.f32 v30, v63;
	[tilespmem:v17+s26+$0x0] =	vst.idx.msk $0xffff, v25;
	v17 =	vor.u32 v4, v26;
	v25 =	vand.u32 $0x3F, v47  }
.LBB2_10:
0x175: {  	p0 =	slt.u32 s4, $0x30;
	v26 =	vld [tilespmem:s22+$0xFFFFFF90];
	[tilespmem:v13+s26+$0x0] =	vst.idx.msk $0xffff, v18;
	v9 =	vadd.f32 v9, v20;
	v13 =	vor.u32 v4, v25  }
0x176: {  	v18 =	vld [tilespmem:s22+$0xFFFFFFA0];
	[tilespmem:v12+s26+$0x0] =	vst.idx.msk $0xffff, v19;
	v10 =	vadd.f32 v10, v21  }
0x177: {  	s12 =	sadd.s32 $0x100, s12;
	v12 =	vld [tilespmem:s22+$0xFFFFFFB0];
	[tilespmem:v14+s26+$0x0] =	vst.idx.msk $0xffff, v9;
	v9 =	vadd.f32 v15, v23  }
0x178: {  	v14 =	vld [tilespmem:s12+$0x70];
	[tilespmem:v16+s26+$0x0] =	vst.idx.msk $0xffff, v10;
	v10 =	vadd.f32 v11, v22  }
0x179: {  	s16 =	sadd.s32 $0xF, s3;
	s20 =	sadd.s32 $0x100, s20;
	v11 =	vld [tilespmem:s22+$0xFFFFFFC0];
	v15 =	vsub.f32 v24, v7;
	[tilespmem:v17+s26+$0x0] =	vst.idx.msk $0xffff, v9  }
0x17a: {  	v16 =	vadd.s32 s16, v0;
	v9 =	vsub.f32 v26, v7;
	v17 =	vld [tilespmem:s20+$0x70];
	[tilespmem:v13+s26+$0x0] =	vst.idx.msk $0xffff, v10  }
0x17b: {  	v16 =	vand.u32 $0x3F, v16;
	v10 =	vsub.f32 v18, v7;
	v13 =	vld [tilespmem:s22+$0xFFFFFFD0];
	v15 =	vmul.f32 v15, v8  }
0x17c: {  	v16 =	vor.u32 v4, v16;
	v9 =	vmul.f32 v9, v8;
	v12 =	vsub.f32 v12, v7;
	v18 =	vld [tilespmem:s22+$0xFFFFFFE0]  }
0x17d: {  	v10 =	vmul.f32 v10, v8;
	v19 =	vld [tilespmem:s22+$0xFFFFFFF0];
	v14 =	vmul.f32 v15, v14  }
0x17e: {  	v12 =	vmul.f32 v12, v8;
	v11 =	vsub.f32 v11, v7;
	v15 =	vld [tilespmem:s22+$0x0]  }
0x17f: {  	v20 =	vld [tilespmem:s22+$0x10];
	v14 =	vadd.f32 v14, v17  }
0x180: {  	v11 =	vmul.f32 v11, v8;
	v13 =	vsub.f32 v13, v7;
	v17 =	vld [tilespmem:s22+$0x20]  }
0x181: {  	v18 =	vsub.f32 v18, v7;
	v21 =	vld [tilespmem:s22+$0x30];
	[tilespmem:v16+s26+$0x0] =	vst.idx.msk $0xffff, v14  }
0x182: {  	v13 =	vmul.f32 v13, v8;
	v14 =	vsub.f32 v19, v7;
	v16 =	vld [tilespmem:s22+$0x40]  }
0x183: {  	v18 =	vmul.f32 v18, v8;
	v15 =	vsub.f32 v15, v7;
	v19 =	vld [tilespmem:s22+$0x50]  }
0x184: {  	v14 =	vmul.f32 v14, v8;
	v20 =	vsub.f32 v20, v7;
	v22 =	vld [tilespmem:s22+$0x60]  }
0x185: {  	v23 =	vld [tilespmem:s22+$0xFFFFFF80];
	v15 =	vmul.f32 v15, v8;
	v17 =	vsub.f32 v17, v7  }
0x186: {  	v24 =	vld [tilespmem:s12+$0xFFFFFF80];
	v20 =	vmul.f32 v20, v8;
	v21 =	vsub.f32 v21, v7  }
0x187: {  	v25 =	vld [tilespmem:s12+$0xFFFFFF90];
	v17 =	vmul.f32 v17, v8;
	v16 =	vsub.f32 v16, v7  }
0x188: {  	v26 =	vld [tilespmem:s12+$0xFFFFFFA0];
	v21 =	vmul.f32 v21, v8;
	v19 =	vsub.f32 v19, v7  }
0x189: {  	v27 =	vld [tilespmem:s12+$0xFFFFFFB0];
	v16 =	vmul.f32 v16, v8;
	v22 =	vsub.f32 v22, v7  }
0x18a: {  	v23 =	vsub.f32 v23, v7;
	v28 =	vld [tilespmem:s12+$0xFFFFFFC0];
	v19 =	vmul.f32 v19, v8  }
0x18b: {  	v29 =	vld [tilespmem:s12+$0xFFFFFFD0];
	v22 =	vmul.f32 v22, v8  }
0x18c: {  	v23 =	vmul.f32 v23, v8;
	v25 =	vmul.f32 v9, v25;
	v9 =	vld [tilespmem:s12+$0xFFFFFFE0]  }
0x18d: {  	v26 =	vmul.f32 v10, v26;
	v10 =	vld [tilespmem:s12+$0xFFFFFFF0]  }
0x18e: {  	v23 =	vmul.f32 v23, v24;
	v12 =	vmul.f32 v12, v27;
	v24 =	vld [tilespmem:s12+$0x0]  }
0x18f: {  	s16 =	sadd.s32 $0x1, s3;
	v27 =	vmul.f32 v11, v28;
	v11 =	vld [tilespmem:s12+$0x10]  }
0x190: {  	s17 =	sadd.s32 $0x3, s3;
	v30 =	vadd.s32 s16, v0;
	s16 =	sadd.s32 $0x2, s3;
	v28 =	vor.u32 s3, v6;
	v13 =	vmul.f32 v13, v29;
	v29 =	vld [tilespmem:s12+$0x20]  }
0x191: {  	v32 =	vadd.s32 s17, v0;
	s17 =	sadd.s32 $0x5, s3;
	v31 =	vadd.s32 s16, v0;
	s16 =	sadd.s32 $0x4, s3;
	v18 =	vmul.f32 v18, v9;
	v9 =	vld [tilespmem:s12+$0x30]  }
0x192: {  	v34 =	vadd.s32 s17, v0;
	s17 =	sadd.s32 $0x7, s3;
	v33 =	vadd.s32 s16, v0;
	s16 =	sadd.s32 $0x6, s3;
	v14 =	vmul.f32 v14, v10;
	v10 =	vld [tilespmem:s12+$0x40]  }
0x193: {  	v36 =	vadd.s32 s17, v0;
	s17 =	sadd.s32 $0x9, s3;
	v35 =	vadd.s32 s16, v0;
	s16 =	sadd.s32 $0x8, s3;
	v24 =	vmul.f32 v15, v24;
	v15 =	vld [tilespmem:s12+$0x50]  }
0x194: {  	v38 =	vadd.s32 s17, v0;
	s17 =	sadd.s32 $0xB, s3;
	v37 =	vadd.s32 s16, v0;
	s16 =	sadd.s32 $0xA, s3;
	v39 =	vmul.f32 v20, v11;
	v11 =	vld [tilespmem:s12+$0x60]  }
0x195: {  	v40 =	vadd.s32 s16, v0;
	s16 =	sadd.s32 $0xC, s3;
	v20 =	vld [tilespmem:s20+$0xFFFFFF80];
	v17 =	vmul.f32 v17, v29;
	v29 =	vadd.s32 s17, v0;
	s17 =	sadd.s32 $0xD, s3  }
0x196: {  	v42 =	vadd.s32 s16, v0;
	s16 =	sadd.s32 $0xE, s3;
	s3 =	smov.u32 s4;
	v41 =	vld [tilespmem:s20+$0xFFFFFF90];
	v9 =	vmul.f32 v21, v9;
	v43 =	vadd.s32 s17, v0  }
0x197: {  	v44 =	vadd.s32 s16, v0;
	v21 =	vand.u32 $0x3F, v30;
	v30 =	vld [tilespmem:s20+$0xFFFFFFA0];
	v10 =	vmul.f32 v16, v10  }
0x198: {  	v16 =	vor.u32 v4, v21;
	v21 =	vand.u32 $0x3F, v31;
	v31 =	vld [tilespmem:s20+$0xFFFFFFB0];
	v15 =	vmul.f32 v19, v15  }
0x199: {  	v19 =	vor.u32 v4, v21;
	v21 =	vand.u32 $0x3F, v32;
	v32 =	vld [tilespmem:s20+$0xFFFFFFC0];
	v11 =	vmul.f32 v22, v11  }
0x19a: {  	v21 =	vor.u32 v4, v21;
	v22 =	vand.u32 $0x3F, v33;
	v20 =	vadd.f32 v23, v20;
	v23 =	vld [tilespmem:s20+$0xFFFFFFD0]  }
0x19b: {  	v33 =	vand.u32 $0x3F, v34;
	v22 =	vor.u32 v4, v22;
	v25 =	vadd.f32 v25, v41;
	v34 =	vld [tilespmem:s20+$0xFFFFFFE0]  }
0x19c: {  	[tilespmem:v28+s26+$0x0] =	vst.idx.msk $0xffff, v20;
	v20 =	vadd.f32 v26, v30;
	v26 =	vor.u32 v4, v33;
	v28 =	vand.u32 $0x3F, v35;
	v30 =	vld [tilespmem:s20+$0xFFFFFFF0]  }
0x19d: {  	[tilespmem:v16+s26+$0x0] =	vst.idx.msk $0xffff, v25;
	v12 =	vadd.f32 v12, v31;
	v16 =	vor.u32 v4, v28;
	v25 =	vand.u32 $0x3F, v36;
	v28 =	vld [tilespmem:s20+$0x0]  }
0x19e: {  	[tilespmem:v19+s26+$0x0] =	vst.idx.msk $0xffff, v20;
	v19 =	vadd.f32 v27, v32;
	v25 =	vor.u32 v4, v25;
	v20 =	vand.u32 $0x38, v37;
	v27 =	vld [tilespmem:s20+$0x10]  }
0x19f: {  	[tilespmem:v21+s26+$0x0] =	vst.idx.msk $0xffff, v12;
	v12 =	vadd.f32 v13, v23;
	v31 =	vor.u32 v20, v5;
	v13 =	vand.u32 $0x3F, v38;
	v32 =	vld [tilespmem:s20+$0x20]  }
.Ltmp3:
0x1a0: {  	[tilespmem:v22+s26+$0x0] =	vst.idx.msk $0xffff, v19;
	v18 =	vadd.f32 v18, v34;
	v13 =	vor.u32 v4, v13;
	v19 =	vand.u32 $0x3F, v40;
	v20 =	vld [tilespmem:s20+$0x30];
	(pc) =	sbr.rel @p0 .LBB2_10-.Ltmp3, $4  }
0x1a1: {  	[tilespmem:v26+s26+$0x0] =	vst.idx.msk $0xffff, v12;
	v22 =	vadd.f32 v14, v30;
	v12 =	vor.u32 v4, v19;
	v14 =	vand.u32 $0x3F, v29;
	v21 =	vld [tilespmem:s20+$0x40]  }
0x1a2: {  	[tilespmem:v16+s26+$0x0] =	vst.idx.msk $0xffff, v18;
	v19 =	vadd.f32 v24, v28;
	v14 =	vor.u32 v4, v14;
	v16 =	vand.u32 $0x3F, v42;
	v23 =	vld [tilespmem:s20+$0x50]  }
0x1a3: {  	s22 =	sadd.s32 $0x100, s22;
	[tilespmem:v25+s26+$0x0] =	vst.idx.msk $0xffff, v22;
	v18 =	vadd.f32 v39, v27;
	v16 =	vor.u32 v4, v16;
	v25 =	vand.u32 $0x3F, v43;
	v22 =	vld [tilespmem:s20+$0x60]  }
0x1a4: {  	s4 =	sadd.s32 $0x10, s4;
	v24 =	vld [tilespmem:s22+$0x70];
	[tilespmem:v31+s26+$0x0] =	vst.idx.msk $0xffff, v19;
	v19 =	vadd.f32 v17, v32;
	v17 =	vor.u32 v4, v25;
	v25 =	vand.u32 $0x3F, v44  }
0x1a5: {  	v26 =	vld [tilespmem:s22+$0xFFFFFF90]  }
0x1a6: {  	v27 =	vld [tilespmem:s22+$0xFFFFFFA0]  }
0x1a7: {  	v28 =	vld [tilespmem:s22+$0xFFFFFFB0]  }
0x1a8: {  	v30 =	vld [tilespmem:s22+$0xFFFFFFC0]  }
0x1a9: {  	v32 =	vld [tilespmem:s22+$0xFFFFFFD0]  }
0x1aa: {  	v33 =	vld [tilespmem:s22+$0xFFFFFFE0]  }
0x1ab: {  	v34 =	vld [tilespmem:s22+$0xFFFFFFF0]  }
0x1ac: {  	v35 =	vld [tilespmem:s22+$0x0]  }
0x1ad: {  	v36 =	vld [tilespmem:s22+$0x10]  }
0x1ae: {  	v9 =	vadd.f32 v9, v20;
	v20 =	vld [tilespmem:s22+$0x20]  }
0x1af: {  	v37 =	vld [tilespmem:s22+$0x60]  }
0x1b0: {  	s12 =	sadd.s32 $0x100, s12;
	v53 =	vld [tilespmem:s22+$0xFFFFFF80]  }
0x1b1: {  	s4 =	sadd.s32 $0x100, s20;
	s16 =	sadd.s32 $0xF, s3;
	v29 =	vld [tilespmem:s12+$0x70]  }
0x1b2: {  	s20 =	sadd.s32 $0x1, s3;
	v6 =	vor.u32 s3, v6;
	s17 =	sadd.s32 $0x3, s3;
	v31 =	vld [tilespmem:s4+$0x70];
	v10 =	vadd.f32 v10, v21;
	v43 =	vadd.s32 s16, v0  }
0x1b3: {  	v38 =	vld [tilespmem:s12+$0xFFFFFF80];
	v56 =	vadd.s32 s20, v0;
	v59 =	vadd.s32 s17, v0;
	s20 =	sadd.s32 $0x4, s3;
	s17 =	sadd.s32 $0x8, s3;
	v15 =	vadd.f32 v15, v23  }
0x1b4: {  	v39 =	vld [tilespmem:s12+$0xFFFFFF90];
	[tilespmem:v12+s26+$0x0] =	vst.idx.msk $0xffff, v19;
	v43 =	vand.u32 $0x3F, v43;
	v61 =	vadd.s32 s20, v0;
	v63 =	vadd.s32 s17, v0  }
0x1b5: {  	v40 =	vld [tilespmem:s12+$0xFFFFFFA0];
	s16 =	sadd.s32 $0xE, s3;
	s20 =	sadd.s32 $0x6, s3;
	s17 =	sadd.s32 $0xB, s3;
	[tilespmem:v14+s26+$0x0] =	vst.idx.msk $0xffff, v9;
	v14 =	vand.u32 $0x3F, v56;
	v11 =	vadd.f32 v11, v22;
	v43 =	vor.u32 v4, v43  }
0x1b6: {  	v62 =	vadd.s32 s20, v0;
	v12 =	vadd.s32 s17, v0;
	[tilespmem:v16+s26+$0x0] =	vst.idx.msk $0xffff, v10;
	v10 =	vadd.s32 s16, v0  }
0x1b7: {  	v41 =	vld [tilespmem:s12+$0xFFFFFFB0];
	v21 =	vsub.f32 v24, v7;
	v24 =	vor.u32 v4, v25;
	v25 =	vsub.f32 v26, v7  }
0x1b8: {  	v42 =	vld [tilespmem:s12+$0xFFFFFFC0];
	s20 =	sadd.s32 $0x9, s3;
	v14 =	vor.u32 v4, v14;
	v26 =	vsub.f32 v27, v7;
	v22 =	vsub.f32 v28, v7  }
0x1b9: {  	v54 =	vld [tilespmem:s12+$0xFFFFFFD0];
	v49 =	vadd.s32 s20, v0;
	v30 =	vsub.f32 v30, v7;
	v33 =	vsub.f32 v33, v7  }
0x1ba: {  	v23 =	vld [tilespmem:s22+$0x30];
	[tilespmem:v17+s26+$0x0] =	vst.idx.msk $0xffff, v15;
	v17 =	vand.u32 $0x3F, v59;
	v34 =	vsub.f32 v34, v7;
	v35 =	vsub.f32 v35, v7  }
0x1bb: {  	v44 =	vld [tilespmem:s12+$0xFFFFFFE0];
	v36 =	vsub.f32 v36, v7;
	v21 =	vmul.f32 v21, v8;
	v25 =	vmul.f32 v25, v8  }
0x1bc: {  	v27 =	vld [tilespmem:s22+$0x40];
	v20 =	vsub.f32 v20, v7;
	v26 =	vmul.f32 v26, v8;
	v22 =	vmul.f32 v22, v8  }
0x1bd: {  	v28 =	vld [tilespmem:s22+$0x50];
	v37 =	vsub.f32 v37, v7;
	s22 =	sadd.s32 $0x2, s3;
	v30 =	vmul.f32 v30, v8;
	v33 =	vmul.f32 v33, v8  }
0x1be: {  	v55 =	vld [tilespmem:s12+$0x0];
	v58 =	vadd.s32 s22, v0;
	v34 =	vmul.f32 v34, v8;
	v35 =	vmul.f32 v35, v8  }
0x1bf: {  	v57 =	vld [tilespmem:s12+$0x20];
	s22 =	sadd.s32 $0x5, s3;
	v36 =	vmul.f32 v36, v8;
	v23 =	vsub.f32 v23, v7;
	v20 =	vmul.f32 v20, v8  }
0x1c0: {  	v60 =	vld [tilespmem:s12+$0x30];
	v37 =	vmul.f32 v37, v8;
	v45 =	vadd.s32 s22, v0;
	v16 =	vand.u32 $0x3F, v58  }
0x1c1: {  	v46 =	vld [tilespmem:s12+$0x40];
	s22 =	sadd.s32 $0x7, s3;
	v21 =	vmul.f32 v21, v29;
	v29 =	vsub.f32 v32, v7;
	v23 =	vmul.f32 v23, v8  }
0x1c2: {  	[tilespmem:v13+s26+$0x0] =	vst.idx.msk $0xffff, v18;
	v48 =	vld [tilespmem:s12+$0x50];
	v47 =	vadd.s32 s22, v0;
	v25 =	vmul.f32 v25, v39;
	v26 =	vmul.f32 v26, v40  }
0x1c3: {  	v50 =	vld [tilespmem:s12+$0x60];
	v16 =	vor.u32 v4, v16;
	v22 =	vmul.f32 v22, v41;
	v30 =	vmul.f32 v30, v42  }
0x1c4: {  	v18 =	vld [tilespmem:s4+$0xFFFFFF80];
	v33 =	vmul.f32 v33, v44;
	v35 =	vmul.f32 v35, v55;
	v27 =	vsub.f32 v27, v7  }
0x1c5: {  	v19 =	vld [tilespmem:s4+$0xFFFFFF90];
	v20 =	vmul.f32 v20, v57;
	v28 =	vsub.f32 v28, v7;
	v7 =	vsub.f32 v53, v7  }
0x1c6: {  	s20 =	sadd.s32 $0xC, s3;
	v29 =	vmul.f32 v29, v8;
	v21 =	vadd.f32 v21, v31;
	v31 =	vld [tilespmem:s12+$0x10];
	v27 =	vmul.f32 v27, v8  }
0x1c7: {  	v40 =	vadd.s32 s20, v0;
	v28 =	vmul.f32 v28, v8;
	v7 =	vmul.f32 v7, v8;
	v8 =	vld [tilespmem:s12+$0xFFFFFFF0]  }
0x1c8: {  	v42 =	vld [tilespmem:s4+$0xFFFFFFA0];
	[tilespmem:v24+s26+$0x0] =	vst.idx.msk $0xffff, v11;
	v11 =	vor.u32 v4, v17;
	v17 =	vand.u32 $0x3F, v61;
	v23 =	vmul.f32 v23, v60  }
0x1c9: {  	v17 =	vor.u32 v4, v17;
	v7 =	vmul.f32 v7, v38;
	v27 =	vmul.f32 v27, v46;
	v46 =	vld [tilespmem:s4+$0xFFFFFFB0]  }
0x1ca: {  	s22 =	sadd.s32 $0xA, s3;
	v19 =	vadd.f32 v25, v19;
	v29 =	vmul.f32 v29, v54;
	v15 =	vmul.f32 v28, v48;
	v28 =	vld [tilespmem:s4+$0xFFFFFFC0]  }
0x1cb: {  	v13 =	vmul.f32 v36, v31;
	v31 =	vadd.s32 s22, v0;
	s22 =	sadd.s32 $0xD, s3;
	v7 =	vadd.f32 v7, v18;
	v18 =	vld [tilespmem:s4+$0xFFFFFFD0]  }
0x1cc: {  	v24 =	vld [tilespmem:s4+$0xFFFFFFE0];
	[tilespmem:v43+s26+$0x0] =	vst.idx.msk $0xffff, v21;
	v21 =	vand.u32 $0x3F, v45;
	v9 =	vadd.s32 s22, v0;
	v8 =	vmul.f32 v34, v8  }
0x1cd: {  	v25 =	vld [tilespmem:s4+$0xFFFFFFF0];
	[tilespmem:v6+s26+$0x0] =	vst.idx.msk $0xffff, v7;
	v6 =	vadd.f32 v26, v42;
	v7 =	vor.u32 v4, v21;
	v21 =	vand.u32 $0x3F, v62  }
0x1ce: {  	[tilespmem:v14+s26+$0x0] =	vst.idx.msk $0xffff, v19;
	v14 =	vadd.f32 v22, v46;
	v19 =	vor.u32 v4, v21;
	v21 =	vand.u32 $0x3F, v47;
	v22 =	vld [tilespmem:s4+$0x0]  }
0x1cf: {  	v26 =	vld [tilespmem:s4+$0x10];
	[tilespmem:v16+s26+$0x0] =	vst.idx.msk $0xffff, v6;
	v6 =	vadd.f32 v30, v28;
	v16 =	vor.u32 v4, v21;
	v21 =	vand.u32 $0x38, v63  }
0x1d0: {  	[tilespmem:v11+s26+$0x0] =	vst.idx.msk $0xffff, v14;
	v11 =	vadd.f32 v29, v18;
	v5 =	vor.u32 v21, v5;
	v14 =	vand.u32 $0x3F, v49;
	v18 =	vld [tilespmem:s4+$0x20]  }
0x1d1: {  	v21 =	vld [tilespmem:s4+$0x30];
	[tilespmem:v17+s26+$0x0] =	vst.idx.msk $0xffff, v6;
	v6 =	vadd.f32 v33, v24;
	v14 =	vor.u32 v4, v14;
	v17 =	vand.u32 $0x3F, v31  }
0x1d2: {  	[tilespmem:v7+s26+$0x0] =	vst.idx.msk $0xffff, v11;
	v7 =	vadd.f32 v8, v25;
	v8 =	vor.u32 v4, v17;
	v11 =	vand.u32 $0x3F, v12;
	v12 =	vld [tilespmem:s4+$0x40]  }
0x1d3: {  	v17 =	vand.u32 $0x3F, v40;
	[tilespmem:v19+s26+$0x0] =	vst.idx.msk $0xffff, v6;
	v6 =	vadd.f32 v35, v22;
	v11 =	vor.u32 v4, v11;
	v19 =	vld [tilespmem:s4+$0x50]  }
0x1d4: {  	v9 =	vand.u32 $0x3F, v9;
	[tilespmem:v16+s26+$0x0] =	vst.idx.msk $0xffff, v7;
	v7 =	vadd.f32 v13, v26;
	v13 =	vor.u32 v4, v17;
	v16 =	vld [tilespmem:s4+$0x60]  }
0x1d5: {  	[tilespmem:v5+s26+$0x0] =	vst.idx.msk $0xffff, v6;
	v5 =	vadd.f32 v20, v18;
	v6 =	vor.u32 v4, v9;
	v9 =	vand.u32 $0x3F, v10  }
0x1d6: {  	[tilespmem:v14+s26+$0x0] =	vst.idx.msk $0xffff, v7;
	v7 =	vadd.f32 v23, v21;
	v4 =	vor.u32 v4, v9  }
0x1d7: {  	v9 =	vmul.f32 v37, v50;
	[tilespmem:v8+s26+$0x0] =	vst.idx.msk $0xffff, v5;
	v5 =	vadd.f32 v27, v12  }
0x1d8: {  	[tilespmem:v11+s26+$0x0] =	vst.idx.msk $0xffff, v7;
	v7 =	vadd.f32 v15, v19  }
0x1d9: {  	[tilespmem:v13+s26+$0x0] =	vst.idx.msk $0xffff, v5;
	v5 =	vadd.f32 v9, v16  }
0x1da: {  	s17 =	sor.u32 $0x10, s28;
	[tilespmem:v6+s26+$0x0] =	vst.idx.msk $0xffff, v7  }
0x1db: {  	[tilespmem:v4+s26+$0x0] =	vst.idx.msk $0xffff, v5;
	v4 =	vor.u32 s17, v3  }
0x1dc: {  	v5 =	vmulhi.u32 $0x51EB851F, v4;
	v6 =	vld [tilespmem:s28+$0x210];
	_ =	sdelay $0x1  }
0x1dd: {  	v5 =	vshrl.u32 v5, $0x6  }
0x1de: {  	v7 =	vmov s17;
	s17 =	simm.s32 $0x1;
	s28 =	simm.s32 $0x2;
	v5 =	vmul.u32 $0xC8, v5  }
0x1df: {  	v16 =	vadd.s32 s17, v0;
	v14 =	vadd.s32 s28, v0  }
0x1e0: {  	v4 =	vsub.s32 v4, v5;
	v5 =	vmul.u32 $0x3200, v6;
	v6 =	vshll.u32 v7, $0x6  }
0x1e1: {  	s12 =	simm.s32 $0xB;
	v14 =	vand.u32 $0x3F, v14;
	v7 =	vshll.u32 v4, $0x6;
	v4 =	vor.u32 v1, v6  }
0x1e2: {  	v22 =	vadd.s32 s12, v0;
	s12 =	simm.s32 $0x5;
	v16 =	vand.u32 $0x3F, v16;
	v18 =	vor.u32 v4, v14  }
0x1e3: {  	s20 =	simm.s32 $0x0;
	v30 =	vadd.s32 s12, v0;
	v6 =	vor.u32 v0, v4;
	v21 =	vor.u32 v4, v16  }
0x1e4: {  	s16 =	simm.s32 $0xF;
	v22 =	vand.u32 $0x3F, v22;
	v7 =	vadd.s32 v7, v5;
	v8 =	vor.u32 s20, v6  }
0x1e5: {  	v30 =	vand.u32 $0x3F, v30;
	v15 =	vadd.s32 s16, v0;
	s16 =	simm.s32 $0x3;
	v16 =	vor.u32 v7, v16  }
0x1e6: {  	s22 =	simm.s32 $0xE;
	v23 =	vadd.s32 s16, v0;
	v10 =	vor.u32 v0, v7;
	v14 =	vor.u32 v7, v14  }
0x1e7: {  	v13 =	vadd.s32 s22, v0;
	s22 =	simm.s32 $0xD;
	v23 =	vand.u32 $0x3F, v23;
	v12 =	vor.u32 s20, v10;
	v18 =	vld.idx.msk [tilespmem:v18+s29+$0x0], $0xffff  }
0x1e8: {  	v11 =	vimm.f32 $0.0e+00;
	s16 =	simm.s32 $0x6;
	v19 =	vadd.s32 s22, v0;
	v25 =	vor.u32 v4, v23;
	v21 =	vld.idx.msk [tilespmem:v21+s29+$0x0], $0xffff  }
0x1e9: {  	s22 =	simm.s32 $0x8;
	v31 =	vadd.s32 s16, v0;
	v13 =	vand.u32 $0x3F, v13;
	v23 =	vor.u32 v7, v23;
	s20 =	simm.s32 $0xC;
	v8 =	vld.idx.msk [tilespmem:v8+s29+$0x0], $0xffff  }
0x1ea: {  	v27 =	vadd.s32 s22, v0;
	v47 =	vor.u32 v4, v30;
	v17 =	vadd.s32 s20, v0;
	s20 =	simm.s32 $0x4;
	v16 =	vld.idx.msk [tilespmem:v16+s19+$0x0], $0xffff  }
0x1eb: {  	v19 =	vand.u32 $0x3F, v19;
	v30 =	vor.u32 v7, v30;
	v26 =	vadd.s32 s20, v0;
	v14 =	vld.idx.msk [tilespmem:v14+s19+$0x0], $0xffff  }
0x1ec: {  	v31 =	vand.u32 $0x3F, v31;
	s17 =	simm.s32 $0x9;
	v27 =	vand.u32 $0x38, v27;
	s28 =	simm.s32 $0xA;
	v26 =	vand.u32 $0x3F, v26;
	v12 =	vld.idx.msk [tilespmem:v12+s19+$0x0], $0xffff  }
0x1ed: {  	v24 =	vadd.s32 s17, v0;
	v20 =	vadd.s32 s28, v0;
	s28 =	simm.s32 $0x7;
	v25 =	vld.idx.msk [tilespmem:v25+s29+$0x0], $0xffff;
	v29 =	vor.u32 v4, v26  }
0x1ee: {  	v24 =	vand.u32 $0x3F, v24;
	v28 =	vadd.s32 s28, v0;
	v26 =	vor.u32 v7, v26;
	v23 =	vld.idx.msk [tilespmem:v23+s19+$0x0], $0xffff  }
0x1ef: {  	v5 =	vor.u32 v2, v4;
	v48 =	vor.u32 v4, v31;
	v16 =	vadd.f32 v16, v21;
	v21 =	vld.idx.msk [tilespmem:v47+s29+$0x0], $0xffff  }
0x1f0: {  	v9 =	vor.u32 v2, v7;
	v14 =	vadd.f32 v14, v18;
	v18 =	vld.idx.msk [tilespmem:v30+s19+$0x0], $0xffff;
	v30 =	vor.u32 v27, v5  }
0x1f1: {  	v20 =	vand.u32 $0x3F, v20;
	v27 =	vor.u32 v27, v9;
	v8 =	vadd.f32 v12, v8  }
0x1f2: {  	v28 =	vand.u32 $0x3F, v28;
	v57 =	vor.u32 v7, v19;
	v12 =	vld.idx.msk [tilespmem:v29+s29+$0x0], $0xffff;
	v29 =	vor.u32 v7, v31  }
0x1f3: {  	v26 =	vld.idx.msk [tilespmem:v26+s19+$0x0], $0xffff;
	v25 =	vadd.f32 v23, v25;
	v31 =	vor.u32 v4, v28;
	v49 =	vmul.f32 v8, v8  }
0x1f4: {  	v33 =	vld.idx.msk [tilespmem:v48+s29+$0x0], $0xffff;
	v28 =	vor.u32 v7, v28;
	v51 =	vmul.f32 v16, v16;
	v50 =	vadd.f32 v8, v11  }
0x1f5: {  	v11 =	vadd.f32 v49, v11;
	v30 =	vld.idx.msk [tilespmem:v30+s29+$0x0], $0xffff;
	v54 =	vadd.f32 v18, v21;
	v21 =	vor.u32 v4, v22  }
0x1f6: {  	v52 =	vmul.f32 v14, v14;
	v32 =	vadd.f32 v16, v50;
	v18 =	vld.idx.msk [tilespmem:v27+s19+$0x0], $0xffff;
	v22 =	vor.u32 v7, v22  }
0x1f7: {  	v53 =	vmul.f32 v25, v25;
	v23 =	vld.idx.msk [tilespmem:v29+s19+$0x0], $0xffff;
	v29 =	vor.u32 v4, v24;
	v11 =	vadd.f32 v51, v11  }
0x1f8: {  	v24 =	vor.u32 v7, v24;
	v31 =	vld.idx.msk [tilespmem:v31+s29+$0x0], $0xffff;
	v26 =	vadd.f32 v26, v12;
	v32 =	vadd.f32 v14, v32  }
0x1f9: {  	v12 =	vld.idx.msk [tilespmem:v28+s19+$0x0], $0xffff;
	v28 =	vor.u32 v4, v20;
	v20 =	vor.u32 v7, v20;
	v11 =	vadd.f32 v52, v11  }
0x1fa: {  	v17 =	vand.u32 $0x3F, v17;
	v55 =	vmul.f32 v26, v26;
	v27 =	vadd.f32 v25, v32;
	v21 =	vld.idx.msk [tilespmem:v21+s29+$0x0], $0xffff  }
0x1fb: {  	v30 =	vadd.f32 v18, v30;
	v18 =	vld.idx.msk [tilespmem:v22+s19+$0x0], $0xffff;
	v22 =	vor.u32 v4, v13;
	v11 =	vadd.f32 v53, v11  }
0x1fc: {  	v56 =	vmul.f32 v54, v54;
	v13 =	vor.u32 v7, v13;
	v29 =	vld.idx.msk [tilespmem:v29+s29+$0x0], $0xffff;
	v33 =	vadd.f32 v23, v33  }
0x1fd: {  	v23 =	vld.idx.msk [tilespmem:v24+s19+$0x0], $0xffff;
	v24 =	vor.u32 v4, v17;
	v27 =	vadd.f32 v26, v27;
	v11 =	vadd.f32 v55, v11  }
0x1fe: {  	v17 =	vor.u32 v7, v17;
	v31 =	vadd.f32 v12, v31;
	v12 =	vld.idx.msk [tilespmem:v20+s19+$0x0], $0xffff;
	v20 =	vor.u32 v4, v19  }
0x1ff: {  	s12 =	simm.s32 $0x16DA0;
	v28 =	vld.idx.msk [tilespmem:v28+s29+$0x0], $0xffff;
	v19 =	vadd.f32 v54, v27;
	v27 =	vmul.f32 v33, v33;
	v11 =	vadd.f32 v56, v11  }
0x200: {  	v15 =	vand.u32 $0x3F, v15;
	[tilespmem:s12+$0xFFFFFFA0] =	vst v14;
	v61 =	vld.idx.msk [tilespmem:v22+s29+$0x0], $0xffff  }
0x201: {  	v19 =	vadd.f32 v33, v19;
	v14 =	vld.idx.msk [tilespmem:v13+s19+$0x0], $0xffff;
	v11 =	vadd.f32 v27, v11;
	v27 =	vmul.f32 v31, v31  }
0x202: {  	v59 =	vor.u32 v4, v15;
	v15 =	vor.u32 v7, v15;
	v24 =	vld.idx.msk [tilespmem:v24+s29+$0x0], $0xffff;
	v29 =	vadd.f32 v23, v29  }
0x203: {  	s3 =	simm.s32 $0x10;
	s17 =	simm.s32 $0x1E;
	v58 =	vld.idx.msk [tilespmem:v17+s19+$0x0], $0xffff;
	v17 =	vadd.f32 v31, v19;
	v11 =	vadd.f32 v27, v11;
	v27 =	vmul.f32 v30, v30  }
0x204: {  	v34 =	vld.idx.msk [tilespmem:v57+s19+$0x0], $0xffff;
	[tilespmem:s12+$0xFFFFFF90] =	vst v16;
	v16 =	vadd.s32 s17, v0;
	v23 =	vor.u32 s3, v6;
	v28 =	vadd.f32 v12, v28  }
0x205: {  	v60 =	vld.idx.msk [tilespmem:v20+s29+$0x0], $0xffff;
	v12 =	vadd.f32 v30, v17;
	v20 =	vadd.f32 v27, v11;
	v27 =	vmul.f32 v29, v29  }
0x206: {  	s20 =	simm.s32 $0x1F;
	v19 =	vor.u32 s3, v10;
	v22 =	vmul.f32 v28, v28;
	v11 =	vadd.f32 v18, v21  }
0x207: {  	s22 =	simm.s32 $0x1C;
	[tilespmem:s12+$0xFFFFFFB0] =	vst v25;
	v17 =	vadd.s32 s20, v0;
	v13 =	vadd.f32 v29, v12;
	v21 =	vadd.f32 v27, v20  }
0x208: {  	v15 =	vld.idx.msk [tilespmem:v15+s19+$0x0], $0xffff;
	[tilespmem:s12+$0xFFFFFFC0] =	vst v26;
	v14 =	vadd.f32 v14, v61;
	v18 =	vadd.s32 s22, v0;
	v12 =	vadd.f32 v58, v24  }
0x209: {  	s28 =	simm.s32 $0x1D;
	s22 =	simm.s32 $0x11;
	v27 =	vld.idx.msk [tilespmem:v59+s29+$0x0], $0xffff;
	v24 =	vadd.f32 v28, v13;
	v26 =	vmul.f32 v11, v11;
	v25 =	vadd.f32 v22, v21  }
0x20a: {  	[tilespmem:s12+$0xFFFFFFD0] =	vst v54;
	v62 =	vadd.s32 s22, v0;
	v20 =	vadd.s32 s28, v0;
	v13 =	vadd.f32 v34, v60  }
0x20b: {  	s17 =	simm.s32 $0x1A;
	[tilespmem:s12+$0x0] =	vst v30;
	s28 =	simm.s32 $0x12;
	v24 =	vadd.f32 v11, v24;
	v25 =	vadd.f32 v26, v25;
	v26 =	vmul.f32 v12, v12  }
0x20c: {  	[tilespmem:s12+$0x20] =	vst v28;
	v28 =	vmul.f32 v14, v14;
	v63 =	vadd.s32 s28, v0;
	v21 =	vadd.s32 s17, v0  }
0x20d: {  	[tilespmem:s12+$0xFFFFFFF0] =	vst v31;
	s20 =	simm.s32 $0x1B;
	v34 =	vmul.f32 v13, v13;
	v30 =	vadd.f32 v12, v24;
	v31 =	vadd.f32 v26, v25  }
0x20e: {  	[tilespmem:s12+$0xFFFFFFE0] =	vst v33;
	v22 =	vadd.s32 s20, v0;
	v24 =	vand.u32 $0x3F, v63;
	v15 =	vadd.f32 v15, v27  }
0x20f: {  	s4 =	simm.s32 $0x20;
	[tilespmem:s12+$0x10] =	vst v29;
	s20 =	simm.s32 $0x13;
	v25 =	vand.u32 $0x3F, v62;
	v26 =	vadd.f32 v13, v30;
	v27 =	vadd.f32 v34, v31  }
.LBB2_12:
0x210: {  	p0 =	slt.u32 s4, $0x30;
	v29 =	vor.u32 v4, v25;
	v30 =	vor.u32 v4, v24;
	v31 =	vadd.s32 s20, v0;
	[tilespmem:s12+$0x30] =	vst v11  }
0x211: {  	s16 =	sadd.s32 $0x9, s3;
	[tilespmem:s12+$0x40] =	vst v12;
	v11 =	vadd.f32 v14, v26;
	v12 =	vadd.f32 v28, v27;
	v26 =	vmul.f32 v15, v15  }
0x212: {  	v25 =	vor.u32 v7, v25;
	v27 =	vand.u32 $0x3F, v31;
	v28 =	vadd.s32 s16, v0;
	[tilespmem:s12+$0x50] =	vst v13  }
0x213: {  	s17 =	sadd.s32 $0x8, s3;
	s16 =	sadd.s32 $0x4, s3;
	v13 =	vld.idx.msk [tilespmem:v23+s29+$0x0], $0xffff;
	v23 =	vor.u32 v7, v24;
	v11 =	vadd.f32 v15, v11;
	v12 =	vadd.f32 v26, v12  }
0x214: {  	v31 =	vadd.s32 s17, v0;
	v24 =	vor.u32 v4, v27;
	v26 =	vadd.s32 s16, v0;
	s16 =	sadd.s32 $0x7, s3;
	v19 =	vld.idx.msk [tilespmem:v19+s19+$0x0], $0xffff;
	[tilespmem:s12+$0x60] =	vst v14  }
0x215: {  	s20 =	sadd.s32 $0x6, s3;
	s17 =	sadd.s32 $0x5, s3;
	v27 =	vor.u32 v7, v27;
	s3 =	smov.u32 s4;
	v26 =	vand.u32 $0x3F, v26;
	v14 =	vld.idx.msk [tilespmem:v30+s29+$0x0], $0xffff;
	v30 =	vadd.s32 s16, v0;
	[tilespmem:s12+$0x70] =	vst v15  }
0x216: {  	v33 =	vadd.s32 s20, v0;
	v32 =	vadd.s32 s17, v0;
	v15 =	vld.idx.msk [tilespmem:v29+s29+$0x0], $0xffff;
	v29 =	vor.u32 v4, v26;
	[tilespmem:s12+$0xFFFFFF80] =	vst v8  }
0x217: {  	v17 =	vand.u32 $0x3F, v17;
	v26 =	vor.u32 v7, v26;
	v8 =	vand.u32 $0x3F, v32;
	v25 =	vld.idx.msk [tilespmem:v25+s19+$0x0], $0xffff  }
0x218: {  	v20 =	vand.u32 $0x3F, v20;
	v16 =	vand.u32 $0x3F, v16;
	v32 =	vor.u32 v4, v8;
	v23 =	vld.idx.msk [tilespmem:v23+s19+$0x0], $0xffff  }
0x219: {  	v18 =	vand.u32 $0x3F, v18;
	v33 =	vand.u32 $0x3F, v33;
	v34 =	vor.u32 v7, v8;
	v24 =	vld.idx.msk [tilespmem:v24+s29+$0x0], $0xffff  }
0x21a: {  	v21 =	vand.u32 $0x3F, v21;
	v22 =	vand.u32 $0x3F, v22;
	v35 =	vor.u32 v4, v33;
	v27 =	vld.idx.msk [tilespmem:v27+s19+$0x0], $0xffff  }
0x21b: {  	v8 =	vadd.f32 v19, v13;
	v19 =	vor.u32 v7, v33;
	v13 =	vld.idx.msk [tilespmem:v29+s29+$0x0], $0xffff;
	v29 =	vand.u32 $0x3F, v30  }
0x21c: {  	v31 =	vand.u32 $0x38, v31;
	v28 =	vand.u32 $0x3F, v28;
	v26 =	vld.idx.msk [tilespmem:v26+s19+$0x0], $0xffff;
	v30 =	vor.u32 v4, v29  }
0x21d: {  	v33 =	vmul.f32 v8, v8;
	v15 =	vadd.f32 v25, v15;
	v29 =	vor.u32 v7, v29;
	v25 =	vld.idx.msk [tilespmem:v32+s29+$0x0], $0xffff  }
0x21e: {  	v14 =	vadd.f32 v23, v14;
	v32 =	vor.u32 v31, v5;
	v31 =	vor.u32 v31, v9;
	v23 =	vld.idx.msk [tilespmem:v34+s19+$0x0], $0xffff  }
0x21f: {  	v11 =	vadd.f32 v8, v11;
	v12 =	vadd.f32 v33, v12;
	v33 =	vmul.f32 v15, v15;
	v34 =	vld.idx.msk [tilespmem:v35+s29+$0x0], $0xffff  }
0x220: {  	v24 =	vadd.f32 v27, v24;
	v27 =	vor.u32 v4, v28;
	v28 =	vor.u32 v7, v28;
	v19 =	vld.idx.msk [tilespmem:v19+s19+$0x0], $0xffff  }
0x221: {  	v11 =	vadd.f32 v15, v11;
	v12 =	vadd.f32 v33, v12;
	v33 =	vmul.f32 v14, v14;
	v30 =	vld.idx.msk [tilespmem:v30+s29+$0x0], $0xffff  }
0x222: {  	v13 =	vadd.f32 v26, v13;
	v26 =	vld.idx.msk [tilespmem:v29+s19+$0x0], $0xffff;
	v29 =	vor.u32 v4, v21;
	v21 =	vor.u32 v7, v21  }
0x223: {  	v11 =	vadd.f32 v14, v11;
	v12 =	vadd.f32 v33, v12;
	v33 =	vmul.f32 v24, v24;
	v32 =	vld.idx.msk [tilespmem:v32+s29+$0x0], $0xffff  }
0x224: {  	v25 =	vadd.f32 v23, v25;
	v23 =	vld.idx.msk [tilespmem:v31+s19+$0x0], $0xffff;
	v31 =	vor.u32 v4, v22;
	v22 =	vor.u32 v7, v22  }
0x225: {  	v11 =	vadd.f32 v24, v11;
	v12 =	vadd.f32 v33, v12;
	v33 =	vmul.f32 v13, v13;
	v27 =	vld.idx.msk [tilespmem:v27+s29+$0x0], $0xffff  }
0x226: {  	v34 =	vadd.f32 v19, v34;
	v19 =	vld.idx.msk [tilespmem:v28+s19+$0x0], $0xffff;
	v28 =	vor.u32 v4, v18;
	v18 =	vor.u32 v7, v18  }
0x227: {  	v11 =	vadd.f32 v13, v11;
	v12 =	vadd.f32 v33, v12;
	v33 =	vmul.f32 v25, v25;
	v29 =	vld.idx.msk [tilespmem:v29+s29+$0x0], $0xffff  }
0x228: {  	v26 =	vadd.f32 v26, v30;
	v30 =	vor.u32 v4, v20;
	v20 =	vor.u32 v7, v20;
	v21 =	vld.idx.msk [tilespmem:v21+s19+$0x0], $0xffff  }
0x229: {  	v11 =	vadd.f32 v25, v11;
	v12 =	vadd.f32 v33, v12;
	v33 =	vmul.f32 v34, v34;
	v31 =	vld.idx.msk [tilespmem:v31+s29+$0x0], $0xffff  }
0x22a: {  	v36 =	vor.u32 v7, v16;
	v35 =	vor.u32 v4, v16;
	v32 =	vadd.f32 v23, v32;
	v22 =	vld.idx.msk [tilespmem:v22+s19+$0x0], $0xffff  }
0x22b: {  	v11 =	vadd.f32 v34, v11;
	v16 =	vmul.f32 v26, v26;
	v12 =	vadd.f32 v33, v12;
	v28 =	vld.idx.msk [tilespmem:v28+s29+$0x0], $0xffff  }
0x22c: {  	v37 =	vor.u32 v7, v17;
	v27 =	vadd.f32 v19, v27;
	v33 =	vld.idx.msk [tilespmem:v18+s19+$0x0], $0xffff;
	v18 =	vor.u32 v4, v17  }
0x22d: {  	s12 =	sadd.s32 $0x100, s12;
	v11 =	vadd.f32 v26, v11;
	v12 =	vadd.f32 v16, v12;
	v16 =	vmul.f32 v32, v32;
	v30 =	vld.idx.msk [tilespmem:v30+s29+$0x0], $0xffff  }
0x22e: {  	v23 =	vor.u32 s4, v6;
	v19 =	vor.u32 s4, v10;
	v29 =	vadd.f32 v21, v29;
	[tilespmem:s12+$0xFFFFFF90] =	vst v15;
	v15 =	vld.idx.msk [tilespmem:v20+s19+$0x0], $0xffff  }
0x22f: {  	s17 =	sadd.s32 $0xF, s4;
	s16 =	sadd.s32 $0xE, s4;
	v21 =	vmul.f32 v27, v27;
	v20 =	vadd.f32 v32, v11;
	v12 =	vadd.f32 v16, v12;
	v35 =	vld.idx.msk [tilespmem:v35+s29+$0x0], $0xffff  }
0x230: {  	v17 =	vadd.s32 s17, v0;
	v16 =	vadd.s32 s16, v0;
	v11 =	vadd.f32 v22, v31;
	[tilespmem:s12+$0xFFFFFFA0] =	vst v14;
	v14 =	vld.idx.msk [tilespmem:v36+s19+$0x0], $0xffff  }
0x231: {  	s17 =	sadd.s32 $0xD, s4;
	s16 =	sadd.s32 $0xC, s4;
	v31 =	vmul.f32 v29, v29;
	v22 =	vadd.f32 v27, v20;
	v21 =	vadd.f32 v21, v12;
	v36 =	vld.idx.msk [tilespmem:v18+s29+$0x0], $0xffff  }
0x232: {  	v20 =	vadd.s32 s17, v0;
	v18 =	vadd.s32 s16, v0;
	v12 =	vadd.f32 v33, v28;
	[tilespmem:s12+$0xFFFFFFB0] =	vst v24;
	v28 =	vld.idx.msk [tilespmem:v37+s19+$0x0], $0xffff  }
0x233: {  	s17 =	sadd.s32 $0xB, s4;
	s16 =	sadd.s32 $0xA, s4;
	v33 =	vmul.f32 v11, v11;
	v24 =	vadd.f32 v29, v22;
	v31 =	vadd.f32 v31, v21;
	[tilespmem:s12+$0xFFFFFFC0] =	vst v13  }
0x234: {  	v21 =	vadd.s32 s16, v0;
	v22 =	vadd.s32 s17, v0;
	v13 =	vadd.f32 v15, v30;
	[tilespmem:s12+$0xFFFFFFD0] =	vst v25  }
.Ltmp4:
0x235: {  	s16 =	sadd.s32 $0x1, s4;
	s17 =	sadd.s32 $0x2, s4;
	v15 =	vadd.f32 v11, v24;
	v24 =	vadd.f32 v33, v31;
	v25 =	vmul.f32 v12, v12;
	[tilespmem:s12+$0xFFFFFFE0] =	vst v34;
	(pc) =	sbr.rel @p0 .LBB2_12-.Ltmp4, $4  }
0x236: {  	v30 =	vadd.s32 s16, v0;
	v31 =	vadd.s32 s17, v0;
	v14 =	vadd.f32 v14, v35;
	[tilespmem:s12+$0xFFFFFFF0] =	vst v26  }
0x237: {  	v33 =	vmul.f32 v13, v13;
	v26 =	vadd.f32 v12, v15;
	[tilespmem:s12+$0x0] =	vst v32;
	v32 =	vadd.f32 v25, v24  }
0x238: {  	v25 =	vand.u32 $0x3F, v30;
	v24 =	vand.u32 $0x3F, v31;
	v15 =	vadd.f32 v28, v36;
	[tilespmem:s12+$0x10] =	vst v27  }
0x239: {  	s20 =	sadd.s32 $0x3, s3;
	s4 =	sadd.s32 $0x10, s4;
	v28 =	vmul.f32 v14, v14;
	v26 =	vadd.f32 v13, v26;
	[tilespmem:s12+$0x20] =	vst v29;
	v27 =	vadd.f32 v33, v32  }
0x23a: {  	v10 =	vor.u32 v4, v25  }
0x23b: {  	v29 =	vor.u32 v4, v24;
	v30 =	vadd.s32 s20, v0;
	v56 =	vmul.f32 v15, v15  }
0x23c: {  	v25 =	vor.u32 v7, v25;
	v24 =	vor.u32 v7, v24;
	v17 =	vand.u32 $0x3F, v17  }
0x23d: {  	v20 =	vand.u32 $0x3F, v20;
	v16 =	vand.u32 $0x3F, v16;
	v18 =	vand.u32 $0x3F, v18  }
0x23e: {  	s4 =	sadd.s32 $0x9, s3;
	v21 =	vand.u32 $0x3F, v21;
	v22 =	vand.u32 $0x3F, v22;
	v26 =	vadd.f32 v14, v26  }
0x23f: {  	s17 =	sadd.s32 $0x4, s3;
	s16 =	sadd.s32 $0x8, s3;
	v23 =	vld.idx.msk [tilespmem:v23+s29+$0x0], $0xffff;
	v27 =	vadd.f32 v28, v27;
	v30 =	vand.u32 $0x3F, v30;
	v31 =	vadd.s32 s4, v0  }
0x240: {  	s20 =	sadd.s32 $0x7, s3;
	v19 =	vld.idx.msk [tilespmem:v19+s19+$0x0], $0xffff;
	v32 =	vadd.s32 s17, v0;
	v33 =	vadd.s32 s16, v0;
	v57 =	vor.u32 v4, v30  }
0x241: {  	s22 =	sadd.s32 $0x5, s3;
	s28 =	sadd.s32 $0x6, s3;
	v34 =	vadd.s32 s20, v0;
	v30 =	vor.u32 v7, v30;
	v32 =	vand.u32 $0x3F, v32;
	v29 =	vld.idx.msk [tilespmem:v29+s29+$0x0], $0xffff  }
0x242: {  	v36 =	vadd.s32 s22, v0;
	v37 =	vadd.s32 s28, v0;
	v35 =	vor.u32 v4, v32;
	v38 =	vld.idx.msk [tilespmem:v10+s29+$0x0], $0xffff  }
0x243: {  	v37 =	vand.u32 $0x3F, v37;
	v32 =	vor.u32 v7, v32;
	v10 =	vand.u32 $0x3F, v36;
	v25 =	vld.idx.msk [tilespmem:v25+s19+$0x0], $0xffff  }
0x244: {  	v33 =	vand.u32 $0x38, v33;
	v31 =	vand.u32 $0x3F, v31;
	v24 =	vld.idx.msk [tilespmem:v24+s19+$0x0], $0xffff;
	v36 =	vor.u32 v4, v10  }
0x245: {  	v26 =	vadd.f32 v15, v26;
	v27 =	vadd.f32 v56, v27;
	v39 =	vor.u32 v7, v10;
	v28 =	vld.idx.msk [tilespmem:v57+s29+$0x0], $0xffff  }
0x246: {  	[tilespmem:s12+$0x30] =	vst v11;
	v40 =	vor.u32 v4, v37;
	v10 =	vadd.f32 v19, v23;
	v23 =	vand.u32 $0x3F, v34;
	v30 =	vld.idx.msk [tilespmem:v30+s19+$0x0], $0xffff  }
0x247: {  	v61 =	vor.u32 v33, v5;
	v19 =	vor.u32 v7, v37;
	v59 =	vor.u32 v4, v23;
	v58 =	vld.idx.msk [tilespmem:v35+s29+$0x0], $0xffff  }
0x248: {  	v32 =	vld.idx.msk [tilespmem:v32+s19+$0x0], $0xffff;
	v60 =	vmul.f32 v10, v10;
	v26 =	vadd.f32 v10, v26;
	v25 =	vadd.f32 v25, v38  }
0x249: {  	v9 =	vor.u32 v33, v9;
	v23 =	vor.u32 v7, v23;
	v24 =	vadd.f32 v24, v29;
	v36 =	vld.idx.msk [tilespmem:v36+s29+$0x0], $0xffff  }
0x24a: {  	v27 =	vadd.f32 v60, v27;
	v62 =	vld.idx.msk [tilespmem:v39+s19+$0x0], $0xffff;
	v63 =	vmul.f32 v25, v25;
	v26 =	vadd.f32 v25, v26  }
0x24b: {  	v41 =	vor.u32 v4, v31;
	v31 =	vor.u32 v7, v31;
	v40 =	vld.idx.msk [tilespmem:v40+s29+$0x0], $0xffff;
	v28 =	vadd.f32 v30, v28  }
0x24c: {  	v19 =	vld.idx.msk [tilespmem:v19+s19+$0x0], $0xffff;
	v42 =	vmul.f32 v24, v24;
	v27 =	vadd.f32 v63, v27;
	v26 =	vadd.f32 v24, v26  }
0x24d: {  	v43 =	vor.u32 v4, v21;
	v21 =	vor.u32 v7, v21;
	v35 =	vld.idx.msk [tilespmem:v59+s29+$0x0], $0xffff;
	v32 =	vadd.f32 v32, v58  }
0x24e: {  	v23 =	vld.idx.msk [tilespmem:v23+s19+$0x0], $0xffff;
	v44 =	vmul.f32 v28, v28;
	v27 =	vadd.f32 v42, v27;
	v26 =	vadd.f32 v28, v26  }
0x24f: {  	v45 =	vor.u32 v4, v22;
	v22 =	vor.u32 v7, v22;
	v9 =	vld.idx.msk [tilespmem:v9+s19+$0x0], $0xffff;
	v36 =	vadd.f32 v62, v36  }
0x250: {  	v29 =	vld.idx.msk [tilespmem:v61+s29+$0x0], $0xffff;
	v46 =	vmul.f32 v32, v32;
	v27 =	vadd.f32 v44, v27;
	v26 =	vadd.f32 v32, v26  }
0x251: {  	v47 =	vor.u32 v4, v18;
	v18 =	vor.u32 v7, v18;
	v31 =	vld.idx.msk [tilespmem:v31+s19+$0x0], $0xffff;
	v19 =	vadd.f32 v19, v40  }
0x252: {  	v30 =	vld.idx.msk [tilespmem:v41+s29+$0x0], $0xffff;
	v48 =	vmul.f32 v36, v36;
	v27 =	vadd.f32 v46, v27;
	v26 =	vadd.f32 v36, v26  }
0x253: {  	v49 =	vor.u32 v4, v20;
	v20 =	vor.u32 v7, v20;
	v34 =	vld.idx.msk [tilespmem:v43+s29+$0x0], $0xffff;
	v23 =	vadd.f32 v23, v35  }
0x254: {  	v21 =	vld.idx.msk [tilespmem:v21+s19+$0x0], $0xffff;
	v50 =	vmul.f32 v19, v19;
	v27 =	vadd.f32 v48, v27;
	v26 =	vadd.f32 v19, v26  }
0x255: {  	v51 =	vor.u32 v4, v16;
	v16 =	vor.u32 v7, v16;
	v22 =	vld.idx.msk [tilespmem:v22+s19+$0x0], $0xffff;
	v9 =	vadd.f32 v9, v29  }
0x256: {  	v38 =	vld.idx.msk [tilespmem:v45+s29+$0x0], $0xffff;
	v52 =	vmul.f32 v23, v23;
	v27 =	vadd.f32 v50, v27;
	v26 =	vadd.f32 v23, v26  }
0x257: {  	[tilespmem:s12+$0x40] =	vst v12;
	v53 =	vor.u32 v4, v17;
	v33 =	vld.idx.msk [tilespmem:v47+s29+$0x0], $0xffff;
	v30 =	vadd.f32 v31, v30  }
0x258: {  	v18 =	vld.idx.msk [tilespmem:v18+s19+$0x0], $0xffff;
	v54 =	vmul.f32 v9, v9;
	v27 =	vadd.f32 v52, v27;
	v26 =	vadd.f32 v9, v26  }
0x259: {  	[tilespmem:s12+$0x50] =	vst v13;
	v20 =	vld.idx.msk [tilespmem:v20+s19+$0x0], $0xffff;
	v7 =	vor.u32 v7, v17;
	v21 =	vadd.f32 v21, v34  }
0x25a: {  	v17 =	vld.idx.msk [tilespmem:v49+s29+$0x0], $0xffff;
	v55 =	vmul.f32 v30, v30;
	v27 =	vadd.f32 v54, v27;
	v26 =	vadd.f32 v30, v26  }
0x25b: {  	[tilespmem:s12+$0x60] =	vst v14;
	v16 =	vld.idx.msk [tilespmem:v16+s19+$0x0], $0xffff;
	v22 =	vadd.f32 v22, v38  }
0x25c: {  	v56 =	vmul.f32 v21, v21;
	v29 =	vld.idx.msk [tilespmem:v51+s29+$0x0], $0xffff;
	v27 =	vadd.f32 v55, v27;
	v26 =	vadd.f32 v21, v26  }
0x25d: {  	[tilespmem:s12+$0x70] =	vst v15;
	v11 =	vld.idx.msk [tilespmem:v53+s29+$0x0], $0xffff;
	v18 =	vadd.f32 v18, v33  }
0x25e: {  	v7 =	vld.idx.msk [tilespmem:v7+s19+$0x0], $0xffff;
	v57 =	vmul.f32 v22, v22;
	v27 =	vadd.f32 v56, v27;
	v26 =	vadd.f32 v22, v26  }
0x25f: {  	[tilespmem:s12+$0xFFFFFF80] =	vst v8;
	s12 =	sadd.s32 $0x100, s12;
	v12 =	vadd.f32 v20, v17  }
0x260: {  	[tilespmem:s12+$0xFFFFFF80] =	vst v10;
	v17 =	vmul.f32 v18, v18;
	v13 =	vadd.f32 v57, v27;
	v20 =	vadd.f32 v18, v26  }
0x261: {  	[tilespmem:s12+$0xFFFFFF90] =	vst v25;
	v14 =	vadd.f32 v16, v29  }
0x262: {  	[tilespmem:s12+$0xFFFFFFA0] =	vst v24;
	v15 =	vmul.f32 v12, v12;
	v13 =	vadd.f32 v17, v13;
	v16 =	vadd.f32 v12, v20  }
0x263: {  	[tilespmem:s12+$0x20] =	vst v21;
	v8 =	vadd.f32 v7, v11  }
0x264: {  	[tilespmem:s12+$0x40] =	vst v18;
	v11 =	vmul.f32 v14, v14;
	v7 =	vadd.f32 v15, v13;
	v13 =	vadd.f32 v14, v16  }
0x265: {  	[tilespmem:s12+$0xFFFFFFB0] =	vst v28  }
0x266: {  	[tilespmem:s12+$0x50] =	vst v12;
	v7 =	vadd.f32 v11, v7;
	v11 =	vmul.f32 v8, v8;
	v13 =	vadd.f32 v8, v13  }
0x267: {  	[tilespmem:s12+$0xFFFFFFC0] =	vst v32  }
0x268: {  	[tilespmem:s12+$0x0] =	vst v9;
	v11 =	vadd.f32 v11, v7;
	v7 =	vmul.f32 $1.562500000e-02, v13  }
0x269: {  	[tilespmem:s12+$0x30] =	vst v22  }
0x26a: {  	[tilespmem:s12+$0xFFFFFFD0] =	vst v36;
	v11 =	vmul.f32 $1.562500000e-02, v11;
	v13 =	vmul.f32 v7, v7  }
0x26b: {  	[tilespmem:s12+$0xFFFFFFE0] =	vst v19  }
0x26c: {  	[tilespmem:s12+$0xFFFFFFF0] =	vst v23;
	v9 =	vsub.f32 v11, v13  }
0x26d: {  	[tilespmem:s12+$0x10] =	vst v30  }
0x26e: {  	[tilespmem:s12+$0x70] =	vst v8;
	v9 =	vadd.f32 $9.999999740e-06, v9  }
0x26f: {  	s16 =	simm.s32 $0x16DA0;
	[tilespmem:s12+$0x60] =	vst v14  }
0x270: {  	v10 =	vld [tilespmem:s16+$0x70];
	v11 =	vshra.s32 v9, $0x1;
	v9 =	vmul.f32 $5.000000000e-01, v9  }
0x271: {  	v19 =	vld [tilespmem:s16+$0xFFFFFFF0];
	v11 =	vsub.s32 $0x5F3759DF, v11  }
0x272: {  	v24 =	vld [tilespmem:s16+$0x50];
	v8 =	vmul.f32 v11, v9  }
0x273: {  	s12 =	simm.s32 $0x171A0;
	v25 =	vld [tilespmem:s16+$0xFFFFFF80]  }
0x274: {  	v28 =	vld [tilespmem:s12+$0xFFFFFFA0];
	v8 =	vmul.f32 v11, v8  }
0x275: {  	v58 =	vld [tilespmem:s12+$0xFFFFFFB0]  }
0x276: {  	v59 =	vld [tilespmem:s12+$0xFFFFFFD0];
	v8 =	vsub.f32 $1.500000000e+00, v8  }
0x277: {  	v61 =	vld [tilespmem:s12+$0xFFFFFFE0]  }
0x278: {  	v47 =	vld [tilespmem:s12+$0x20];
	v8 =	vmul.f32 v11, v8  }
0x279: {  	v21 =	vld [tilespmem:s16+$0x10]  }
0x27a: {  	v18 =	vld [tilespmem:s16+$0xFFFFFFE0];
	v9 =	vmul.f32 v8, v9  }
0x27b: {  	v12 =	vld [tilespmem:s16+$0xFFFFFF90]  }
0x27c: {  	v17 =	vld [tilespmem:s16+$0xFFFFFFD0];
	v9 =	vmul.f32 v9, v8  }
0x27d: {  	v14 =	vld [tilespmem:s16+$0xFFFFFFB0]  }
0x27e: {  	s17 =	simm.s32 $0xF;
	v15 =	vld [tilespmem:s16+$0xFFFFFFC0];
	v9 =	vsub.f32 $1.500000000e+00, v9  }
0x27f: {  	s22 =	simm.s32 $0x0;
	v60 =	vadd.s32 s17, v0;
	v11 =	vld [tilespmem:s12+$0x70]  }
0x280: {  	s4 =	simm.s32 $0xA;
	s17 =	simm.s32 $0x3;
	v63 =	vor.u32 s22, v6;
	s22 =	simm.s32 $0x4;
	v13 =	vld [tilespmem:s16+$0xFFFFFFA0];
	v8 =	vmul.f32 v9, v8;
	v9 =	vsub.f32 v10, v7  }
0x281: {  	v43 =	vadd.s32 s4, v0;
	v49 =	vadd.s32 s17, v0;
	v51 =	vadd.s32 s22, v0;
	v20 =	vld [tilespmem:s16+$0x0]  }
0x282: {  	s20 =	simm.s32 $0x175A0;
	s17 =	simm.s32 $0x7;
	v32 =	vand.u32 $0x3F, v60;
	v22 =	vld [tilespmem:s16+$0x30];
	v12 =	vsub.f32 v12, v7;
	v9 =	vmul.f32 v9, v8  }
0x283: {  	v42 =	vld [tilespmem:s20+$0xFFFFFF80];
	v54 =	vadd.s32 s17, v0;
	v14 =	vsub.f32 v14, v7;
	v17 =	vsub.f32 v17, v7  }
0x284: {  	s22 =	simm.s32 $0x8;
	v18 =	vsub.f32 v18, v7;
	v9 =	vmul.f32 v9, v11;
	v11 =	vsub.f32 v15, v7;
	v15 =	vld [tilespmem:s16+$0x60]  }
0x285: {  	v23 =	vld [tilespmem:s16+$0x40];
	v55 =	vadd.s32 s22, v0;
	v19 =	vsub.f32 v19, v7;
	v13 =	vsub.f32 v13, v7  }
0x286: {  	v26 =	vld [tilespmem:s12+$0xFFFFFF80];
	v20 =	vsub.f32 v20, v7;
	v21 =	vsub.f32 v21, v7;
	v12 =	vmul.f32 v12, v8  }
0x287: {  	v27 =	vld [tilespmem:s12+$0xFFFFFF90];
	v22 =	vsub.f32 v22, v7;
	v13 =	vmul.f32 v13, v8;
	v14 =	vmul.f32 v14, v8  }
0x288: {  	v16 =	vld [tilespmem:s20+$0x70];
	v25 =	vsub.f32 v25, v7;
	v17 =	vmul.f32 v17, v8;
	v18 =	vmul.f32 v18, v8  }
0x289: {  	v45 =	vld [tilespmem:s20+$0xFFFFFF90];
	v19 =	vmul.f32 v19, v8;
	v20 =	vmul.f32 v20, v8;
	v15 =	vsub.f32 v15, v7  }
0x28a: {  	v23 =	vsub.f32 v23, v7;
	v10 =	vld [tilespmem:s16+$0x20];
	v21 =	vmul.f32 v21, v8;
	v25 =	vmul.f32 v25, v8  }
0x28b: {  	s22 =	simm.s32 $0xD;
	v24 =	vsub.f32 v24, v7;
	v22 =	vmul.f32 v22, v8;
	v62 =	vmul.f32 v15, v8;
	v15 =	vld [tilespmem:s12+$0xFFFFFFF0]  }
0x28c: {  	v57 =	vadd.s32 s22, v0;
	v23 =	vmul.f32 v23, v8;
	v25 =	vmul.f32 v25, v26;
	v26 =	vld [tilespmem:s12+$0x0]  }
0x28d: {  	v24 =	vmul.f32 v24, v8;
	v12 =	vmul.f32 v12, v27;
	v16 =	vadd.f32 v9, v16;
	v9 =	vld [tilespmem:s12+$0x10]  }
0x28e: {  	v46 =	vld [tilespmem:s20+$0xFFFFFFA0];
	v27 =	vor.u32 v4, v32;
	v13 =	vmul.f32 v13, v28;
	v14 =	vmul.f32 v14, v58  }
0x28f: {  	v30 =	vld [tilespmem:s12+$0xFFFFFFC0];
	v17 =	vmul.f32 v17, v59;
	v18 =	vmul.f32 v18, v61;
	v58 =	vand.u32 $0x3F, v49  }
0x290: {  	s16 =	simm.s32 $0x2;
	v59 =	vand.u32 $0x3F, v51;
	v10 =	vsub.f32 v10, v7;
	v19 =	vmul.f32 v19, v15;
	v15 =	vld [tilespmem:s12+$0x40]  }
0x291: {  	v48 =	vadd.s32 s16, v0;
	s16 =	simm.s32 $0x6;
	v31 =	vor.u32 v4, v58;
	v26 =	vmul.f32 v20, v26;
	v20 =	vld [tilespmem:s12+$0x50]  }
0x292: {  	v11 =	vmul.f32 v11, v8;
	v53 =	vadd.s32 s16, v0;
	v41 =	vmul.f32 v21, v9;
	v21 =	vld [tilespmem:s12+$0x60]  }
0x293: {  	s28 =	simm.s32 $0x1;
	v25 =	vadd.f32 v25, v42;
	v12 =	vadd.f32 v12, v45;
	v10 =	vmul.f32 v10, v8  }
0x294: {  	v50 =	vld [tilespmem:s12+$0x30];
	v13 =	vadd.f32 v13, v46;
	v28 =	vmul.f32 v11, v30;
	v11 =	vadd.s32 s28, v0  }
0x295: {  	v30 =	vmul.f32 v10, v47;
	v11 =	vand.u32 $0x3F, v11;
	v10 =	vmul.f32 v23, v15  }
0x296: {  	s28 =	simm.s32 $0x5;
	v23 =	vor.u32 v4, v11;
	v11 =	vand.u32 $0x3F, v48;
	v15 =	vmul.f32 v24, v20;
	v20 =	vld [tilespmem:s20+$0xFFFFFFB0]  }
0x297: {  	s16 =	simm.s32 $0xB;
	v52 =	vadd.s32 s28, v0;
	s28 =	simm.s32 $0x9;
	v24 =	vor.u32 v4, v11;
	v11 =	vmul.f32 v62, v21;
	v21 =	vld [tilespmem:s20+$0xFFFFFFC0]  }
0x298: {  	v60 =	vld [tilespmem:s20+$0xFFFFFFD0];
	s17 =	simm.s32 $0xC;
	v44 =	vadd.s32 s16, v0;
	[tilespmem:v27+s26+$0x0] =	vst.idx.msk $0xffff, v16;
	v16 =	vor.u32 v4, v59;
	v56 =	vadd.s32 s28, v0  }
0x299: {  	v61 =	vld [tilespmem:s20+$0xFFFFFFE0];
	s28 =	simm.s32 $0xE;
	v27 =	vand.u32 $0x3F, v52;
	v9 =	vmul.f32 v22, v50;
	v22 =	vadd.s32 s17, v0  }
0x29a: {  	[tilespmem:v63+s26+$0x0] =	vst.idx.msk $0xffff, v25;
	v47 =	vadd.s32 s28, v0;
	v25 =	vor.u32 v4, v27;
	v27 =	vand.u32 $0x3F, v53;
	v62 =	vld [tilespmem:s20+$0xFFFFFFF0]  }
0x29b: {  	[tilespmem:v23+s26+$0x0] =	vst.idx.msk $0xffff, v12;
	v12 =	vadd.f32 v14, v20;
	v14 =	vor.u32 v4, v27;
	v20 =	vand.u32 $0x3F, v54;
	v23 =	vld [tilespmem:s20+$0x0]  }
0x29c: {  	v27 =	vld [tilespmem:s20+$0x10];
	[tilespmem:v24+s26+$0x0] =	vst.idx.msk $0xffff, v13;
	v13 =	vadd.f32 v28, v21;
	v24 =	vor.u32 v4, v20;
	v20 =	vand.u32 $0x38, v55  }
0x29d: {  	v63 =	vld [tilespmem:s20+$0x20];
	[tilespmem:v31+s26+$0x0] =	vst.idx.msk $0xffff, v12;
	v12 =	vadd.f32 v17, v60;
	v17 =	vor.u32 v20, v5;
	v20 =	vand.u32 $0x3F, v56  }
0x29e: {  	[tilespmem:v16+s26+$0x0] =	vst.idx.msk $0xffff, v13;
	v16 =	vadd.f32 v18, v61;
	v13 =	vor.u32 v4, v20;
	v18 =	vand.u32 $0x3F, v43;
	v20 =	vld [tilespmem:s20+$0x30]  }
0x29f: {  	v19 =	vadd.f32 v19, v62;
	v21 =	vld [tilespmem:s20+$0x40];
	[tilespmem:v25+s26+$0x0] =	vst.idx.msk $0xffff, v12;
	v12 =	vor.u32 v4, v18;
	v18 =	vand.u32 $0x3F, v44  }
0x2a0: {  	[tilespmem:v14+s26+$0x0] =	vst.idx.msk $0xffff, v16;
	v25 =	vadd.f32 v26, v23;
	v14 =	vor.u32 v4, v18;
	v16 =	vand.u32 $0x3F, v22;
	v23 =	vld [tilespmem:s20+$0x50]  }
0x2a1: {  	s22 =	simm.s32 $0x16EA0;
	v18 =	vadd.f32 v41, v27;
	v26 =	vand.u32 $0x3F, v57;
	v22 =	vld [tilespmem:s20+$0x60];
	[tilespmem:v24+s26+$0x0] =	vst.idx.msk $0xffff, v19;
	v16 =	vor.u32 v4, v16  }
0x2a2: {  	s3 =	simm.s32 $0x10;
	s4 =	simm.s32 $0x20;
	v24 =	vld [tilespmem:s22+$0x70];
	v19 =	vadd.f32 v30, v63;
	[tilespmem:v17+s26+$0x0] =	vst.idx.msk $0xffff, v25;
	v17 =	vor.u32 v4, v26;
	v25 =	vand.u32 $0x3F, v47  }
.LBB2_14:
0x2a3: {  	p0 =	slt.u32 s4, $0x30;
	v26 =	vld [tilespmem:s22+$0xFFFFFF90];
	[tilespmem:v13+s26+$0x0] =	vst.idx.msk $0xffff, v18;
	v9 =	vadd.f32 v9, v20;
	v13 =	vor.u32 v4, v25  }
0x2a4: {  	v18 =	vld [tilespmem:s22+$0xFFFFFFA0];
	[tilespmem:v12+s26+$0x0] =	vst.idx.msk $0xffff, v19;
	v10 =	vadd.f32 v10, v21  }
0x2a5: {  	s12 =	sadd.s32 $0x100, s12;
	v12 =	vld [tilespmem:s22+$0xFFFFFFB0];
	[tilespmem:v14+s26+$0x0] =	vst.idx.msk $0xffff, v9;
	v9 =	vadd.f32 v15, v23  }
0x2a6: {  	v14 =	vld [tilespmem:s12+$0x70];
	[tilespmem:v16+s26+$0x0] =	vst.idx.msk $0xffff, v10;
	v10 =	vadd.f32 v11, v22  }
0x2a7: {  	s16 =	sadd.s32 $0xF, s3;
	s20 =	sadd.s32 $0x100, s20;
	v11 =	vld [tilespmem:s22+$0xFFFFFFC0];
	v15 =	vsub.f32 v24, v7;
	[tilespmem:v17+s26+$0x0] =	vst.idx.msk $0xffff, v9  }
0x2a8: {  	v16 =	vadd.s32 s16, v0;
	v9 =	vsub.f32 v26, v7;
	v17 =	vld [tilespmem:s20+$0x70];
	[tilespmem:v13+s26+$0x0] =	vst.idx.msk $0xffff, v10  }
0x2a9: {  	v16 =	vand.u32 $0x3F, v16;
	v10 =	vsub.f32 v18, v7;
	v13 =	vld [tilespmem:s22+$0xFFFFFFD0];
	v15 =	vmul.f32 v15, v8  }
0x2aa: {  	v16 =	vor.u32 v4, v16;
	v9 =	vmul.f32 v9, v8;
	v12 =	vsub.f32 v12, v7;
	v18 =	vld [tilespmem:s22+$0xFFFFFFE0]  }
0x2ab: {  	v10 =	vmul.f32 v10, v8;
	v19 =	vld [tilespmem:s22+$0xFFFFFFF0];
	v14 =	vmul.f32 v15, v14  }
0x2ac: {  	v12 =	vmul.f32 v12, v8;
	v11 =	vsub.f32 v11, v7;
	v15 =	vld [tilespmem:s22+$0x0]  }
0x2ad: {  	v20 =	vld [tilespmem:s22+$0x10];
	v14 =	vadd.f32 v14, v17  }
0x2ae: {  	v11 =	vmul.f32 v11, v8;
	v13 =	vsub.f32 v13, v7;
	v17 =	vld [tilespmem:s22+$0x20]  }
0x2af: {  	v18 =	vsub.f32 v18, v7;
	v21 =	vld [tilespmem:s22+$0x30];
	[tilespmem:v16+s26+$0x0] =	vst.idx.msk $0xffff, v14  }
0x2b0: {  	v13 =	vmul.f32 v13, v8;
	v14 =	vsub.f32 v19, v7;
	v16 =	vld [tilespmem:s22+$0x40]  }
0x2b1: {  	v18 =	vmul.f32 v18, v8;
	v15 =	vsub.f32 v15, v7;
	v19 =	vld [tilespmem:s22+$0x50]  }
0x2b2: {  	v14 =	vmul.f32 v14, v8;
	v20 =	vsub.f32 v20, v7;
	v22 =	vld [tilespmem:s22+$0x60]  }
0x2b3: {  	v23 =	vld [tilespmem:s22+$0xFFFFFF80];
	v15 =	vmul.f32 v15, v8;
	v17 =	vsub.f32 v17, v7  }
0x2b4: {  	v24 =	vld [tilespmem:s12+$0xFFFFFF80];
	v20 =	vmul.f32 v20, v8;
	v21 =	vsub.f32 v21, v7  }
0x2b5: {  	v25 =	vld [tilespmem:s12+$0xFFFFFF90];
	v17 =	vmul.f32 v17, v8;
	v16 =	vsub.f32 v16, v7  }
0x2b6: {  	v26 =	vld [tilespmem:s12+$0xFFFFFFA0];
	v21 =	vmul.f32 v21, v8;
	v19 =	vsub.f32 v19, v7  }
0x2b7: {  	v27 =	vld [tilespmem:s12+$0xFFFFFFB0];
	v16 =	vmul.f32 v16, v8;
	v22 =	vsub.f32 v22, v7  }
0x2b8: {  	v23 =	vsub.f32 v23, v7;
	v28 =	vld [tilespmem:s12+$0xFFFFFFC0];
	v19 =	vmul.f32 v19, v8  }
0x2b9: {  	v29 =	vld [tilespmem:s12+$0xFFFFFFD0];
	v22 =	vmul.f32 v22, v8  }
0x2ba: {  	v23 =	vmul.f32 v23, v8;
	v25 =	vmul.f32 v9, v25;
	v9 =	vld [tilespmem:s12+$0xFFFFFFE0]  }
0x2bb: {  	v26 =	vmul.f32 v10, v26;
	v10 =	vld [tilespmem:s12+$0xFFFFFFF0]  }
0x2bc: {  	v23 =	vmul.f32 v23, v24;
	v12 =	vmul.f32 v12, v27;
	v24 =	vld [tilespmem:s12+$0x0]  }
0x2bd: {  	s16 =	sadd.s32 $0x1, s3;
	v27 =	vmul.f32 v11, v28;
	v11 =	vld [tilespmem:s12+$0x10]  }
0x2be: {  	s17 =	sadd.s32 $0x3, s3;
	v30 =	vadd.s32 s16, v0;
	s16 =	sadd.s32 $0x2, s3;
	v28 =	vor.u32 s3, v6;
	v13 =	vmul.f32 v13, v29;
	v29 =	vld [tilespmem:s12+$0x20]  }
0x2bf: {  	v32 =	vadd.s32 s17, v0;
	s17 =	sadd.s32 $0x5, s3;
	v31 =	vadd.s32 s16, v0;
	s16 =	sadd.s32 $0x4, s3;
	v18 =	vmul.f32 v18, v9;
	v9 =	vld [tilespmem:s12+$0x30]  }
0x2c0: {  	v34 =	vadd.s32 s17, v0;
	s17 =	sadd.s32 $0x7, s3;
	v33 =	vadd.s32 s16, v0;
	s16 =	sadd.s32 $0x6, s3;
	v14 =	vmul.f32 v14, v10;
	v10 =	vld [tilespmem:s12+$0x40]  }
0x2c1: {  	v36 =	vadd.s32 s17, v0;
	s17 =	sadd.s32 $0x9, s3;
	v35 =	vadd.s32 s16, v0;
	s16 =	sadd.s32 $0x8, s3;
	v24 =	vmul.f32 v15, v24;
	v15 =	vld [tilespmem:s12+$0x50]  }
0x2c2: {  	v38 =	vadd.s32 s17, v0;
	s17 =	sadd.s32 $0xB, s3;
	v37 =	vadd.s32 s16, v0;
	s16 =	sadd.s32 $0xA, s3;
	v39 =	vmul.f32 v20, v11;
	v11 =	vld [tilespmem:s12+$0x60]  }
0x2c3: {  	v40 =	vadd.s32 s16, v0;
	s16 =	sadd.s32 $0xC, s3;
	v20 =	vld [tilespmem:s20+$0xFFFFFF80];
	v17 =	vmul.f32 v17, v29;
	v29 =	vadd.s32 s17, v0;
	s17 =	sadd.s32 $0xD, s3  }
0x2c4: {  	v42 =	vadd.s32 s16, v0;
	s16 =	sadd.s32 $0xE, s3;
	s3 =	smov.u32 s4;
	v41 =	vld [tilespmem:s20+$0xFFFFFF90];
	v9 =	vmul.f32 v21, v9;
	v43 =	vadd.s32 s17, v0  }
0x2c5: {  	v44 =	vadd.s32 s16, v0;
	v21 =	vand.u32 $0x3F, v30;
	v30 =	vld [tilespmem:s20+$0xFFFFFFA0];
	v10 =	vmul.f32 v16, v10  }
0x2c6: {  	v16 =	vor.u32 v4, v21;
	v21 =	vand.u32 $0x3F, v31;
	v31 =	vld [tilespmem:s20+$0xFFFFFFB0];
	v15 =	vmul.f32 v19, v15  }
0x2c7: {  	v19 =	vor.u32 v4, v21;
	v21 =	vand.u32 $0x3F, v32;
	v32 =	vld [tilespmem:s20+$0xFFFFFFC0];
	v11 =	vmul.f32 v22, v11  }
0x2c8: {  	v21 =	vor.u32 v4, v21;
	v22 =	vand.u32 $0x3F, v33;
	v20 =	vadd.f32 v23, v20;
	v23 =	vld [tilespmem:s20+$0xFFFFFFD0]  }
0x2c9: {  	v33 =	vand.u32 $0x3F, v34;
	v22 =	vor.u32 v4, v22;
	v25 =	vadd.f32 v25, v41;
	v34 =	vld [tilespmem:s20+$0xFFFFFFE0]  }
0x2ca: {  	[tilespmem:v28+s26+$0x0] =	vst.idx.msk $0xffff, v20;
	v20 =	vadd.f32 v26, v30;
	v26 =	vor.u32 v4, v33;
	v28 =	vand.u32 $0x3F, v35;
	v30 =	vld [tilespmem:s20+$0xFFFFFFF0]  }
0x2cb: {  	[tilespmem:v16+s26+$0x0] =	vst.idx.msk $0xffff, v25;
	v12 =	vadd.f32 v12, v31;
	v16 =	vor.u32 v4, v28;
	v25 =	vand.u32 $0x3F, v36;
	v28 =	vld [tilespmem:s20+$0x0]  }
0x2cc: {  	[tilespmem:v19+s26+$0x0] =	vst.idx.msk $0xffff, v20;
	v19 =	vadd.f32 v27, v32;
	v25 =	vor.u32 v4, v25;
	v20 =	vand.u32 $0x38, v37;
	v27 =	vld [tilespmem:s20+$0x10]  }
0x2cd: {  	[tilespmem:v21+s26+$0x0] =	vst.idx.msk $0xffff, v12;
	v12 =	vadd.f32 v13, v23;
	v31 =	vor.u32 v20, v5;
	v13 =	vand.u32 $0x3F, v38;
	v32 =	vld [tilespmem:s20+$0x20]  }
.Ltmp5:
0x2ce: {  	[tilespmem:v22+s26+$0x0] =	vst.idx.msk $0xffff, v19;
	v18 =	vadd.f32 v18, v34;
	v13 =	vor.u32 v4, v13;
	v19 =	vand.u32 $0x3F, v40;
	v20 =	vld [tilespmem:s20+$0x30];
	(pc) =	sbr.rel @p0 .LBB2_14-.Ltmp5, $4  }
0x2cf: {  	[tilespmem:v26+s26+$0x0] =	vst.idx.msk $0xffff, v12;
	v22 =	vadd.f32 v14, v30;
	v12 =	vor.u32 v4, v19;
	v14 =	vand.u32 $0x3F, v29;
	v21 =	vld [tilespmem:s20+$0x40]  }
0x2d0: {  	[tilespmem:v16+s26+$0x0] =	vst.idx.msk $0xffff, v18;
	v19 =	vadd.f32 v24, v28;
	v14 =	vor.u32 v4, v14;
	v16 =	vand.u32 $0x3F, v42;
	v23 =	vld [tilespmem:s20+$0x50]  }
0x2d1: {  	s22 =	sadd.s32 $0x100, s22;
	[tilespmem:v25+s26+$0x0] =	vst.idx.msk $0xffff, v22;
	v18 =	vadd.f32 v39, v27;
	v16 =	vor.u32 v4, v16;
	v25 =	vand.u32 $0x3F, v43;
	v22 =	vld [tilespmem:s20+$0x60]  }
0x2d2: {  	s4 =	sadd.s32 $0x10, s4;
	v24 =	vld [tilespmem:s22+$0x70];
	[tilespmem:v31+s26+$0x0] =	vst.idx.msk $0xffff, v19;
	v19 =	vadd.f32 v17, v32;
	v17 =	vor.u32 v4, v25;
	v25 =	vand.u32 $0x3F, v44  }
0x2d3: {  	v26 =	vld [tilespmem:s22+$0xFFFFFF90]  }
0x2d4: {  	v27 =	vld [tilespmem:s22+$0xFFFFFFA0]  }
0x2d5: {  	v28 =	vld [tilespmem:s22+$0xFFFFFFB0]  }
0x2d6: {  	v30 =	vld [tilespmem:s22+$0xFFFFFFC0]  }
0x2d7: {  	v32 =	vld [tilespmem:s22+$0xFFFFFFD0]  }
0x2d8: {  	v33 =	vld [tilespmem:s22+$0xFFFFFFE0]  }
0x2d9: {  	v34 =	vld [tilespmem:s22+$0xFFFFFFF0]  }
0x2da: {  	v35 =	vld [tilespmem:s22+$0x0]  }
0x2db: {  	v36 =	vld [tilespmem:s22+$0x10]  }
0x2dc: {  	v61 =	vld [tilespmem:s22+$0x20]  }
0x2dd: {  	v63 =	vld [tilespmem:s22+$0x30]  }
0x2de: {  	v44 =	vld [tilespmem:s22+$0x40]  }
0x2df: {  	v46 =	vld [tilespmem:s22+$0x50]  }
0x2e0: {  	v9 =	vadd.f32 v9, v20;
	v37 =	vld [tilespmem:s22+$0x60]  }
0x2e1: {  	v48 =	vld [tilespmem:s22+$0xFFFFFF80];
	s22 =	sadd.s32 $0x1, s3;
	v6 =	vor.u32 s3, v6;
	v10 =	vadd.f32 v10, v21;
	v15 =	vadd.f32 v15, v23  }
0x2e2: {  	s28 =	sadd.s32 $0x2, s3;
	v54 =	vadd.s32 s22, v0;
	v11 =	vadd.f32 v11, v22;
	v62 =	vsub.f32 v24, v7  }
0x2e3: {  	s12 =	sadd.s32 $0x100, s12;
	s17 =	sadd.s32 $0x3, s3;
	v56 =	vadd.s32 s28, v0;
	v42 =	vsub.f32 v26, v7;
	v43 =	vsub.f32 v27, v7  }
0x2e4: {  	s4 =	sadd.s32 $0x100, s20;
	v29 =	vld [tilespmem:s12+$0x70];
	v57 =	vadd.s32 s17, v0;
	s17 =	sadd.s32 $0x4, s3;
	v45 =	vsub.f32 v28, v7;
	v30 =	vsub.f32 v30, v7  }
0x2e5: {  	v31 =	vld [tilespmem:s4+$0x70];
	s22 =	sadd.s32 $0x6, s3;
	v59 =	vadd.s32 s17, v0;
	v47 =	vsub.f32 v32, v7;
	v33 =	vsub.f32 v33, v7  }
0x2e6: {  	v38 =	vld [tilespmem:s12+$0xFFFFFF80];
	v60 =	vadd.s32 s22, v0;
	s17 =	sadd.s32 $0xB, s3;
	v34 =	vsub.f32 v34, v7;
	v35 =	vsub.f32 v35, v7  }
0x2e7: {  	v39 =	vld [tilespmem:s12+$0xFFFFFF90];
	[tilespmem:v12+s26+$0x0] =	vst.idx.msk $0xffff, v19;
	v12 =	vadd.s32 s17, v0;
	v36 =	vsub.f32 v36, v7;
	v20 =	vsub.f32 v61, v7  }
0x2e8: {  	v40 =	vld [tilespmem:s12+$0xFFFFFFA0];
	v60 =	vand.u32 $0x3F, v60;
	v23 =	vsub.f32 v63, v7;
	v27 =	vsub.f32 v44, v7  }
0x2e9: {  	v41 =	vld [tilespmem:s12+$0xFFFFFFB0];
	v24 =	vor.u32 v4, v25;
	v28 =	vsub.f32 v46, v7;
	v37 =	vsub.f32 v37, v7  }
0x2ea: {  	v50 =	vld [tilespmem:s12+$0xFFFFFFD0];
	v49 =	vsub.f32 v48, v7;
	v21 =	vmul.f32 v62, v8;
	v25 =	vmul.f32 v42, v8  }
0x2eb: {  	v51 =	vld [tilespmem:s12+$0xFFFFFFF0];
	[tilespmem:v14+s26+$0x0] =	vst.idx.msk $0xffff, v9;
	v63 =	vand.u32 $0x3F, v54;
	v26 =	vmul.f32 v43, v8;
	v22 =	vmul.f32 v45, v8  }
0x2ec: {  	v52 =	vld [tilespmem:s12+$0x0];
	[tilespmem:v17+s26+$0x0] =	vst.idx.msk $0xffff, v15;
	v54 =	vand.u32 $0x3F, v59;
	v30 =	vmul.f32 v30, v8;
	v33 =	vmul.f32 v33, v8  }
0x2ed: {  	v53 =	vld [tilespmem:s12+$0x10];
	v14 =	vor.u32 v4, v63;
	v34 =	vmul.f32 v34, v8;
	v35 =	vmul.f32 v35, v8  }
0x2ee: {  	v55 =	vld [tilespmem:s12+$0x20];
	v17 =	vor.u32 v4, v54;
	v36 =	vmul.f32 v36, v8;
	v20 =	vmul.f32 v20, v8  }
0x2ef: {  	s16 =	sadd.s32 $0xF, s3;
	v58 =	vld [tilespmem:s12+$0x30];
	v63 =	vor.u32 v4, v60;
	v23 =	vmul.f32 v23, v8;
	v27 =	vmul.f32 v27, v8  }
0x2f0: {  	s20 =	sadd.s32 $0x5, s3;
	s22 =	sadd.s32 $0x9, s3;
	v44 =	vld [tilespmem:s12+$0xFFFFFFE0];
	v43 =	vadd.s32 s16, v0;
	v28 =	vmul.f32 v28, v8;
	v37 =	vmul.f32 v37, v8  }
0x2f1: {  	v46 =	vld [tilespmem:s12+$0x40];
	v7 =	vmul.f32 v49, v8;
	v45 =	vadd.s32 s20, v0;
	v49 =	vadd.s32 s22, v0  }
0x2f2: {  	s28 =	sadd.s32 $0x7, s3;
	v48 =	vld [tilespmem:s12+$0x50];
	v21 =	vmul.f32 v21, v29;
	v29 =	vmul.f32 v47, v8;
	v43 =	vand.u32 $0x3F, v43  }
0x2f3: {  	v61 =	vld [tilespmem:s4+$0xFFFFFF80];
	s22 =	sadd.s32 $0xD, s3;
	v47 =	vadd.s32 s28, v0;
	v25 =	vmul.f32 v25, v39;
	v26 =	vmul.f32 v26, v40  }
0x2f4: {  	v62 =	vld [tilespmem:s4+$0xFFFFFF90];
	v9 =	vadd.s32 s22, v0;
	v7 =	vmul.f32 v7, v38;
	v22 =	vmul.f32 v22, v41  }
0x2f5: {  	v42 =	vld [tilespmem:s12+$0xFFFFFFC0];
	s20 =	sadd.s32 $0x8, s3;
	v43 =	vor.u32 v4, v43;
	v8 =	vmul.f32 v34, v51;
	v35 =	vmul.f32 v35, v52  }
0x2f6: {  	[tilespmem:v13+s26+$0x0] =	vst.idx.msk $0xffff, v18;
	v39 =	vadd.s32 s20, v0;
	v13 =	vmul.f32 v36, v53;
	v20 =	vmul.f32 v20, v55;
	v40 =	vld [tilespmem:s4+$0xFFFFFFA0]  }
0x2f7: {  	v23 =	vmul.f32 v23, v58;
	v51 =	vand.u32 $0x3F, v57;
	v52 =	vld [tilespmem:s4+$0xFFFFFFC0];
	v9 =	vand.u32 $0x3F, v9  }
0x2f8: {  	s28 =	sadd.s32 $0xA, s3;
	v57 =	vld [tilespmem:s4+$0xFFFFFFE0];
	v21 =	vadd.f32 v21, v31;
	v29 =	vmul.f32 v29, v50;
	v33 =	vmul.f32 v33, v44  }
0x2f9: {  	[tilespmem:v16+s26+$0x0] =	vst.idx.msk $0xffff, v10;
	v31 =	vadd.s32 s28, v0;
	v27 =	vmul.f32 v27, v46;
	v46 =	vld [tilespmem:s4+$0xFFFFFFB0];
	v7 =	vadd.f32 v7, v61  }
0x2fa: {  	v32 =	vld [tilespmem:s4+$0x0];
	[tilespmem:v24+s26+$0x0] =	vst.idx.msk $0xffff, v11;
	v19 =	vadd.f32 v25, v62;
	v30 =	vmul.f32 v30, v42;
	v42 =	vand.u32 $0x3F, v56  }
0x2fb: {  	s20 =	sadd.s32 $0xC, s3;
	v55 =	vld [tilespmem:s4+$0xFFFFFFD0];
	v53 =	vor.u32 v4, v51;
	v56 =	vand.u32 $0x3F, v45;
	v16 =	vor.u32 v4, v42;
	[tilespmem:v6+s26+$0x0] =	vst.idx.msk $0xffff, v7  }
0x2fc: {  	v36 =	vadd.s32 s20, v0;
	v61 =	vld [tilespmem:s4+$0xFFFFFFF0];
	v59 =	vor.u32 v4, v56;
	[tilespmem:v14+s26+$0x0] =	vst.idx.msk $0xffff, v19;
	v34 =	vadd.f32 v30, v52  }
0x2fd: {  	v41 =	vld [tilespmem:s4+$0x10];
	[tilespmem:v43+s26+$0x0] =	vst.idx.msk $0xffff, v21;
	v58 =	vadd.f32 v26, v40;
	v26 =	vand.u32 $0x3F, v47;
	v45 =	vadd.f32 v33, v57  }
0x2fe: {  	v50 =	vld [tilespmem:s12+$0x60];
	v40 =	vand.u32 $0x38, v39;
	v62 =	vadd.f32 v22, v46;
	v38 =	vor.u32 v4, v26;
	[tilespmem:v17+s26+$0x0] =	vst.idx.msk $0xffff, v34  }
0x2ff: {  	v15 =	vmul.f32 v28, v48;
	v44 =	vld [tilespmem:s4+$0x20];
	v43 =	vand.u32 $0x3F, v49;
	v5 =	vor.u32 v40, v5;
	[tilespmem:v63+s26+$0x0] =	vst.idx.msk $0xffff, v45  }
0x300: {  	v42 =	vadd.f32 v29, v55;
	v47 =	vld [tilespmem:s4+$0x30];
	v14 =	vor.u32 v4, v43;
	v46 =	vand.u32 $0x3F, v31;
	[tilespmem:v53+s26+$0x0] =	vst.idx.msk $0xffff, v62  }
0x301: {  	v51 =	vand.u32 $0x3F, v12;
	v52 =	vld [tilespmem:s4+$0x40];
	v48 =	vadd.f32 v8, v61;
	v49 =	vor.u32 v4, v46;
	[tilespmem:v16+s26+$0x0] =	vst.idx.msk $0xffff, v58  }
0x302: {  	s28 =	sadd.s32 $0xE, s3;
	v11 =	vor.u32 v4, v51;
	v54 =	vand.u32 $0x3F, v36;
	v55 =	vld [tilespmem:s4+$0x50];
	v53 =	vadd.f32 v35, v32;
	[tilespmem:v59+s26+$0x0] =	vst.idx.msk $0xffff, v42  }
0x303: {  	v10 =	vadd.s32 s28, v0;
	v56 =	vadd.f32 v13, v41;
	v57 =	vor.u32 v4, v54;
	v58 =	vld [tilespmem:s4+$0x60];
	[tilespmem:v38+s26+$0x0] =	vst.idx.msk $0xffff, v48  }
0x304: {  	s10 =	sadd.s32 $0x1, s10;
	v60 =	vand.u32 $0x3F, v10;
	v59 =	vor.u32 v4, v9;
	[tilespmem:v5+s26+$0x0] =	vst.idx.msk $0xffff, v53;
	v5 =	vadd.f32 v20, v44  }
0x305: {  	p0 =	sne.s32 s10, $0x8;
	v4 =	vor.u32 v4, v60;
	v61 =	vadd.f32 v23, v47;
	[tilespmem:v14+s26+$0x0] =	vst.idx.msk $0xffff, v56  }
.Ltmp6:
0x306: {  	v62 =	vmul.f32 v37, v50;
	[tilespmem:v49+s26+$0x0] =	vst.idx.msk $0xffff, v5;
	v5 =	vadd.f32 v27, v52;
	(pc) =	sbr.rel @p0 .LBB2_7-.Ltmp6, $4  }
0x307: {  	v63 =	vadd.f32 v15, v55;
	[tilespmem:v11+s26+$0x0] =	vst.idx.msk $0xffff, v61  }
0x308: {  	[tilespmem:v57+s26+$0x0] =	vst.idx.msk $0xffff, v5;
	v5 =	vadd.f32 v62, v58  }
0x309: {  	[tilespmem:v59+s26+$0x0] =	vst.idx.msk $0xffff, v63  }
0x30a: {  	[tilespmem:v4+s26+$0x0] =	vst.idx.msk $0xffff, v5  }
0x30b: {  	s3 =	sshll.u32 s11, $0x3;
	s4 =	rddreg [dreg:$0x3]  }
0x30c: {  	p0 =	seq.s32 s14, $0x31;
	s3 =	sadd.s32 s4, s3  }
0x30d: {  	[hbm4b:s3+s5] =	stream.linear.scatter [tilespmem:s26], [sflag:$0x5], $0x4000, $0x38;
	[tilespmem:$0x17920] =	vst v63  }
0x30e: {  	s3 =	simm.s32 @p0 $0x2  }
0x30f: {  	_ =	swait.ge @p0 [sflag:s3], $0x2000  }
0x310: {  	[sflag:s3] =	ssyncset.done @p0 $0x0  }
0x311: {  	[sflag:s3] =	ssyncadd.s32 @p0 $0xFFFFE000  }
0x312: {  	_ =	swait.ge @p0 [sflag:s3], $0x2000  }
0x313: {  	[sflag:s3] =	ssyncset.done @p0 $0x0  }
0x314: {  	[sflag:s3] =	ssyncadd.s32 @p0 $0xFFFFE000;
	s3 =	simm.s32 @p0 $0x5  }
0x315: {  	_ =	swait.ge @p0 [sflag:s3], $0x4000  }
0x316: {  	s4 =	rddreg [dreg:$0xb]  }
0x317: {  	s4 =	sadd.s32 @!p0 s18, s4  }
0x318: {  	[sflag:s3] =	ssyncset.done @p0 $0x0;
	s4 =	sshrl.u32 @!p0 s4, $0x3  }
0x319: {  	s10 =	simm.s32 @!p0 $0x0;
	[sflag:s3] =	ssyncadd.s32 @p0 $0xFFFFC000;
	s3 =	sadd.s32 @!p0 s6, s4  }
0x31a: {  	[tilespmem:s10], [sflag:$0x3] =	stream.linear.gather @!p0 [hbm4b:s3+s10], $0x80, $0x38;
	[tilespmem:$0x17920] =	vst v63  }
0x31b: {  	s11 =	simm.s32 @!p0 $0x80;
	s3 =	sadd.s32 @!p0 s4, s13  }
0x31c: {  	[tilespmem:s11], [sflag:$0x3] =	stream.linear.gather @!p0 [hbm4b:s3+s10], $0x80, $0x38;
	[tilespmem:$0x17920] =	vst v63  }
0x31d: {  	s3 =	sadd.s32 @!p0 s7, s4;
	s4 =	simm.s32 @!p0 $0x200  }
0x31e: {  	[tilespmem:s4], [sflag:$0x3] =	stream.linear.gather @!p0 [hbm4b:s3+s10], $0x100, $0x38;
	[tilespmem:$0x17920] =	vst v63  }
0x31f: {  	s3 =	simm.s32 @!p0 $0x2  }
0x320: {  	_ =	swait.ge @!p0 [sflag:s3], $0x2000  }
0x321: {  	[sflag:s3] =	ssyncset.done @!p0 $0x0  }
0x322: {  	[sflag:s3] =	ssyncadd.s32 @!p0 $0xFFFFE000  }
0x323: {  	_ =	swait.ge @!p0 [sflag:s3], $0x2000  }
0x324: {  	[sflag:s3] =	ssyncset.done @!p0 $0x0  }
0x325: {  	[sflag:s3] =	ssyncadd.s32 @!p0 $0xFFFFE000;
	s3 =	simm.s32 @!p0 $0x5  }
0x326: {  	_ =	swait.ge @!p0 [sflag:s3], $0x4000  }
0x327: {  	[sflag:s3] =	ssyncset.done @!p0 $0x0  }
0x328: {  	[sflag:s3] =	ssyncadd.s32 @!p0 $0xFFFFC000;
	s3 =	simm.s32 @!p0 $0x3  }
0x329: {  	_ =	swait.ge @!p0 [sflag:s3], $0x80  }
0x32a: {  	[sflag:s3] =	ssyncset.done @!p0 $0x0  }
0x32b: {  	[sflag:s3] =	ssyncadd.s32 @!p0 $0xFFFFFF80  }
0x32c: {  	_ =	swait.ge @!p0 [sflag:s3], $0x80  }
0x32d: {  	[sflag:s3] =	ssyncset.done @!p0 $0x0  }
0x32e: {  	[sflag:s3] =	ssyncadd.s32 @!p0 $0xFFFFFF80  }
0x32f: {  	_ =	swait.ge @!p0 [sflag:s3], $0x100  }
0x330: {  	[sflag:s3] =	ssyncset.done @!p0 $0x0  }
0x331: {  	[sflag:s3] =	ssyncadd.s32 @!p0 $0xFFFFFF00;
	s3 =	simm.s32 @!p0 $0x400  }
0x332: {  	[tilespmem:s3], [sflag:$0x1] =	stream.indirect.gather @!p0 [hbm4b:s9+s11], $0x40, s10, s11, $0xb8;
	[tilespmem:$0x17920] =	vst v63  }
0x333: {  	s3 =	simm.s32 @!p0 $0x2400  }
0x334: {  	[tilespmem:s3], [sflag:$0x1] =	stream.indirect.gather @!p0 [hbm4b:s9+s11], $0x40, s11, s11, $0xb8;
	[tilespmem:$0x17920] =	vst v63  }
0x335: {  	v3 =	vor.u32 s15, v0;
	s10 =	simm.s32 $0x0;
	s11 =	simm.s32 $0x0  }
.LBB2_17:
0x336: {  	s18 =	sshll.u32 s10, $0x5  }
0x337: {  	v4 =	vor.u32 s18, v3  }
0x338: {  	v6 =	vld [tilespmem:s18+$0x300];
	v5 =	vmulhi.u32 $0x51EB851F, v4;
	_ =	sdelay $0x1  }
0x339: {  	v5 =	vshrl.u32 v5, $0x6  }
0x33a: {  	s4 =	simm.s32 $0x2;
	s20 =	simm.s32 $0x1;
	v5 =	vmul.u32 $0xC8, v5  }
0x33b: {  	v7 =	vmov s18;
	v14 =	vadd.s32 s4, v0;
	v16 =	vadd.s32 s20, v0  }
0x33c: {  	v4 =	vsub.s32 v4, v5;
	v5 =	vmul.u32 $0x3200, v6;
	v6 =	vshll.u32 v7, $0x6  }
0x33d: {  	v14 =	vand.u32 $0x3F, v14;
	v7 =	vshll.u32 v4, $0x6;
	v4 =	vor.u32 v1, v6  }
0x33e: {  	v11 =	vimm.f32 $0.0e+00;
	s3 =	simm.s32 $0xE;
	v16 =	vand.u32 $0x3F, v16;
	v18 =	vor.u32 v4, v14  }
0x33f: {  	s12 =	simm.s32 $0xF;
	v13 =	vadd.s32 s3, v0;
	v6 =	vor.u32 v0, v4;
	v21 =	vor.u32 v4, v16  }
0x340: {  	s22 =	simm.s32 $0xC;
	s28 =	simm.s32 $0xD;
	v15 =	vadd.s32 s12, v0;
	v7 =	vadd.s32 v7, v5;
	v8 =	vor.u32 s11, v6  }
0x341: {  	s17 =	simm.s32 $0x3;
	v17 =	vadd.s32 s22, v0;
	v19 =	vadd.s32 s28, v0;
	v16 =	vor.u32 v7, v16  }
0x342: {  	s16 =	simm.s32 $0xB;
	v23 =	vadd.s32 s17, v0;
	v10 =	vor.u32 v0, v7;
	v14 =	vor.u32 v7, v14  }
0x343: {  	s12 =	simm.s32 $0xA;
	v22 =	vadd.s32 s16, v0;
	s16 =	simm.s32 $0x5;
	v23 =	vand.u32 $0x3F, v23;
	v12 =	vor.u32 s11, v10;
	v18 =	vld.idx.msk [tilespmem:v18+s21+$0x0], $0xffff  }
0x344: {  	s20 =	simm.s32 $0x9;
	v20 =	vadd.s32 s12, v0;
	v30 =	vadd.s32 s16, v0;
	v25 =	vor.u32 v4, v23;
	v21 =	vld.idx.msk [tilespmem:v21+s21+$0x0], $0xffff  }
0x345: {  	s22 =	simm.s32 $0x4;
	s28 =	simm.s32 $0x8;
	v24 =	vadd.s32 s20, v0;
	v30 =	vand.u32 $0x3F, v30;
	v23 =	vor.u32 v7, v23;
	v8 =	vld.idx.msk [tilespmem:v8+s21+$0x0], $0xffff  }
0x346: {  	s17 =	simm.s32 $0x6;
	v26 =	vadd.s32 s22, v0;
	v27 =	vadd.s32 s28, v0;
	v32 =	vor.u32 v4, v30;
	v16 =	vld.idx.msk [tilespmem:v16+s19+$0x0], $0xffff  }
0x347: {  	v31 =	vadd.s32 s17, v0;
	v19 =	vand.u32 $0x3F, v19;
	v30 =	vor.u32 v7, v30;
	v14 =	vld.idx.msk [tilespmem:v14+s19+$0x0], $0xffff  }
0x348: {  	s12 =	simm.s32 $0x7;
	v13 =	vand.u32 $0x3F, v13;
	v17 =	vand.u32 $0x3F, v17;
	v26 =	vand.u32 $0x3F, v26;
	v12 =	vld.idx.msk [tilespmem:v12+s19+$0x0], $0xffff  }
0x349: {  	v22 =	vand.u32 $0x3F, v22;
	v28 =	vadd.s32 s12, v0;
	v29 =	vor.u32 v4, v26;
	v25 =	vld.idx.msk [tilespmem:v25+s21+$0x0], $0xffff  }
0x34a: {  	v31 =	vand.u32 $0x3F, v31;
	v27 =	vand.u32 $0x38, v27;
	v26 =	vor.u32 v7, v26;
	v23 =	vld.idx.msk [tilespmem:v23+s19+$0x0], $0xffff  }
0x34b: {  	v5 =	vor.u32 v2, v4;
	v33 =	vor.u32 v4, v31;
	v16 =	vadd.f32 v16, v21;
	v21 =	vld.idx.msk [tilespmem:v32+s21+$0x0], $0xffff  }
0x34c: {  	v9 =	vor.u32 v2, v7;
	v14 =	vadd.f32 v14, v18;
	v18 =	vld.idx.msk [tilespmem:v30+s19+$0x0], $0xffff;
	v30 =	vor.u32 v27, v5  }
0x34d: {  	v20 =	vand.u32 $0x3F, v20;
	v27 =	vor.u32 v27, v9;
	v8 =	vadd.f32 v12, v8  }
0x34e: {  	v24 =	vand.u32 $0x3F, v24;
	v28 =	vand.u32 $0x3F, v28;
	v12 =	vld.idx.msk [tilespmem:v29+s21+$0x0], $0xffff;
	v29 =	vor.u32 v7, v31  }
0x34f: {  	v26 =	vld.idx.msk [tilespmem:v26+s19+$0x0], $0xffff;
	v25 =	vadd.f32 v23, v25;
	v31 =	vor.u32 v4, v28;
	v34 =	vmul.f32 v8, v8  }
0x350: {  	v33 =	vld.idx.msk [tilespmem:v33+s21+$0x0], $0xffff;
	v28 =	vor.u32 v7, v28;
	v55 =	vmul.f32 v16, v16;
	v54 =	vadd.f32 v8, v11  }
0x351: {  	v11 =	vadd.f32 v34, v11;
	v30 =	vld.idx.msk [tilespmem:v30+s21+$0x0], $0xffff;
	v35 =	vadd.f32 v18, v21;
	v21 =	vor.u32 v4, v22  }
0x352: {  	v56 =	vmul.f32 v14, v14;
	v32 =	vadd.f32 v16, v54;
	v18 =	vld.idx.msk [tilespmem:v27+s19+$0x0], $0xffff;
	v22 =	vor.u32 v7, v22  }
0x353: {  	v57 =	vmul.f32 v25, v25;
	v23 =	vld.idx.msk [tilespmem:v29+s19+$0x0], $0xffff;
	v29 =	vor.u32 v4, v24;
	v11 =	vadd.f32 v55, v11  }
0x354: {  	v24 =	vor.u32 v7, v24;
	v31 =	vld.idx.msk [tilespmem:v31+s21+$0x0], $0xffff;
	v26 =	vadd.f32 v26, v12;
	v32 =	vadd.f32 v14, v32  }
0x355: {  	v12 =	vld.idx.msk [tilespmem:v28+s19+$0x0], $0xffff;
	v28 =	vor.u32 v4, v20;
	v20 =	vor.u32 v7, v20;
	v11 =	vadd.f32 v56, v11  }
0x356: {  	v60 =	vor.u32 v7, v19;
	v58 =	vmul.f32 v26, v26;
	v27 =	vadd.f32 v25, v32;
	v21 =	vld.idx.msk [tilespmem:v21+s21+$0x0], $0xffff  }
0x357: {  	v30 =	vadd.f32 v18, v30;
	v18 =	vld.idx.msk [tilespmem:v22+s19+$0x0], $0xffff;
	v22 =	vor.u32 v4, v13;
	v11 =	vadd.f32 v57, v11  }
0x358: {  	v59 =	vmul.f32 v35, v35;
	v13 =	vor.u32 v7, v13;
	v29 =	vld.idx.msk [tilespmem:v29+s21+$0x0], $0xffff;
	v33 =	vadd.f32 v23, v33  }
0x359: {  	v23 =	vld.idx.msk [tilespmem:v24+s19+$0x0], $0xffff;
	v24 =	vor.u32 v4, v17;
	v27 =	vadd.f32 v26, v27;
	v11 =	vadd.f32 v58, v11  }
0x35a: {  	v17 =	vor.u32 v7, v17;
	v31 =	vadd.f32 v12, v31;
	v12 =	vld.idx.msk [tilespmem:v20+s19+$0x0], $0xffff;
	v20 =	vor.u32 v4, v19  }
0x35b: {  	s12 =	simm.s32 $0x169A0;
	v28 =	vld.idx.msk [tilespmem:v28+s21+$0x0], $0xffff;
	v19 =	vadd.f32 v35, v27;
	v27 =	vmul.f32 v33, v33;
	v11 =	vadd.f32 v59, v11  }
0x35c: {  	v15 =	vand.u32 $0x3F, v15;
	[tilespmem:s12+$0xFFFFFFA0] =	vst v14;
	v38 =	vld.idx.msk [tilespmem:v22+s21+$0x0], $0xffff  }
0x35d: {  	v19 =	vadd.f32 v33, v19;
	v14 =	vld.idx.msk [tilespmem:v13+s19+$0x0], $0xffff;
	v11 =	vadd.f32 v27, v11;
	v27 =	vmul.f32 v31, v31  }
0x35e: {  	v36 =	vor.u32 v4, v15;
	v15 =	vor.u32 v7, v15;
	v24 =	vld.idx.msk [tilespmem:v24+s21+$0x0], $0xffff;
	v29 =	vadd.f32 v23, v29  }
0x35f: {  	s3 =	simm.s32 $0x10;
	s20 =	simm.s32 $0x1E;
	v61 =	vld.idx.msk [tilespmem:v17+s19+$0x0], $0xffff;
	v17 =	vadd.f32 v31, v19;
	v11 =	vadd.f32 v27, v11;
	v27 =	vmul.f32 v30, v30  }
0x360: {  	[tilespmem:s12+$0xFFFFFF90] =	vst v16;
	v34 =	vld.idx.msk [tilespmem:v60+s19+$0x0], $0xffff;
	v16 =	vadd.s32 s20, v0;
	v23 =	vor.u32 s3, v6;
	v28 =	vadd.f32 v12, v28  }
0x361: {  	v37 =	vld.idx.msk [tilespmem:v20+s21+$0x0], $0xffff;
	v12 =	vadd.f32 v30, v17;
	v20 =	vadd.f32 v27, v11;
	v27 =	vmul.f32 v29, v29  }
0x362: {  	s16 =	simm.s32 $0x1F;
	v19 =	vor.u32 s3, v10;
	v22 =	vmul.f32 v28, v28;
	v11 =	vadd.f32 v18, v21  }
0x363: {  	s22 =	simm.s32 $0x1C;
	[tilespmem:s12+$0xFFFFFFB0] =	vst v25;
	v17 =	vadd.s32 s16, v0;
	v13 =	vadd.f32 v29, v12;
	v21 =	vadd.f32 v27, v20  }
0x364: {  	v15 =	vld.idx.msk [tilespmem:v15+s19+$0x0], $0xffff;
	[tilespmem:s12+$0xFFFFFFC0] =	vst v26;
	v14 =	vadd.f32 v14, v38;
	v18 =	vadd.s32 s22, v0;
	v12 =	vadd.f32 v61, v24  }
0x365: {  	s28 =	simm.s32 $0x1D;
	s22 =	simm.s32 $0x11;
	v27 =	vld.idx.msk [tilespmem:v36+s21+$0x0], $0xffff;
	v24 =	vadd.f32 v28, v13;
	v26 =	vmul.f32 v11, v11;
	v25 =	vadd.f32 v22, v21  }
0x366: {  	[tilespmem:s12+$0xFFFFFFD0] =	vst v35;
	v62 =	vadd.s32 s22, v0;
	v20 =	vadd.s32 s28, v0;
	v13 =	vadd.f32 v34, v37  }
0x367: {  	s17 =	simm.s32 $0x1A;
	[tilespmem:s12+$0x0] =	vst v30;
	s28 =	simm.s32 $0x12;
	v24 =	vadd.f32 v11, v24;
	v25 =	vadd.f32 v26, v25;
	v26 =	vmul.f32 v12, v12  }
0x368: {  	[tilespmem:s12+$0x20] =	vst v28;
	v28 =	vmul.f32 v14, v14;
	v63 =	vadd.s32 s28, v0;
	v21 =	vadd.s32 s17, v0  }
0x369: {  	s20 =	simm.s32 $0x1B;
	[tilespmem:s12+$0xFFFFFFF0] =	vst v31;
	v34 =	vmul.f32 v13, v13;
	v30 =	vadd.f32 v12, v24;
	v31 =	vadd.f32 v26, v25  }
0x36a: {  	[tilespmem:s12+$0xFFFFFFE0] =	vst v33;
	v22 =	vadd.s32 s20, v0;
	v24 =	vand.u32 $0x3F, v63;
	v15 =	vadd.f32 v15, v27  }
0x36b: {  	s4 =	simm.s32 $0x20;
	[tilespmem:s12+$0x10] =	vst v29;
	s20 =	simm.s32 $0x13;
	v25 =	vand.u32 $0x3F, v62;
	v26 =	vadd.f32 v13, v30;
	v27 =	vadd.f32 v34, v31  }
.LBB2_18:
0x36c: {  	p0 =	slt.u32 s4, $0x30;
	v29 =	vor.u32 v4, v25;
	v30 =	vor.u32 v4, v24;
	v31 =	vadd.s32 s20, v0;
	[tilespmem:s12+$0x30] =	vst v11  }
0x36d: {  	s16 =	sadd.s32 $0x9, s3;
	[tilespmem:s12+$0x40] =	vst v12;
	v11 =	vadd.f32 v14, v26;
	v12 =	vadd.f32 v28, v27;
	v26 =	vmul.f32 v15, v15  }
0x36e: {  	v25 =	vor.u32 v7, v25;
	v27 =	vand.u32 $0x3F, v31;
	v28 =	vadd.s32 s16, v0;
	[tilespmem:s12+$0x50] =	vst v13  }
0x36f: {  	s17 =	sadd.s32 $0x8, s3;
	s16 =	sadd.s32 $0x4, s3;
	v13 =	vld.idx.msk [tilespmem:v23+s21+$0x0], $0xffff;
	v23 =	vor.u32 v7, v24;
	v11 =	vadd.f32 v15, v11;
	v12 =	vadd.f32 v26, v12  }
0x370: {  	v31 =	vadd.s32 s17, v0;
	v24 =	vor.u32 v4, v27;
	v26 =	vadd.s32 s16, v0;
	s16 =	sadd.s32 $0x7, s3;
	v19 =	vld.idx.msk [tilespmem:v19+s19+$0x0], $0xffff;
	[tilespmem:s12+$0x60] =	vst v14  }
0x371: {  	s20 =	sadd.s32 $0x6, s3;
	s17 =	sadd.s32 $0x5, s3;
	v27 =	vor.u32 v7, v27;
	s3 =	smov.u32 s4;
	v26 =	vand.u32 $0x3F, v26;
	v14 =	vld.idx.msk [tilespmem:v30+s21+$0x0], $0xffff;
	v30 =	vadd.s32 s16, v0;
	[tilespmem:s12+$0x70] =	vst v15  }
0x372: {  	v33 =	vadd.s32 s20, v0;
	v32 =	vadd.s32 s17, v0;
	v15 =	vld.idx.msk [tilespmem:v29+s21+$0x0], $0xffff;
	v29 =	vor.u32 v4, v26;
	[tilespmem:s12+$0xFFFFFF80] =	vst v8  }
0x373: {  	v17 =	vand.u32 $0x3F, v17;
	v26 =	vor.u32 v7, v26;
	v8 =	vand.u32 $0x3F, v32;
	v25 =	vld.idx.msk [tilespmem:v25+s19+$0x0], $0xffff  }
0x374: {  	v20 =	vand.u32 $0x3F, v20;
	v16 =	vand.u32 $0x3F, v16;
	v32 =	vor.u32 v4, v8;
	v23 =	vld.idx.msk [tilespmem:v23+s19+$0x0], $0xffff  }
0x375: {  	v18 =	vand.u32 $0x3F, v18;
	v33 =	vand.u32 $0x3F, v33;
	v34 =	vor.u32 v7, v8;
	v24 =	vld.idx.msk [tilespmem:v24+s21+$0x0], $0xffff  }
0x376: {  	v21 =	vand.u32 $0x3F, v21;
	v22 =	vand.u32 $0x3F, v22;
	v35 =	vor.u32 v4, v33;
	v27 =	vld.idx.msk [tilespmem:v27+s19+$0x0], $0xffff  }
0x377: {  	v8 =	vadd.f32 v19, v13;
	v19 =	vor.u32 v7, v33;
	v13 =	vld.idx.msk [tilespmem:v29+s21+$0x0], $0xffff;
	v29 =	vand.u32 $0x3F, v30  }
0x378: {  	v31 =	vand.u32 $0x38, v31;
	v28 =	vand.u32 $0x3F, v28;
	v26 =	vld.idx.msk [tilespmem:v26+s19+$0x0], $0xffff;
	v30 =	vor.u32 v4, v29  }
0x379: {  	v33 =	vmul.f32 v8, v8;
	v15 =	vadd.f32 v25, v15;
	v29 =	vor.u32 v7, v29;
	v25 =	vld.idx.msk [tilespmem:v32+s21+$0x0], $0xffff  }
0x37a: {  	v14 =	vadd.f32 v23, v14;
	v32 =	vor.u32 v31, v5;
	v31 =	vor.u32 v31, v9;
	v23 =	vld.idx.msk [tilespmem:v34+s19+$0x0], $0xffff  }
0x37b: {  	v11 =	vadd.f32 v8, v11;
	v12 =	vadd.f32 v33, v12;
	v33 =	vmul.f32 v15, v15;
	v34 =	vld.idx.msk [tilespmem:v35+s21+$0x0], $0xffff  }
0x37c: {  	v24 =	vadd.f32 v27, v24;
	v27 =	vor.u32 v4, v28;
	v28 =	vor.u32 v7, v28;
	v19 =	vld.idx.msk [tilespmem:v19+s19+$0x0], $0xffff  }
0x37d: {  	v11 =	vadd.f32 v15, v11;
	v12 =	vadd.f32 v33, v12;
	v33 =	vmul.f32 v14, v14;
	v30 =	vld.idx.msk [tilespmem:v30+s21+$0x0], $0xffff  }
0x37e: {  	v13 =	vadd.f32 v26, v13;
	v26 =	vld.idx.msk [tilespmem:v29+s19+$0x0], $0xffff;
	v29 =	vor.u32 v4, v21;
	v21 =	vor.u32 v7, v21  }
0x37f: {  	v11 =	vadd.f32 v14, v11;
	v12 =	vadd.f32 v33, v12;
	v33 =	vmul.f32 v24, v24;
	v32 =	vld.idx.msk [tilespmem:v32+s21+$0x0], $0xffff  }
0x380: {  	v25 =	vadd.f32 v23, v25;
	v23 =	vld.idx.msk [tilespmem:v31+s19+$0x0], $0xffff;
	v31 =	vor.u32 v4, v22;
	v22 =	vor.u32 v7, v22  }
0x381: {  	v11 =	vadd.f32 v24, v11;
	v12 =	vadd.f32 v33, v12;
	v33 =	vmul.f32 v13, v13;
	v27 =	vld.idx.msk [tilespmem:v27+s21+$0x0], $0xffff  }
0x382: {  	v34 =	vadd.f32 v19, v34;
	v19 =	vld.idx.msk [tilespmem:v28+s19+$0x0], $0xffff;
	v28 =	vor.u32 v4, v18;
	v18 =	vor.u32 v7, v18  }
0x383: {  	v11 =	vadd.f32 v13, v11;
	v12 =	vadd.f32 v33, v12;
	v33 =	vmul.f32 v25, v25;
	v29 =	vld.idx.msk [tilespmem:v29+s21+$0x0], $0xffff  }
0x384: {  	v26 =	vadd.f32 v26, v30;
	v30 =	vor.u32 v4, v20;
	v20 =	vor.u32 v7, v20;
	v21 =	vld.idx.msk [tilespmem:v21+s19+$0x0], $0xffff  }
0x385: {  	v11 =	vadd.f32 v25, v11;
	v12 =	vadd.f32 v33, v12;
	v33 =	vmul.f32 v34, v34;
	v31 =	vld.idx.msk [tilespmem:v31+s21+$0x0], $0xffff  }
0x386: {  	v36 =	vor.u32 v7, v16;
	v35 =	vor.u32 v4, v16;
	v32 =	vadd.f32 v23, v32;
	v22 =	vld.idx.msk [tilespmem:v22+s19+$0x0], $0xffff  }
0x387: {  	v11 =	vadd.f32 v34, v11;
	v16 =	vmul.f32 v26, v26;
	v12 =	vadd.f32 v33, v12;
	v28 =	vld.idx.msk [tilespmem:v28+s21+$0x0], $0xffff  }
0x388: {  	v37 =	vor.u32 v7, v17;
	v27 =	vadd.f32 v19, v27;
	v33 =	vld.idx.msk [tilespmem:v18+s19+$0x0], $0xffff;
	v18 =	vor.u32 v4, v17  }
0x389: {  	s12 =	sadd.s32 $0x100, s12;
	v11 =	vadd.f32 v26, v11;
	v12 =	vadd.f32 v16, v12;
	v16 =	vmul.f32 v32, v32;
	v30 =	vld.idx.msk [tilespmem:v30+s21+$0x0], $0xffff  }
0x38a: {  	v23 =	vor.u32 s4, v6;
	v19 =	vor.u32 s4, v10;
	v29 =	vadd.f32 v21, v29;
	[tilespmem:s12+$0xFFFFFF90] =	vst v15;
	v15 =	vld.idx.msk [tilespmem:v20+s19+$0x0], $0xffff  }
0x38b: {  	s17 =	sadd.s32 $0xF, s4;
	s16 =	sadd.s32 $0xE, s4;
	v21 =	vmul.f32 v27, v27;
	v20 =	vadd.f32 v32, v11;
	v12 =	vadd.f32 v16, v12;
	v35 =	vld.idx.msk [tilespmem:v35+s21+$0x0], $0xffff  }
0x38c: {  	v17 =	vadd.s32 s17, v0;
	v16 =	vadd.s32 s16, v0;
	v11 =	vadd.f32 v22, v31;
	[tilespmem:s12+$0xFFFFFFA0] =	vst v14;
	v14 =	vld.idx.msk [tilespmem:v36+s19+$0x0], $0xffff  }
0x38d: {  	s17 =	sadd.s32 $0xD, s4;
	s16 =	sadd.s32 $0xC, s4;
	v31 =	vmul.f32 v29, v29;
	v22 =	vadd.f32 v27, v20;
	v21 =	vadd.f32 v21, v12;
	v36 =	vld.idx.msk [tilespmem:v18+s21+$0x0], $0xffff  }
0x38e: {  	v20 =	vadd.s32 s17, v0;
	v18 =	vadd.s32 s16, v0;
	v12 =	vadd.f32 v33, v28;
	[tilespmem:s12+$0xFFFFFFB0] =	vst v24;
	v28 =	vld.idx.msk [tilespmem:v37+s19+$0x0], $0xffff  }
0x38f: {  	s17 =	sadd.s32 $0xB, s4;
	s16 =	sadd.s32 $0xA, s4;
	v33 =	vmul.f32 v11, v11;
	v24 =	vadd.f32 v29, v22;
	v31 =	vadd.f32 v31, v21;
	[tilespmem:s12+$0xFFFFFFC0] =	vst v13  }
0x390: {  	v21 =	vadd.s32 s16, v0;
	v22 =	vadd.s32 s17, v0;
	v13 =	vadd.f32 v15, v30;
	[tilespmem:s12+$0xFFFFFFD0] =	vst v25  }
.Ltmp7:
0x391: {  	s16 =	sadd.s32 $0x1, s4;
	s17 =	sadd.s32 $0x2, s4;
	v15 =	vadd.f32 v11, v24;
	v24 =	vadd.f32 v33, v31;
	v25 =	vmul.f32 v12, v12;
	[tilespmem:s12+$0xFFFFFFE0] =	vst v34;
	(pc) =	sbr.rel @p0 .LBB2_18-.Ltmp7, $4  }
0x392: {  	v30 =	vadd.s32 s16, v0;
	v31 =	vadd.s32 s17, v0;
	v14 =	vadd.f32 v14, v35;
	[tilespmem:s12+$0xFFFFFFF0] =	vst v26  }
0x393: {  	v33 =	vmul.f32 v13, v13;
	v26 =	vadd.f32 v12, v15;
	[tilespmem:s12+$0x0] =	vst v32;
	v32 =	vadd.f32 v25, v24  }
0x394: {  	v25 =	vand.u32 $0x3F, v30;
	v24 =	vand.u32 $0x3F, v31;
	v15 =	vadd.f32 v28, v36;
	[tilespmem:s12+$0x10] =	vst v27  }
0x395: {  	s20 =	sadd.s32 $0x3, s3;
	s4 =	sadd.s32 $0x10, s4;
	v28 =	vmul.f32 v14, v14;
	v26 =	vadd.f32 v13, v26;
	[tilespmem:s12+$0x20] =	vst v29;
	v27 =	vadd.f32 v33, v32  }
0x396: {  	v10 =	vor.u32 v4, v25  }
0x397: {  	v29 =	vor.u32 v4, v24;
	v30 =	vadd.s32 s20, v0;
	v56 =	vmul.f32 v15, v15  }
0x398: {  	v25 =	vor.u32 v7, v25;
	v24 =	vor.u32 v7, v24;
	v17 =	vand.u32 $0x3F, v17  }
0x399: {  	v20 =	vand.u32 $0x3F, v20;
	v16 =	vand.u32 $0x3F, v16;
	v18 =	vand.u32 $0x3F, v18  }
0x39a: {  	s4 =	sadd.s32 $0x9, s3;
	v21 =	vand.u32 $0x3F, v21;
	v22 =	vand.u32 $0x3F, v22;
	v26 =	vadd.f32 v14, v26  }
0x39b: {  	s17 =	sadd.s32 $0x4, s3;
	s16 =	sadd.s32 $0x8, s3;
	v23 =	vld.idx.msk [tilespmem:v23+s21+$0x0], $0xffff;
	v27 =	vadd.f32 v28, v27;
	v30 =	vand.u32 $0x3F, v30;
	v31 =	vadd.s32 s4, v0  }
0x39c: {  	s20 =	sadd.s32 $0x7, s3;
	v19 =	vld.idx.msk [tilespmem:v19+s19+$0x0], $0xffff;
	v32 =	vadd.s32 s17, v0;
	v33 =	vadd.s32 s16, v0;
	v57 =	vor.u32 v4, v30  }
0x39d: {  	s22 =	sadd.s32 $0x5, s3;
	s28 =	sadd.s32 $0x6, s3;
	v34 =	vadd.s32 s20, v0;
	v30 =	vor.u32 v7, v30;
	v32 =	vand.u32 $0x3F, v32;
	v29 =	vld.idx.msk [tilespmem:v29+s21+$0x0], $0xffff  }
0x39e: {  	v36 =	vadd.s32 s22, v0;
	v37 =	vadd.s32 s28, v0;
	v35 =	vor.u32 v4, v32;
	v38 =	vld.idx.msk [tilespmem:v10+s21+$0x0], $0xffff  }
0x39f: {  	v37 =	vand.u32 $0x3F, v37;
	v32 =	vor.u32 v7, v32;
	v10 =	vand.u32 $0x3F, v36;
	v25 =	vld.idx.msk [tilespmem:v25+s19+$0x0], $0xffff  }
0x3a0: {  	v33 =	vand.u32 $0x38, v33;
	v31 =	vand.u32 $0x3F, v31;
	v24 =	vld.idx.msk [tilespmem:v24+s19+$0x0], $0xffff;
	v36 =	vor.u32 v4, v10  }
0x3a1: {  	v26 =	vadd.f32 v15, v26;
	v27 =	vadd.f32 v56, v27;
	v39 =	vor.u32 v7, v10;
	v28 =	vld.idx.msk [tilespmem:v57+s21+$0x0], $0xffff  }
0x3a2: {  	[tilespmem:s12+$0x30] =	vst v11;
	v40 =	vor.u32 v4, v37;
	v10 =	vadd.f32 v19, v23;
	v23 =	vand.u32 $0x3F, v34;
	v30 =	vld.idx.msk [tilespmem:v30+s19+$0x0], $0xffff  }
0x3a3: {  	v61 =	vor.u32 v33, v5;
	v19 =	vor.u32 v7, v37;
	v59 =	vor.u32 v4, v23;
	v58 =	vld.idx.msk [tilespmem:v35+s21+$0x0], $0xffff  }
0x3a4: {  	v32 =	vld.idx.msk [tilespmem:v32+s19+$0x0], $0xffff;
	v60 =	vmul.f32 v10, v10;
	v26 =	vadd.f32 v10, v26;
	v25 =	vadd.f32 v25, v38  }
0x3a5: {  	v9 =	vor.u32 v33, v9;
	v23 =	vor.u32 v7, v23;
	v24 =	vadd.f32 v24, v29;
	v36 =	vld.idx.msk [tilespmem:v36+s21+$0x0], $0xffff  }
0x3a6: {  	v27 =	vadd.f32 v60, v27;
	v62 =	vld.idx.msk [tilespmem:v39+s19+$0x0], $0xffff;
	v63 =	vmul.f32 v25, v25;
	v26 =	vadd.f32 v25, v26  }
0x3a7: {  	v41 =	vor.u32 v4, v31;
	v31 =	vor.u32 v7, v31;
	v40 =	vld.idx.msk [tilespmem:v40+s21+$0x0], $0xffff;
	v28 =	vadd.f32 v30, v28  }
0x3a8: {  	v19 =	vld.idx.msk [tilespmem:v19+s19+$0x0], $0xffff;
	v42 =	vmul.f32 v24, v24;
	v27 =	vadd.f32 v63, v27;
	v26 =	vadd.f32 v24, v26  }
0x3a9: {  	v43 =	vor.u32 v4, v21;
	v21 =	vor.u32 v7, v21;
	v35 =	vld.idx.msk [tilespmem:v59+s21+$0x0], $0xffff;
	v32 =	vadd.f32 v32, v58  }
0x3aa: {  	v23 =	vld.idx.msk [tilespmem:v23+s19+$0x0], $0xffff;
	v44 =	vmul.f32 v28, v28;
	v27 =	vadd.f32 v42, v27;
	v26 =	vadd.f32 v28, v26  }
0x3ab: {  	v45 =	vor.u32 v4, v22;
	v22 =	vor.u32 v7, v22;
	v9 =	vld.idx.msk [tilespmem:v9+s19+$0x0], $0xffff;
	v36 =	vadd.f32 v62, v36  }
0x3ac: {  	v29 =	vld.idx.msk [tilespmem:v61+s21+$0x0], $0xffff;
	v46 =	vmul.f32 v32, v32;
	v27 =	vadd.f32 v44, v27;
	v26 =	vadd.f32 v32, v26  }
0x3ad: {  	v47 =	vor.u32 v4, v18;
	v18 =	vor.u32 v7, v18;
	v31 =	vld.idx.msk [tilespmem:v31+s19+$0x0], $0xffff;
	v19 =	vadd.f32 v19, v40  }
0x3ae: {  	v30 =	vld.idx.msk [tilespmem:v41+s21+$0x0], $0xffff;
	v48 =	vmul.f32 v36, v36;
	v27 =	vadd.f32 v46, v27;
	v26 =	vadd.f32 v36, v26  }
0x3af: {  	v49 =	vor.u32 v4, v20;
	v20 =	vor.u32 v7, v20;
	v34 =	vld.idx.msk [tilespmem:v43+s21+$0x0], $0xffff;
	v23 =	vadd.f32 v23, v35  }
0x3b0: {  	v21 =	vld.idx.msk [tilespmem:v21+s19+$0x0], $0xffff;
	v50 =	vmul.f32 v19, v19;
	v27 =	vadd.f32 v48, v27;
	v26 =	vadd.f32 v19, v26  }
0x3b1: {  	v51 =	vor.u32 v4, v16;
	v16 =	vor.u32 v7, v16;
	v22 =	vld.idx.msk [tilespmem:v22+s19+$0x0], $0xffff;
	v9 =	vadd.f32 v9, v29  }
0x3b2: {  	v38 =	vld.idx.msk [tilespmem:v45+s21+$0x0], $0xffff;
	v52 =	vmul.f32 v23, v23;
	v27 =	vadd.f32 v50, v27;
	v26 =	vadd.f32 v23, v26  }
0x3b3: {  	[tilespmem:s12+$0x40] =	vst v12;
	v53 =	vor.u32 v4, v17;
	v33 =	vld.idx.msk [tilespmem:v47+s21+$0x0], $0xffff;
	v30 =	vadd.f32 v31, v30  }
0x3b4: {  	v18 =	vld.idx.msk [tilespmem:v18+s19+$0x0], $0xffff;
	v54 =	vmul.f32 v9, v9;
	v27 =	vadd.f32 v52, v27;
	v26 =	vadd.f32 v9, v26  }
0x3b5: {  	[tilespmem:s12+$0x50] =	vst v13;
	v20 =	vld.idx.msk [tilespmem:v20+s19+$0x0], $0xffff;
	v7 =	vor.u32 v7, v17;
	v21 =	vadd.f32 v21, v34  }
0x3b6: {  	v17 =	vld.idx.msk [tilespmem:v49+s21+$0x0], $0xffff;
	v55 =	vmul.f32 v30, v30;
	v27 =	vadd.f32 v54, v27;
	v26 =	vadd.f32 v30, v26  }
0x3b7: {  	[tilespmem:s12+$0x60] =	vst v14;
	v16 =	vld.idx.msk [tilespmem:v16+s19+$0x0], $0xffff;
	v22 =	vadd.f32 v22, v38  }
0x3b8: {  	v56 =	vmul.f32 v21, v21;
	v29 =	vld.idx.msk [tilespmem:v51+s21+$0x0], $0xffff;
	v27 =	vadd.f32 v55, v27;
	v26 =	vadd.f32 v21, v26  }
0x3b9: {  	[tilespmem:s12+$0x70] =	vst v15;
	v11 =	vld.idx.msk [tilespmem:v53+s21+$0x0], $0xffff;
	v18 =	vadd.f32 v18, v33  }
0x3ba: {  	v7 =	vld.idx.msk [tilespmem:v7+s19+$0x0], $0xffff;
	v57 =	vmul.f32 v22, v22;
	v27 =	vadd.f32 v56, v27;
	v26 =	vadd.f32 v22, v26  }
0x3bb: {  	[tilespmem:s12+$0xFFFFFF80] =	vst v8;
	s12 =	sadd.s32 $0x100, s12;
	v12 =	vadd.f32 v20, v17  }
0x3bc: {  	[tilespmem:s12+$0xFFFFFF80] =	vst v10;
	v17 =	vmul.f32 v18, v18;
	v13 =	vadd.f32 v57, v27;
	v20 =	vadd.f32 v18, v26  }
0x3bd: {  	[tilespmem:s12+$0xFFFFFF90] =	vst v25;
	v14 =	vadd.f32 v16, v29  }
0x3be: {  	[tilespmem:s12+$0xFFFFFFA0] =	vst v24;
	v15 =	vmul.f32 v12, v12;
	v13 =	vadd.f32 v17, v13;
	v16 =	vadd.f32 v12, v20  }
0x3bf: {  	[tilespmem:s12+$0x20] =	vst v21;
	v8 =	vadd.f32 v7, v11  }
0x3c0: {  	[tilespmem:s12+$0x40] =	vst v18;
	v11 =	vmul.f32 v14, v14;
	v7 =	vadd.f32 v15, v13;
	v13 =	vadd.f32 v14, v16  }
0x3c1: {  	[tilespmem:s12+$0xFFFFFFB0] =	vst v28  }
0x3c2: {  	[tilespmem:s12+$0x50] =	vst v12;
	v7 =	vadd.f32 v11, v7;
	v11 =	vmul.f32 v8, v8;
	v13 =	vadd.f32 v8, v13  }
0x3c3: {  	[tilespmem:s12+$0xFFFFFFC0] =	vst v32  }
0x3c4: {  	[tilespmem:s12+$0x0] =	vst v9;
	v11 =	vadd.f32 v11, v7;
	v7 =	vmul.f32 $1.562500000e-02, v13  }
0x3c5: {  	[tilespmem:s12+$0x30] =	vst v22  }
0x3c6: {  	[tilespmem:s12+$0xFFFFFFD0] =	vst v36;
	v11 =	vmul.f32 $1.562500000e-02, v11;
	v13 =	vmul.f32 v7, v7  }
0x3c7: {  	[tilespmem:s12+$0xFFFFFFE0] =	vst v19  }
0x3c8: {  	[tilespmem:s12+$0xFFFFFFF0] =	vst v23;
	v9 =	vsub.f32 v11, v13  }
0x3c9: {  	[tilespmem:s12+$0x10] =	vst v30  }
0x3ca: {  	[tilespmem:s12+$0x70] =	vst v8;
	v9 =	vadd.f32 $9.999999740e-06, v9  }
0x3cb: {  	s16 =	simm.s32 $0x169A0;
	[tilespmem:s12+$0x60] =	vst v14  }
0x3cc: {  	v10 =	vld [tilespmem:s16+$0x70];
	v11 =	vshra.s32 v9, $0x1;
	v9 =	vmul.f32 $5.000000000e-01, v9  }
0x3cd: {  	v19 =	vld [tilespmem:s16+$0xFFFFFFF0];
	v11 =	vsub.s32 $0x5F3759DF, v11  }
0x3ce: {  	v24 =	vld [tilespmem:s16+$0x50];
	v8 =	vmul.f32 v11, v9  }
0x3cf: {  	s12 =	simm.s32 $0x171A0;
	v25 =	vld [tilespmem:s16+$0xFFFFFF80]  }
0x3d0: {  	v28 =	vld [tilespmem:s12+$0xFFFFFFA0];
	v8 =	vmul.f32 v11, v8  }
0x3d1: {  	v58 =	vld [tilespmem:s12+$0xFFFFFFB0]  }
0x3d2: {  	v59 =	vld [tilespmem:s12+$0xFFFFFFD0];
	v8 =	vsub.f32 $1.500000000e+00, v8  }
0x3d3: {  	v61 =	vld [tilespmem:s12+$0xFFFFFFE0]  }
0x3d4: {  	v47 =	vld [tilespmem:s12+$0x20];
	v8 =	vmul.f32 v11, v8  }
0x3d5: {  	v21 =	vld [tilespmem:s16+$0x10]  }
0x3d6: {  	v18 =	vld [tilespmem:s16+$0xFFFFFFE0];
	v9 =	vmul.f32 v8, v9  }
0x3d7: {  	v12 =	vld [tilespmem:s16+$0xFFFFFF90]  }
0x3d8: {  	v17 =	vld [tilespmem:s16+$0xFFFFFFD0];
	v9 =	vmul.f32 v9, v8  }
0x3d9: {  	v14 =	vld [tilespmem:s16+$0xFFFFFFB0]  }
0x3da: {  	s17 =	simm.s32 $0xF;
	v15 =	vld [tilespmem:s16+$0xFFFFFFC0];
	v9 =	vsub.f32 $1.500000000e+00, v9  }
0x3db: {  	s22 =	simm.s32 $0x0;
	v60 =	vadd.s32 s17, v0;
	v11 =	vld [tilespmem:s12+$0x70]  }
0x3dc: {  	s4 =	simm.s32 $0xA;
	s17 =	simm.s32 $0x3;
	v63 =	vor.u32 s22, v6;
	s22 =	simm.s32 $0x4;
	v13 =	vld [tilespmem:s16+$0xFFFFFFA0];
	v8 =	vmul.f32 v9, v8;
	v9 =	vsub.f32 v10, v7  }
0x3dd: {  	v43 =	vadd.s32 s4, v0;
	v49 =	vadd.s32 s17, v0;
	v51 =	vadd.s32 s22, v0;
	v20 =	vld [tilespmem:s16+$0x0]  }
0x3de: {  	s20 =	simm.s32 $0x175A0;
	s17 =	simm.s32 $0x7;
	v32 =	vand.u32 $0x3F, v60;
	v22 =	vld [tilespmem:s16+$0x30];
	v12 =	vsub.f32 v12, v7;
	v9 =	vmul.f32 v9, v8  }
0x3df: {  	v42 =	vld [tilespmem:s20+$0xFFFFFF80];
	v54 =	vadd.s32 s17, v0;
	v14 =	vsub.f32 v14, v7;
	v17 =	vsub.f32 v17, v7  }
0x3e0: {  	s22 =	simm.s32 $0x8;
	v18 =	vsub.f32 v18, v7;
	v9 =	vmul.f32 v9, v11;
	v11 =	vsub.f32 v15, v7;
	v15 =	vld [tilespmem:s16+$0x60]  }
0x3e1: {  	v23 =	vld [tilespmem:s16+$0x40];
	v55 =	vadd.s32 s22, v0;
	v19 =	vsub.f32 v19, v7;
	v13 =	vsub.f32 v13, v7  }
0x3e2: {  	v26 =	vld [tilespmem:s12+$0xFFFFFF80];
	v20 =	vsub.f32 v20, v7;
	v21 =	vsub.f32 v21, v7;
	v12 =	vmul.f32 v12, v8  }
0x3e3: {  	v27 =	vld [tilespmem:s12+$0xFFFFFF90];
	v22 =	vsub.f32 v22, v7;
	v13 =	vmul.f32 v13, v8;
	v14 =	vmul.f32 v14, v8  }
0x3e4: {  	v16 =	vld [tilespmem:s20+$0x70];
	v25 =	vsub.f32 v25, v7;
	v17 =	vmul.f32 v17, v8;
	v18 =	vmul.f32 v18, v8  }
0x3e5: {  	v45 =	vld [tilespmem:s20+$0xFFFFFF90];
	v19 =	vmul.f32 v19, v8;
	v20 =	vmul.f32 v20, v8;
	v15 =	vsub.f32 v15, v7  }
0x3e6: {  	v23 =	vsub.f32 v23, v7;
	v10 =	vld [tilespmem:s16+$0x20];
	v21 =	vmul.f32 v21, v8;
	v25 =	vmul.f32 v25, v8  }
0x3e7: {  	s22 =	simm.s32 $0xD;
	v24 =	vsub.f32 v24, v7;
	v22 =	vmul.f32 v22, v8;
	v62 =	vmul.f32 v15, v8;
	v15 =	vld [tilespmem:s12+$0xFFFFFFF0]  }
0x3e8: {  	v57 =	vadd.s32 s22, v0;
	v23 =	vmul.f32 v23, v8;
	v25 =	vmul.f32 v25, v26;
	v26 =	vld [tilespmem:s12+$0x0]  }
0x3e9: {  	v24 =	vmul.f32 v24, v8;
	v12 =	vmul.f32 v12, v27;
	v16 =	vadd.f32 v9, v16;
	v9 =	vld [tilespmem:s12+$0x10]  }
0x3ea: {  	v46 =	vld [tilespmem:s20+$0xFFFFFFA0];
	v27 =	vor.u32 v4, v32;
	v13 =	vmul.f32 v13, v28;
	v14 =	vmul.f32 v14, v58  }
0x3eb: {  	v30 =	vld [tilespmem:s12+$0xFFFFFFC0];
	v17 =	vmul.f32 v17, v59;
	v18 =	vmul.f32 v18, v61;
	v58 =	vand.u32 $0x3F, v49  }
0x3ec: {  	s16 =	simm.s32 $0x2;
	v59 =	vand.u32 $0x3F, v51;
	v10 =	vsub.f32 v10, v7;
	v19 =	vmul.f32 v19, v15;
	v15 =	vld [tilespmem:s12+$0x40]  }
0x3ed: {  	v48 =	vadd.s32 s16, v0;
	s16 =	simm.s32 $0x6;
	v31 =	vor.u32 v4, v58;
	v26 =	vmul.f32 v20, v26;
	v20 =	vld [tilespmem:s12+$0x50]  }
0x3ee: {  	v11 =	vmul.f32 v11, v8;
	v53 =	vadd.s32 s16, v0;
	v41 =	vmul.f32 v21, v9;
	v21 =	vld [tilespmem:s12+$0x60]  }
0x3ef: {  	s28 =	simm.s32 $0x1;
	v25 =	vadd.f32 v25, v42;
	v12 =	vadd.f32 v12, v45;
	v10 =	vmul.f32 v10, v8  }
0x3f0: {  	v50 =	vld [tilespmem:s12+$0x30];
	v13 =	vadd.f32 v13, v46;
	v28 =	vmul.f32 v11, v30;
	v11 =	vadd.s32 s28, v0  }
0x3f1: {  	v30 =	vmul.f32 v10, v47;
	v11 =	vand.u32 $0x3F, v11;
	v10 =	vmul.f32 v23, v15  }
0x3f2: {  	s28 =	simm.s32 $0x5;
	v23 =	vor.u32 v4, v11;
	v11 =	vand.u32 $0x3F, v48;
	v15 =	vmul.f32 v24, v20;
	v20 =	vld [tilespmem:s20+$0xFFFFFFB0]  }
0x3f3: {  	s16 =	simm.s32 $0xB;
	v52 =	vadd.s32 s28, v0;
	s28 =	simm.s32 $0x9;
	v24 =	vor.u32 v4, v11;
	v11 =	vmul.f32 v62, v21;
	v21 =	vld [tilespmem:s20+$0xFFFFFFC0]  }
0x3f4: {  	v60 =	vld [tilespmem:s20+$0xFFFFFFD0];
	s17 =	simm.s32 $0xC;
	v44 =	vadd.s32 s16, v0;
	[tilespmem:v27+s30+$0x0] =	vst.idx.msk $0xffff, v16;
	v16 =	vor.u32 v4, v59;
	v56 =	vadd.s32 s28, v0  }
0x3f5: {  	v61 =	vld [tilespmem:s20+$0xFFFFFFE0];
	s28 =	simm.s32 $0xE;
	v27 =	vand.u32 $0x3F, v52;
	v9 =	vmul.f32 v22, v50;
	v22 =	vadd.s32 s17, v0  }
0x3f6: {  	[tilespmem:v63+s30+$0x0] =	vst.idx.msk $0xffff, v25;
	v47 =	vadd.s32 s28, v0;
	v25 =	vor.u32 v4, v27;
	v27 =	vand.u32 $0x3F, v53;
	v62 =	vld [tilespmem:s20+$0xFFFFFFF0]  }
0x3f7: {  	[tilespmem:v23+s30+$0x0] =	vst.idx.msk $0xffff, v12;
	v12 =	vadd.f32 v14, v20;
	v14 =	vor.u32 v4, v27;
	v20 =	vand.u32 $0x3F, v54;
	v23 =	vld [tilespmem:s20+$0x0]  }
0x3f8: {  	v27 =	vld [tilespmem:s20+$0x10];
	[tilespmem:v24+s30+$0x0] =	vst.idx.msk $0xffff, v13;
	v13 =	vadd.f32 v28, v21;
	v24 =	vor.u32 v4, v20;
	v20 =	vand.u32 $0x38, v55  }
0x3f9: {  	v63 =	vld [tilespmem:s20+$0x20];
	[tilespmem:v31+s30+$0x0] =	vst.idx.msk $0xffff, v12;
	v12 =	vadd.f32 v17, v60;
	v17 =	vor.u32 v20, v5;
	v20 =	vand.u32 $0x3F, v56  }
0x3fa: {  	[tilespmem:v16+s30+$0x0] =	vst.idx.msk $0xffff, v13;
	v16 =	vadd.f32 v18, v61;
	v13 =	vor.u32 v4, v20;
	v18 =	vand.u32 $0x3F, v43;
	v20 =	vld [tilespmem:s20+$0x30]  }
0x3fb: {  	v19 =	vadd.f32 v19, v62;
	v21 =	vld [tilespmem:s20+$0x40];
	[tilespmem:v25+s30+$0x0] =	vst.idx.msk $0xffff, v12;
	v12 =	vor.u32 v4, v18;
	v18 =	vand.u32 $0x3F, v44  }
0x3fc: {  	[tilespmem:v14+s30+$0x0] =	vst.idx.msk $0xffff, v16;
	v25 =	vadd.f32 v26, v23;
	v14 =	vor.u32 v4, v18;
	v16 =	vand.u32 $0x3F, v22;
	v23 =	vld [tilespmem:s20+$0x50]  }
0x3fd: {  	s22 =	simm.s32 $0x16AA0;
	v18 =	vadd.f32 v41, v27;
	v26 =	vand.u32 $0x3F, v57;
	v22 =	vld [tilespmem:s20+$0x60];
	[tilespmem:v24+s30+$0x0] =	vst.idx.msk $0xffff, v19;
	v16 =	vor.u32 v4, v16  }
0x3fe: {  	s3 =	simm.s32 $0x10;
	s4 =	simm.s32 $0x20;
	v24 =	vld [tilespmem:s22+$0x70];
	v19 =	vadd.f32 v30, v63;
	[tilespmem:v17+s30+$0x0] =	vst.idx.msk $0xffff, v25;
	v17 =	vor.u32 v4, v26;
	v25 =	vand.u32 $0x3F, v47  }
.LBB2_20:
0x3ff: {  	p0 =	slt.u32 s4, $0x30;
	v26 =	vld [tilespmem:s22+$0xFFFFFF90];
	[tilespmem:v13+s30+$0x0] =	vst.idx.msk $0xffff, v18;
	v9 =	vadd.f32 v9, v20;
	v13 =	vor.u32 v4, v25  }
0x400: {  	v18 =	vld [tilespmem:s22+$0xFFFFFFA0];
	[tilespmem:v12+s30+$0x0] =	vst.idx.msk $0xffff, v19;
	v10 =	vadd.f32 v10, v21  }
0x401: {  	s12 =	sadd.s32 $0x100, s12;
	v12 =	vld [tilespmem:s22+$0xFFFFFFB0];
	[tilespmem:v14+s30+$0x0] =	vst.idx.msk $0xffff, v9;
	v9 =	vadd.f32 v15, v23  }
0x402: {  	v14 =	vld [tilespmem:s12+$0x70];
	[tilespmem:v16+s30+$0x0] =	vst.idx.msk $0xffff, v10;
	v10 =	vadd.f32 v11, v22  }
0x403: {  	s16 =	sadd.s32 $0xF, s3;
	s20 =	sadd.s32 $0x100, s20;
	v11 =	vld [tilespmem:s22+$0xFFFFFFC0];
	v15 =	vsub.f32 v24, v7;
	[tilespmem:v17+s30+$0x0] =	vst.idx.msk $0xffff, v9  }
0x404: {  	v16 =	vadd.s32 s16, v0;
	v9 =	vsub.f32 v26, v7;
	v17 =	vld [tilespmem:s20+$0x70];
	[tilespmem:v13+s30+$0x0] =	vst.idx.msk $0xffff, v10  }
0x405: {  	v16 =	vand.u32 $0x3F, v16;
	v10 =	vsub.f32 v18, v7;
	v13 =	vld [tilespmem:s22+$0xFFFFFFD0];
	v15 =	vmul.f32 v15, v8  }
0x406: {  	v16 =	vor.u32 v4, v16;
	v9 =	vmul.f32 v9, v8;
	v12 =	vsub.f32 v12, v7;
	v18 =	vld [tilespmem:s22+$0xFFFFFFE0]  }
0x407: {  	v10 =	vmul.f32 v10, v8;
	v19 =	vld [tilespmem:s22+$0xFFFFFFF0];
	v14 =	vmul.f32 v15, v14  }
0x408: {  	v12 =	vmul.f32 v12, v8;
	v11 =	vsub.f32 v11, v7;
	v15 =	vld [tilespmem:s22+$0x0]  }
0x409: {  	v20 =	vld [tilespmem:s22+$0x10];
	v14 =	vadd.f32 v14, v17  }
0x40a: {  	v11 =	vmul.f32 v11, v8;
	v13 =	vsub.f32 v13, v7;
	v17 =	vld [tilespmem:s22+$0x20]  }
0x40b: {  	v18 =	vsub.f32 v18, v7;
	v21 =	vld [tilespmem:s22+$0x30];
	[tilespmem:v16+s30+$0x0] =	vst.idx.msk $0xffff, v14  }
0x40c: {  	v13 =	vmul.f32 v13, v8;
	v14 =	vsub.f32 v19, v7;
	v16 =	vld [tilespmem:s22+$0x40]  }
0x40d: {  	v18 =	vmul.f32 v18, v8;
	v15 =	vsub.f32 v15, v7;
	v19 =	vld [tilespmem:s22+$0x50]  }
0x40e: {  	v14 =	vmul.f32 v14, v8;
	v20 =	vsub.f32 v20, v7;
	v22 =	vld [tilespmem:s22+$0x60]  }
0x40f: {  	v23 =	vld [tilespmem:s22+$0xFFFFFF80];
	v15 =	vmul.f32 v15, v8;
	v17 =	vsub.f32 v17, v7  }
0x410: {  	v24 =	vld [tilespmem:s12+$0xFFFFFF80];
	v20 =	vmul.f32 v20, v8;
	v21 =	vsub.f32 v21, v7  }
0x411: {  	v25 =	vld [tilespmem:s12+$0xFFFFFF90];
	v17 =	vmul.f32 v17, v8;
	v16 =	vsub.f32 v16, v7  }
0x412: {  	v26 =	vld [tilespmem:s12+$0xFFFFFFA0];
	v21 =	vmul.f32 v21, v8;
	v19 =	vsub.f32 v19, v7  }
0x413: {  	v27 =	vld [tilespmem:s12+$0xFFFFFFB0];
	v16 =	vmul.f32 v16, v8;
	v22 =	vsub.f32 v22, v7  }
0x414: {  	v23 =	vsub.f32 v23, v7;
	v28 =	vld [tilespmem:s12+$0xFFFFFFC0];
	v19 =	vmul.f32 v19, v8  }
0x415: {  	v29 =	vld [tilespmem:s12+$0xFFFFFFD0];
	v22 =	vmul.f32 v22, v8  }
0x416: {  	v23 =	vmul.f32 v23, v8;
	v25 =	vmul.f32 v9, v25;
	v9 =	vld [tilespmem:s12+$0xFFFFFFE0]  }
0x417: {  	v26 =	vmul.f32 v10, v26;
	v10 =	vld [tilespmem:s12+$0xFFFFFFF0]  }
0x418: {  	v23 =	vmul.f32 v23, v24;
	v12 =	vmul.f32 v12, v27;
	v24 =	vld [tilespmem:s12+$0x0]  }
0x419: {  	s16 =	sadd.s32 $0x1, s3;
	v27 =	vmul.f32 v11, v28;
	v11 =	vld [tilespmem:s12+$0x10]  }
0x41a: {  	s17 =	sadd.s32 $0x3, s3;
	v30 =	vadd.s32 s16, v0;
	s16 =	sadd.s32 $0x2, s3;
	v28 =	vor.u32 s3, v6;
	v13 =	vmul.f32 v13, v29;
	v29 =	vld [tilespmem:s12+$0x20]  }
0x41b: {  	v32 =	vadd.s32 s17, v0;
	s17 =	sadd.s32 $0x5, s3;
	v31 =	vadd.s32 s16, v0;
	s16 =	sadd.s32 $0x4, s3;
	v18 =	vmul.f32 v18, v9;
	v9 =	vld [tilespmem:s12+$0x30]  }
0x41c: {  	v34 =	vadd.s32 s17, v0;
	s17 =	sadd.s32 $0x7, s3;
	v33 =	vadd.s32 s16, v0;
	s16 =	sadd.s32 $0x6, s3;
	v14 =	vmul.f32 v14, v10;
	v10 =	vld [tilespmem:s12+$0x40]  }
0x41d: {  	v36 =	vadd.s32 s17, v0;
	s17 =	sadd.s32 $0x9, s3;
	v35 =	vadd.s32 s16, v0;
	s16 =	sadd.s32 $0x8, s3;
	v24 =	vmul.f32 v15, v24;
	v15 =	vld [tilespmem:s12+$0x50]  }
0x41e: {  	v38 =	vadd.s32 s17, v0;
	s17 =	sadd.s32 $0xB, s3;
	v37 =	vadd.s32 s16, v0;
	s16 =	sadd.s32 $0xA, s3;
	v39 =	vmul.f32 v20, v11;
	v11 =	vld [tilespmem:s12+$0x60]  }
0x41f: {  	v40 =	vadd.s32 s16, v0;
	s16 =	sadd.s32 $0xC, s3;
	v20 =	vld [tilespmem:s20+$0xFFFFFF80];
	v17 =	vmul.f32 v17, v29;
	v29 =	vadd.s32 s17, v0;
	s17 =	sadd.s32 $0xD, s3  }
0x420: {  	v42 =	vadd.s32 s16, v0;
	s16 =	sadd.s32 $0xE, s3;
	s3 =	smov.u32 s4;
	v41 =	vld [tilespmem:s20+$0xFFFFFF90];
	v9 =	vmul.f32 v21, v9;
	v43 =	vadd.s32 s17, v0  }
0x421: {  	v44 =	vadd.s32 s16, v0;
	v21 =	vand.u32 $0x3F, v30;
	v30 =	vld [tilespmem:s20+$0xFFFFFFA0];
	v10 =	vmul.f32 v16, v10  }
0x422: {  	v16 =	vor.u32 v4, v21;
	v21 =	vand.u32 $0x3F, v31;
	v31 =	vld [tilespmem:s20+$0xFFFFFFB0];
	v15 =	vmul.f32 v19, v15  }
0x423: {  	v19 =	vor.u32 v4, v21;
	v21 =	vand.u32 $0x3F, v32;
	v32 =	vld [tilespmem:s20+$0xFFFFFFC0];
	v11 =	vmul.f32 v22, v11  }
0x424: {  	v21 =	vor.u32 v4, v21;
	v22 =	vand.u32 $0x3F, v33;
	v20 =	vadd.f32 v23, v20;
	v23 =	vld [tilespmem:s20+$0xFFFFFFD0]  }
0x425: {  	v33 =	vand.u32 $0x3F, v34;
	v22 =	vor.u32 v4, v22;
	v25 =	vadd.f32 v25, v41;
	v34 =	vld [tilespmem:s20+$0xFFFFFFE0]  }
0x426: {  	[tilespmem:v28+s30+$0x0] =	vst.idx.msk $0xffff, v20;
	v20 =	vadd.f32 v26, v30;
	v26 =	vor.u32 v4, v33;
	v28 =	vand.u32 $0x3F, v35;
	v30 =	vld [tilespmem:s20+$0xFFFFFFF0]  }
0x427: {  	[tilespmem:v16+s30+$0x0] =	vst.idx.msk $0xffff, v25;
	v12 =	vadd.f32 v12, v31;
	v16 =	vor.u32 v4, v28;
	v25 =	vand.u32 $0x3F, v36;
	v28 =	vld [tilespmem:s20+$0x0]  }
0x428: {  	[tilespmem:v19+s30+$0x0] =	vst.idx.msk $0xffff, v20;
	v19 =	vadd.f32 v27, v32;
	v25 =	vor.u32 v4, v25;
	v20 =	vand.u32 $0x38, v37;
	v27 =	vld [tilespmem:s20+$0x10]  }
0x429: {  	[tilespmem:v21+s30+$0x0] =	vst.idx.msk $0xffff, v12;
	v12 =	vadd.f32 v13, v23;
	v31 =	vor.u32 v20, v5;
	v13 =	vand.u32 $0x3F, v38;
	v32 =	vld [tilespmem:s20+$0x20]  }
.Ltmp8:
0x42a: {  	[tilespmem:v22+s30+$0x0] =	vst.idx.msk $0xffff, v19;
	v18 =	vadd.f32 v18, v34;
	v13 =	vor.u32 v4, v13;
	v19 =	vand.u32 $0x3F, v40;
	v20 =	vld [tilespmem:s20+$0x30];
	(pc) =	sbr.rel @p0 .LBB2_20-.Ltmp8, $4  }
0x42b: {  	[tilespmem:v26+s30+$0x0] =	vst.idx.msk $0xffff, v12;
	v22 =	vadd.f32 v14, v30;
	v12 =	vor.u32 v4, v19;
	v14 =	vand.u32 $0x3F, v29;
	v21 =	vld [tilespmem:s20+$0x40]  }
0x42c: {  	[tilespmem:v16+s30+$0x0] =	vst.idx.msk $0xffff, v18;
	v19 =	vadd.f32 v24, v28;
	v14 =	vor.u32 v4, v14;
	v16 =	vand.u32 $0x3F, v42;
	v23 =	vld [tilespmem:s20+$0x50]  }
0x42d: {  	s22 =	sadd.s32 $0x100, s22;
	[tilespmem:v25+s30+$0x0] =	vst.idx.msk $0xffff, v22;
	v18 =	vadd.f32 v39, v27;
	v16 =	vor.u32 v4, v16;
	v25 =	vand.u32 $0x3F, v43;
	v22 =	vld [tilespmem:s20+$0x60]  }
0x42e: {  	s4 =	sadd.s32 $0x10, s4;
	v24 =	vld [tilespmem:s22+$0x70];
	[tilespmem:v31+s30+$0x0] =	vst.idx.msk $0xffff, v19;
	v19 =	vadd.f32 v17, v32;
	v17 =	vor.u32 v4, v25;
	v25 =	vand.u32 $0x3F, v44  }
0x42f: {  	v26 =	vld [tilespmem:s22+$0xFFFFFF90]  }
0x430: {  	v27 =	vld [tilespmem:s22+$0xFFFFFFA0]  }
0x431: {  	v28 =	vld [tilespmem:s22+$0xFFFFFFB0]  }
0x432: {  	v30 =	vld [tilespmem:s22+$0xFFFFFFC0]  }
0x433: {  	v32 =	vld [tilespmem:s22+$0xFFFFFFD0]  }
0x434: {  	v33 =	vld [tilespmem:s22+$0xFFFFFFE0]  }
0x435: {  	v34 =	vld [tilespmem:s22+$0xFFFFFFF0]  }
0x436: {  	v35 =	vld [tilespmem:s22+$0x0]  }
0x437: {  	v36 =	vld [tilespmem:s22+$0x10]  }
0x438: {  	v9 =	vadd.f32 v9, v20;
	v20 =	vld [tilespmem:s22+$0x20]  }
0x439: {  	v37 =	vld [tilespmem:s22+$0x60]  }
0x43a: {  	s12 =	sadd.s32 $0x100, s12;
	v53 =	vld [tilespmem:s22+$0xFFFFFF80]  }
0x43b: {  	s4 =	sadd.s32 $0x100, s20;
	s16 =	sadd.s32 $0xF, s3;
	v29 =	vld [tilespmem:s12+$0x70]  }
0x43c: {  	s17 =	sadd.s32 $0x1, s3;
	v6 =	vor.u32 s3, v6;
	s20 =	sadd.s32 $0x2, s3;
	s28 =	sadd.s32 $0x5, s3;
	v31 =	vld [tilespmem:s4+$0x70];
	v10 =	vadd.f32 v10, v21;
	v43 =	vadd.s32 s16, v0  }
0x43d: {  	v38 =	vld [tilespmem:s12+$0xFFFFFF80];
	v56 =	vadd.s32 s17, v0;
	s17 =	sadd.s32 $0x3, s3;
	v58 =	vadd.s32 s20, v0;
	v45 =	vadd.s32 s28, v0  }
0x43e: {  	v39 =	vld [tilespmem:s12+$0xFFFFFF90];
	s20 =	sadd.s32 $0x7, s3;
	s28 =	sadd.s32 $0x9, s3;
	v15 =	vadd.f32 v15, v23;
	v43 =	vand.u32 $0x3F, v43;
	v59 =	vadd.s32 s17, v0  }
0x43f: {  	v40 =	vld [tilespmem:s12+$0xFFFFFFA0];
	s17 =	sadd.s32 $0x6, s3;
	v47 =	vadd.s32 s20, v0;
	v49 =	vadd.s32 s28, v0;
	[tilespmem:v14+s30+$0x0] =	vst.idx.msk $0xffff, v9;
	v14 =	vand.u32 $0x3F, v56  }
0x440: {  	v41 =	vld [tilespmem:s12+$0xFFFFFFB0];
	[tilespmem:v12+s30+$0x0] =	vst.idx.msk $0xffff, v19;
	s16 =	sadd.s32 $0xE, s3;
	s20 =	sadd.s32 $0xB, s3;
	s28 =	sadd.s32 $0xD, s3;
	v11 =	vadd.f32 v11, v22;
	v43 =	vor.u32 v4, v43;
	v62 =	vadd.s32 s17, v0  }
0x441: {  	v12 =	vadd.s32 s20, v0;
	v9 =	vadd.s32 s28, v0;
	[tilespmem:v16+s30+$0x0] =	vst.idx.msk $0xffff, v10;
	v10 =	vadd.s32 s16, v0  }
0x442: {  	v42 =	vld [tilespmem:s12+$0xFFFFFFC0];
	v21 =	vsub.f32 v24, v7;
	v24 =	vor.u32 v4, v25;
	v25 =	vsub.f32 v26, v7  }
0x443: {  	v54 =	vld [tilespmem:s12+$0xFFFFFFD0];
	v14 =	vor.u32 v4, v14;
	v26 =	vsub.f32 v27, v7;
	v22 =	vsub.f32 v28, v7  }
0x444: {  	v23 =	vld [tilespmem:s22+$0x30];
	v16 =	vand.u32 $0x3F, v58;
	v30 =	vsub.f32 v30, v7;
	v33 =	vsub.f32 v33, v7  }
0x445: {  	v44 =	vld [tilespmem:s12+$0xFFFFFFE0];
	v34 =	vsub.f32 v34, v7;
	v35 =	vsub.f32 v35, v7;
	v21 =	vmul.f32 v21, v8  }
0x446: {  	v55 =	vld [tilespmem:s12+$0x0];
	v36 =	vsub.f32 v36, v7;
	v25 =	vmul.f32 v25, v8;
	v26 =	vmul.f32 v26, v8  }
0x447: {  	v57 =	vld [tilespmem:s12+$0x20];
	v20 =	vsub.f32 v20, v7;
	v22 =	vmul.f32 v22, v8;
	v30 =	vmul.f32 v30, v8  }
0x448: {  	v60 =	vld [tilespmem:s12+$0x30];
	v37 =	vsub.f32 v37, v7;
	v33 =	vmul.f32 v33, v8;
	v34 =	vmul.f32 v34, v8  }
0x449: {  	v27 =	vld [tilespmem:s22+$0x40];
	v35 =	vmul.f32 v35, v8;
	v36 =	vmul.f32 v36, v8;
	v23 =	vsub.f32 v23, v7  }
0x44a: {  	v16 =	vor.u32 v4, v16;
	v28 =	vld [tilespmem:s22+$0x50];
	v20 =	vmul.f32 v20, v8;
	v37 =	vmul.f32 v37, v8  }
0x44b: {  	v46 =	vld [tilespmem:s12+$0x40];
	[tilespmem:v17+s30+$0x0] =	vst.idx.msk $0xffff, v15;
	v17 =	vand.u32 $0x3F, v59;
	s22 =	sadd.s32 $0x4, s3;
	v21 =	vmul.f32 v21, v29;
	v23 =	vmul.f32 v23, v8  }
0x44c: {  	[tilespmem:v13+s30+$0x0] =	vst.idx.msk $0xffff, v18;
	v48 =	vld [tilespmem:s12+$0x50];
	v61 =	vadd.s32 s22, v0;
	v25 =	vmul.f32 v25, v39;
	v26 =	vmul.f32 v26, v40  }
0x44d: {  	v50 =	vld [tilespmem:s12+$0x60];
	v29 =	vsub.f32 v32, v7;
	v22 =	vmul.f32 v22, v41;
	v30 =	vmul.f32 v30, v42  }
0x44e: {  	v18 =	vld [tilespmem:s4+$0xFFFFFF80];
	v33 =	vmul.f32 v33, v44;
	v35 =	vmul.f32 v35, v55;
	v27 =	vsub.f32 v27, v7  }
0x44f: {  	v19 =	vld [tilespmem:s4+$0xFFFFFF90];
	v20 =	vmul.f32 v20, v57;
	v28 =	vsub.f32 v28, v7;
	v7 =	vsub.f32 v53, v7  }
0x450: {  	s22 =	sadd.s32 $0x8, s3;
	v29 =	vmul.f32 v29, v8;
	v21 =	vadd.f32 v21, v31;
	v31 =	vld [tilespmem:s12+$0x10];
	v27 =	vmul.f32 v27, v8  }
0x451: {  	v63 =	vadd.s32 s22, v0;
	s22 =	sadd.s32 $0xC, s3;
	v28 =	vmul.f32 v28, v8;
	v7 =	vmul.f32 v7, v8;
	v8 =	vld [tilespmem:s12+$0xFFFFFFF0]  }
0x452: {  	v40 =	vadd.s32 s22, v0;
	v42 =	vld [tilespmem:s4+$0xFFFFFFA0];
	[tilespmem:v24+s30+$0x0] =	vst.idx.msk $0xffff, v11;
	v11 =	vor.u32 v4, v17;
	v17 =	vand.u32 $0x3F, v61  }
0x453: {  	v17 =	vor.u32 v4, v17;
	v7 =	vmul.f32 v7, v38;
	v27 =	vmul.f32 v27, v46;
	v46 =	vld [tilespmem:s4+$0xFFFFFFB0]  }
0x454: {  	v23 =	vmul.f32 v23, v60;
	v19 =	vadd.f32 v25, v19;
	v15 =	vmul.f32 v28, v48;
	v28 =	vld [tilespmem:s4+$0xFFFFFFC0]  }
0x455: {  	s17 =	sadd.s32 $0xA, s3;
	v29 =	vmul.f32 v29, v54;
	[tilespmem:v43+s30+$0x0] =	vst.idx.msk $0xffff, v21;
	v21 =	vand.u32 $0x3F, v45;
	v7 =	vadd.f32 v7, v18;
	v18 =	vld [tilespmem:s4+$0xFFFFFFD0]  }
0x456: {  	v24 =	vld [tilespmem:s4+$0xFFFFFFE0];
	v13 =	vmul.f32 v36, v31;
	v31 =	vadd.s32 s17, v0;
	v8 =	vmul.f32 v34, v8  }
0x457: {  	v25 =	vld [tilespmem:s4+$0xFFFFFFF0];
	[tilespmem:v6+s30+$0x0] =	vst.idx.msk $0xffff, v7;
	v6 =	vadd.f32 v26, v42;
	v7 =	vor.u32 v4, v21;
	v21 =	vand.u32 $0x3F, v62  }
0x458: {  	[tilespmem:v14+s30+$0x0] =	vst.idx.msk $0xffff, v19;
	v14 =	vadd.f32 v22, v46;
	v19 =	vor.u32 v4, v21;
	v21 =	vand.u32 $0x3F, v47;
	v22 =	vld [tilespmem:s4+$0x0]  }
0x459: {  	v26 =	vld [tilespmem:s4+$0x10];
	[tilespmem:v16+s30+$0x0] =	vst.idx.msk $0xffff, v6;
	v6 =	vadd.f32 v30, v28;
	v16 =	vor.u32 v4, v21;
	v21 =	vand.u32 $0x38, v63  }
0x45a: {  	[tilespmem:v11+s30+$0x0] =	vst.idx.msk $0xffff, v14;
	v11 =	vadd.f32 v29, v18;
	v5 =	vor.u32 v21, v5;
	v14 =	vand.u32 $0x3F, v49;
	v18 =	vld [tilespmem:s4+$0x20]  }
0x45b: {  	v21 =	vld [tilespmem:s4+$0x30];
	[tilespmem:v17+s30+$0x0] =	vst.idx.msk $0xffff, v6;
	v6 =	vadd.f32 v33, v24;
	v14 =	vor.u32 v4, v14;
	v17 =	vand.u32 $0x3F, v31  }
0x45c: {  	[tilespmem:v7+s30+$0x0] =	vst.idx.msk $0xffff, v11;
	v7 =	vadd.f32 v8, v25;
	v8 =	vor.u32 v4, v17;
	v11 =	vand.u32 $0x3F, v12;
	v12 =	vld [tilespmem:s4+$0x40]  }
0x45d: {  	v17 =	vand.u32 $0x3F, v40;
	[tilespmem:v19+s30+$0x0] =	vst.idx.msk $0xffff, v6;
	v6 =	vadd.f32 v35, v22;
	v11 =	vor.u32 v4, v11;
	v19 =	vld [tilespmem:s4+$0x50]  }
0x45e: {  	v9 =	vand.u32 $0x3F, v9;
	[tilespmem:v16+s30+$0x0] =	vst.idx.msk $0xffff, v7;
	v7 =	vadd.f32 v13, v26;
	v13 =	vor.u32 v4, v17;
	v16 =	vld [tilespmem:s4+$0x60]  }
0x45f: {  	[tilespmem:v5+s30+$0x0] =	vst.idx.msk $0xffff, v6;
	v5 =	vadd.f32 v20, v18;
	v6 =	vor.u32 v4, v9;
	v9 =	vand.u32 $0x3F, v10  }
0x460: {  	[tilespmem:v14+s30+$0x0] =	vst.idx.msk $0xffff, v7;
	v7 =	vadd.f32 v23, v21;
	v4 =	vor.u32 v4, v9  }
0x461: {  	v9 =	vmul.f32 v37, v50;
	[tilespmem:v8+s30+$0x0] =	vst.idx.msk $0xffff, v5;
	v5 =	vadd.f32 v27, v12  }
0x462: {  	[tilespmem:v11+s30+$0x0] =	vst.idx.msk $0xffff, v7;
	v7 =	vadd.f32 v15, v19  }
0x463: {  	[tilespmem:v13+s30+$0x0] =	vst.idx.msk $0xffff, v5;
	v5 =	vadd.f32 v9, v16  }
0x464: {  	s17 =	sor.u32 $0x10, s18;
	[tilespmem:v6+s30+$0x0] =	vst.idx.msk $0xffff, v7  }
0x465: {  	[tilespmem:v4+s30+$0x0] =	vst.idx.msk $0xffff, v5;
	v4 =	vor.u32 s17, v3  }
0x466: {  	v5 =	vmulhi.u32 $0x51EB851F, v4;
	v6 =	vld [tilespmem:s18+$0x310];
	_ =	sdelay $0x1  }
0x467: {  	s22 =	simm.s32 $0x2;
	v5 =	vshrl.u32 v5, $0x6  }
0x468: {  	s12 =	simm.s32 $0x4;
	v14 =	vadd.s32 s22, v0;
	v5 =	vmul.u32 $0xC8, v5  }
0x469: {  	v26 =	vadd.s32 s12, v0;
	v14 =	vand.u32 $0x3F, v14;
	v7 =	vmov s17  }
0x46a: {  	s16 =	simm.s32 $0x1;
	v4 =	vsub.s32 v4, v5;
	v5 =	vmul.u32 $0x3200, v6;
	v6 =	vshll.u32 v7, $0x6  }
0x46b: {  	s4 =	simm.s32 $0x9;
	v16 =	vadd.s32 s16, v0;
	v7 =	vshll.u32 v4, $0x6;
	v4 =	vor.u32 v1, v6  }
0x46c: {  	v24 =	vadd.s32 s4, v0;
	v16 =	vand.u32 $0x3F, v16;
	v18 =	vor.u32 v4, v14  }
0x46d: {  	v26 =	vand.u32 $0x3F, v26;
	s18 =	simm.s32 $0x0;
	v6 =	vor.u32 v0, v4;
	v21 =	vor.u32 v4, v16  }
0x46e: {  	s22 =	simm.s32 $0xB;
	v24 =	vand.u32 $0x3F, v24;
	v7 =	vadd.s32 v7, v5;
	v8 =	vor.u32 s18, v6  }
0x46f: {  	s28 =	simm.s32 $0xF;
	v22 =	vadd.s32 s22, v0;
	v11 =	vimm.f32 $0.0e+00;
	v16 =	vor.u32 v7, v16  }
0x470: {  	v15 =	vadd.s32 s28, v0;
	s28 =	simm.s32 $0x3;
	v10 =	vor.u32 v0, v7;
	v14 =	vor.u32 v7, v14  }
0x471: {  	s20 =	simm.s32 $0xE;
	v22 =	vand.u32 $0x3F, v22;
	v23 =	vadd.s32 s28, v0;
	v12 =	vor.u32 s18, v10;
	s18 =	simm.s32 $0xD;
	v18 =	vld.idx.msk [tilespmem:v18+s21+$0x0], $0xffff  }
0x472: {  	v13 =	vadd.s32 s20, v0;
	v23 =	vand.u32 $0x3F, v23;
	v19 =	vadd.s32 s18, v0;
	s18 =	simm.s32 $0x5;
	v21 =	vld.idx.msk [tilespmem:v21+s21+$0x0], $0xffff  }
0x473: {  	s20 =	simm.s32 $0xA;
	v15 =	vand.u32 $0x3F, v15;
	v25 =	vor.u32 v4, v23;
	v30 =	vadd.s32 s18, v0;
	v8 =	vld.idx.msk [tilespmem:v8+s21+$0x0], $0xffff  }
0x474: {  	s16 =	simm.s32 $0x8;
	v20 =	vadd.s32 s20, v0;
	v23 =	vor.u32 v7, v23;
	v30 =	vand.u32 $0x3F, v30;
	v16 =	vld.idx.msk [tilespmem:v16+s19+$0x0], $0xffff  }
0x475: {  	v27 =	vadd.s32 s16, v0;
	s20 =	simm.s32 $0x6;
	v14 =	vld.idx.msk [tilespmem:v14+s19+$0x0], $0xffff;
	v47 =	vor.u32 v4, v30;
	v30 =	vor.u32 v7, v30  }
0x476: {  	v13 =	vand.u32 $0x3F, v13;
	s17 =	simm.s32 $0xC;
	v31 =	vadd.s32 s20, v0;
	v20 =	vand.u32 $0x3F, v20;
	v12 =	vld.idx.msk [tilespmem:v12+s19+$0x0], $0xffff  }
0x477: {  	v27 =	vand.u32 $0x38, v27;
	v17 =	vadd.s32 s17, v0;
	s17 =	simm.s32 $0x7;
	v29 =	vor.u32 v4, v26  }
0x478: {  	v31 =	vand.u32 $0x3F, v31;
	v28 =	vadd.s32 s17, v0;
	v26 =	vor.u32 v7, v26;
	v25 =	vld.idx.msk [tilespmem:v25+s21+$0x0], $0xffff  }
0x479: {  	v5 =	vor.u32 v2, v4;
	v48 =	vor.u32 v4, v31;
	v9 =	vor.u32 v2, v7;
	v23 =	vld.idx.msk [tilespmem:v23+s19+$0x0], $0xffff  }
0x47a: {  	v19 =	vand.u32 $0x3F, v19;
	v14 =	vadd.f32 v14, v18;
	v18 =	vld.idx.msk [tilespmem:v30+s19+$0x0], $0xffff;
	v30 =	vor.u32 v27, v5  }
0x47b: {  	v16 =	vadd.f32 v16, v21;
	v21 =	vld.idx.msk [tilespmem:v47+s21+$0x0], $0xffff;
	v27 =	vor.u32 v27, v9;
	v8 =	vadd.f32 v12, v8  }
0x47c: {  	v28 =	vand.u32 $0x3F, v28;
	v57 =	vor.u32 v7, v19;
	v12 =	vld.idx.msk [tilespmem:v29+s21+$0x0], $0xffff;
	v29 =	vor.u32 v7, v31  }
0x47d: {  	v26 =	vld.idx.msk [tilespmem:v26+s19+$0x0], $0xffff;
	v31 =	vor.u32 v4, v28;
	v49 =	vmul.f32 v8, v8;
	v50 =	vadd.f32 v8, v11  }
0x47e: {  	v33 =	vld.idx.msk [tilespmem:v48+s21+$0x0], $0xffff;
	v25 =	vadd.f32 v23, v25;
	v28 =	vor.u32 v7, v28;
	v51 =	vmul.f32 v16, v16  }
0x47f: {  	v52 =	vmul.f32 v14, v14;
	v11 =	vadd.f32 v49, v11;
	v32 =	vadd.f32 v16, v50;
	v30 =	vld.idx.msk [tilespmem:v30+s21+$0x0], $0xffff  }
0x480: {  	v54 =	vadd.f32 v18, v21;
	v18 =	vld.idx.msk [tilespmem:v27+s19+$0x0], $0xffff;
	v21 =	vor.u32 v4, v22;
	v22 =	vor.u32 v7, v22  }
0x481: {  	v53 =	vmul.f32 v25, v25;
	v23 =	vld.idx.msk [tilespmem:v29+s19+$0x0], $0xffff;
	v29 =	vor.u32 v4, v24;
	v11 =	vadd.f32 v51, v11  }
0x482: {  	v24 =	vor.u32 v7, v24;
	v31 =	vld.idx.msk [tilespmem:v31+s21+$0x0], $0xffff;
	v26 =	vadd.f32 v26, v12;
	v32 =	vadd.f32 v14, v32  }
0x483: {  	v12 =	vld.idx.msk [tilespmem:v28+s19+$0x0], $0xffff;
	v28 =	vor.u32 v4, v20;
	v20 =	vor.u32 v7, v20;
	v11 =	vadd.f32 v52, v11  }
0x484: {  	v17 =	vand.u32 $0x3F, v17;
	v34 =	vld.idx.msk [tilespmem:v57+s19+$0x0], $0xffff;
	v56 =	vmul.f32 v54, v54;
	v27 =	vadd.f32 v25, v32  }
0x485: {  	v55 =	vmul.f32 v26, v26;
	v30 =	vadd.f32 v18, v30;
	v18 =	vld.idx.msk [tilespmem:v22+s19+$0x0], $0xffff;
	v11 =	vadd.f32 v53, v11  }
0x486: {  	v22 =	vor.u32 v4, v13;
	v13 =	vor.u32 v7, v13;
	v29 =	vld.idx.msk [tilespmem:v29+s21+$0x0], $0xffff;
	v33 =	vadd.f32 v23, v33  }
0x487: {  	v23 =	vld.idx.msk [tilespmem:v24+s19+$0x0], $0xffff;
	v24 =	vor.u32 v4, v17;
	v27 =	vadd.f32 v26, v27;
	v11 =	vadd.f32 v55, v11  }
0x488: {  	v17 =	vor.u32 v7, v17;
	v31 =	vadd.f32 v12, v31;
	v12 =	vld.idx.msk [tilespmem:v20+s19+$0x0], $0xffff;
	v20 =	vor.u32 v4, v19  }
0x489: {  	v28 =	vld.idx.msk [tilespmem:v28+s21+$0x0], $0xffff;
	v19 =	vadd.f32 v54, v27;
	v27 =	vmul.f32 v33, v33;
	v11 =	vadd.f32 v56, v11  }
0x48a: {  	v59 =	vor.u32 v4, v15;
	v21 =	vld.idx.msk [tilespmem:v21+s21+$0x0], $0xffff  }
0x48b: {  	s12 =	simm.s32 $0x16DA0;
	s22 =	simm.s32 $0x1E;
	v19 =	vadd.f32 v33, v19;
	v61 =	vld.idx.msk [tilespmem:v22+s21+$0x0], $0xffff;
	v11 =	vadd.f32 v27, v11;
	v27 =	vmul.f32 v31, v31  }
0x48c: {  	v15 =	vor.u32 v7, v15;
	[tilespmem:s12+$0xFFFFFF90] =	vst v16;
	v16 =	vadd.s32 s22, v0;
	v24 =	vld.idx.msk [tilespmem:v24+s21+$0x0], $0xffff;
	v29 =	vadd.f32 v23, v29  }
0x48d: {  	s22 =	simm.s32 $0x11;
	v58 =	vld.idx.msk [tilespmem:v17+s19+$0x0], $0xffff;
	v17 =	vadd.f32 v31, v19;
	v11 =	vadd.f32 v27, v11;
	v27 =	vmul.f32 v30, v30  }
0x48e: {  	[tilespmem:s12+$0xFFFFFFA0] =	vst v14;
	v62 =	vadd.s32 s22, v0;
	v14 =	vld.idx.msk [tilespmem:v13+s19+$0x0], $0xffff;
	v28 =	vadd.f32 v12, v28  }
0x48f: {  	s3 =	simm.s32 $0x10;
	v60 =	vld.idx.msk [tilespmem:v20+s21+$0x0], $0xffff;
	v12 =	vadd.f32 v30, v17;
	v20 =	vadd.f32 v27, v11;
	v27 =	vmul.f32 v29, v29  }
0x490: {  	s28 =	simm.s32 $0x1F;
	v23 =	vor.u32 s3, v6;
	v22 =	vmul.f32 v28, v28;
	v11 =	vadd.f32 v18, v21  }
0x491: {  	[tilespmem:s12+$0xFFFFFFB0] =	vst v25;
	v17 =	vadd.s32 s28, v0;
	s28 =	simm.s32 $0x12;
	v13 =	vadd.f32 v29, v12;
	v21 =	vadd.f32 v27, v20  }
0x492: {  	v15 =	vld.idx.msk [tilespmem:v15+s19+$0x0], $0xffff;
	[tilespmem:s12+$0xFFFFFFC0] =	vst v26;
	v19 =	vor.u32 s3, v10;
	v63 =	vadd.s32 s28, v0;
	v12 =	vadd.f32 v58, v24  }
0x493: {  	s16 =	simm.s32 $0x1C;
	v27 =	vld.idx.msk [tilespmem:v59+s21+$0x0], $0xffff;
	v24 =	vadd.f32 v28, v13;
	v26 =	vmul.f32 v11, v11;
	v25 =	vadd.f32 v22, v21  }
0x494: {  	[tilespmem:s12+$0xFFFFFFD0] =	vst v54;
	v14 =	vadd.f32 v14, v61;
	v18 =	vadd.s32 s16, v0;
	v13 =	vadd.f32 v34, v60  }
0x495: {  	s17 =	simm.s32 $0x1D;
	s18 =	simm.s32 $0x1A;
	[tilespmem:s12+$0x0] =	vst v30;
	v24 =	vadd.f32 v11, v24;
	v25 =	vadd.f32 v26, v25;
	v26 =	vmul.f32 v12, v12  }
0x496: {  	[tilespmem:s12+$0x20] =	vst v28;
	v20 =	vadd.s32 s17, v0;
	v28 =	vmul.f32 v14, v14;
	v21 =	vadd.s32 s18, v0  }
0x497: {  	s20 =	simm.s32 $0x1B;
	[tilespmem:s12+$0xFFFFFFF0] =	vst v31;
	v34 =	vmul.f32 v13, v13;
	v30 =	vadd.f32 v12, v24;
	v31 =	vadd.f32 v26, v25  }
0x498: {  	[tilespmem:s12+$0xFFFFFFE0] =	vst v33;
	v22 =	vadd.s32 s20, v0;
	v24 =	vand.u32 $0x3F, v63;
	v15 =	vadd.f32 v15, v27  }
0x499: {  	s4 =	simm.s32 $0x20;
	[tilespmem:s12+$0x10] =	vst v29;
	s18 =	simm.s32 $0x13;
	v25 =	vand.u32 $0x3F, v62;
	v26 =	vadd.f32 v13, v30;
	v27 =	vadd.f32 v34, v31  }
.LBB2_22:
0x49a: {  	p0 =	slt.u32 s4, $0x30;
	v29 =	vor.u32 v4, v25;
	v30 =	vor.u32 v4, v24;
	v31 =	vadd.s32 s18, v0;
	[tilespmem:s12+$0x30] =	vst v11  }
0x49b: {  	s16 =	sadd.s32 $0x9, s3;
	[tilespmem:s12+$0x40] =	vst v12;
	v11 =	vadd.f32 v14, v26;
	v12 =	vadd.f32 v28, v27;
	v26 =	vmul.f32 v15, v15  }
0x49c: {  	v25 =	vor.u32 v7, v25;
	v27 =	vand.u32 $0x3F, v31;
	v28 =	vadd.s32 s16, v0;
	[tilespmem:s12+$0x50] =	vst v13  }
0x49d: {  	s17 =	sadd.s32 $0x8, s3;
	s16 =	sadd.s32 $0x4, s3;
	v13 =	vld.idx.msk [tilespmem:v23+s21+$0x0], $0xffff;
	v23 =	vor.u32 v7, v24;
	v11 =	vadd.f32 v15, v11;
	v12 =	vadd.f32 v26, v12  }
0x49e: {  	v31 =	vadd.s32 s17, v0;
	v24 =	vor.u32 v4, v27;
	v26 =	vadd.s32 s16, v0;
	s16 =	sadd.s32 $0x7, s3;
	v19 =	vld.idx.msk [tilespmem:v19+s19+$0x0], $0xffff;
	[tilespmem:s12+$0x60] =	vst v14  }
0x49f: {  	s18 =	sadd.s32 $0x6, s3;
	s17 =	sadd.s32 $0x5, s3;
	v27 =	vor.u32 v7, v27;
	s3 =	smov.u32 s4;
	v26 =	vand.u32 $0x3F, v26;
	v14 =	vld.idx.msk [tilespmem:v30+s21+$0x0], $0xffff;
	v30 =	vadd.s32 s16, v0;
	[tilespmem:s12+$0x70] =	vst v15  }
0x4a0: {  	v33 =	vadd.s32 s18, v0;
	v32 =	vadd.s32 s17, v0;
	v15 =	vld.idx.msk [tilespmem:v29+s21+$0x0], $0xffff;
	v29 =	vor.u32 v4, v26;
	[tilespmem:s12+$0xFFFFFF80] =	vst v8  }
0x4a1: {  	v17 =	vand.u32 $0x3F, v17;
	v26 =	vor.u32 v7, v26;
	v8 =	vand.u32 $0x3F, v32;
	v25 =	vld.idx.msk [tilespmem:v25+s19+$0x0], $0xffff  }
0x4a2: {  	v20 =	vand.u32 $0x3F, v20;
	v16 =	vand.u32 $0x3F, v16;
	v32 =	vor.u32 v4, v8;
	v23 =	vld.idx.msk [tilespmem:v23+s19+$0x0], $0xffff  }
0x4a3: {  	v18 =	vand.u32 $0x3F, v18;
	v33 =	vand.u32 $0x3F, v33;
	v34 =	vor.u32 v7, v8;
	v24 =	vld.idx.msk [tilespmem:v24+s21+$0x0], $0xffff  }
0x4a4: {  	v21 =	vand.u32 $0x3F, v21;
	v22 =	vand.u32 $0x3F, v22;
	v35 =	vor.u32 v4, v33;
	v27 =	vld.idx.msk [tilespmem:v27+s19+$0x0], $0xffff  }
0x4a5: {  	v8 =	vadd.f32 v19, v13;
	v19 =	vor.u32 v7, v33;
	v13 =	vld.idx.msk [tilespmem:v29+s21+$0x0], $0xffff;
	v29 =	vand.u32 $0x3F, v30  }
0x4a6: {  	v31 =	vand.u32 $0x38, v31;
	v28 =	vand.u32 $0x3F, v28;
	v26 =	vld.idx.msk [tilespmem:v26+s19+$0x0], $0xffff;
	v30 =	vor.u32 v4, v29  }
0x4a7: {  	v33 =	vmul.f32 v8, v8;
	v15 =	vadd.f32 v25, v15;
	v29 =	vor.u32 v7, v29;
	v25 =	vld.idx.msk [tilespmem:v32+s21+$0x0], $0xffff  }
0x4a8: {  	v14 =	vadd.f32 v23, v14;
	v32 =	vor.u32 v31, v5;
	v31 =	vor.u32 v31, v9;
	v23 =	vld.idx.msk [tilespmem:v34+s19+$0x0], $0xffff  }
0x4a9: {  	v11 =	vadd.f32 v8, v11;
	v12 =	vadd.f32 v33, v12;
	v33 =	vmul.f32 v15, v15;
	v34 =	vld.idx.msk [tilespmem:v35+s21+$0x0], $0xffff  }
0x4aa: {  	v24 =	vadd.f32 v27, v24;
	v27 =	vor.u32 v4, v28;
	v28 =	vor.u32 v7, v28;
	v19 =	vld.idx.msk [tilespmem:v19+s19+$0x0], $0xffff  }
0x4ab: {  	v11 =	vadd.f32 v15, v11;
	v12 =	vadd.f32 v33, v12;
	v33 =	vmul.f32 v14, v14;
	v30 =	vld.idx.msk [tilespmem:v30+s21+$0x0], $0xffff  }
0x4ac: {  	v13 =	vadd.f32 v26, v13;
	v26 =	vld.idx.msk [tilespmem:v29+s19+$0x0], $0xffff;
	v29 =	vor.u32 v4, v21;
	v21 =	vor.u32 v7, v21  }
0x4ad: {  	v11 =	vadd.f32 v14, v11;
	v12 =	vadd.f32 v33, v12;
	v33 =	vmul.f32 v24, v24;
	v32 =	vld.idx.msk [tilespmem:v32+s21+$0x0], $0xffff  }
0x4ae: {  	v25 =	vadd.f32 v23, v25;
	v23 =	vld.idx.msk [tilespmem:v31+s19+$0x0], $0xffff;
	v31 =	vor.u32 v4, v22;
	v22 =	vor.u32 v7, v22  }
0x4af: {  	v11 =	vadd.f32 v24, v11;
	v12 =	vadd.f32 v33, v12;
	v33 =	vmul.f32 v13, v13;
	v27 =	vld.idx.msk [tilespmem:v27+s21+$0x0], $0xffff  }
0x4b0: {  	v34 =	vadd.f32 v19, v34;
	v19 =	vld.idx.msk [tilespmem:v28+s19+$0x0], $0xffff;
	v28 =	vor.u32 v4, v18;
	v18 =	vor.u32 v7, v18  }
0x4b1: {  	v11 =	vadd.f32 v13, v11;
	v12 =	vadd.f32 v33, v12;
	v33 =	vmul.f32 v25, v25;
	v29 =	vld.idx.msk [tilespmem:v29+s21+$0x0], $0xffff  }
0x4b2: {  	v26 =	vadd.f32 v26, v30;
	v30 =	vor.u32 v4, v20;
	v20 =	vor.u32 v7, v20;
	v21 =	vld.idx.msk [tilespmem:v21+s19+$0x0], $0xffff  }
0x4b3: {  	v11 =	vadd.f32 v25, v11;
	v12 =	vadd.f32 v33, v12;
	v33 =	vmul.f32 v34, v34;
	v31 =	vld.idx.msk [tilespmem:v31+s21+$0x0], $0xffff  }
0x4b4: {  	v36 =	vor.u32 v7, v16;
	v35 =	vor.u32 v4, v16;
	v32 =	vadd.f32 v23, v32;
	v22 =	vld.idx.msk [tilespmem:v22+s19+$0x0], $0xffff  }
0x4b5: {  	v11 =	vadd.f32 v34, v11;
	v16 =	vmul.f32 v26, v26;
	v12 =	vadd.f32 v33, v12;
	v28 =	vld.idx.msk [tilespmem:v28+s21+$0x0], $0xffff  }
0x4b6: {  	v37 =	vor.u32 v7, v17;
	v27 =	vadd.f32 v19, v27;
	v33 =	vld.idx.msk [tilespmem:v18+s19+$0x0], $0xffff;
	v18 =	vor.u32 v4, v17  }
0x4b7: {  	s12 =	sadd.s32 $0x100, s12;
	v11 =	vadd.f32 v26, v11;
	v12 =	vadd.f32 v16, v12;
	v16 =	vmul.f32 v32, v32;
	v30 =	vld.idx.msk [tilespmem:v30+s21+$0x0], $0xffff  }
0x4b8: {  	v23 =	vor.u32 s4, v6;
	v19 =	vor.u32 s4, v10;
	v29 =	vadd.f32 v21, v29;
	[tilespmem:s12+$0xFFFFFF90] =	vst v15;
	v15 =	vld.idx.msk [tilespmem:v20+s19+$0x0], $0xffff  }
0x4b9: {  	s17 =	sadd.s32 $0xF, s4;
	s16 =	sadd.s32 $0xE, s4;
	v21 =	vmul.f32 v27, v27;
	v20 =	vadd.f32 v32, v11;
	v12 =	vadd.f32 v16, v12;
	v35 =	vld.idx.msk [tilespmem:v35+s21+$0x0], $0xffff  }
0x4ba: {  	v17 =	vadd.s32 s17, v0;
	v16 =	vadd.s32 s16, v0;
	v11 =	vadd.f32 v22, v31;
	[tilespmem:s12+$0xFFFFFFA0] =	vst v14;
	v14 =	vld.idx.msk [tilespmem:v36+s19+$0x0], $0xffff  }
0x4bb: {  	s17 =	sadd.s32 $0xD, s4;
	s16 =	sadd.s32 $0xC, s4;
	v31 =	vmul.f32 v29, v29;
	v22 =	vadd.f32 v27, v20;
	v21 =	vadd.f32 v21, v12;
	v36 =	vld.idx.msk [tilespmem:v18+s21+$0x0], $0xffff  }
0x4bc: {  	v20 =	vadd.s32 s17, v0;
	v18 =	vadd.s32 s16, v0;
	v12 =	vadd.f32 v33, v28;
	[tilespmem:s12+$0xFFFFFFB0] =	vst v24;
	v28 =	vld.idx.msk [tilespmem:v37+s19+$0x0], $0xffff  }
0x4bd: {  	s17 =	sadd.s32 $0xB, s4;
	s16 =	sadd.s32 $0xA, s4;
	v33 =	vmul.f32 v11, v11;
	v24 =	vadd.f32 v29, v22;
	v31 =	vadd.f32 v31, v21;
	[tilespmem:s12+$0xFFFFFFC0] =	vst v13  }
0x4be: {  	v21 =	vadd.s32 s16, v0;
	v22 =	vadd.s32 s17, v0;
	v13 =	vadd.f32 v15, v30;
	[tilespmem:s12+$0xFFFFFFD0] =	vst v25  }
.Ltmp9:
0x4bf: {  	s16 =	sadd.s32 $0x1, s4;
	s17 =	sadd.s32 $0x2, s4;
	v15 =	vadd.f32 v11, v24;
	v24 =	vadd.f32 v33, v31;
	v25 =	vmul.f32 v12, v12;
	[tilespmem:s12+$0xFFFFFFE0] =	vst v34;
	(pc) =	sbr.rel @p0 .LBB2_22-.Ltmp9, $4  }
0x4c0: {  	v30 =	vadd.s32 s16, v0;
	v31 =	vadd.s32 s17, v0;
	v14 =	vadd.f32 v14, v35;
	[tilespmem:s12+$0xFFFFFFF0] =	vst v26  }
0x4c1: {  	v33 =	vmul.f32 v13, v13;
	v26 =	vadd.f32 v12, v15;
	[tilespmem:s12+$0x0] =	vst v32;
	v32 =	vadd.f32 v25, v24  }
0x4c2: {  	v25 =	vand.u32 $0x3F, v30;
	v24 =	vand.u32 $0x3F, v31;
	v15 =	vadd.f32 v28, v36;
	[tilespmem:s12+$0x10] =	vst v27  }
0x4c3: {  	s18 =	sadd.s32 $0x3, s3;
	s4 =	sadd.s32 $0x10, s4;
	v28 =	vmul.f32 v14, v14;
	v26 =	vadd.f32 v13, v26;
	[tilespmem:s12+$0x20] =	vst v29;
	v27 =	vadd.f32 v33, v32  }
0x4c4: {  	v10 =	vor.u32 v4, v25  }
0x4c5: {  	v29 =	vor.u32 v4, v24;
	v30 =	vadd.s32 s18, v0;
	v56 =	vmul.f32 v15, v15  }
0x4c6: {  	v25 =	vor.u32 v7, v25;
	v24 =	vor.u32 v7, v24;
	v17 =	vand.u32 $0x3F, v17  }
0x4c7: {  	v20 =	vand.u32 $0x3F, v20;
	v16 =	vand.u32 $0x3F, v16;
	v18 =	vand.u32 $0x3F, v18  }
0x4c8: {  	s4 =	sadd.s32 $0x9, s3;
	v21 =	vand.u32 $0x3F, v21;
	v22 =	vand.u32 $0x3F, v22;
	v26 =	vadd.f32 v14, v26  }
0x4c9: {  	s17 =	sadd.s32 $0x4, s3;
	s16 =	sadd.s32 $0x8, s3;
	v23 =	vld.idx.msk [tilespmem:v23+s21+$0x0], $0xffff;
	v27 =	vadd.f32 v28, v27;
	v30 =	vand.u32 $0x3F, v30;
	v31 =	vadd.s32 s4, v0  }
0x4ca: {  	s18 =	sadd.s32 $0x7, s3;
	v19 =	vld.idx.msk [tilespmem:v19+s19+$0x0], $0xffff;
	v32 =	vadd.s32 s17, v0;
	v33 =	vadd.s32 s16, v0;
	v57 =	vor.u32 v4, v30  }
0x4cb: {  	s20 =	sadd.s32 $0x5, s3;
	s22 =	sadd.s32 $0x6, s3;
	v34 =	vadd.s32 s18, v0;
	v30 =	vor.u32 v7, v30;
	v32 =	vand.u32 $0x3F, v32;
	v29 =	vld.idx.msk [tilespmem:v29+s21+$0x0], $0xffff  }
0x4cc: {  	v36 =	vadd.s32 s20, v0;
	v37 =	vadd.s32 s22, v0;
	v35 =	vor.u32 v4, v32;
	v38 =	vld.idx.msk [tilespmem:v10+s21+$0x0], $0xffff  }
0x4cd: {  	v37 =	vand.u32 $0x3F, v37;
	v32 =	vor.u32 v7, v32;
	v10 =	vand.u32 $0x3F, v36;
	v25 =	vld.idx.msk [tilespmem:v25+s19+$0x0], $0xffff  }
0x4ce: {  	v33 =	vand.u32 $0x38, v33;
	v31 =	vand.u32 $0x3F, v31;
	v24 =	vld.idx.msk [tilespmem:v24+s19+$0x0], $0xffff;
	v36 =	vor.u32 v4, v10  }
0x4cf: {  	v26 =	vadd.f32 v15, v26;
	v27 =	vadd.f32 v56, v27;
	v39 =	vor.u32 v7, v10;
	v28 =	vld.idx.msk [tilespmem:v57+s21+$0x0], $0xffff  }
0x4d0: {  	v40 =	vor.u32 v4, v37;
	v10 =	vadd.f32 v19, v23;
	v23 =	vand.u32 $0x3F, v34;
	v30 =	vld.idx.msk [tilespmem:v30+s19+$0x0], $0xffff  }
0x4d1: {  	v61 =	vor.u32 v33, v5;
	v19 =	vor.u32 v7, v37;
	v59 =	vor.u32 v4, v23;
	v58 =	vld.idx.msk [tilespmem:v35+s21+$0x0], $0xffff  }
0x4d2: {  	v32 =	vld.idx.msk [tilespmem:v32+s19+$0x0], $0xffff;
	v60 =	vmul.f32 v10, v10;
	v26 =	vadd.f32 v10, v26;
	v25 =	vadd.f32 v25, v38  }
0x4d3: {  	v9 =	vor.u32 v33, v9;
	v23 =	vor.u32 v7, v23;
	v24 =	vadd.f32 v24, v29;
	v36 =	vld.idx.msk [tilespmem:v36+s21+$0x0], $0xffff  }
0x4d4: {  	v27 =	vadd.f32 v60, v27;
	v62 =	vld.idx.msk [tilespmem:v39+s19+$0x0], $0xffff;
	v63 =	vmul.f32 v25, v25;
	v26 =	vadd.f32 v25, v26  }
0x4d5: {  	v41 =	vor.u32 v4, v31;
	v31 =	vor.u32 v7, v31;
	v40 =	vld.idx.msk [tilespmem:v40+s21+$0x0], $0xffff;
	v28 =	vadd.f32 v30, v28  }
0x4d6: {  	v19 =	vld.idx.msk [tilespmem:v19+s19+$0x0], $0xffff;
	v42 =	vmul.f32 v24, v24;
	v27 =	vadd.f32 v63, v27;
	v26 =	vadd.f32 v24, v26  }
0x4d7: {  	v43 =	vor.u32 v4, v21;
	v21 =	vor.u32 v7, v21;
	v35 =	vld.idx.msk [tilespmem:v59+s21+$0x0], $0xffff;
	v32 =	vadd.f32 v32, v58  }
0x4d8: {  	v23 =	vld.idx.msk [tilespmem:v23+s19+$0x0], $0xffff;
	v44 =	vmul.f32 v28, v28;
	v27 =	vadd.f32 v42, v27;
	v26 =	vadd.f32 v28, v26  }
0x4d9: {  	v45 =	vor.u32 v4, v22;
	v22 =	vor.u32 v7, v22;
	v9 =	vld.idx.msk [tilespmem:v9+s19+$0x0], $0xffff;
	v36 =	vadd.f32 v62, v36  }
0x4da: {  	v29 =	vld.idx.msk [tilespmem:v61+s21+$0x0], $0xffff;
	v46 =	vmul.f32 v32, v32;
	v27 =	vadd.f32 v44, v27;
	v26 =	vadd.f32 v32, v26  }
0x4db: {  	v47 =	vor.u32 v4, v18;
	v18 =	vor.u32 v7, v18;
	v31 =	vld.idx.msk [tilespmem:v31+s19+$0x0], $0xffff;
	v19 =	vadd.f32 v19, v40  }
0x4dc: {  	v30 =	vld.idx.msk [tilespmem:v41+s21+$0x0], $0xffff;
	v48 =	vmul.f32 v36, v36;
	v27 =	vadd.f32 v46, v27;
	v26 =	vadd.f32 v36, v26  }
0x4dd: {  	v49 =	vor.u32 v4, v20;
	v20 =	vor.u32 v7, v20;
	v34 =	vld.idx.msk [tilespmem:v43+s21+$0x0], $0xffff;
	v23 =	vadd.f32 v23, v35  }
0x4de: {  	v21 =	vld.idx.msk [tilespmem:v21+s19+$0x0], $0xffff;
	v50 =	vmul.f32 v19, v19;
	v27 =	vadd.f32 v48, v27;
	v26 =	vadd.f32 v19, v26  }
0x4df: {  	v51 =	vor.u32 v4, v16;
	v16 =	vor.u32 v7, v16;
	v22 =	vld.idx.msk [tilespmem:v22+s19+$0x0], $0xffff;
	v9 =	vadd.f32 v9, v29  }
0x4e0: {  	v38 =	vld.idx.msk [tilespmem:v45+s21+$0x0], $0xffff;
	v52 =	vmul.f32 v23, v23;
	v27 =	vadd.f32 v50, v27;
	v26 =	vadd.f32 v23, v26  }
0x4e1: {  	[tilespmem:s12+$0x30] =	vst v11;
	v53 =	vor.u32 v4, v17;
	v33 =	vld.idx.msk [tilespmem:v47+s21+$0x0], $0xffff;
	v30 =	vadd.f32 v31, v30  }
0x4e2: {  	v18 =	vld.idx.msk [tilespmem:v18+s19+$0x0], $0xffff;
	v54 =	vmul.f32 v9, v9;
	v27 =	vadd.f32 v52, v27;
	v26 =	vadd.f32 v9, v26  }
0x4e3: {  	[tilespmem:s12+$0x40] =	vst v12;
	v20 =	vld.idx.msk [tilespmem:v20+s19+$0x0], $0xffff;
	v7 =	vor.u32 v7, v17;
	v21 =	vadd.f32 v21, v34  }
0x4e4: {  	v17 =	vld.idx.msk [tilespmem:v49+s21+$0x0], $0xffff;
	v55 =	vmul.f32 v30, v30;
	v27 =	vadd.f32 v54, v27;
	v26 =	vadd.f32 v30, v26  }
0x4e5: {  	[tilespmem:s12+$0x50] =	vst v13;
	v16 =	vld.idx.msk [tilespmem:v16+s19+$0x0], $0xffff;
	v22 =	vadd.f32 v22, v38  }
0x4e6: {  	v56 =	vmul.f32 v21, v21;
	v29 =	vld.idx.msk [tilespmem:v51+s21+$0x0], $0xffff;
	v27 =	vadd.f32 v55, v27;
	v26 =	vadd.f32 v21, v26  }
0x4e7: {  	[tilespmem:s12+$0x60] =	vst v14;
	v11 =	vld.idx.msk [tilespmem:v53+s21+$0x0], $0xffff;
	v18 =	vadd.f32 v18, v33  }
0x4e8: {  	v7 =	vld.idx.msk [tilespmem:v7+s19+$0x0], $0xffff;
	v57 =	vmul.f32 v22, v22;
	v27 =	vadd.f32 v56, v27;
	v26 =	vadd.f32 v22, v26  }
0x4e9: {  	[tilespmem:s12+$0x70] =	vst v15;
	v12 =	vadd.f32 v20, v17  }
0x4ea: {  	[tilespmem:s12+$0xFFFFFF80] =	vst v8;
	s28 =	sadd.s32 $0x100, s12;
	v17 =	vmul.f32 v18, v18;
	v13 =	vadd.f32 v57, v27;
	v20 =	vadd.f32 v18, v26  }
0x4eb: {  	[tilespmem:s28+$0xFFFFFF80] =	vst v10;
	v14 =	vadd.f32 v16, v29  }
0x4ec: {  	[tilespmem:s28+$0xFFFFFF90] =	vst v25;
	v15 =	vmul.f32 v12, v12;
	v13 =	vadd.f32 v17, v13;
	v16 =	vadd.f32 v12, v20  }
0x4ed: {  	[tilespmem:s28+$0xFFFFFFA0] =	vst v24;
	v8 =	vadd.f32 v7, v11  }
0x4ee: {  	[tilespmem:s28+$0x20] =	vst v21;
	v11 =	vmul.f32 v14, v14;
	v7 =	vadd.f32 v15, v13;
	v13 =	vadd.f32 v14, v16  }
0x4ef: {  	[tilespmem:s28+$0x40] =	vst v18  }
0x4f0: {  	[tilespmem:s28+$0xFFFFFFB0] =	vst v28;
	v7 =	vadd.f32 v11, v7;
	v11 =	vmul.f32 v8, v8;
	v13 =	vadd.f32 v8, v13  }
0x4f1: {  	[tilespmem:s28+$0x50] =	vst v12  }
0x4f2: {  	[tilespmem:s28+$0xFFFFFFC0] =	vst v32;
	v11 =	vadd.f32 v11, v7;
	v7 =	vmul.f32 $1.562500000e-02, v13  }
0x4f3: {  	[tilespmem:s28+$0x0] =	vst v9  }
0x4f4: {  	[tilespmem:s28+$0x30] =	vst v22;
	v11 =	vmul.f32 $1.562500000e-02, v11;
	v13 =	vmul.f32 v7, v7  }
0x4f5: {  	[tilespmem:s28+$0xFFFFFFD0] =	vst v36  }
0x4f6: {  	[tilespmem:s28+$0xFFFFFFE0] =	vst v19;
	v9 =	vsub.f32 v11, v13  }
0x4f7: {  	[tilespmem:s28+$0xFFFFFFF0] =	vst v23  }
0x4f8: {  	[tilespmem:s28+$0x10] =	vst v30;
	v9 =	vadd.f32 $9.999999740e-06, v9  }
0x4f9: {  	[tilespmem:s28+$0x70] =	vst v8  }
0x4fa: {  	s4 =	simm.s32 $0x16DA0;
	[tilespmem:s28+$0x60] =	vst v14;
	v11 =	vshra.s32 v9, $0x1;
	v9 =	vmul.f32 $5.000000000e-01, v9  }
0x4fb: {  	v10 =	vld [tilespmem:s4+$0x70];
	v11 =	vsub.s32 $0x5F3759DF, v11  }
0x4fc: {  	v19 =	vld [tilespmem:s4+$0xFFFFFFF0];
	v8 =	vmul.f32 v11, v9  }
0x4fd: {  	v24 =	vld [tilespmem:s4+$0x50]  }
0x4fe: {  	s12 =	simm.s32 $0x171A0;
	v25 =	vld [tilespmem:s4+$0xFFFFFF80];
	v8 =	vmul.f32 v11, v8  }
0x4ff: {  	v28 =	vld [tilespmem:s12+$0xFFFFFFA0]  }
0x500: {  	v58 =	vld [tilespmem:s12+$0xFFFFFFB0];
	v8 =	vsub.f32 $1.500000000e+00, v8  }
0x501: {  	v59 =	vld [tilespmem:s12+$0xFFFFFFD0]  }
0x502: {  	v61 =	vld [tilespmem:s12+$0xFFFFFFE0];
	v8 =	vmul.f32 v11, v8  }
0x503: {  	v21 =	vld [tilespmem:s4+$0x10]  }
0x504: {  	v18 =	vld [tilespmem:s4+$0xFFFFFFE0];
	v9 =	vmul.f32 v8, v9  }
0x505: {  	v12 =	vld [tilespmem:s4+$0xFFFFFF90]  }
0x506: {  	v17 =	vld [tilespmem:s4+$0xFFFFFFD0];
	v9 =	vmul.f32 v9, v8  }
0x507: {  	v14 =	vld [tilespmem:s4+$0xFFFFFFB0]  }
0x508: {  	s16 =	simm.s32 $0xF;
	s17 =	simm.s32 $0x0;
	v15 =	vld [tilespmem:s4+$0xFFFFFFC0];
	v9 =	vsub.f32 $1.500000000e+00, v9  }
0x509: {  	v60 =	vadd.s32 s16, v0;
	v63 =	vor.u32 s17, v6;
	s17 =	simm.s32 $0x6;
	v11 =	vld [tilespmem:s12+$0x70]  }
0x50a: {  	v53 =	vadd.s32 s17, v0;
	s17 =	simm.s32 $0xB;
	v13 =	vld [tilespmem:s4+$0xFFFFFFA0];
	v8 =	vmul.f32 v9, v8;
	v9 =	vsub.f32 v10, v7  }
0x50b: {  	s22 =	simm.s32 $0x2;
	v32 =	vand.u32 $0x3F, v60;
	v44 =	vadd.s32 s17, v0;
	v20 =	vld [tilespmem:s4+$0x0]  }
0x50c: {  	s28 =	simm.s32 $0x3;
	v48 =	vadd.s32 s22, v0;
	v22 =	vld [tilespmem:s4+$0x30];
	v12 =	vsub.f32 v12, v7;
	v9 =	vmul.f32 v9, v8  }
0x50d: {  	v47 =	vld [tilespmem:s12+$0x20];
	v49 =	vadd.s32 s28, v0;
	v14 =	vsub.f32 v14, v7;
	v17 =	vsub.f32 v17, v7  }
0x50e: {  	s16 =	simm.s32 $0x5;
	v18 =	vsub.f32 v18, v7;
	v9 =	vmul.f32 v9, v11;
	v11 =	vsub.f32 v15, v7;
	v15 =	vld [tilespmem:s4+$0x60]  }
0x50f: {  	s18 =	simm.s32 $0x175A0;
	v23 =	vld [tilespmem:s4+$0x40];
	v52 =	vadd.s32 s16, v0;
	s16 =	simm.s32 $0xA;
	v19 =	vsub.f32 v19, v7;
	v13 =	vsub.f32 v13, v7  }
0x510: {  	v42 =	vld [tilespmem:s18+$0xFFFFFF80];
	v43 =	vadd.s32 s16, v0;
	v20 =	vsub.f32 v20, v7;
	v21 =	vsub.f32 v21, v7  }
0x511: {  	v26 =	vld [tilespmem:s12+$0xFFFFFF80];
	v22 =	vsub.f32 v22, v7;
	v12 =	vmul.f32 v12, v8;
	v13 =	vmul.f32 v13, v8  }
0x512: {  	v16 =	vld [tilespmem:s18+$0x70];
	v25 =	vsub.f32 v25, v7;
	v14 =	vmul.f32 v14, v8;
	v17 =	vmul.f32 v17, v8  }
0x513: {  	v27 =	vld [tilespmem:s12+$0xFFFFFF90];
	v18 =	vmul.f32 v18, v8;
	v19 =	vmul.f32 v19, v8;
	v15 =	vsub.f32 v15, v7  }
0x514: {  	v23 =	vsub.f32 v23, v7;
	v10 =	vld [tilespmem:s4+$0x20];
	v20 =	vmul.f32 v20, v8;
	v25 =	vmul.f32 v25, v8  }
0x515: {  	s22 =	simm.s32 $0x8;
	v24 =	vsub.f32 v24, v7;
	v21 =	vmul.f32 v21, v8;
	v62 =	vmul.f32 v15, v8;
	v15 =	vld [tilespmem:s12+$0xFFFFFFF0]  }
0x516: {  	v55 =	vadd.s32 s22, v0;
	v22 =	vmul.f32 v22, v8;
	v25 =	vmul.f32 v25, v26;
	v26 =	vld [tilespmem:s12+$0x0]  }
0x517: {  	s28 =	simm.s32 $0x9;
	v23 =	vmul.f32 v23, v8;
	v24 =	vmul.f32 v24, v8;
	v16 =	vadd.f32 v9, v16;
	v9 =	vld [tilespmem:s12+$0x10]  }
0x518: {  	v45 =	vld [tilespmem:s18+$0xFFFFFF90];
	s22 =	simm.s32 $0xD;
	v56 =	vadd.s32 s28, v0;
	v12 =	vmul.f32 v12, v27;
	v13 =	vmul.f32 v13, v28  }
0x519: {  	v30 =	vld [tilespmem:s12+$0xFFFFFFC0];
	v57 =	vadd.s32 s22, v0;
	v14 =	vmul.f32 v14, v58;
	v17 =	vmul.f32 v17, v59  }
0x51a: {  	v27 =	vor.u32 v4, v32;
	v18 =	vmul.f32 v18, v61;
	v19 =	vmul.f32 v19, v15;
	v15 =	vld [tilespmem:s12+$0x40]  }
0x51b: {  	s4 =	simm.s32 $0x4;
	v58 =	vand.u32 $0x3F, v49;
	v10 =	vsub.f32 v10, v7;
	v26 =	vmul.f32 v20, v26;
	v20 =	vld [tilespmem:s12+$0x50]  }
0x51c: {  	v51 =	vadd.s32 s4, v0;
	v11 =	vmul.f32 v11, v8;
	v41 =	vmul.f32 v21, v9;
	v21 =	vld [tilespmem:s12+$0x60]  }
0x51d: {  	s20 =	simm.s32 $0x1;
	v46 =	vld [tilespmem:s18+$0xFFFFFFA0];
	v31 =	vor.u32 v4, v58;
	v25 =	vadd.f32 v25, v42;
	v10 =	vmul.f32 v10, v8  }
0x51e: {  	v59 =	vand.u32 $0x3F, v51;
	v28 =	vmul.f32 v11, v30;
	v11 =	vadd.s32 s20, v0  }
0x51f: {  	v50 =	vld [tilespmem:s12+$0x30];
	v30 =	vmul.f32 v10, v47;
	v11 =	vand.u32 $0x3F, v11;
	v10 =	vmul.f32 v23, v15  }
0x520: {  	v23 =	vor.u32 v4, v11;
	v11 =	vand.u32 $0x3F, v48;
	v15 =	vmul.f32 v24, v20;
	v20 =	vld [tilespmem:s18+$0xFFFFFFB0]  }
0x521: {  	v12 =	vadd.f32 v12, v45;
	s20 =	simm.s32 $0x7;
	v24 =	vor.u32 v4, v11;
	v11 =	vmul.f32 v62, v21;
	v21 =	vld [tilespmem:s18+$0xFFFFFFC0]  }
0x522: {  	v60 =	vld [tilespmem:s18+$0xFFFFFFD0];
	s28 =	simm.s32 $0xE;
	v13 =	vadd.f32 v13, v46;
	v54 =	vadd.s32 s20, v0;
	[tilespmem:v27+s30+$0x0] =	vst.idx.msk $0xffff, v16;
	v27 =	vand.u32 $0x3F, v52  }
0x523: {  	v61 =	vld [tilespmem:s18+$0xFFFFFFE0];
	[tilespmem:v63+s30+$0x0] =	vst.idx.msk $0xffff, v25;
	s20 =	simm.s32 $0xC;
	v47 =	vadd.s32 s28, v0;
	v16 =	vor.u32 v4, v59;
	v25 =	vor.u32 v4, v27  }
0x524: {  	v27 =	vand.u32 $0x3F, v53;
	v9 =	vmul.f32 v22, v50;
	v22 =	vadd.s32 s20, v0;
	v62 =	vld [tilespmem:s18+$0xFFFFFFF0]  }
0x525: {  	[tilespmem:v23+s30+$0x0] =	vst.idx.msk $0xffff, v12;
	v12 =	vadd.f32 v14, v20;
	v14 =	vor.u32 v4, v27;
	v20 =	vand.u32 $0x3F, v54;
	v23 =	vld [tilespmem:s18+$0x0]  }
0x526: {  	v27 =	vld [tilespmem:s18+$0x10];
	[tilespmem:v24+s30+$0x0] =	vst.idx.msk $0xffff, v13;
	v13 =	vadd.f32 v28, v21;
	v24 =	vor.u32 v4, v20;
	v20 =	vand.u32 $0x38, v55  }
0x527: {  	v63 =	vld [tilespmem:s18+$0x20];
	[tilespmem:v31+s30+$0x0] =	vst.idx.msk $0xffff, v12;
	v12 =	vadd.f32 v17, v60;
	v17 =	vor.u32 v20, v5;
	v20 =	vand.u32 $0x3F, v56  }
0x528: {  	[tilespmem:v16+s30+$0x0] =	vst.idx.msk $0xffff, v13;
	v16 =	vadd.f32 v18, v61;
	v13 =	vor.u32 v4, v20;
	v18 =	vand.u32 $0x3F, v43;
	v20 =	vld [tilespmem:s18+$0x30]  }
0x529: {  	v19 =	vadd.f32 v19, v62;
	v21 =	vld [tilespmem:s18+$0x40];
	[tilespmem:v25+s30+$0x0] =	vst.idx.msk $0xffff, v12;
	v12 =	vor.u32 v4, v18;
	v18 =	vand.u32 $0x3F, v44  }
0x52a: {  	[tilespmem:v14+s30+$0x0] =	vst.idx.msk $0xffff, v16;
	v25 =	vadd.f32 v26, v23;
	v14 =	vor.u32 v4, v18;
	v16 =	vand.u32 $0x3F, v22;
	v23 =	vld [tilespmem:s18+$0x50]  }
0x52b: {  	s20 =	simm.s32 $0x16EA0;
	v18 =	vadd.f32 v41, v27;
	v26 =	vand.u32 $0x3F, v57;
	v22 =	vld [tilespmem:s18+$0x60];
	[tilespmem:v24+s30+$0x0] =	vst.idx.msk $0xffff, v19;
	v16 =	vor.u32 v4, v16  }
0x52c: {  	s3 =	simm.s32 $0x10;
	s4 =	simm.s32 $0x20;
	v24 =	vld [tilespmem:s20+$0x70];
	v19 =	vadd.f32 v30, v63;
	[tilespmem:v17+s30+$0x0] =	vst.idx.msk $0xffff, v25;
	v17 =	vor.u32 v4, v26;
	v25 =	vand.u32 $0x3F, v47  }
.LBB2_24:
0x52d: {  	p0 =	slt.u32 s4, $0x30;
	v26 =	vld [tilespmem:s20+$0xFFFFFF90];
	[tilespmem:v13+s30+$0x0] =	vst.idx.msk $0xffff, v18;
	v9 =	vadd.f32 v9, v20;
	v13 =	vor.u32 v4, v25  }
0x52e: {  	v18 =	vld [tilespmem:s20+$0xFFFFFFA0];
	[tilespmem:v12+s30+$0x0] =	vst.idx.msk $0xffff, v19;
	v10 =	vadd.f32 v10, v21  }
0x52f: {  	s12 =	sadd.s32 $0x100, s12;
	v12 =	vld [tilespmem:s20+$0xFFFFFFB0];
	[tilespmem:v14+s30+$0x0] =	vst.idx.msk $0xffff, v9;
	v9 =	vadd.f32 v15, v23  }
0x530: {  	v14 =	vld [tilespmem:s12+$0x70];
	[tilespmem:v16+s30+$0x0] =	vst.idx.msk $0xffff, v10;
	v10 =	vadd.f32 v11, v22  }
0x531: {  	s16 =	sadd.s32 $0xF, s3;
	s18 =	sadd.s32 $0x100, s18;
	v11 =	vld [tilespmem:s20+$0xFFFFFFC0];
	v15 =	vsub.f32 v24, v7;
	[tilespmem:v17+s30+$0x0] =	vst.idx.msk $0xffff, v9  }
0x532: {  	v16 =	vadd.s32 s16, v0;
	v9 =	vsub.f32 v26, v7;
	v17 =	vld [tilespmem:s18+$0x70];
	[tilespmem:v13+s30+$0x0] =	vst.idx.msk $0xffff, v10  }
0x533: {  	v16 =	vand.u32 $0x3F, v16;
	v10 =	vsub.f32 v18, v7;
	v13 =	vld [tilespmem:s20+$0xFFFFFFD0];
	v15 =	vmul.f32 v15, v8  }
0x534: {  	v16 =	vor.u32 v4, v16;
	v9 =	vmul.f32 v9, v8;
	v12 =	vsub.f32 v12, v7;
	v18 =	vld [tilespmem:s20+$0xFFFFFFE0]  }
0x535: {  	v10 =	vmul.f32 v10, v8;
	v19 =	vld [tilespmem:s20+$0xFFFFFFF0];
	v14 =	vmul.f32 v15, v14  }
0x536: {  	v12 =	vmul.f32 v12, v8;
	v11 =	vsub.f32 v11, v7;
	v15 =	vld [tilespmem:s20+$0x0]  }
0x537: {  	v20 =	vld [tilespmem:s20+$0x10];
	v14 =	vadd.f32 v14, v17  }
0x538: {  	v11 =	vmul.f32 v11, v8;
	v13 =	vsub.f32 v13, v7;
	v17 =	vld [tilespmem:s20+$0x20]  }
0x539: {  	v18 =	vsub.f32 v18, v7;
	v21 =	vld [tilespmem:s20+$0x30];
	[tilespmem:v16+s30+$0x0] =	vst.idx.msk $0xffff, v14  }
0x53a: {  	v13 =	vmul.f32 v13, v8;
	v14 =	vsub.f32 v19, v7;
	v16 =	vld [tilespmem:s20+$0x40]  }
0x53b: {  	v18 =	vmul.f32 v18, v8;
	v15 =	vsub.f32 v15, v7;
	v19 =	vld [tilespmem:s20+$0x50]  }
0x53c: {  	v14 =	vmul.f32 v14, v8;
	v20 =	vsub.f32 v20, v7;
	v22 =	vld [tilespmem:s20+$0x60]  }
0x53d: {  	v23 =	vld [tilespmem:s20+$0xFFFFFF80];
	v15 =	vmul.f32 v15, v8;
	v17 =	vsub.f32 v17, v7  }
0x53e: {  	v24 =	vld [tilespmem:s12+$0xFFFFFF80];
	v20 =	vmul.f32 v20, v8;
	v21 =	vsub.f32 v21, v7  }
0x53f: {  	v25 =	vld [tilespmem:s12+$0xFFFFFF90];
	v17 =	vmul.f32 v17, v8;
	v16 =	vsub.f32 v16, v7  }
0x540: {  	v26 =	vld [tilespmem:s12+$0xFFFFFFA0];
	v21 =	vmul.f32 v21, v8;
	v19 =	vsub.f32 v19, v7  }
0x541: {  	v27 =	vld [tilespmem:s12+$0xFFFFFFB0];
	v16 =	vmul.f32 v16, v8;
	v22 =	vsub.f32 v22, v7  }
0x542: {  	v23 =	vsub.f32 v23, v7;
	v28 =	vld [tilespmem:s12+$0xFFFFFFC0];
	v19 =	vmul.f32 v19, v8  }
0x543: {  	v29 =	vld [tilespmem:s12+$0xFFFFFFD0];
	v22 =	vmul.f32 v22, v8  }
0x544: {  	v23 =	vmul.f32 v23, v8;
	v25 =	vmul.f32 v9, v25;
	v9 =	vld [tilespmem:s12+$0xFFFFFFE0]  }
0x545: {  	v26 =	vmul.f32 v10, v26;
	v10 =	vld [tilespmem:s12+$0xFFFFFFF0]  }
0x546: {  	v23 =	vmul.f32 v23, v24;
	v12 =	vmul.f32 v12, v27;
	v24 =	vld [tilespmem:s12+$0x0]  }
0x547: {  	s16 =	sadd.s32 $0x1, s3;
	v27 =	vmul.f32 v11, v28;
	v11 =	vld [tilespmem:s12+$0x10]  }
0x548: {  	s17 =	sadd.s32 $0x3, s3;
	v30 =	vadd.s32 s16, v0;
	s16 =	sadd.s32 $0x2, s3;
	v28 =	vor.u32 s3, v6;
	v13 =	vmul.f32 v13, v29;
	v29 =	vld [tilespmem:s12+$0x20]  }
0x549: {  	v32 =	vadd.s32 s17, v0;
	s17 =	sadd.s32 $0x5, s3;
	v31 =	vadd.s32 s16, v0;
	s16 =	sadd.s32 $0x4, s3;
	v18 =	vmul.f32 v18, v9;
	v9 =	vld [tilespmem:s12+$0x30]  }
0x54a: {  	v34 =	vadd.s32 s17, v0;
	s17 =	sadd.s32 $0x7, s3;
	v33 =	vadd.s32 s16, v0;
	s16 =	sadd.s32 $0x6, s3;
	v14 =	vmul.f32 v14, v10;
	v10 =	vld [tilespmem:s12+$0x40]  }
0x54b: {  	v36 =	vadd.s32 s17, v0;
	s17 =	sadd.s32 $0x9, s3;
	v35 =	vadd.s32 s16, v0;
	s16 =	sadd.s32 $0x8, s3;
	v24 =	vmul.f32 v15, v24;
	v15 =	vld [tilespmem:s12+$0x50]  }
0x54c: {  	v38 =	vadd.s32 s17, v0;
	s17 =	sadd.s32 $0xB, s3;
	v37 =	vadd.s32 s16, v0;
	s16 =	sadd.s32 $0xA, s3;
	v39 =	vmul.f32 v20, v11;
	v11 =	vld [tilespmem:s12+$0x60]  }
0x54d: {  	v40 =	vadd.s32 s16, v0;
	s16 =	sadd.s32 $0xC, s3;
	v20 =	vld [tilespmem:s18+$0xFFFFFF80];
	v17 =	vmul.f32 v17, v29;
	v29 =	vadd.s32 s17, v0;
	s17 =	sadd.s32 $0xD, s3  }
0x54e: {  	v42 =	vadd.s32 s16, v0;
	s16 =	sadd.s32 $0xE, s3;
	s3 =	smov.u32 s4;
	v41 =	vld [tilespmem:s18+$0xFFFFFF90];
	v9 =	vmul.f32 v21, v9;
	v43 =	vadd.s32 s17, v0  }
0x54f: {  	v44 =	vadd.s32 s16, v0;
	v21 =	vand.u32 $0x3F, v30;
	v30 =	vld [tilespmem:s18+$0xFFFFFFA0];
	v10 =	vmul.f32 v16, v10  }
0x550: {  	v16 =	vor.u32 v4, v21;
	v21 =	vand.u32 $0x3F, v31;
	v31 =	vld [tilespmem:s18+$0xFFFFFFB0];
	v15 =	vmul.f32 v19, v15  }
0x551: {  	v19 =	vor.u32 v4, v21;
	v21 =	vand.u32 $0x3F, v32;
	v32 =	vld [tilespmem:s18+$0xFFFFFFC0];
	v11 =	vmul.f32 v22, v11  }
0x552: {  	v21 =	vor.u32 v4, v21;
	v22 =	vand.u32 $0x3F, v33;
	v20 =	vadd.f32 v23, v20;
	v23 =	vld [tilespmem:s18+$0xFFFFFFD0]  }
0x553: {  	v33 =	vand.u32 $0x3F, v34;
	v22 =	vor.u32 v4, v22;
	v25 =	vadd.f32 v25, v41;
	v34 =	vld [tilespmem:s18+$0xFFFFFFE0]  }
0x554: {  	[tilespmem:v28+s30+$0x0] =	vst.idx.msk $0xffff, v20;
	v20 =	vadd.f32 v26, v30;
	v26 =	vor.u32 v4, v33;
	v28 =	vand.u32 $0x3F, v35;
	v30 =	vld [tilespmem:s18+$0xFFFFFFF0]  }
0x555: {  	[tilespmem:v16+s30+$0x0] =	vst.idx.msk $0xffff, v25;
	v12 =	vadd.f32 v12, v31;
	v16 =	vor.u32 v4, v28;
	v25 =	vand.u32 $0x3F, v36;
	v28 =	vld [tilespmem:s18+$0x0]  }
0x556: {  	[tilespmem:v19+s30+$0x0] =	vst.idx.msk $0xffff, v20;
	v19 =	vadd.f32 v27, v32;
	v25 =	vor.u32 v4, v25;
	v20 =	vand.u32 $0x38, v37;
	v27 =	vld [tilespmem:s18+$0x10]  }
0x557: {  	[tilespmem:v21+s30+$0x0] =	vst.idx.msk $0xffff, v12;
	v12 =	vadd.f32 v13, v23;
	v31 =	vor.u32 v20, v5;
	v13 =	vand.u32 $0x3F, v38;
	v32 =	vld [tilespmem:s18+$0x20]  }
.Ltmp10:
0x558: {  	[tilespmem:v22+s30+$0x0] =	vst.idx.msk $0xffff, v19;
	v18 =	vadd.f32 v18, v34;
	v13 =	vor.u32 v4, v13;
	v19 =	vand.u32 $0x3F, v40;
	v20 =	vld [tilespmem:s18+$0x30];
	(pc) =	sbr.rel @p0 .LBB2_24-.Ltmp10, $4  }
0x559: {  	[tilespmem:v26+s30+$0x0] =	vst.idx.msk $0xffff, v12;
	v22 =	vadd.f32 v14, v30;
	v12 =	vor.u32 v4, v19;
	v14 =	vand.u32 $0x3F, v29;
	v21 =	vld [tilespmem:s18+$0x40]  }
0x55a: {  	[tilespmem:v16+s30+$0x0] =	vst.idx.msk $0xffff, v18;
	v19 =	vadd.f32 v24, v28;
	v14 =	vor.u32 v4, v14;
	v16 =	vand.u32 $0x3F, v42;
	v23 =	vld [tilespmem:s18+$0x50]  }
0x55b: {  	s20 =	sadd.s32 $0x100, s20;
	[tilespmem:v25+s30+$0x0] =	vst.idx.msk $0xffff, v22;
	v18 =	vadd.f32 v39, v27;
	v16 =	vor.u32 v4, v16;
	v25 =	vand.u32 $0x3F, v43;
	v22 =	vld [tilespmem:s18+$0x60]  }
0x55c: {  	s4 =	sadd.s32 $0x10, s4;
	v24 =	vld [tilespmem:s20+$0x70];
	[tilespmem:v31+s30+$0x0] =	vst.idx.msk $0xffff, v19;
	v19 =	vadd.f32 v17, v32;
	v17 =	vor.u32 v4, v25;
	v25 =	vand.u32 $0x3F, v44  }
0x55d: {  	v26 =	vld [tilespmem:s20+$0xFFFFFF90]  }
0x55e: {  	v27 =	vld [tilespmem:s20+$0xFFFFFFA0]  }
0x55f: {  	v28 =	vld [tilespmem:s20+$0xFFFFFFB0]  }
0x560: {  	v30 =	vld [tilespmem:s20+$0xFFFFFFC0]  }
0x561: {  	v32 =	vld [tilespmem:s20+$0xFFFFFFD0]  }
0x562: {  	v33 =	vld [tilespmem:s20+$0xFFFFFFE0]  }
0x563: {  	v34 =	vld [tilespmem:s20+$0xFFFFFFF0]  }
0x564: {  	v35 =	vld [tilespmem:s20+$0x0]  }
0x565: {  	v36 =	vld [tilespmem:s20+$0x10]  }
0x566: {  	v61 =	vld [tilespmem:s20+$0x20]  }
0x567: {  	v63 =	vld [tilespmem:s20+$0x30]  }
0x568: {  	v44 =	vld [tilespmem:s20+$0x40]  }
0x569: {  	v9 =	vadd.f32 v9, v20;
	v46 =	vld [tilespmem:s20+$0x50]  }
0x56a: {  	s4 =	sadd.s32 $0x100, s18;
	v37 =	vld [tilespmem:s20+$0x60];
	s18 =	sadd.s32 $0x1, s3;
	v6 =	vor.u32 s3, v6;
	v10 =	vadd.f32 v10, v21;
	v15 =	vadd.f32 v15, v23  }
0x56b: {  	v48 =	vld [tilespmem:s20+$0xFFFFFF80];
	s20 =	sadd.s32 $0x2, s3;
	v54 =	vadd.s32 s18, v0;
	v11 =	vadd.f32 v11, v22;
	v62 =	vsub.f32 v24, v7  }
0x56c: {  	s12 =	sadd.s32 $0x100, s12;
	s17 =	sadd.s32 $0x3, s3;
	v56 =	vadd.s32 s20, v0;
	v42 =	vsub.f32 v26, v7;
	v43 =	vsub.f32 v27, v7  }
0x56d: {  	s22 =	sadd.s32 $0x4, s3;
	v29 =	vld [tilespmem:s12+$0x70];
	v57 =	vadd.s32 s17, v0;
	v45 =	vsub.f32 v28, v7;
	v30 =	vsub.f32 v30, v7  }
0x56e: {  	v31 =	vld [tilespmem:s4+$0x70];
	v59 =	vadd.s32 s22, v0;
	s18 =	sadd.s32 $0x6, s3;
	v47 =	vsub.f32 v32, v7;
	v33 =	vsub.f32 v33, v7  }
0x56f: {  	v38 =	vld [tilespmem:s12+$0xFFFFFF80];
	v60 =	vadd.s32 s18, v0;
	s18 =	sadd.s32 $0xB, s3;
	v34 =	vsub.f32 v34, v7;
	v35 =	vsub.f32 v35, v7  }
0x570: {  	v39 =	vld [tilespmem:s12+$0xFFFFFF90];
	[tilespmem:v12+s30+$0x0] =	vst.idx.msk $0xffff, v19;
	v12 =	vadd.s32 s18, v0;
	v36 =	vsub.f32 v36, v7;
	v20 =	vsub.f32 v61, v7  }
0x571: {  	v40 =	vld [tilespmem:s12+$0xFFFFFFA0];
	v60 =	vand.u32 $0x3F, v60;
	v23 =	vsub.f32 v63, v7;
	v27 =	vsub.f32 v44, v7  }
0x572: {  	v41 =	vld [tilespmem:s12+$0xFFFFFFB0];
	v24 =	vor.u32 v4, v25;
	v28 =	vsub.f32 v46, v7;
	v37 =	vsub.f32 v37, v7  }
0x573: {  	v50 =	vld [tilespmem:s12+$0xFFFFFFD0];
	v49 =	vsub.f32 v48, v7;
	v21 =	vmul.f32 v62, v8;
	v25 =	vmul.f32 v42, v8  }
0x574: {  	v51 =	vld [tilespmem:s12+$0xFFFFFFF0];
	[tilespmem:v14+s30+$0x0] =	vst.idx.msk $0xffff, v9;
	v63 =	vand.u32 $0x3F, v54;
	v26 =	vmul.f32 v43, v8;
	v22 =	vmul.f32 v45, v8  }
0x575: {  	v52 =	vld [tilespmem:s12+$0x0];
	[tilespmem:v17+s30+$0x0] =	vst.idx.msk $0xffff, v15;
	v54 =	vand.u32 $0x3F, v59;
	v30 =	vmul.f32 v30, v8;
	v33 =	vmul.f32 v33, v8  }
0x576: {  	v53 =	vld [tilespmem:s12+$0x10];
	v14 =	vor.u32 v4, v63;
	v34 =	vmul.f32 v34, v8;
	v35 =	vmul.f32 v35, v8  }
0x577: {  	v55 =	vld [tilespmem:s12+$0x20];
	v17 =	vor.u32 v4, v54;
	v36 =	vmul.f32 v36, v8;
	v20 =	vmul.f32 v20, v8  }
0x578: {  	s16 =	sadd.s32 $0xF, s3;
	v58 =	vld [tilespmem:s12+$0x30];
	v63 =	vor.u32 v4, v60;
	v23 =	vmul.f32 v23, v8;
	v27 =	vmul.f32 v27, v8  }
0x579: {  	s28 =	sadd.s32 $0x5, s3;
	v44 =	vld [tilespmem:s12+$0xFFFFFFE0];
	v43 =	vadd.s32 s16, v0;
	v28 =	vmul.f32 v28, v8;
	v37 =	vmul.f32 v37, v8  }
0x57a: {  	v46 =	vld [tilespmem:s12+$0x40];
	v7 =	vmul.f32 v49, v8;
	v45 =	vadd.s32 s28, v0;
	v21 =	vmul.f32 v21, v29  }
0x57b: {  	s20 =	sadd.s32 $0x7, s3;
	v48 =	vld [tilespmem:s12+$0x50];
	v29 =	vmul.f32 v47, v8;
	v43 =	vand.u32 $0x3F, v43;
	v25 =	vmul.f32 v25, v39  }
0x57c: {  	v61 =	vld [tilespmem:s4+$0xFFFFFF80];
	s28 =	sadd.s32 $0x9, s3;
	v47 =	vadd.s32 s20, v0;
	v26 =	vmul.f32 v26, v40;
	v7 =	vmul.f32 v7, v38  }
0x57d: {  	[tilespmem:v13+s30+$0x0] =	vst.idx.msk $0xffff, v18;
	v62 =	vld [tilespmem:s4+$0xFFFFFF90];
	v49 =	vadd.s32 s28, v0;
	v22 =	vmul.f32 v22, v41;
	v8 =	vmul.f32 v34, v51  }
0x57e: {  	s22 =	sadd.s32 $0x8, s3;
	v42 =	vld [tilespmem:s12+$0xFFFFFFC0];
	v43 =	vor.u32 v4, v43;
	v35 =	vmul.f32 v35, v52;
	v13 =	vmul.f32 v36, v53  }
0x57f: {  	s20 =	sadd.s32 $0xC, s3;
	s28 =	sadd.s32 $0xE, s3;
	v39 =	vadd.s32 s22, v0;
	v20 =	vmul.f32 v20, v55;
	v23 =	vmul.f32 v23, v58;
	v40 =	vld [tilespmem:s4+$0xFFFFFFA0]  }
0x580: {  	[tilespmem:v16+s30+$0x0] =	vst.idx.msk $0xffff, v10;
	v36 =	vadd.s32 s20, v0;
	v10 =	vadd.s32 s28, v0;
	v51 =	vand.u32 $0x3F, v57;
	v52 =	vld [tilespmem:s4+$0xFFFFFFC0]  }
0x581: {  	s17 =	sadd.s32 $0xA, s3;
	v57 =	vld [tilespmem:s4+$0xFFFFFFE0];
	v21 =	vadd.f32 v21, v31;
	v29 =	vmul.f32 v29, v50;
	v33 =	vmul.f32 v33, v44  }
0x582: {  	v31 =	vadd.s32 s17, v0;
	v27 =	vmul.f32 v27, v46;
	v46 =	vld [tilespmem:s4+$0xFFFFFFB0];
	v7 =	vadd.f32 v7, v61  }
0x583: {  	v32 =	vld [tilespmem:s4+$0x0];
	[tilespmem:v24+s30+$0x0] =	vst.idx.msk $0xffff, v11;
	v19 =	vadd.f32 v25, v62;
	v30 =	vmul.f32 v30, v42;
	v42 =	vand.u32 $0x3F, v56  }
0x584: {  	s22 =	sadd.s32 $0xD, s3;
	v55 =	vld [tilespmem:s4+$0xFFFFFFD0];
	v53 =	vor.u32 v4, v51;
	v56 =	vand.u32 $0x3F, v45;
	v16 =	vor.u32 v4, v42;
	[tilespmem:v6+s30+$0x0] =	vst.idx.msk $0xffff, v7  }
0x585: {  	v9 =	vadd.s32 s22, v0;
	v61 =	vld [tilespmem:s4+$0xFFFFFFF0];
	v59 =	vor.u32 v4, v56;
	[tilespmem:v14+s30+$0x0] =	vst.idx.msk $0xffff, v19;
	v34 =	vadd.f32 v30, v52  }
0x586: {  	v41 =	vld [tilespmem:s4+$0x10];
	[tilespmem:v43+s30+$0x0] =	vst.idx.msk $0xffff, v21;
	v58 =	vadd.f32 v26, v40;
	v26 =	vand.u32 $0x3F, v47;
	v45 =	vadd.f32 v33, v57  }
0x587: {  	v50 =	vld [tilespmem:s12+$0x60];
	v40 =	vand.u32 $0x38, v39;
	v62 =	vadd.f32 v22, v46;
	v38 =	vor.u32 v4, v26;
	[tilespmem:v17+s30+$0x0] =	vst.idx.msk $0xffff, v34  }
0x588: {  	v15 =	vmul.f32 v28, v48;
	v44 =	vld [tilespmem:s4+$0x20];
	v43 =	vand.u32 $0x3F, v49;
	v5 =	vor.u32 v40, v5;
	[tilespmem:v63+s30+$0x0] =	vst.idx.msk $0xffff, v45  }
0x589: {  	v42 =	vadd.f32 v29, v55;
	v47 =	vld [tilespmem:s4+$0x30];
	v14 =	vor.u32 v4, v43;
	v46 =	vand.u32 $0x3F, v31;
	[tilespmem:v53+s30+$0x0] =	vst.idx.msk $0xffff, v62  }
0x58a: {  	v51 =	vand.u32 $0x3F, v12;
	v52 =	vld [tilespmem:s4+$0x40];
	v48 =	vadd.f32 v8, v61;
	v49 =	vor.u32 v4, v46;
	[tilespmem:v16+s30+$0x0] =	vst.idx.msk $0xffff, v58  }
0x58b: {  	v54 =	vand.u32 $0x3F, v36;
	v11 =	vor.u32 v4, v51;
	v55 =	vld [tilespmem:s4+$0x50];
	v53 =	vadd.f32 v35, v32;
	[tilespmem:v59+s30+$0x0] =	vst.idx.msk $0xffff, v42  }
0x58c: {  	v9 =	vand.u32 $0x3F, v9;
	v56 =	vadd.f32 v13, v41;
	v57 =	vor.u32 v4, v54;
	v58 =	vld [tilespmem:s4+$0x60];
	[tilespmem:v38+s30+$0x0] =	vst.idx.msk $0xffff, v48  }
0x58d: {  	s10 =	sadd.s32 $0x1, s10;
	v60 =	vand.u32 $0x3F, v10;
	v59 =	vor.u32 v4, v9;
	[tilespmem:v5+s30+$0x0] =	vst.idx.msk $0xffff, v53;
	v5 =	vadd.f32 v20, v44  }
0x58e: {  	p0 =	sne.s32 s10, $0x8;
	v4 =	vor.u32 v4, v60;
	v61 =	vadd.f32 v23, v47;
	[tilespmem:v14+s30+$0x0] =	vst.idx.msk $0xffff, v56  }
.Ltmp11:
0x58f: {  	v62 =	vmul.f32 v37, v50;
	[tilespmem:v49+s30+$0x0] =	vst.idx.msk $0xffff, v5;
	v5 =	vadd.f32 v27, v52;
	(pc) =	sbr.rel @p0 .LBB2_17-.Ltmp11, $4  }
0x590: {  	v63 =	vadd.f32 v15, v55;
	[tilespmem:v11+s30+$0x0] =	vst.idx.msk $0xffff, v61  }
0x591: {  	[tilespmem:v57+s30+$0x0] =	vst.idx.msk $0xffff, v5;
	v5 =	vadd.f32 v62, v58  }
0x592: {  	[tilespmem:v59+s30+$0x0] =	vst.idx.msk $0xffff, v63  }
0x593: {  	[tilespmem:v4+s30+$0x0] =	vst.idx.msk $0xffff, v5  }
0x594: {  	s14 =	sadd.s32 $0x1, s14  }
0x595: {  	p0 =	sne.s32 s14, $0x32  }
.Ltmp12:
0x596: {  	_ = 	snop;
	(pc) =	sbr.rel @p0 .LBB2_6-.Ltmp12, $4  }
0x597: {  	s3 =	sshll.u32 s15, $0x3  }
0x598: {  	s4 =	rddreg [dreg:$0x3];
	s3 =	sand.u32 $0x1FFFF800, s3  }
0x599: {  	s3 =	sadd.s32 s4, s3  }
0x59a: {  	[hbm4b:s3+s5] =	stream.linear.scatter [tilespmem:s30], [sflag:$0x6], $0x4000, $0x38;
	[tilespmem:$0x17920] =	vst v63  }
0x59b: {  	s4 =	simm.s32 $0x6  }
0x59c: {  	_ =	swait.ge [sflag:s4], $0x4000  }
0x59d: {  	s10 =	rddreg [dreg:$0xd]  }
0x59e: {  	s3 =	rddreg [dreg:$0xc];
	s10 =	sadd.s32 $0x1, s10  }
0x59f: {  	p0 =	sne.s32 s10, s3  }
.Ltmp13:
0x5a0: {  	_ = 	snop;
	(pc) =	sbr.rel @p0 .LBB2_1-.Ltmp13, $3  }
0x5a1: {  	_ =	sdelay $0x1  }
0x5a2: {  	[sflag:s4] =	ssyncset.done $0x0  }
0x5a3: {  	[sflag:s4] =	ssyncadd.s32 $0xFFFFC000  }
0x5a4: {  	_ =	sfence.sel $0x180000  }
0x5a5: {  	[bflag:$0x0] =	sbarrier.arrive $0xFFFF  }
0x5a6: {  	_ =	strace $0x90000047  }
0x5a7: {  	s0 =	stileid.u32;
	[bflag:$0x2] =	sbarrier.arrive $0xFFFF  }
0x5a8: {  	p0 =	sne.s32 s0, $0x0;
	s0 =	rddreg [dreg:$0x4]  }
0x5a9: {  	s0 =	sadd.s32 @!p0 $0x100000, s0  }
0x5aa: {  	[sflag:s0] =	ssyncadd.tile.s32 @!p0 $0x1;
	_ =	shalt  }
.Lfunc_end2:
_tile_overlayer_lowered:
.L_overlay_start_2:
0x5ab: {  	(tag) =	ssettag $0x2  }
0x5ac: {  	s0 =	rddreg [dreg:$0x0];
	s2 =	stileid.u32  }
0x5ad: {  	s1 =	rddreg [dreg:$0x1];
	p0 =	sne.s32 s2, $0x0  }
0x5ae: {  	s3 =	rddreg [dreg:$0x2];
	[bflag:$0x3] =	sbarrier.arrive $0xFFFF;
	s2 =	simm.s32 @!p0 $0x1C07  }
0x5af: {  	[timem:s3], [sflag:s2] =	dma.local @!p0 [hbm:s0], s1  }
0x5b0: {  	s0 =	simm.s32 @!p0 $0x7  }
0x5b1: {  	_ =	swait.ge @!p0 [sflag:s0], s1  }
0x5b2: {  	s1 =	ssub.s32 @!p0 $0x0, s1;
	[sflag:s0] =	ssyncset.done @!p0 $0x0  }
0x5b3: {  	[sflag:s0] =	ssyncadd.s32 @!p0 s1  }
0x5b4: {  	[bflag:$0x3] =	sbarrier.arrive $0xFFFF  }
0x5b5: {  	_ =	shalt  }

// kernel: sparse-core-data-format-call.cloned.1.call-start
scs
called_computation_lowered:
.L_overlay_start_0:
0x0: {  	s2 =	sld [smem:$0x3FD9]  }
0x1: {  	s3 =	sld [smem:$0x3FFE];
	_ =	sdelay $0x1  }
0x2: {  	s1 =	srdreg.scid  }
0x3: {  	s0 =	sand.u32 $0x1, s1  }
0x4: {  	s18 =	sshll.u32 s0, $0xA;
	s2 =	sadd.s32 s3, s2  }
0x5: {  	s2 =	sadd.s32 s2, s18  }
0x6: {  	[smem:$0x3FC1] =	sst s2  }
0x7: {  	_ = 	snop  }
0x8: {  	s2 =	sld [smem:$0x3FD0];
	(tm) =	ssettm $0x1  }
0x9: {  	s19 =	sld [smem:$0x3FFB];
	_ =	sdelay $0x3  }
0xa: {  	_ =	strace s19  }
0xb: {  	s3 =	sld [smem:$0x3FFC];
	_ =	sdelay $0x3  }
0xc: {  	_ =	strace s3  }
0xd: {  	s3 =	sld [smem:$0x3FFD];
	_ =	sdelay $0x3  }
0xe: {  	_ =	strace s3  }
0xf: {  	_ =	strace $0x8FFFFFFF  }
0x10: {  	s20 =	sld [smem:$0x3FDB];
	_ =	sdelay $0x1  }
0x11: {  	s4 =	simm.s32 $_scs_section_size  }
0x12: {  	s5 =	simm.s32 $_size__tile_overlayer_lowered;
	s6 =	simm.s32 $_tile_overlayer_lowered  }
0x13: {  	s23 =	simm.s32 $0x1BFF;
	s22 =	sshll.u32 s6, $0x1;
	s3 =	sadd.s32 s4, s20  }
0x14: {  	s7 =	simm.s32 $0x0;
	s21 =	sshll.u32 s5, $0x1;
	s5 =	sadd.s32 s22, s3  }
0x15: {  	[timem:s7], [sflag:s23] =	dma.local [hbm:s5], s21  }
0x16: {  	_ =	swait.ge [sflag:s23], s21  }
0x17: {  	s4 =	ssub.s32 $0x0, s21;
	[sflag:s23] =	ssyncset.done $0x0  }
0x18: {  	[sflag:s23] =	ssyncadd.s32 s4;
	_ =	sdelay $0x1  }
0x19: {  	s24 =	simm.s32 $0x1B8B  }
0x1a: {  	_ =	swait.ge [sflag:s24], $0x1  }
0x1b: {  	[sflag:s24] =	ssyncset.done $0x0  }
0x1c: {  	s26 =	simm.s32 $0x1B8E;
	s25 =	sld [smem:$0x3FFE];
	[sflag:s24] =	ssyncadd.s32 $0xFFFFFFFF  }
0x1d: {  	s27 =	simm.s32 $execute0_lowered;
	[smem:$0x3FD2] =	sst s26  }
0x1e: {  	s5 =	sshll.u32 s27, $0x1;
	_ =	strace $0x80000049;
	[dreg:$0x1] =	wrdreg $0xFFFFFFFF  }
0x1f: {  	s28 =	simm.s32 $_size_execute0_lowered;
	s3 =	sadd.s32 s3, s5;
	[dreg:$0x0] =	wrdreg $0x0  }
0x20: {  	s5 =	sshll.u32 s28, $0x1;
	[dreg:$0x2] =	wrdreg s3  }
0x21: {  	[dreg:$0x3] =	wrdreg s5  }
0x22: {  	[dreg:$0x4] =	wrdreg $0xC0  }
0x23: {  	_ =	task [dreg:s7], $0x5FFFF  }
0x24: {  	[dreg:$0x1] =	wrdreg $0xFFFFFFFF  }
0x25: {  	[dreg:$0x0] =	wrdreg $0x60  }
0x26: {  	[dreg:$0x2] =	wrdreg s25  }
0x27: {  	[dreg:$0x3] =	wrdreg s2  }
0x28: {  	[dreg:$0x4] =	wrdreg $0x9  }
0x29: {  	_ =	task.clear_ibuf [dreg:s7], $0x5FFFF;
	_ =	strace $0x90000049  }
0x2a: {  	s29 =	simm.s32 $0x9;
	_ =	strace $0x8000004B  }
0x2b: {  	_ =	swait.ge [sflag:s29], $0x1  }
0x2c: {  	[sflag:s29] =	ssyncadd.s32 $0xFFFFFFFF  }
0x2d: {  	_ =	strace $0x9000004B  }
0x2e: {  	_ =	sfence  }
0x2f: {  	s30 =	sld [smem:$0x0];
	_ =	sdelay $0x2  }
0x30: {  	s31 =	sshll.u32 s1, $0xD;
	s1 =	sshrl.u32 s1, $0x2  }
0x31: {  	s3 =	sand.u32 $0x4000, s31;
	s1 =	sadd.s32 s1, s30  }
0x32: {  	s0 =	sor.u32 s3, s0;
	s1 =	sshll.u32 s1, $0x11  }
0x33: {  	s0 =	sor.u32 s1, s0  }
0x34: {  	s0 =	sadd.s32 $0x8F2B, s0  }
0x35: {  	[sflag:s0] =	ssyncadd.remote.s32 $0x1  }
0x36: {  	_ =	sfence.sel $0xFFFF  }
0x37: {  	[dreg:$0x0] =	wrdreg $0xFFFFFFFF;
	(pc) =	sbr.abs _section_cstart, $3  }
0x38: {  	[dreg:$0x1] =	wrdreg $0xFFFFFFFF  }
0x39: {  	_ =	task.clear_ibuf [dreg:s7], $0x2FFFF;
	_ =	strace $0x9FFFFFFF  }
0x3a: {  	(tm) =	ssettm $0x7FFFFFFF  }
0x3b: {  	_ =	shalt  }
tec
execute0_lowered:
.L_overlay_start_1:
0x0: {  	(tag) =	ssettag $0x1  }
0x1: {  	s0 =	srdreg.scid  }
0x2: {  	s1 =	sshll.u32 s0, $0x4  }
0x3: {  	s0 =	stileid.u32;
	s1 =	sand.u32 $0x10, s1  }
0x4: {  	s1 =	sor.u32 s0, s1  }
0x5: {  	s6 =	rddreg [dreg:$0x0];
	s4 =	simm.s32 $0x1;
	s2 =	sshll.u32 s1, $0x7  }
0x6: {  	s7 =	simm.s32 $0x2;
	s12 =	simm.s32 $0x0;
	s1 =	ssub.s32 $0x1000, s2  }
0x7: {  	s8 =	simm.s32 $0x8000;
	s13 =	simm.s32 $0x0;
	s3 =	sand.u32 $0xF80, s1  }
0x8: {  	s9 =	simm.s32 $0x0;
	s5 =	sshrl.u32 s1, $0xC;
	p0 =	sne.s32 s3, $0x0  }
.Ltmp0:
0x9: {  	s1 =	rddreg [dreg:$0x2];
	s4 =	simm.s32 @!p0 $0x0;
	(pc) =	sbr.rel .LBB1_1-.Ltmp0, $4  }
0xa: {  	s11 =	simm.s32 $0x0;
	s3 =	rddreg [dreg:$0x1];
	s5 =	sadd.s32 s4, s5  }
0xb: {  	_ =	strace $0x8000004A;
	s4 =	simm.s32 $0x1;
	s5 =	smul.u32 $0xC8, s5  }
0xc: {  	s6 =	sadd.s32 $0x1000, s6;
	s10 =	smov.u32 s2;
	[sflag:s4] =	ssyncpa.u1 $0x0  }
0xd: {  	p0 =	por $0x0, $0x0;
	[sflag:s7] =	ssyncpa.u1 $0x0;
	s7 =	sor.u32 $0x1, s5  }
.LBB1_4:
0xe: {  	s16 =	sshll.u32 s13, $0x3;
	s17 =	sand.u32 $0x78, s13  }
0xf: {  	s30 =	sand.u32 $0x7E00, s13;
	s12 =	sshll.u32 s12, $0xF;
	s16 =	sand.u32 $0xC00, s16  }
0x10: {  	[tilespmem:s15+$0x810 ss:$0x81] =	vst.msk $0xffff, v2;
	s31 =	sand.u32 $0x7, s13;
	s16 =	sor.u32 s17, s16;
	s17 =	sadd.s32 s3, s30  }
0x11: {  	[tilespmem:s15+$0x1020 ss:$0x81] =	vst.msk $0xffff, v0;
	s13 =	sshll.u32 s31, $0x12;
	s12 =	sadd.s32 s12, s17;
	s16 =	sshrl.u32 s16, $0x3  }
0x12: {  	[tilespmem:s15+$0x0 ss:$0x81] =	vst.msk $0xffff, v1;
	s13 =	sor.u32 $0x400, s13;
	s12 =	sadd.s32 s16, s12  }
0x13: {  	[hbm4b:s12+s13] =	stream.strided.scatter [tilespmem:s14], [sflag:$0x2], $0x2000, s8, s13, $0x20;
	[tilespmem:$0x8080] =	vst v63  }
.LBB1_5:
0x14: {  	s14 =	sadd.s32 $0x1, s9  }
0x15: {  	s12 =	sadd.s32 $0x1000, s10;
	s16 =	smov.u32 s10;
	p2 =	sgt.s32 s14, $0xC7  }
0x16: {  	s16 =	smov.u32 @p2 s12  }
0x17: {  	s14 =	simm.s32 @p2 $0x0;
	p2 =	sgt.s32 s16, $0xFFF  }
0x18: {  	s16 =	smov.u32 @p2 s2;
	p2 =	sne.s32 s11, s7  }
.Ltmp1:
0x19: {  	p1 =	slt.u32 s11, $0x2;
	(pc) =	sbr.rel @!p2 .LBB1_6-.Ltmp1, $4  }
0x1a: {  	s15 =	simm.s32 @!p1 $0x2  }
0x1b: {  	s13 =	smov.u32 s10;
	p0 =	por !p0, !p0;
	_ =	swait.ge @!p1 [sflag:s15], $0x2000  }
0x1c: {  	s12 =	smov.u32 s9;
	[sflag:s15] =	ssyncset.done @!p1 $0x0;
	s9 =	smov.u32 s14  }
0x1d: {  	s11 =	sadd.s32 $0x1, s11;
	[sflag:s15] =	ssyncadd.s32 @!p1 $0xFFFFE000;
	s10 =	smov.u32 s16  }
.LBB1_1:
0x1e: {  	p1 =	sge.u32 s11, s5  }
0x1f: {  	s14 =	sand.u32 @!p1 $0x1FFFFFF, s9  }
0x20: {  	s15 =	smulhi.u32 @!p1 $0x147AE15, s14;
	_ =	sdelay $0x1  }
0x21: {  	s15 =	smul.u32 @!p1 $0xC8, s15  }
0x22: {  	s16 =	sxor.u32 @!p1 $0xFFFFFFFF, s11;
	s17 =	smul.u32 @!p1 $0xC80, s10  }
0x23: {  	s31 =	sadd.s32 $0xFFFFFFFF, s11;
	s16 =	sshll.u32 @!p1 s16, $0xD;
	s14 =	ssub.s32 @!p1 s14, s15  }
0x24: {  	s15 =	sand.u32 @!p1 $0x2000, s16;
	s16 =	sadd.s32 @!p1 s6, s17;
	s14 =	sshll.u32 @!p1 s14, $0x4  }
0x25: {  	s17 =	simm.s32 @!p1 $0x6400;
	s14 =	sadd.s32 @!p1 s14, s16;
	s16 =	simm.s32 @!p1 $0x40  }
0x26: {  	[tilespmem:s15], [sflag:$0x1] =	stream.strided.gather @!p1 [hbm4b:s14+s16], $0x2000, s17, s16, $0x38;
	[tilespmem:$0x8080] =	vst v63  }
0x27: {  	p1 =	sge.u32 s31, s5  }
.Ltmp2:
0x28: {  	_ = 	snop;
	(pc) =	sbr.rel @p1 .LBB1_5-.Ltmp2, $1  }
0x29: {  	_ =	sdelay $0x3  }
0x2a: {  	s14 =	simm.s32 $0x1  }
0x2b: {  	_ =	swait.ge [sflag:s4], $0x2000;
	s14 =	simm.s32 @!p0 $0x0  }
0x2c: {  	[sflag:s4] =	ssyncset.done $0x0;
	s15 =	sshll.u32 s14, $0xD  }
0x2d: {  	[sflag:s4] =	ssyncadd.s32 $0xFFFFE000;
	s18 =	sor.u32 $0x20, s15  }
0x2e: {  	s14 =	smul.u32 $0x8100, s14;
	v3 =	vld [tilespmem:s18+$0x10]  }
0x2f: {  	s30 =	sand.u32 $0x1, s11;
	v2 =	vld [tilespmem:s18+$0xFFFFFFF0]  }
0x30: {  	s15 =	smul.u32 $0x8100, s30;
	s14 =	sshrl.u32 s14, $0x2;
	v0 =	vld [tilespmem:s18+$0x0]  }
0x31: {  	v1 =	vld [tilespmem:s18+$0xFFFFFFE0];
	s16 =	sor.u32 $0x4000, s14  }
0x32: {  	s31 =	sshrl.u32 s15, $0x2;
	s15 =	sadd.s32 $0x0, s16  }
0x33: {  	s17 =	simm.s32 $0x4;
	s18 =	sadd.s32 $0x40, s18;
	s14 =	sor.u32 $0x4000, s31;
	[tilespmem:s15+$0x1830 ss:$0x81] =	vst.msk $0xffff, v3  }
.LBB1_3:
0x34: {  	v3 =	vld [tilespmem:s18+$0x10];
	p1 =	sne.s32 s17, $0x1FC;
	[tilespmem:s15+$0x810 ss:$0x81] =	vst.msk $0xffff, v2;
	s19 =	smov.u32 s17;
	s17 =	sadd.s32 $0x4, s17  }
.Ltmp3:
0x35: {  	v2 =	vld [tilespmem:s18+$0xFFFFFFF0];
	[tilespmem:s15+$0x1020 ss:$0x81] =	vst.msk $0xffff, v0;
	(pc) =	sbr.rel @p1 .LBB1_3-.Ltmp3, $4  }
0x36: {  	v0 =	vld [tilespmem:s18+$0x0];
	[tilespmem:s15+$0x0 ss:$0x81] =	vst.msk $0xffff, v1  }
0x37: {  	s15 =	sshra.s32 s19, $0x2;
	v1 =	vld [tilespmem:s18+$0xFFFFFFE0]  }
0x38: {  	s15 =	sadd.s32 s15, s16  }
0x39: {  	s18 =	sadd.s32 $0x40, s18;
	[tilespmem:s15+$0x1830 ss:$0x81] =	vst.msk $0xffff, v3  }
.Ltmp4:
0x3a: {  	_ = 	snop;
	(pc) =	sbr.rel .LBB1_4-.Ltmp4, $1  }
0x3b: {  	_ =	sdelay $0x3  }
.LBB1_6:
0x3c: {  	_ =	sfence.sel $0x180000  }
0x3d: {  	s2 =	simm.s32 $0x1;
	[bflag:$0x0] =	sbarrier.arrive $0xFFFF  }
0x3e: {  	s31 =	simm.s32 $0x2;
	[sflag:s2] =	ssyncpa.u1 $0x1  }
0x3f: {  	[sflag:s31] =	ssyncpa.u1 $0x1  }
0x40: {  	p0 =	sne.s32 s0, $0x0;
	_ =	strace $0x9000004A  }
0x41: {  	s0 =	sadd.s32 @!p0 $0x100000, s1;
	[bflag:$0x2] =	sbarrier.arrive $0xFFFF  }
0x42: {  	[sflag:s0] =	ssyncadd.tile.s32 @!p0 $0x1;
	_ =	shalt  }
.Lfunc_end1:
_tile_overlayer_lowered:
.L_overlay_start_2:
0x43: {  	(tag) =	ssettag $0x2  }
0x44: {  	s0 =	rddreg [dreg:$0x0];
	s2 =	stileid.u32  }
0x45: {  	s1 =	rddreg [dreg:$0x1];
	p0 =	sne.s32 s2, $0x0  }
0x46: {  	s3 =	rddreg [dreg:$0x2];
	[bflag:$0x3] =	sbarrier.arrive $0xFFFF;
	s2 =	simm.s32 @!p0 $0x1C01  }
0x47: {  	[timem:s3], [sflag:s2] =	dma.local @!p0 [hbm:s0], s1  }
0x48: {  	s0 =	simm.s32 @!p0 $0x1  }
0x49: {  	_ =	swait.ge @!p0 [sflag:s0], s1  }
0x4a: {  	s1 =	ssub.s32 @!p0 $0x0, s1;
	[sflag:s0] =	ssyncset.done @!p0 $0x0  }
0x4b: {  	[sflag:s0] =	ssyncadd.s32 @!p0 s1  }
0x4c: {  	[bflag:$0x3] =	sbarrier.arrive $0xFFFF  }
0x4d: {  	_ =	shalt  }

</sc_bundles>
